<compile_context>
chip_gen: v7x
topology: tpu7x:2x2x1
jax: 0.10.2.dev20260603
libtpu: 0.0.44.dev20260713+nightly
codegen_flags: <defaults>
</compile_context>

<pallas_src>
import dataclasses

import numpy as np

import jax
import jax.numpy as jnp
from jax import lax
from jax.experimental import pallas as pl
from jax.experimental.pallas import tpu as pltpu
from jax.experimental.pallas import tpu_sc as plsc

N = 10000
D = 128
G = 64
BLK = 400
E = 320000
NT = 32
EPT = 10240
CH = 64
NCH = EPT // CH
NCH0 = 208
NCH1 = 2 * NCH - NCH0
EROWS = E // CH
NP = 10112
RPT = NP // 16
E_PAD = NT * EPT

_PERM = np.empty((D,), np.int32)
for _m in range(D // 32):
    for _i in range(16):
        _PERM[32 * _m + 2 * _i] = 32 * _m + _i
        _PERM[32 * _m + 2 * _i + 1] = 32 * _m + 16 + _i


def _linear_body(x_ref, w_ref, asrc_ref, adst_ref, h_ref, al_ref):
    h = jnp.dot(x_ref[...], w_ref[...], preferred_element_type=jnp.float32)
    h_ref[...] = h
    al_ref[:, 0] = h @ asrc_ref[0, :]
    al_ref[:, 1] = h @ adst_ref[0, :]


def _linear(x, W, a_src, a_dst):
    h, al = pl.pallas_call(
        _linear_body,
        grid=(N // BLK,),
        in_specs=[
            pl.BlockSpec((BLK, D), lambda i: (i, 0)),
            pl.BlockSpec((D, D), lambda i: (0, 0)),
            pl.BlockSpec((1, D), lambda i: (0, 0)),
            pl.BlockSpec((1, D), lambda i: (0, 0)),
        ],
        out_specs=[
            pl.BlockSpec((BLK, D), lambda i: (i, 0)),
            pl.BlockSpec((BLK, 2), lambda i: (i, 0)),
        ],
        out_shape=[
            jax.ShapeDtypeStruct((N, D), jnp.float32),
            jax.ShapeDtypeStruct((N, 2), jnp.float32),
        ],
    )(x, W, a_src.reshape(1, D), a_dst.reshape(1, D))
    return h, al[:, 0], al[:, 1]


def _sc_edge_body(sd_hbm, alpk_hbm, m_hbm, h_hbm, zeros1_hbm,
                  p0_hbm, p1_hbm, denomp_hbm,
                  idx0, idx1, ds0, ds1, wb0, wb1, alpk_v, m_v,
                  rbf0, rbf1, rf0, rf1, acc_sh, den_sh,
                  si0, si1, sg0, sg1, ss0, ss1, sd0, sd1):
    core = lax.axis_index("c")
    sid = lax.axis_index("s")
    wid = core * 16 + sid
    nch = jnp.where(core == 0, NCH0, NCH1)
    tilebase = jnp.where(core == 0, sid * NCH0, 16 * NCH0 + sid * NCH1)
    last_row = NT * NCH - 1

    pltpu.sync_copy(alpk_hbm, alpk_v)
    pltpu.sync_copy(m_hbm, m_v)

    @pl.loop(0, CH * D // 16)
    def _(i):
        rf0[i // (D // 16), pl.ds((i % (D // 16)) * 16, 16)] = (
            jnp.zeros((16,), jnp.float32))

    for k in range(RPT // CH):
        pltpu.sync_copy(rf0, acc_sh.at[pl.ds(sid * RPT + k * CH, CH)])
    rem = RPT % CH
    if rem:
        pltpu.sync_copy(rf0.at[pl.ds(0, rem)],
                        acc_sh.at[pl.ds(sid * RPT + (RPT // CH) * CH, rem)])

    @pl.when(sid == 0)
    def _():
        pltpu.sync_copy(zeros1_hbm, den_sh)

    plsc.subcore_barrier()

    lane = lax.iota(jnp.int32, 16)
    m16 = m_v[...]
    bufs = ((idx0, ds0, wb0, rbf0, rf0, si0, sg0, ss0, sd0),
            (idx1, ds1, wb1, rbf1, rf1, si1, sg1, ss1, sd1))

    def idx_src(c):
        return sd_hbm.at[jnp.minimum(tilebase + c, last_row)]

    def gather_desc(p):
        idxb, _, _, _, rf, _, sg, _, _ = bufs[p]
        return pltpu.make_async_copy(
            h_hbm.at[idxb.at[0, pl.ds(0, CH)]], rf, sg)

    def scat_desc(p):
        _, dsb, _, _, rf, _, _, ss, _ = bufs[p]
        return pltpu.make_async_copy(rf, acc_sh.at[dsb.at[0]], ss)

    def den_desc(p):
        _, dsb, wb, _, _, _, _, _, sd = bufs[p]
        return pltpu.make_async_copy(wb, den_sh.at[dsb.at[0]], sd)

    def do_chunk(c, p, first, skip_sd):
        q = 1 - p
        idxb, dsb, wb, rbf, rf, si, sg, ss, sd = bufs[p]
        pltpu.make_async_copy(idx_src(0), bufs[q][0], bufs[q][5]).wait()
        if not first:
            scat_desc(q).wait()
        gather_desc(q).start()
        if not skip_sd:
            den_desc(p).wait()
        gather_desc(p).wait()
        ws = []
        for g in range(CH // 16):
            s16 = idxb[0, pl.ds(g * 16, 16)]
            d16 = idxb[0, pl.ds(CH + g * 16, 16)]
            pk_s = plsc.bitcast(plsc.load_gather(alpk_v, [s16]),
                                jnp.bfloat16)
            pk_d = plsc.bitcast(plsc.load_gather(alpk_v, [d16]),
                                jnp.bfloat16)
            a_s, _ = plsc.unpack(pk_s, format=plsc.PackFormat.INTERLEAVED)
            _, a_d = plsc.unpack(pk_d, format=plsc.PackFormat.INTERLEAVED)
            t = m16 + a_d
            bn = jnp.where(t >= 0.0, t, t * jnp.float32(0.2))
            e = a_s + a_d
            e = jnp.where(e >= 0.0, e, e * jnp.float32(0.2))
            w16 = jnp.where(tilebase + c < EROWS, jnp.exp(e - bn),
                            jnp.float32(0.0))
            wb[pl.ds(g * 16, 16)] = w16
            dsb[0, pl.ds(g * 16, 16)] = d16
            ws.append(w16)
        for g in range(CH // 16):
            w16 = ws[g]

            @pl.loop(0, 16)
            def _(r, g=g, w16=w16):
                rr = g * 16 + r
                wspl = lax.gather(
                    w16, jnp.full((16, 1), r, jnp.int32),
                    lax.GatherDimensionNumbers(
                        offset_dims=(), collapsed_slice_dims=(0,),
                        start_index_map=(0,)),
                    slice_sizes=(1,),
                    mode=lax.GatherScatterMode.PROMISE_IN_BOUNDS)
                for k in range(D // 16):
                    slc = pl.ds(k * 16, 16)
                    rf[rr, slc] = rf[rr, slc] * wspl

        pltpu.async_copy(rf, acc_sh.at[dsb.at[0]], ss, add=True)
        pltpu.async_copy(wb, den_sh.at[dsb.at[0]], sd, add=True)
        pltpu.async_copy(idx_src(c + 2), idxb, si)

    pltpu.async_copy(idx_src(0), idx0, si0)
    pltpu.async_copy(idx_src(1), idx1, si1)
    pltpu.make_async_copy(idx_src(0), idx0, si0).wait()
    gather_desc(0).start()
    do_chunk(jnp.int32(0), 0, True, True)
    do_chunk(jnp.int32(1), 1, False, True)

    @pl.loop(1, nch // 2)
    def _(t2):
        do_chunk(2 * t2, 0, False, False)
        do_chunk(2 * t2 + 1, 1, False, False)

    pltpu.make_async_copy(idx_src(0), idx1, si1).wait()
    gather_desc(0).wait()
    scat_desc(1).wait()
    den_desc(0).wait()
    den_desc(1).wait()

    plsc.subcore_barrier()

    @pl.when(core == 0)
    def _():
        pltpu.sync_copy(acc_sh.at[pl.ds(sid * RPT, RPT)],
                        p0_hbm.at[pl.ds(sid * RPT, RPT)])

    @pl.when(core == 1)
    def _():
        pltpu.sync_copy(acc_sh.at[pl.ds(sid * RPT, RPT)],
                        p1_hbm.at[pl.ds(sid * RPT, RPT)])

    @pl.when(sid == 0)
    def _():
        pltpu.sync_copy(den_sh, denomp_hbm.at[pl.ds(core * NP, NP)])


def _sc_edges(sd3, alpk, m16, h_pk, zeros1):
    mesh = plsc.VectorSubcoreMesh(core_axis_name="c", subcore_axis_name="s")
    cp = pltpu.CompilerParams()
    if "needs_layout_passes" in pltpu.CompilerParams.__dataclass_fields__:
        cp = dataclasses.replace(cp, needs_layout_passes=False)
    f = pl.kernel(
        _sc_edge_body,
        compiler_params=cp,
        out_type=[
            jax.ShapeDtypeStruct((NP, D), jnp.float32),
            jax.ShapeDtypeStruct((NP, D), jnp.float32),
            jax.ShapeDtypeStruct((2 * NP,), jnp.float32),
        ],
        mesh=mesh,
        scratch_types=[
            pltpu.VMEM((1, 2 * CH), jnp.int32),
            pltpu.VMEM((1, 2 * CH), jnp.int32),
            pltpu.VMEM((1, CH), jnp.int32),
            pltpu.VMEM((1, CH), jnp.int32),
            pltpu.VMEM((CH,), jnp.float32),
            pltpu.VMEM((CH,), jnp.float32),
            pltpu.VMEM((N,), jnp.int32),
            pltpu.VMEM((16,), jnp.float32),
            pltpu.VMEM((1, 16), jnp.int32),
            pltpu.VMEM((1, 16), jnp.int32),
            pltpu.VMEM((CH, D), jnp.float32),
            pltpu.VMEM((CH, D), jnp.float32),
            pltpu.VMEM_SHARED((NP, D), jnp.float32),
            pltpu.VMEM_SHARED((NP,), jnp.float32),
            pltpu.SemaphoreType.DMA,
            pltpu.SemaphoreType.DMA,
            pltpu.SemaphoreType.DMA,
            pltpu.SemaphoreType.DMA,
            pltpu.SemaphoreType.DMA,
            pltpu.SemaphoreType.DMA,
            pltpu.SemaphoreType.DMA,
            pltpu.SemaphoreType.DMA,
        ],
    )
    return f(sd3, alpk, m16, h_pk, zeros1)


def _cb_body(p0, p1, h, ws, den, b, out_ref):
    out_ref[...] = (p0[...] + p1[...] + ws[...] * h[...]) / den[...] + b[...]


def _combine(p0, p1, h, wself, den, b):
    return pl.pallas_call(
        _cb_body,
        grid=(N // BLK,),
        in_specs=[
            pl.BlockSpec((BLK, D), lambda i: (i, 0)),
            pl.BlockSpec((BLK, D), lambda i: (i, 0)),
            pl.BlockSpec((BLK, D), lambda i: (i, 0)),
            pl.BlockSpec((BLK, 1), lambda i: (i, 0)),
            pl.BlockSpec((BLK, 1), lambda i: (i, 0)),
            pl.BlockSpec((1, D), lambda i: (0, 0)),
        ],
        out_specs=pl.BlockSpec((BLK, D), lambda i: (i, 0)),
        out_shape=jax.ShapeDtypeStruct((N, D), jnp.float32),
    )(p0, p1, h, wself[:, None], den[:, None], b.reshape(1, D))


def _pool_body(h, batch_ref, out_ref, sums, cnts):
    i = pl.program_id(0)

    @pl.when(i == 0)
    def _():
        sums[...] = jnp.zeros_like(sums)
        cnts[...] = jnp.zeros_like(cnts)

    bvec = batch_ref[0, 0, :]
    oh = (lax.broadcasted_iota(jnp.int32, (G, BLK), 0)
          == bvec[None, :]).astype(jnp.float32)
    sums[...] += jnp.dot(oh, h[...], preferred_element_type=jnp.float32)
    cnts[...] += jnp.sum(oh, axis=1)[:, None]

    @pl.when(i == N // BLK - 1)
    def _():
        out_ref[...] = sums[...] / jnp.maximum(cnts[...], 1.0)


def _pool(h, batch3):
    return pl.pallas_call(
        _pool_body,
        grid=(N // BLK,),
        in_specs=[
            pl.BlockSpec((BLK, D), lambda i: (i, 0)),
            pl.BlockSpec((1, 1, BLK), lambda i: (i, 0, 0)),
        ],
        out_specs=pl.BlockSpec((G, D), lambda i: (0, 0)),
        out_shape=jax.ShapeDtypeStruct((G, D), jnp.float32),
        scratch_shapes=[
            pltpu.VMEM((G, D), jnp.float32),
            pltpu.VMEM((G, D), jnp.float32),
        ],
    )(h, batch3)


def kernel(x, edge_index, batch, W1, a_src1, a_dst1, b1, W2, a_src2, a_dst2,
           b2):
    src = edge_index[0].astype(jnp.int32)
    dst = edge_index[1].astype(jnp.int32)
    pad = E_PAD - E
    src2d = jnp.concatenate([src, jnp.zeros((pad,), jnp.int32)]
                            ).reshape(NT * NCH, CH)
    dst2d = jnp.concatenate([dst, jnp.zeros((pad,), jnp.int32)]
                            ).reshape(NT * NCH, CH)
    sd3 = jnp.concatenate([src2d[:, None, :], dst2d[:, None, :]], axis=2)
    zeros1 = jnp.zeros((NP,), jnp.float32)
    perm = jnp.asarray(_PERM)
    batch3 = batch.astype(jnp.int32).reshape(N // BLK, 1, BLK)

    Ws = jnp.stack([W1, W2])
    a_ss = jnp.stack([a_src1, a_src2])
    a_ds = jnp.stack([a_dst1, a_dst2])
    bs = jnp.stack([b1, b2])

    def step(act, params):
        W, a_s, a_d, b = params
        h, asrc, adst = _linear(act, W, a_s, a_d)
        M = jnp.max(asrc)
        bnd = jax.nn.leaky_relu(M + adst, 0.2)
        wself = jnp.exp(jax.nn.leaky_relu(asrc + adst, 0.2) - bnd)
        h_pk = h
        alpk = lax.bitcast_convert_type(
            jnp.stack([asrc.astype(jnp.bfloat16),
                       adst.astype(jnp.bfloat16)], axis=-1), jnp.int32)
        p0, p1, dp = _sc_edges(sd3, alpk,
                               jnp.full((16,), M, jnp.float32), h_pk, zeros1)
        den = dp.reshape(2, NP)[:, :N].sum(axis=0) + wself
        comb = _combine(p0[:N], p1[:N], h, wself, den, b)
        return jnp.maximum(comb, 0.0), comb

    _, ys = lax.scan(step, x, (Ws, a_ss, a_ds, bs))
    return _pool(ys[1], batch3)

# --- scband reference (transcript-rebuilt; emitter-appended) ---
"""Pipeline reference for scband-graph-encoder-57956288692676 (READ-ONLY COPY).

The authoritative reference and input builder live on the scoring server;
editing this copy changes nothing except your own understanding.
"""

import jax, jax.numpy as jnp
import numpy as np

N_NODES = 10000
N_EDGES = 320000
D = 128
N_GRAPHS = 64


def _gat_conv(x, src, dst, W, a_src, a_dst, b, num_nodes):
    # Linear transform
    h = x @ W  # [N, D]
    # Attention logits (single head, PyG GATConv style)
    alpha_src = h @ a_src  # [N]
    alpha_dst = h @ a_dst  # [N]
    e = alpha_src[src] + alpha_dst[dst]  # [E]
    e = jax.nn.leaky_relu(e, 0.2)
    # Softmax over incoming edges per destination node
    m = jax.ops.segment_max(e, dst, num_segments=num_nodes)
    alpha = jnp.exp(e - m[dst])
    denom = jax.ops.segment_sum(alpha, dst, num_segments=num_nodes)
    alpha = alpha / denom[dst]
    # Weighted aggregation (scatter-add)
    out = jax.ops.segment_sum(alpha[:, None] * h[src], dst, num_segments=num_nodes)
    return out + b


def setup_inputs(seed: int = 0) -> dict:
    key = jax.random.key(seed)
    ks = jax.random.split(key, 12)
    x = jax.random.normal(ks[0], (N_NODES, D), dtype=jnp.float32)
    edge_index = jax.random.randint(ks[1], (2, N_EDGES), 0, N_NODES, dtype=jnp.int64)
    batch = jnp.sort(jax.random.randint(ks[2], (N_NODES,), 0, N_GRAPHS, dtype=jnp.int64))
    s = 1.0 / np.sqrt(D)
    W1 = jax.random.normal(ks[3], (D, D), dtype=jnp.float32) * s
    a_src1 = jax.random.normal(ks[4], (D,), dtype=jnp.float32) * s
    a_dst1 = jax.random.normal(ks[5], (D,), dtype=jnp.float32) * s
    b1 = jnp.zeros((D,), dtype=jnp.float32)
    W2 = jax.random.normal(ks[6], (D, D), dtype=jnp.float32) * s
    a_src2 = jax.random.normal(ks[7], (D,), dtype=jnp.float32) * s
    a_dst2 = jax.random.normal(ks[8], (D,), dtype=jnp.float32) * s
    b2 = jnp.zeros((D,), dtype=jnp.float32)
    return {"x": x, "edge_index": edge_index, "batch": batch,
            "W1": W1, "a_src1": a_src1, "a_dst1": a_dst1, "b1": b1,
            "W2": W2, "a_src2": a_src2, "a_dst2": a_dst2, "b2": b2}


def reference(x, edge_index, batch, W1, a_src1, a_dst1, b1, W2, a_src2, a_dst2, b2):
    num_nodes = x.shape[0]
    # GATConv adds self-loops by default
    loop = jnp.arange(num_nodes, dtype=edge_index.dtype)
    src = jnp.concatenate([edge_index[0], loop])
    dst = jnp.concatenate([edge_index[1], loop])
    # 2-layer GAT (pyg.nn.GAT with num_layers=2, heads=1, jk=None): ReLU between layers
    h = _gat_conv(x, src, dst, W1, a_src1, a_dst1, b1, num_nodes)
    h = jax.nn.relu(h)
    h = _gat_conv(h, src, dst, W2, a_src2, a_dst2, b2, num_nodes)
    # global_mean_pool over graph assignment vector
    sums = jax.ops.segment_sum(h, batch, num_segments=N_GRAPHS)
    counts = jax.ops.segment_sum(jnp.ones((num_nodes,), dtype=h.dtype), batch, num_segments=N_GRAPHS)
    graph_emb = sums / jnp.clip(counts, 1.0, None)[:, None]
    return graph_emb

if __name__ == "__main__":
    import jax
    _d = setup_inputs()
    print(jax.jit(kernel)(*tuple(_d.values())))

</pallas_src>

<mosaic_0001>
#map = affine_map<(d0, d1) -> (0, 0, 0)>
#map1 = affine_map<(d0, d1) -> (0)>
#map2 = affine_map<(d0, d1) -> (0, 0)>
module attributes {stable_mosaic.version = 14 : i64} {
  func.func @_sc_edge_body(%arg0: i32, %arg1: i32, %arg2: memref<5120x1x128xi32, #tpu.memory_space<hbm>>, %arg3: memref<10000xi32, #tpu.memory_space<hbm>>, %arg4: memref<16xf32, #tpu.memory_space<hbm>>, %arg5: memref<10000x128xf32, #tpu.memory_space<hbm>>, %arg6: memref<10112xf32, #tpu.memory_space<hbm>>, %arg7: memref<10112x128xf32, #tpu.memory_space<hbm>>, %arg8: memref<10112x128xf32, #tpu.memory_space<hbm>>, %arg9: memref<20224xf32, #tpu.memory_space<hbm>>, %arg10: memref<1x128xi32, #tpu.memory_space<vmem>>, %arg11: memref<1x128xi32, #tpu.memory_space<vmem>>, %arg12: memref<1x64xi32, #tpu.memory_space<vmem>>, %arg13: memref<1x64xi32, #tpu.memory_space<vmem>>, %arg14: memref<64xf32, #tpu.memory_space<vmem>>, %arg15: memref<64xf32, #tpu.memory_space<vmem>>, %arg16: memref<10000xi32, #tpu.memory_space<vmem>>, %arg17: memref<16xf32, #tpu.memory_space<vmem>>, %arg18: memref<1x16xi32, #tpu.memory_space<vmem>>, %arg19: memref<1x16xi32, #tpu.memory_space<vmem>>, %arg20: memref<64x128xf32, #tpu.memory_space<vmem>>, %arg21: memref<64x128xf32, #tpu.memory_space<vmem>>, %arg22: memref<10112x128xf32, #tpu.memory_space<vmem_shared>>, %arg23: memref<10112xf32, #tpu.memory_space<vmem_shared>>, %arg24: memref<!tpu.dma_semaphore, #tpu.memory_space<semaphore_mem>>, %arg25: memref<!tpu.dma_semaphore, #tpu.memory_space<semaphore_mem>>, %arg26: memref<!tpu.dma_semaphore, #tpu.memory_space<semaphore_mem>>, %arg27: memref<!tpu.dma_semaphore, #tpu.memory_space<semaphore_mem>>, %arg28: memref<!tpu.dma_semaphore, #tpu.memory_space<semaphore_mem>>, %arg29: memref<!tpu.dma_semaphore, #tpu.memory_space<semaphore_mem>>, %arg30: memref<!tpu.dma_semaphore, #tpu.memory_space<semaphore_mem>>, %arg31: memref<!tpu.dma_semaphore, #tpu.memory_space<semaphore_mem>>) attributes {dimension_semantics = [#tpu.dimension_semantics<core_parallel>, #tpu.dimension_semantics<subcore_parallel>], iteration_bounds = array<i64: 2, 16>, scalar_prefetch = 0 : i64, scratch_operands = 22 : i64, tpu.core_type = #tpu.core_type<sc_vector_subcore>, window_params = [{transform_indices = #map}, {transform_indices = #map1}, {transform_indices = #map1}, {transform_indices = #map2}, {transform_indices = #map1}, {transform_indices = #map2}, {transform_indices = #map2}, {transform_indices = #map1}]} {
    %mul3A = arith.constant 16 : i32
    %mul3A_0 = arith.muli %arg0, %mul3A : i32
    %add3A = arith.addi %mul3A_0, %arg1 : i32
    %eq3A = arith.constant 0 : i32
    %eq3A_1 = arith.cmpi eq, %arg0, %eq3A : i32
    %jit3A = arith.constant 208 : i32
    %jit3A_2 = arith.constant 112 : i32
    %select_n3A = arith.select %eq3A_1, %jit3A, %jit3A_2 : i32
    %eq3A_3 = arith.constant 0 : i32
    %eq3A_4 = arith.cmpi eq, %arg0, %eq3A_3 : i32
    %mul3A_5 = arith.constant 208 : i32
    %mul3A_6 = arith.muli %arg1, %mul3A_5 : i32
    %mul3A_7 = arith.constant 112 : i32
    %mul3A_8 = arith.muli %arg1, %mul3A_7 : i32
    %add3A_9 = arith.constant 3328 : i32
    %add3A_10 = arith.addi %add3A_9, %mul3A_8 : i32
    %select_n3A_11 = arith.select %eq3A_4, %mul3A_6, %add3A_10 : i32
    "tpu.region"() ({
      %run_scoped3A = tpu.sem_alloc : memref<!tpu.dma_semaphore, #tpu.memory_space<semaphore_mem>>
      tpu.enqueue_dma source(%arg3 : memref<10000xi32, #tpu.memory_space<hbm>>) target(%arg16 : memref<10000xi32, #tpu.memory_space<vmem>>) target_semaphore(%run_scoped3A : memref<!tpu.dma_semaphore, #tpu.memory_space<semaphore_mem>>)
      tpu.wait_dma2 semaphore(%run_scoped3A : memref<!tpu.dma_semaphore, #tpu.memory_space<semaphore_mem>>) src(%arg3 : memref<10000xi32, #tpu.memory_space<hbm>>) dst(%arg16 : memref<10000xi32, #tpu.memory_space<vmem>>)
      tpu.yield
    }) : () -> ()
    "tpu.region"() ({
      %run_scoped3A = tpu.sem_alloc : memref<!tpu.dma_semaphore, #tpu.memory_space<semaphore_mem>>
      tpu.enqueue_dma source(%arg4 : memref<16xf32, #tpu.memory_space<hbm>>) target(%arg17 : memref<16xf32, #tpu.memory_space<vmem>>) target_semaphore(%run_scoped3A : memref<!tpu.dma_semaphore, #tpu.memory_space<semaphore_mem>>)
      tpu.wait_dma2 semaphore(%run_scoped3A : memref<!tpu.dma_semaphore, #tpu.memory_space<semaphore_mem>>) src(%arg4 : memref<16xf32, #tpu.memory_space<hbm>>) dst(%arg17 : memref<16xf32, #tpu.memory_space<vmem>>)
      tpu.yield
    }) : () -> ()
    %scan3A = arith.constant 0 : i32
    %scan3A_12 = arith.constant 512 : i32
    %scan3A_13 = arith.addi %scan3A, %scan3A_12 : i32
    %scan3A_14 = arith.constant 1 : i32
    scf.for %scan3A_711 = %scan3A to %scan3A_13 step %scan3A_14  : i32 {
      %mul3A_712 = arith.constant 1 : i32
      %mul3A_713 = arith.muli %scan3A_711, %mul3A_712 : i32
      %add3A_714 = arith.constant 0 : i32
      %add3A_715 = arith.addi %add3A_714, %mul3A_713 : i32
      %broadcast_in_dim3A_716 = arith.constant 0.000000e+00 : f32
      %broadcast_in_dim3A_717 = vector.broadcast %broadcast_in_dim3A_716 : f32 to vector<16xf32>
      %jit3A_718 = arith.constant 8 : i32
      %div3A_719 = arith.divsi %add3A_715, %jit3A_718 : i32
      %sign3A_720 = arith.constant 0 : i32
      %sign3A_721 = arith.cmpi sgt, %add3A_715, %sign3A_720 : i32
      %sign3A_722 = arith.extui %sign3A_721 : i1 to i32
      %sign3A_723 = arith.constant 0 : i32
      %sign3A_724 = arith.cmpi slt, %add3A_715, %sign3A_723 : i32
      %sign3A_725 = arith.extui %sign3A_724 : i1 to i32
      %sign3A_726 = arith.subi %sign3A_722, %sign3A_725 : i32
      %sign3A_727 = arith.constant 0 : i32
      %sign3A_728 = arith.cmpi sgt, %jit3A_718, %sign3A_727 : i32
      %sign3A_729 = arith.extui %sign3A_728 : i1 to i32
      %sign3A_730 = arith.constant 0 : i32
      %sign3A_731 = arith.cmpi slt, %jit3A_718, %sign3A_730 : i32
      %sign3A_732 = arith.extui %sign3A_731 : i1 to i32
      %sign3A_733 = arith.subi %sign3A_729, %sign3A_732 : i32
      %ne3A_734 = arith.cmpi ne, %sign3A_726, %sign3A_733 : i32
      %rem3A_735 = arith.remsi %add3A_715, %jit3A_718 : i32
      %ne3A_736 = arith.constant 0 : i32
      %ne3A_737 = arith.cmpi ne, %rem3A_735, %ne3A_736 : i32
      %and3A_738 = arith.andi %ne3A_734, %ne3A_737 : i1
      %sub3A_739 = arith.constant 1 : i32
      %sub3A_740 = arith.subi %div3A_719, %sub3A_739 : i32
      %select_n3A_741 = arith.select %and3A_738, %sub3A_740, %div3A_719 : i32
      %jit3A_742 = arith.constant 8 : i32
      %eq3A_743 = arith.constant 0 : i32
      %eq3A_744 = arith.cmpi eq, %jit3A_742, %eq3A_743 : i32
      %jit3A_745 = arith.constant 1 : i32
      %select_n3A_746 = arith.select %eq3A_744, %jit3A_745, %jit3A_742 : i32
      %rem3A_747 = arith.remsi %add3A_715, %select_n3A_746 : i32
      %ne3A_748 = arith.constant 0 : i32
      %ne3A_749 = arith.cmpi ne, %rem3A_747, %ne3A_748 : i32
      %lt3A_750 = arith.constant 0 : i32
      %lt3A_751 = arith.cmpi slt, %rem3A_747, %lt3A_750 : i32
      %lt3A_752 = arith.constant 0 : i32
      %lt3A_753 = arith.cmpi slt, %select_n3A_746, %lt3A_752 : i32
      %ne3A_754 = arith.xori %lt3A_751, %lt3A_753 : i1
      %and3A_755 = arith.andi %ne3A_754, %ne3A_749 : i1
      %add3A_756 = arith.addi %rem3A_747, %select_n3A_746 : i32
      %select_n3A_757 = arith.select %and3A_755, %add3A_756, %rem3A_747 : i32
      %mul3A_758 = arith.constant 16 : i32
      %mul3A_759 = arith.muli %select_n3A_757, %mul3A_758 : i32
      %swap3A_760 = arith.index_cast %select_n3A_741 : i32 to index
      %swap3A_761 = arith.index_cast %mul3A_759 : i32 to index
      %swap3A_762 = tpu.vector_load %arg20[%swap3A_760, %swap3A_761] {strides = array<i32>} : memref<64x128xf32, #tpu.memory_space<vmem>>, vector<16xf32>,
      tpu.vector_store %arg20[%swap3A_760, %swap3A_761], %broadcast_in_dim3A_717 {strides = array<i32>} : memref<64x128xf32, #tpu.memory_space<vmem>>, vector<16xf32>,
    }
    %scan3A_15 = arith.constant 512 : i32
    %mul3A_16 = arith.constant 632 : i32
    %mul3A_17 = arith.muli %arg1, %mul3A_16 : i32
    %add3A_18 = arith.constant 0 : i32
    %add3A_19 = arith.addi %mul3A_17, %add3A_18 : i32
    "tpu.region"() ({
      %run_scoped3A = tpu.sem_alloc : memref<!tpu.dma_semaphore, #tpu.memory_space<semaphore_mem>>
      %dma_start3A_711 = arith.constant 0 : i32
      %dma_start3A_712 = tpu.memref_slice %arg22[%add3A_19, %dma_start3A_711] : memref<10112x128xf32, #tpu.memory_space<vmem_shared>> -> memref<64x128xf32, #tpu.memory_space<vmem_shared>>
      %dma_start3A_713 = arith.constant 0 : i32
      %dma_start3A_714 = tpu.memref_slice %arg22[%add3A_19, %dma_start3A_713] : memref<10112x128xf32, #tpu.memory_space<vmem_shared>> -> memref<64x128xf32, #tpu.memory_space<vmem_shared>>
      tpu.enqueue_dma source(%arg20 : memref<64x128xf32, #tpu.memory_space<vmem>>) target(%dma_start3A_714 : memref<64x128xf32, #tpu.memory_space<vmem_shared>>) target_semaphore(%run_scoped3A : memref<!tpu.dma_semaphore, #tpu.memory_space<semaphore_mem>>)
      %dma_wait3A_715 = arith.constant 0 : i32
      %dma_wait3A_716 = tpu.memref_slice %arg22[%add3A_19, %dma_wait3A_715] : memref<10112x128xf32, #tpu.memory_space<vmem_shared>> -> memref<64x128xf32, #tpu.memory_space<vmem_shared>>
      %dma_wait3A_717 = arith.constant 0 : i32
      %dma_wait3A_718 = tpu.memref_slice %arg22[%add3A_19, %dma_wait3A_717] : memref<10112x128xf32, #tpu.memory_space<vmem_shared>> -> memref<64x128xf32, #tpu.memory_space<vmem_shared>>
      tpu.wait_dma2 semaphore(%run_scoped3A : memref<!tpu.dma_semaphore, #tpu.memory_space<semaphore_mem>>) src(%arg20 : memref<64x128xf32, #tpu.memory_space<vmem>>) dst(%dma_wait3A_718 : memref<64x128xf32, #tpu.memory_space<vmem_shared>>)
      tpu.yield
    }) : () -> ()
    %mul3A_20 = arith.constant 632 : i32
    %mul3A_21 = arith.muli %arg1, %mul3A_20 : i32
    %add3A_22 = arith.constant 64 : i32
    %add3A_23 = arith.addi %mul3A_21, %add3A_22 : i32
    "tpu.region"() ({
      %run_scoped3A = tpu.sem_alloc : memref<!tpu.dma_semaphore, #tpu.memory_space<semaphore_mem>>
      %dma_start3A_711 = arith.constant 0 : i32
      %dma_start3A_712 = tpu.memref_slice %arg22[%add3A_23, %dma_start3A_711] : memref<10112x128xf32, #tpu.memory_space<vmem_shared>> -> memref<64x128xf32, #tpu.memory_space<vmem_shared>>
      %dma_start3A_713 = arith.constant 0 : i32
      %dma_start3A_714 = tpu.memref_slice %arg22[%add3A_23, %dma_start3A_713] : memref<10112x128xf32, #tpu.memory_space<vmem_shared>> -> memref<64x128xf32, #tpu.memory_space<vmem_shared>>
      tpu.enqueue_dma source(%arg20 : memref<64x128xf32, #tpu.memory_space<vmem>>) target(%dma_start3A_714 : memref<64x128xf32, #tpu.memory_space<vmem_shared>>) target_semaphore(%run_scoped3A : memref<!tpu.dma_semaphore, #tpu.memory_space<semaphore_mem>>)
      %dma_wait3A_715 = arith.constant 0 : i32
      %dma_wait3A_716 = tpu.memref_slice %arg22[%add3A_23, %dma_wait3A_715] : memref<10112x128xf32, #tpu.memory_space<vmem_shared>> -> memref<64x128xf32, #tpu.memory_space<vmem_shared>>
      %dma_wait3A_717 = arith.constant 0 : i32
      %dma_wait3A_718 = tpu.memref_slice %arg22[%add3A_23, %dma_wait3A_717] : memref<10112x128xf32, #tpu.memory_space<vmem_shared>> -> memref<64x128xf32, #tpu.memory_space<vmem_shared>>
      tpu.wait_dma2 semaphore(%run_scoped3A : memref<!tpu.dma_semaphore, #tpu.memory_space<semaphore_mem>>) src(%arg20 : memref<64x128xf32, #tpu.memory_space<vmem>>) dst(%dma_wait3A_718 : memref<64x128xf32, #tpu.memory_space<vmem_shared>>)
      tpu.yield
    }) : () -> ()
    %mul3A_24 = arith.constant 632 : i32
    %mul3A_25 = arith.muli %arg1, %mul3A_24 : i32
    %add3A_26 = arith.constant 128 : i32
    %add3A_27 = arith.addi %mul3A_25, %add3A_26 : i32
    "tpu.region"() ({
      %run_scoped3A = tpu.sem_alloc : memref<!tpu.dma_semaphore, #tpu.memory_space<semaphore_mem>>
      %dma_start3A_711 = arith.constant 0 : i32
      %dma_start3A_712 = tpu.memref_slice %arg22[%add3A_27, %dma_start3A_711] : memref<10112x128xf32, #tpu.memory_space<vmem_shared>> -> memref<64x128xf32, #tpu.memory_space<vmem_shared>>
      %dma_start3A_713 = arith.constant 0 : i32
      %dma_start3A_714 = tpu.memref_slice %arg22[%add3A_27, %dma_start3A_713] : memref<10112x128xf32, #tpu.memory_space<vmem_shared>> -> memref<64x128xf32, #tpu.memory_space<vmem_shared>>
      tpu.enqueue_dma source(%arg20 : memref<64x128xf32, #tpu.memory_space<vmem>>) target(%dma_start3A_714 : memref<64x128xf32, #tpu.memory_space<vmem_shared>>) target_semaphore(%run_scoped3A : memref<!tpu.dma_semaphore, #tpu.memory_space<semaphore_mem>>)
      %dma_wait3A_715 = arith.constant 0 : i32
      %dma_wait3A_716 = tpu.memref_slice %arg22[%add3A_27, %dma_wait3A_715] : memref<10112x128xf32, #tpu.memory_space<vmem_shared>> -> memref<64x128xf32, #tpu.memory_space<vmem_shared>>
      %dma_wait3A_717 = arith.constant 0 : i32
      %dma_wait3A_718 = tpu.memref_slice %arg22[%add3A_27, %dma_wait3A_717] : memref<10112x128xf32, #tpu.memory_space<vmem_shared>> -> memref<64x128xf32, #tpu.memory_space<vmem_shared>>
      tpu.wait_dma2 semaphore(%run_scoped3A : memref<!tpu.dma_semaphore, #tpu.memory_space<semaphore_mem>>) src(%arg20 : memref<64x128xf32, #tpu.memory_space<vmem>>) dst(%dma_wait3A_718 : memref<64x128xf32, #tpu.memory_space<vmem_shared>>)
      tpu.yield
    }) : () -> ()
    %mul3A_28 = arith.constant 632 : i32
    %mul3A_29 = arith.muli %arg1, %mul3A_28 : i32
    %add3A_30 = arith.constant 192 : i32
    %add3A_31 = arith.addi %mul3A_29, %add3A_30 : i32
    "tpu.region"() ({
      %run_scoped3A = tpu.sem_alloc : memref<!tpu.dma_semaphore, #tpu.memory_space<semaphore_mem>>
      %dma_start3A_711 = arith.constant 0 : i32
      %dma_start3A_712 = tpu.memref_slice %arg22[%add3A_31, %dma_start3A_711] : memref<10112x128xf32, #tpu.memory_space<vmem_shared>> -> memref<64x128xf32, #tpu.memory_space<vmem_shared>>
      %dma_start3A_713 = arith.constant 0 : i32
      %dma_start3A_714 = tpu.memref_slice %arg22[%add3A_31, %dma_start3A_713] : memref<10112x128xf32, #tpu.memory_space<vmem_shared>> -> memref<64x128xf32, #tpu.memory_space<vmem_shared>>
      tpu.enqueue_dma source(%arg20 : memref<64x128xf32, #tpu.memory_space<vmem>>) target(%dma_start3A_714 : memref<64x128xf32, #tpu.memory_space<vmem_shared>>) target_semaphore(%run_scoped3A : memref<!tpu.dma_semaphore, #tpu.memory_space<semaphore_mem>>)
      %dma_wait3A_715 = arith.constant 0 : i32
      %dma_wait3A_716 = tpu.memref_slice %arg22[%add3A_31, %dma_wait3A_715] : memref<10112x128xf32, #tpu.memory_space<vmem_shared>> -> memref<64x128xf32, #tpu.memory_space<vmem_shared>>
      %dma_wait3A_717 = arith.constant 0 : i32
      %dma_wait3A_718 = tpu.memref_slice %arg22[%add3A_31, %dma_wait3A_717] : memref<10112x128xf32, #tpu.memory_space<vmem_shared>> -> memref<64x128xf32, #tpu.memory_space<vmem_shared>>
      tpu.wait_dma2 semaphore(%run_scoped3A : memref<!tpu.dma_semaphore, #tpu.memory_space<semaphore_mem>>) src(%arg20 : memref<64x128xf32, #tpu.memory_space<vmem>>) dst(%dma_wait3A_718 : memref<64x128xf32, #tpu.memory_space<vmem_shared>>)
      tpu.yield
    }) : () -> ()
    %mul3A_32 = arith.constant 632 : i32
    %mul3A_33 = arith.muli %arg1, %mul3A_32 : i32
    %add3A_34 = arith.constant 256 : i32
    %add3A_35 = arith.addi %mul3A_33, %add3A_34 : i32
    "tpu.region"() ({
      %run_scoped3A = tpu.sem_alloc : memref<!tpu.dma_semaphore, #tpu.memory_space<semaphore_mem>>
      %dma_start3A_711 = arith.constant 0 : i32
      %dma_start3A_712 = tpu.memref_slice %arg22[%add3A_35, %dma_start3A_711] : memref<10112x128xf32, #tpu.memory_space<vmem_shared>> -> memref<64x128xf32, #tpu.memory_space<vmem_shared>>
      %dma_start3A_713 = arith.constant 0 : i32
      %dma_start3A_714 = tpu.memref_slice %arg22[%add3A_35, %dma_start3A_713] : memref<10112x128xf32, #tpu.memory_space<vmem_shared>> -> memref<64x128xf32, #tpu.memory_space<vmem_shared>>
      tpu.enqueue_dma source(%arg20 : memref<64x128xf32, #tpu.memory_space<vmem>>) target(%dma_start3A_714 : memref<64x128xf32, #tpu.memory_space<vmem_shared>>) target_semaphore(%run_scoped3A : memref<!tpu.dma_semaphore, #tpu.memory_space<semaphore_mem>>)
      %dma_wait3A_715 = arith.constant 0 : i32
      %dma_wait3A_716 = tpu.memref_slice %arg22[%add3A_35, %dma_wait3A_715] : memref<10112x128xf32, #tpu.memory_space<vmem_shared>> -> memref<64x128xf32, #tpu.memory_space<vmem_shared>>
      %dma_wait3A_717 = arith.constant 0 : i32
      %dma_wait3A_718 = tpu.memref_slice %arg22[%add3A_35, %dma_wait3A_717] : memref<10112x128xf32, #tpu.memory_space<vmem_shared>> -> memref<64x128xf32, #tpu.memory_space<vmem_shared>>
      tpu.wait_dma2 semaphore(%run_scoped3A : memref<!tpu.dma_semaphore, #tpu.memory_space<semaphore_mem>>) src(%arg20 : memref<64x128xf32, #tpu.memory_space<vmem>>) dst(%dma_wait3A_718 : memref<64x128xf32, #tpu.memory_space<vmem_shared>>)
      tpu.yield
    }) : () -> ()
    %mul3A_36 = arith.constant 632 : i32
    %mul3A_37 = arith.muli %arg1, %mul3A_36 : i32
    %add3A_38 = arith.constant 320 : i32
    %add3A_39 = arith.addi %mul3A_37, %add3A_38 : i32
    "tpu.region"() ({
      %run_scoped3A = tpu.sem_alloc : memref<!tpu.dma_semaphore, #tpu.memory_space<semaphore_mem>>
      %dma_start3A_711 = arith.constant 0 : i32
      %dma_start3A_712 = tpu.memref_slice %arg22[%add3A_39, %dma_start3A_711] : memref<10112x128xf32, #tpu.memory_space<vmem_shared>> -> memref<64x128xf32, #tpu.memory_space<vmem_shared>>
      %dma_start3A_713 = arith.constant 0 : i32
      %dma_start3A_714 = tpu.memref_slice %arg22[%add3A_39, %dma_start3A_713] : memref<10112x128xf32, #tpu.memory_space<vmem_shared>> -> memref<64x128xf32, #tpu.memory_space<vmem_shared>>
      tpu.enqueue_dma source(%arg20 : memref<64x128xf32, #tpu.memory_space<vmem>>) target(%dma_start3A_714 : memref<64x128xf32, #tpu.memory_space<vmem_shared>>) target_semaphore(%run_scoped3A : memref<!tpu.dma_semaphore, #tpu.memory_space<semaphore_mem>>)
      %dma_wait3A_715 = arith.constant 0 : i32
      %dma_wait3A_716 = tpu.memref_slice %arg22[%add3A_39, %dma_wait3A_715] : memref<10112x128xf32, #tpu.memory_space<vmem_shared>> -> memref<64x128xf32, #tpu.memory_space<vmem_shared>>
      %dma_wait3A_717 = arith.constant 0 : i32
      %dma_wait3A_718 = tpu.memref_slice %arg22[%add3A_39, %dma_wait3A_717] : memref<10112x128xf32, #tpu.memory_space<vmem_shared>> -> memref<64x128xf32, #tpu.memory_space<vmem_shared>>
      tpu.wait_dma2 semaphore(%run_scoped3A : memref<!tpu.dma_semaphore, #tpu.memory_space<semaphore_mem>>) src(%arg20 : memref<64x128xf32, #tpu.memory_space<vmem>>) dst(%dma_wait3A_718 : memref<64x128xf32, #tpu.memory_space<vmem_shared>>)
      tpu.yield
    }) : () -> ()
    %mul3A_40 = arith.constant 632 : i32
    %mul3A_41 = arith.muli %arg1, %mul3A_40 : i32
    %add3A_42 = arith.constant 384 : i32
    %add3A_43 = arith.addi %mul3A_41, %add3A_42 : i32
    "tpu.region"() ({
      %run_scoped3A = tpu.sem_alloc : memref<!tpu.dma_semaphore, #tpu.memory_space<semaphore_mem>>
      %dma_start3A_711 = arith.constant 0 : i32
      %dma_start3A_712 = tpu.memref_slice %arg22[%add3A_43, %dma_start3A_711] : memref<10112x128xf32, #tpu.memory_space<vmem_shared>> -> memref<64x128xf32, #tpu.memory_space<vmem_shared>>
      %dma_start3A_713 = arith.constant 0 : i32
      %dma_start3A_714 = tpu.memref_slice %arg22[%add3A_43, %dma_start3A_713] : memref<10112x128xf32, #tpu.memory_space<vmem_shared>> -> memref<64x128xf32, #tpu.memory_space<vmem_shared>>
      tpu.enqueue_dma source(%arg20 : memref<64x128xf32, #tpu.memory_space<vmem>>) target(%dma_start3A_714 : memref<64x128xf32, #tpu.memory_space<vmem_shared>>) target_semaphore(%run_scoped3A : memref<!tpu.dma_semaphore, #tpu.memory_space<semaphore_mem>>)
      %dma_wait3A_715 = arith.constant 0 : i32
      %dma_wait3A_716 = tpu.memref_slice %arg22[%add3A_43, %dma_wait3A_715] : memref<10112x128xf32, #tpu.memory_space<vmem_shared>> -> memref<64x128xf32, #tpu.memory_space<vmem_shared>>
      %dma_wait3A_717 = arith.constant 0 : i32
      %dma_wait3A_718 = tpu.memref_slice %arg22[%add3A_43, %dma_wait3A_717] : memref<10112x128xf32, #tpu.memory_space<vmem_shared>> -> memref<64x128xf32, #tpu.memory_space<vmem_shared>>
      tpu.wait_dma2 semaphore(%run_scoped3A : memref<!tpu.dma_semaphore, #tpu.memory_space<semaphore_mem>>) src(%arg20 : memref<64x128xf32, #tpu.memory_space<vmem>>) dst(%dma_wait3A_718 : memref<64x128xf32, #tpu.memory_space<vmem_shared>>)
      tpu.yield
    }) : () -> ()
    %mul3A_44 = arith.constant 632 : i32
    %mul3A_45 = arith.muli %arg1, %mul3A_44 : i32
    %add3A_46 = arith.constant 448 : i32
    %add3A_47 = arith.addi %mul3A_45, %add3A_46 : i32
    "tpu.region"() ({
      %run_scoped3A = tpu.sem_alloc : memref<!tpu.dma_semaphore, #tpu.memory_space<semaphore_mem>>
      %dma_start3A_711 = arith.constant 0 : i32
      %dma_start3A_712 = tpu.memref_slice %arg22[%add3A_47, %dma_start3A_711] : memref<10112x128xf32, #tpu.memory_space<vmem_shared>> -> memref<64x128xf32, #tpu.memory_space<vmem_shared>>
      %dma_start3A_713 = arith.constant 0 : i32
      %dma_start3A_714 = tpu.memref_slice %arg22[%add3A_47, %dma_start3A_713] : memref<10112x128xf32, #tpu.memory_space<vmem_shared>> -> memref<64x128xf32, #tpu.memory_space<vmem_shared>>
      tpu.enqueue_dma source(%arg20 : memref<64x128xf32, #tpu.memory_space<vmem>>) target(%dma_start3A_714 : memref<64x128xf32, #tpu.memory_space<vmem_shared>>) target_semaphore(%run_scoped3A : memref<!tpu.dma_semaphore, #tpu.memory_space<semaphore_mem>>)
      %dma_wait3A_715 = arith.constant 0 : i32
      %dma_wait3A_716 = tpu.memref_slice %arg22[%add3A_47, %dma_wait3A_715] : memref<10112x128xf32, #tpu.memory_space<vmem_shared>> -> memref<64x128xf32, #tpu.memory_space<vmem_shared>>
      %dma_wait3A_717 = arith.constant 0 : i32
      %dma_wait3A_718 = tpu.memref_slice %arg22[%add3A_47, %dma_wait3A_717] : memref<10112x128xf32, #tpu.memory_space<vmem_shared>> -> memref<64x128xf32, #tpu.memory_space<vmem_shared>>
      tpu.wait_dma2 semaphore(%run_scoped3A : memref<!tpu.dma_semaphore, #tpu.memory_space<semaphore_mem>>) src(%arg20 : memref<64x128xf32, #tpu.memory_space<vmem>>) dst(%dma_wait3A_718 : memref<64x128xf32, #tpu.memory_space<vmem_shared>>)
      tpu.yield
    }) : () -> ()
    %mul3A_48 = arith.constant 632 : i32
    %mul3A_49 = arith.muli %arg1, %mul3A_48 : i32
    %add3A_50 = arith.constant 512 : i32
    %add3A_51 = arith.addi %mul3A_49, %add3A_50 : i32
    "tpu.region"() ({
      %run_scoped3A = tpu.sem_alloc : memref<!tpu.dma_semaphore, #tpu.memory_space<semaphore_mem>>
      %dma_start3A_711 = arith.constant 0 : i32
      %dma_start3A_712 = tpu.memref_slice %arg22[%add3A_51, %dma_start3A_711] : memref<10112x128xf32, #tpu.memory_space<vmem_shared>> -> memref<64x128xf32, #tpu.memory_space<vmem_shared>>
      %dma_start3A_713 = arith.constant 0 : i32
      %dma_start3A_714 = tpu.memref_slice %arg22[%add3A_51, %dma_start3A_713] : memref<10112x128xf32, #tpu.memory_space<vmem_shared>> -> memref<64x128xf32, #tpu.memory_space<vmem_shared>>
      tpu.enqueue_dma source(%arg20 : memref<64x128xf32, #tpu.memory_space<vmem>>) target(%dma_start3A_714 : memref<64x128xf32, #tpu.memory_space<vmem_shared>>) target_semaphore(%run_scoped3A : memref<!tpu.dma_semaphore, #tpu.memory_space<semaphore_mem>>)
      %dma_wait3A_715 = arith.constant 0 : i32
      %dma_wait3A_716 = tpu.memref_slice %arg22[%add3A_51, %dma_wait3A_715] : memref<10112x128xf32, #tpu.memory_space<vmem_shared>> -> memref<64x128xf32, #tpu.memory_space<vmem_shared>>
      %dma_wait3A_717 = arith.constant 0 : i32
      %dma_wait3A_718 = tpu.memref_slice %arg22[%add3A_51, %dma_wait3A_717] : memref<10112x128xf32, #tpu.memory_space<vmem_shared>> -> memref<64x128xf32, #tpu.memory_space<vmem_shared>>
      tpu.wait_dma2 semaphore(%run_scoped3A : memref<!tpu.dma_semaphore, #tpu.memory_space<semaphore_mem>>) src(%arg20 : memref<64x128xf32, #tpu.memory_space<vmem>>) dst(%dma_wait3A_718 : memref<64x128xf32, #tpu.memory_space<vmem_shared>>)
      tpu.yield
    }) : () -> ()
    %mul3A_52 = arith.constant 632 : i32
    %mul3A_53 = arith.muli %arg1, %mul3A_52 : i32
    %add3A_54 = arith.constant 576 : i32
    %add3A_55 = arith.addi %mul3A_53, %add3A_54 : i32
    "tpu.region"() ({
      %run_scoped3A = tpu.sem_alloc : memref<!tpu.dma_semaphore, #tpu.memory_space<semaphore_mem>>
      %dma_start3A_711 = arith.constant 0 : i32
      %dma_start3A_712 = arith.constant 0 : i32
      %dma_start3A_713 = tpu.memref_slice %arg20[%dma_start3A_711, %dma_start3A_712] : memref<64x128xf32, #tpu.memory_space<vmem>> -> memref<56x128xf32, #tpu.memory_space<vmem>>
      %dma_start3A_714 = arith.constant 0 : i32
      %dma_start3A_715 = tpu.memref_slice %arg22[%add3A_55, %dma_start3A_714] : memref<10112x128xf32, #tpu.memory_space<vmem_shared>> -> memref<56x128xf32, #tpu.memory_space<vmem_shared>>
      %dma_start3A_716 = arith.constant 0 : i32
      %dma_start3A_717 = tpu.memref_slice %arg22[%add3A_55, %dma_start3A_716] : memref<10112x128xf32, #tpu.memory_space<vmem_shared>> -> memref<56x128xf32, #tpu.memory_space<vmem_shared>>
      %dma_start3A_718 = arith.constant 0 : i32
      %dma_start3A_719 = arith.constant 0 : i32
      %dma_start3A_720 = tpu.memref_slice %arg20[%dma_start3A_718, %dma_start3A_719] : memref<64x128xf32, #tpu.memory_space<vmem>> -> memref<56x128xf32, #tpu.memory_space<vmem>>
      tpu.enqueue_dma source(%dma_start3A_720 : memref<56x128xf32, #tpu.memory_space<vmem>>) target(%dma_start3A_717 : memref<56x128xf32, #tpu.memory_space<vmem_shared>>) target_semaphore(%run_scoped3A : memref<!tpu.dma_semaphore, #tpu.memory_space<semaphore_mem>>)
      %dma_wait3A_721 = arith.constant 0 : i32
      %dma_wait3A_722 = arith.constant 0 : i32
      %dma_wait3A_723 = tpu.memref_slice %arg20[%dma_wait3A_721, %dma_wait3A_722] : memref<64x128xf32, #tpu.memory_space<vmem>> -> memref<56x128xf32, #tpu.memory_space<vmem>>
      %dma_wait3A_724 = arith.constant 0 : i32
      %dma_wait3A_725 = tpu.memref_slice %arg22[%add3A_55, %dma_wait3A_724] : memref<10112x128xf32, #tpu.memory_space<vmem_shared>> -> memref<56x128xf32, #tpu.memory_space<vmem_shared>>
      %dma_wait3A_726 = arith.constant 0 : i32
      %dma_wait3A_727 = tpu.memref_slice %arg22[%add3A_55, %dma_wait3A_726] : memref<10112x128xf32, #tpu.memory_space<vmem_shared>> -> memref<56x128xf32, #tpu.memory_space<vmem_shared>>
      %dma_wait3A_728 = arith.constant 0 : i32
      %dma_wait3A_729 = arith.constant 0 : i32
      %dma_wait3A_730 = tpu.memref_slice %arg20[%dma_wait3A_728, %dma_wait3A_729] : memref<64x128xf32, #tpu.memory_space<vmem>> -> memref<56x128xf32, #tpu.memory_space<vmem>>
      tpu.wait_dma2 semaphore(%run_scoped3A : memref<!tpu.dma_semaphore, #tpu.memory_space<semaphore_mem>>) src(%dma_wait3A_730 : memref<56x128xf32, #tpu.memory_space<vmem>>) dst(%dma_wait3A_727 : memref<56x128xf32, #tpu.memory_space<vmem_shared>>)
      tpu.yield
    }) : () -> ()
    %eq3A_56 = arith.constant 0 : i32
    %eq3A_57 = arith.cmpi eq, %arg1, %eq3A_56 : i32
    %convert_element_type3A = arith.extui %eq3A_57 : i1 to i32
    %cond3A = arith.constant 0 : i32
    %cond3A_58 = arith.cmpi ne, %convert_element_type3A, %cond3A : i32
    scf.if %cond3A_58 {
      "tpu.region"() ({
        %run_scoped3A = tpu.sem_alloc : memref<!tpu.dma_semaphore, #tpu.memory_space<semaphore_mem>>
        tpu.enqueue_dma source(%arg6 : memref<10112xf32, #tpu.memory_space<hbm>>) target(%arg23 : memref<10112xf32, #tpu.memory_space<vmem_shared>>) target_semaphore(%run_scoped3A : memref<!tpu.dma_semaphore, #tpu.memory_space<semaphore_mem>>)
        tpu.wait_dma2 semaphore(%run_scoped3A : memref<!tpu.dma_semaphore, #tpu.memory_space<semaphore_mem>>) src(%arg6 : memref<10112xf32, #tpu.memory_space<hbm>>) dst(%arg23 : memref<10112xf32, #tpu.memory_space<vmem_shared>>)
        tpu.yield
      }) : () -> ()
    } else {
    }
    %barrier3A = arith.constant 0 : index
    tpu.barrier barrier_id(%barrier3A)
    %iota3A = tpu.iota {dimensions = array<i32: 0>} : vector<16xi32>
    %get3A = arith.constant 0 : index
    %get3A_59 = tpu.vector_load %arg17[%get3A] {strides = array<i32>} : memref<16xf32, #tpu.memory_space<vmem>>, vector<16xf32>,
    %add3A_60 = arith.constant 0 : i32
    %add3A_61 = arith.addi %select_n3A_11, %add3A_60 : i32
    %min3A = arith.constant 5119 : i32
    %min3A_62 = arith.minsi %add3A_61, %min3A : i32
    %dma_start3A = arith.constant 0 : i32
    %dma_start3A_63 = arith.constant 0 : i32
    %dma_start3A_64 = tpu.memref_slice %arg2[%min3A_62, %dma_start3A, %dma_start3A_63] : memref<5120x1x128xi32, #tpu.memory_space<hbm>> -> memref<1x1x128xi32, #tpu.memory_space<hbm>>
    %dma_start3A_65 = tpu.memref_squeeze %dma_start3A_64 : memref<1x1x128xi32, #tpu.memory_space<hbm>> -> memref<1x128xi32, #tpu.memory_space<hbm>>
    %dma_start3A_66 = arith.constant 0 : i32
    %dma_start3A_67 = arith.constant 0 : i32
    %dma_start3A_68 = tpu.memref_slice %arg2[%min3A_62, %dma_start3A_66, %dma_start3A_67] : memref<5120x1x128xi32, #tpu.memory_space<hbm>> -> memref<1x1x128xi32, #tpu.memory_space<hbm>>
    %dma_start3A_69 = tpu.memref_squeeze %dma_start3A_68 : memref<1x1x128xi32, #tpu.memory_space<hbm>> -> memref<1x128xi32, #tpu.memory_space<hbm>>
    tpu.enqueue_dma source(%dma_start3A_69 : memref<1x128xi32, #tpu.memory_space<hbm>>) target(%arg10 : memref<1x128xi32, #tpu.memory_space<vmem>>) target_semaphore(%arg24 : memref<!tpu.dma_semaphore, #tpu.memory_space<semaphore_mem>>)
    %add3A_70 = arith.constant 1 : i32
    %add3A_71 = arith.addi %select_n3A_11, %add3A_70 : i32
    %min3A_72 = arith.constant 5119 : i32
    %min3A_73 = arith.minsi %add3A_71, %min3A_72 : i32
    %dma_start3A_74 = arith.constant 0 : i32
    %dma_start3A_75 = arith.constant 0 : i32
    %dma_start3A_76 = tpu.memref_slice %arg2[%min3A_73, %dma_start3A_74, %dma_start3A_75] : memref<5120x1x128xi32, #tpu.memory_space<hbm>> -> memref<1x1x128xi32, #tpu.memory_space<hbm>>
    %dma_start3A_77 = tpu.memref_squeeze %dma_start3A_76 : memref<1x1x128xi32, #tpu.memory_space<hbm>> -> memref<1x128xi32, #tpu.memory_space<hbm>>
    %dma_start3A_78 = arith.constant 0 : i32
    %dma_start3A_79 = arith.constant 0 : i32
    %dma_start3A_80 = tpu.memref_slice %arg2[%min3A_73, %dma_start3A_78, %dma_start3A_79] : memref<5120x1x128xi32, #tpu.memory_space<hbm>> -> memref<1x1x128xi32, #tpu.memory_space<hbm>>
    %dma_start3A_81 = tpu.memref_squeeze %dma_start3A_80 : memref<1x1x128xi32, #tpu.memory_space<hbm>> -> memref<1x128xi32, #tpu.memory_space<hbm>>
    tpu.enqueue_dma source(%dma_start3A_81 : memref<1x128xi32, #tpu.memory_space<hbm>>) target(%arg11 : memref<1x128xi32, #tpu.memory_space<vmem>>) target_semaphore(%arg25 : memref<!tpu.dma_semaphore, #tpu.memory_space<semaphore_mem>>)
    %add3A_82 = arith.constant 0 : i32
    %add3A_83 = arith.addi %select_n3A_11, %add3A_82 : i32
    %min3A_84 = arith.constant 5119 : i32
    %min3A_85 = arith.minsi %add3A_83, %min3A_84 : i32
    %dma_wait3A = arith.constant 0 : i32
    %dma_wait3A_86 = arith.constant 0 : i32
    %dma_wait3A_87 = tpu.memref_slice %arg2[%min3A_85, %dma_wait3A, %dma_wait3A_86] : memref<5120x1x128xi32, #tpu.memory_space<hbm>> -> memref<1x1x128xi32, #tpu.memory_space<hbm>>
    %dma_wait3A_88 = tpu.memref_squeeze %dma_wait3A_87 : memref<1x1x128xi32, #tpu.memory_space<hbm>> -> memref<1x128xi32, #tpu.memory_space<hbm>>
    %dma_wait3A_89 = arith.constant 0 : i32
    %dma_wait3A_90 = arith.constant 0 : i32
    %dma_wait3A_91 = tpu.memref_slice %arg2[%min3A_85, %dma_wait3A_89, %dma_wait3A_90] : memref<5120x1x128xi32, #tpu.memory_space<hbm>> -> memref<1x1x128xi32, #tpu.memory_space<hbm>>
    %dma_wait3A_92 = tpu.memref_squeeze %dma_wait3A_91 : memref<1x1x128xi32, #tpu.memory_space<hbm>> -> memref<1x128xi32, #tpu.memory_space<hbm>>
    tpu.wait_dma2 semaphore(%arg24 : memref<!tpu.dma_semaphore, #tpu.memory_space<semaphore_mem>>) src(%dma_wait3A_92 : memref<1x128xi32, #tpu.memory_space<hbm>>) dst(%arg10 : memref<1x128xi32, #tpu.memory_space<vmem>>)
    %dma_start3A_93 = arith.constant 0 : i32
    %dma_start3A_94 = arith.constant 0 : i32
    %dma_start3A_95 = tpu.memref_slice %arg10[%dma_start3A_93, %dma_start3A_94] : memref<1x128xi32, #tpu.memory_space<vmem>> -> memref<1x64xi32, #tpu.memory_space<vmem>>
    %dma_start3A_96 = tpu.memref_squeeze %dma_start3A_95 : memref<1x64xi32, #tpu.memory_space<vmem>> -> memref<64xi32, #tpu.memory_space<vmem>>
    %dma_start3A_97 = arith.constant 0 : i32
    %dma_start3A_98 = arith.constant 0 : i32
    %dma_start3A_99 = tpu.memref_slice %arg5[%dma_start3A_97, %dma_start3A_98] : memref<10000x128xf32, #tpu.memory_space<hbm>> -> memref<10000x128xf32, #tpu.memory_space<hbm>>
    tpu.enqueue_indirect_dma source(%dma_start3A_99 : memref<10000x128xf32, #tpu.memory_space<hbm>>) target(%arg20 : memref<64x128xf32, #tpu.memory_space<vmem>>) offsets(%dma_start3A_96 : memref<64xi32, #tpu.memory_space<vmem>>) semaphore(%arg26 : memref<!tpu.dma_semaphore, #tpu.memory_space<semaphore_mem>>)
    %add3A_100 = arith.constant 0 : i32
    %add3A_101 = arith.addi %select_n3A_11, %add3A_100 : i32
    %min3A_102 = arith.constant 5119 : i32
    %min3A_103 = arith.minsi %add3A_101, %min3A_102 : i32
    %dma_wait3A_104 = arith.constant 0 : i32
    %dma_wait3A_105 = arith.constant 0 : i32
    %dma_wait3A_106 = tpu.memref_slice %arg2[%min3A_103, %dma_wait3A_104, %dma_wait3A_105] : memref<5120x1x128xi32, #tpu.memory_space<hbm>> -> memref<1x1x128xi32, #tpu.memory_space<hbm>>
    %dma_wait3A_107 = tpu.memref_squeeze %dma_wait3A_106 : memref<1x1x128xi32, #tpu.memory_space<hbm>> -> memref<1x128xi32, #tpu.memory_space<hbm>>
    %dma_wait3A_108 = arith.constant 0 : i32
    %dma_wait3A_109 = arith.constant 0 : i32
    %dma_wait3A_110 = tpu.memref_slice %arg2[%min3A_103, %dma_wait3A_108, %dma_wait3A_109] : memref<5120x1x128xi32, #tpu.memory_space<hbm>> -> memref<1x1x128xi32, #tpu.memory_space<hbm>>
    %dma_wait3A_111 = tpu.memref_squeeze %dma_wait3A_110 : memref<1x1x128xi32, #tpu.memory_space<hbm>> -> memref<1x128xi32, #tpu.memory_space<hbm>>
    tpu.wait_dma2 semaphore(%arg25 : memref<!tpu.dma_semaphore, #tpu.memory_space<semaphore_mem>>) src(%dma_wait3A_111 : memref<1x128xi32, #tpu.memory_space<hbm>>) dst(%arg11 : memref<1x128xi32, #tpu.memory_space<vmem>>)
    %dma_start3A_112 = arith.constant 0 : i32
    %dma_start3A_113 = arith.constant 0 : i32
    %dma_start3A_114 = tpu.memref_slice %arg11[%dma_start3A_112, %dma_start3A_113] : memref<1x128xi32, #tpu.memory_space<vmem>> -> memref<1x64xi32, #tpu.memory_space<vmem>>
    %dma_start3A_115 = tpu.memref_squeeze %dma_start3A_114 : memref<1x64xi32, #tpu.memory_space<vmem>> -> memref<64xi32, #tpu.memory_space<vmem>>
    %dma_start3A_116 = arith.constant 0 : i32
    %dma_start3A_117 = arith.constant 0 : i32
    %dma_start3A_118 = tpu.memref_slice %arg5[%dma_start3A_116, %dma_start3A_117] : memref<10000x128xf32, #tpu.memory_space<hbm>> -> memref<10000x128xf32, #tpu.memory_space<hbm>>
    tpu.enqueue_indirect_dma source(%dma_start3A_118 : memref<10000x128xf32, #tpu.memory_space<hbm>>) target(%arg21 : memref<64x128xf32, #tpu.memory_space<vmem>>) offsets(%dma_start3A_115 : memref<64xi32, #tpu.memory_space<vmem>>) semaphore(%arg27 : memref<!tpu.dma_semaphore, #tpu.memory_space<semaphore_mem>>)
    %dma_wait3A_119 = arith.constant 0 : i32
    %dma_wait3A_120 = arith.constant 0 : i32
    %dma_wait3A_121 = tpu.memref_slice %arg10[%dma_wait3A_119, %dma_wait3A_120] : memref<1x128xi32, #tpu.memory_space<vmem>> -> memref<1x64xi32, #tpu.memory_space<vmem>>
    %dma_wait3A_122 = tpu.memref_squeeze %dma_wait3A_121 : memref<1x64xi32, #tpu.memory_space<vmem>> -> memref<64xi32, #tpu.memory_space<vmem>>
    %dma_wait3A_123 = arith.constant 0 : i32
    %dma_wait3A_124 = arith.constant 0 : i32
    %dma_wait3A_125 = tpu.memref_slice %arg5[%dma_wait3A_123, %dma_wait3A_124] : memref<10000x128xf32, #tpu.memory_space<hbm>> -> memref<10000x128xf32, #tpu.memory_space<hbm>>
    tpu.wait_indirect_dma semaphore(%arg26 : memref<!tpu.dma_semaphore, #tpu.memory_space<semaphore_mem>>) src(%dma_wait3A_125 : memref<10000x128xf32, #tpu.memory_space<hbm>>) dst(%arg20 : memref<64x128xf32, #tpu.memory_space<vmem>>)
    %get3A_126 = arith.constant 0 : i32
    %get3A_127 = arith.index_cast %get3A_126 : i32 to index
    %get3A_128 = arith.constant 0 : index
    %get3A_129 = tpu.vector_load %arg10[%get3A_127, %get3A_128] {strides = array<i32>} : memref<1x128xi32, #tpu.memory_space<vmem>>, vector<16xi32>,
    %get3A_130 = arith.constant 0 : i32
    %get3A_131 = arith.index_cast %get3A_130 : i32 to index
    %get3A_132 = arith.constant 64 : index
    %get3A_133 = tpu.vector_load %arg10[%get3A_131, %get3A_132] {strides = array<i32>} : memref<1x128xi32, #tpu.memory_space<vmem>>, vector<16xi32>,
    %gather3A = tpu.vector_load_idx %arg16[%get3A_129] : memref<10000xi32, #tpu.memory_space<vmem>>[vector<16xi32>], vector<16xi32>,
    %bitcast3A = vector.bitcast %gather3A : vector<16xi32> to vector<32xbf16>
    %gather3A_134 = tpu.vector_load_idx %arg16[%get3A_133] : memref<10000xi32, #tpu.memory_space<vmem>>[vector<16xi32>], vector<16xi32>,
    %bitcast3A_135 = vector.bitcast %gather3A_134 : vector<16xi32> to vector<32xbf16>
    %unpack3A = tpu.unpack_subelements %bitcast3A, 0 {pack_format = #tpu.pack_format<interleaved>} : vector<32xbf16> -> vector<16xf32>
    %unpack3A_136 = tpu.unpack_subelements %bitcast3A, 1 {pack_format = #tpu.pack_format<interleaved>} : vector<32xbf16> -> vector<16xf32>
    %unpack3A_137 = tpu.unpack_subelements %bitcast3A_135, 0 {pack_format = #tpu.pack_format<interleaved>} : vector<32xbf16> -> vector<16xf32>
    %unpack3A_138 = tpu.unpack_subelements %bitcast3A_135, 1 {pack_format = #tpu.pack_format<interleaved>} : vector<32xbf16> -> vector<16xf32>
    %add3A_139 = arith.addf %get3A_59, %unpack3A_138 : vector<16xf32>
    %ge3A = arith.constant 0.000000e+00 : f32
    %ge3A_140 = vector.broadcast %ge3A : f32 to vector<16xf32>
    %ge3A_141 = arith.cmpf oge, %add3A_139, %ge3A_140 : vector<16xf32>
    %mul3A_142 = arith.constant 2.000000e-01 : f32
    %mul3A_143 = vector.broadcast %mul3A_142 : f32 to vector<16xf32>
    %mul3A_144 = arith.mulf %add3A_139, %mul3A_143 : vector<16xf32>
    %select_n3A_145 = arith.select %ge3A_141, %add3A_139, %mul3A_144 : vector<16xi1>, vector<16xf32>
    %add3A_146 = arith.addf %unpack3A, %unpack3A_138 : vector<16xf32>
    %ge3A_147 = arith.constant 0.000000e+00 : f32
    %ge3A_148 = vector.broadcast %ge3A_147 : f32 to vector<16xf32>
    %ge3A_149 = arith.cmpf oge, %add3A_146, %ge3A_148 : vector<16xf32>
    %mul3A_150 = arith.constant 2.000000e-01 : f32
    %mul3A_151 = vector.broadcast %mul3A_150 : f32 to vector<16xf32>
    %mul3A_152 = arith.mulf %add3A_146, %mul3A_151 : vector<16xf32>
    %select_n3A_153 = arith.select %ge3A_149, %add3A_146, %mul3A_152 : vector<16xi1>, vector<16xf32>
    %add3A_154 = arith.constant 0 : i32
    %add3A_155 = arith.addi %select_n3A_11, %add3A_154 : i32
    %lt3A = arith.constant 5000 : i32
    %lt3A_156 = arith.cmpi slt, %add3A_155, %lt3A : i32
    %sub3A = arith.subf %select_n3A_153, %select_n3A_145 : vector<16xf32>
    %exp3A = math.exp %sub3A : vector<16xf32>
    %jit3A_157 = arith.constant 0.000000e+00 : f32
    %broadcast_in_dim3A = vector.broadcast %jit3A_157 : f32 to vector<16xf32>
    %select_n3A_158 = arith.select %lt3A_156, %exp3A, %broadcast_in_dim3A : vector<16xf32>
    %swap3A = arith.constant 0 : index
    %swap3A_159 = tpu.vector_load %arg14[%swap3A] {strides = array<i32>} : memref<64xf32, #tpu.memory_space<vmem>>, vector<16xf32>,
    tpu.vector_store %arg14[%swap3A], %select_n3A_158 {strides = array<i32>} : memref<64xf32, #tpu.memory_space<vmem>>, vector<16xf32>,
    %swap3A_160 = arith.constant 0 : i32
    %swap3A_161 = arith.index_cast %swap3A_160 : i32 to index
    %swap3A_162 = arith.constant 0 : index
    %swap3A_163 = tpu.vector_load %arg12[%swap3A_161, %swap3A_162] {strides = array<i32>} : memref<1x64xi32, #tpu.memory_space<vmem>>, vector<16xi32>,
    tpu.vector_store %arg12[%swap3A_161, %swap3A_162], %get3A_133 {strides = array<i32>} : memref<1x64xi32, #tpu.memory_space<vmem>>, vector<16xi32>,
    %get3A_164 = arith.constant 0 : i32
    %get3A_165 = arith.index_cast %get3A_164 : i32 to index
    %get3A_166 = arith.constant 16 : index
    %get3A_167 = tpu.vector_load %arg10[%get3A_165, %get3A_166] {strides = array<i32>} : memref<1x128xi32, #tpu.memory_space<vmem>>, vector<16xi32>,
    %get3A_168 = arith.constant 0 : i32
    %get3A_169 = arith.index_cast %get3A_168 : i32 to index
    %get3A_170 = arith.constant 80 : index
    %get3A_171 = tpu.vector_load %arg10[%get3A_169, %get3A_170] {strides = array<i32>} : memref<1x128xi32, #tpu.memory_space<vmem>>, vector<16xi32>,
    %gather3A_172 = tpu.vector_load_idx %arg16[%get3A_167] : memref<10000xi32, #tpu.memory_space<vmem>>[vector<16xi32>], vector<16xi32>,
    %bitcast3A_173 = vector.bitcast %gather3A_172 : vector<16xi32> to vector<32xbf16>
    %gather3A_174 = tpu.vector_load_idx %arg16[%get3A_171] : memref<10000xi32, #tpu.memory_space<vmem>>[vector<16xi32>], vector<16xi32>,
    %bitcast3A_175 = vector.bitcast %gather3A_174 : vector<16xi32> to vector<32xbf16>
    %unpack3A_176 = tpu.unpack_subelements %bitcast3A_173, 0 {pack_format = #tpu.pack_format<interleaved>} : vector<32xbf16> -> vector<16xf32>
    %unpack3A_177 = tpu.unpack_subelements %bitcast3A_173, 1 {pack_format = #tpu.pack_format<interleaved>} : vector<32xbf16> -> vector<16xf32>
    %unpack3A_178 = tpu.unpack_subelements %bitcast3A_175, 0 {pack_format = #tpu.pack_format<interleaved>} : vector<32xbf16> -> vector<16xf32>
    %unpack3A_179 = tpu.unpack_subelements %bitcast3A_175, 1 {pack_format = #tpu.pack_format<interleaved>} : vector<32xbf16> -> vector<16xf32>
    %add3A_180 = arith.addf %get3A_59, %unpack3A_179 : vector<16xf32>
    %ge3A_181 = arith.constant 0.000000e+00 : f32
    %ge3A_182 = vector.broadcast %ge3A_181 : f32 to vector<16xf32>
    %ge3A_183 = arith.cmpf oge, %add3A_180, %ge3A_182 : vector<16xf32>
    %mul3A_184 = arith.constant 2.000000e-01 : f32
    %mul3A_185 = vector.broadcast %mul3A_184 : f32 to vector<16xf32>
    %mul3A_186 = arith.mulf %add3A_180, %mul3A_185 : vector<16xf32>
    %select_n3A_187 = arith.select %ge3A_183, %add3A_180, %mul3A_186 : vector<16xi1>, vector<16xf32>
    %add3A_188 = arith.addf %unpack3A_176, %unpack3A_179 : vector<16xf32>
    %ge3A_189 = arith.constant 0.000000e+00 : f32
    %ge3A_190 = vector.broadcast %ge3A_189 : f32 to vector<16xf32>
    %ge3A_191 = arith.cmpf oge, %add3A_188, %ge3A_190 : vector<16xf32>
    %mul3A_192 = arith.constant 2.000000e-01 : f32
    %mul3A_193 = vector.broadcast %mul3A_192 : f32 to vector<16xf32>
    %mul3A_194 = arith.mulf %add3A_188, %mul3A_193 : vector<16xf32>
    %select_n3A_195 = arith.select %ge3A_191, %add3A_188, %mul3A_194 : vector<16xi1>, vector<16xf32>
    %add3A_196 = arith.constant 0 : i32
    %add3A_197 = arith.addi %select_n3A_11, %add3A_196 : i32
    %lt3A_198 = arith.constant 5000 : i32
    %lt3A_199 = arith.cmpi slt, %add3A_197, %lt3A_198 : i32
    %sub3A_200 = arith.subf %select_n3A_195, %select_n3A_187 : vector<16xf32>
    %exp3A_201 = math.exp %sub3A_200 : vector<16xf32>
    %jit3A_202 = arith.constant 0.000000e+00 : f32
    %broadcast_in_dim3A_203 = vector.broadcast %jit3A_202 : f32 to vector<16xf32>
    %select_n3A_204 = arith.select %lt3A_199, %exp3A_201, %broadcast_in_dim3A_203 : vector<16xf32>
    %swap3A_205 = arith.constant 16 : index
    %swap3A_206 = tpu.vector_load %arg14[%swap3A_205] {strides = array<i32>} : memref<64xf32, #tpu.memory_space<vmem>>, vector<16xf32>,
    tpu.vector_store %arg14[%swap3A_205], %select_n3A_204 {strides = array<i32>} : memref<64xf32, #tpu.memory_space<vmem>>, vector<16xf32>,
    %swap3A_207 = arith.constant 0 : i32
    %swap3A_208 = arith.index_cast %swap3A_207 : i32 to index
    %swap3A_209 = arith.constant 16 : index
    %swap3A_210 = tpu.vector_load %arg12[%swap3A_208, %swap3A_209] {strides = array<i32>} : memref<1x64xi32, #tpu.memory_space<vmem>>, vector<16xi32>,
    tpu.vector_store %arg12[%swap3A_208, %swap3A_209], %get3A_171 {strides = array<i32>} : memref<1x64xi32, #tpu.memory_space<vmem>>, vector<16xi32>,
    %get3A_211 = arith.constant 0 : i32
    %get3A_212 = arith.index_cast %get3A_211 : i32 to index
    %get3A_213 = arith.constant 32 : index
    %get3A_214 = tpu.vector_load %arg10[%get3A_212, %get3A_213] {strides = array<i32>} : memref<1x128xi32, #tpu.memory_space<vmem>>, vector<16xi32>,
    %get3A_215 = arith.constant 0 : i32
    %get3A_216 = arith.index_cast %get3A_215 : i32 to index
    %get3A_217 = arith.constant 96 : index
    %get3A_218 = tpu.vector_load %arg10[%get3A_216, %get3A_217] {strides = array<i32>} : memref<1x128xi32, #tpu.memory_space<vmem>>, vector<16xi32>,
    %gather3A_219 = tpu.vector_load_idx %arg16[%get3A_214] : memref<10000xi32, #tpu.memory_space<vmem>>[vector<16xi32>], vector<16xi32>,
    %bitcast3A_220 = vector.bitcast %gather3A_219 : vector<16xi32> to vector<32xbf16>
    %gather3A_221 = tpu.vector_load_idx %arg16[%get3A_218] : memref<10000xi32, #tpu.memory_space<vmem>>[vector<16xi32>], vector<16xi32>,
    %bitcast3A_222 = vector.bitcast %gather3A_221 : vector<16xi32> to vector<32xbf16>
    %unpack3A_223 = tpu.unpack_subelements %bitcast3A_220, 0 {pack_format = #tpu.pack_format<interleaved>} : vector<32xbf16> -> vector<16xf32>
    %unpack3A_224 = tpu.unpack_subelements %bitcast3A_220, 1 {pack_format = #tpu.pack_format<interleaved>} : vector<32xbf16> -> vector<16xf32>
    %unpack3A_225 = tpu.unpack_subelements %bitcast3A_222, 0 {pack_format = #tpu.pack_format<interleaved>} : vector<32xbf16> -> vector<16xf32>
    %unpack3A_226 = tpu.unpack_subelements %bitcast3A_222, 1 {pack_format = #tpu.pack_format<interleaved>} : vector<32xbf16> -> vector<16xf32>
    %add3A_227 = arith.addf %get3A_59, %unpack3A_226 : vector<16xf32>
    %ge3A_228 = arith.constant 0.000000e+00 : f32
    %ge3A_229 = vector.broadcast %ge3A_228 : f32 to vector<16xf32>
    %ge3A_230 = arith.cmpf oge, %add3A_227, %ge3A_229 : vector<16xf32>
    %mul3A_231 = arith.constant 2.000000e-01 : f32
    %mul3A_232 = vector.broadcast %mul3A_231 : f32 to vector<16xf32>
    %mul3A_233 = arith.mulf %add3A_227, %mul3A_232 : vector<16xf32>
    %select_n3A_234 = arith.select %ge3A_230, %add3A_227, %mul3A_233 : vector<16xi1>, vector<16xf32>
    %add3A_235 = arith.addf %unpack3A_223, %unpack3A_226 : vector<16xf32>
    %ge3A_236 = arith.constant 0.000000e+00 : f32
    %ge3A_237 = vector.broadcast %ge3A_236 : f32 to vector<16xf32>
    %ge3A_238 = arith.cmpf oge, %add3A_235, %ge3A_237 : vector<16xf32>
    %mul3A_239 = arith.constant 2.000000e-01 : f32
    %mul3A_240 = vector.broadcast %mul3A_239 : f32 to vector<16xf32>
    %mul3A_241 = arith.mulf %add3A_235, %mul3A_240 : vector<16xf32>
    %select_n3A_242 = arith.select %ge3A_238, %add3A_235, %mul3A_241 : vector<16xi1>, vector<16xf32>
    %add3A_243 = arith.constant 0 : i32
    %add3A_244 = arith.addi %select_n3A_11, %add3A_243 : i32
    %lt3A_245 = arith.constant 5000 : i32
    %lt3A_246 = arith.cmpi slt, %add3A_244, %lt3A_245 : i32
    %sub3A_247 = arith.subf %select_n3A_242, %select_n3A_234 : vector<16xf32>
    %exp3A_248 = math.exp %sub3A_247 : vector<16xf32>
    %jit3A_249 = arith.constant 0.000000e+00 : f32
    %broadcast_in_dim3A_250 = vector.broadcast %jit3A_249 : f32 to vector<16xf32>
    %select_n3A_251 = arith.select %lt3A_246, %exp3A_248, %broadcast_in_dim3A_250 : vector<16xf32>
    %swap3A_252 = arith.constant 32 : index
    %swap3A_253 = tpu.vector_load %arg14[%swap3A_252] {strides = array<i32>} : memref<64xf32, #tpu.memory_space<vmem>>, vector<16xf32>,
    tpu.vector_store %arg14[%swap3A_252], %select_n3A_251 {strides = array<i32>} : memref<64xf32, #tpu.memory_space<vmem>>, vector<16xf32>,
    %swap3A_254 = arith.constant 0 : i32
    %swap3A_255 = arith.index_cast %swap3A_254 : i32 to index
    %swap3A_256 = arith.constant 32 : index
    %swap3A_257 = tpu.vector_load %arg12[%swap3A_255, %swap3A_256] {strides = array<i32>} : memref<1x64xi32, #tpu.memory_space<vmem>>, vector<16xi32>,
    tpu.vector_store %arg12[%swap3A_255, %swap3A_256], %get3A_218 {strides = array<i32>} : memref<1x64xi32, #tpu.memory_space<vmem>>, vector<16xi32>,
    %get3A_258 = arith.constant 0 : i32
    %get3A_259 = arith.index_cast %get3A_258 : i32 to index
    %get3A_260 = arith.constant 48 : index
    %get3A_261 = tpu.vector_load %arg10[%get3A_259, %get3A_260] {strides = array<i32>} : memref<1x128xi32, #tpu.memory_space<vmem>>, vector<16xi32>,
    %get3A_262 = arith.constant 0 : i32
    %get3A_263 = arith.index_cast %get3A_262 : i32 to index
    %get3A_264 = arith.constant 112 : index
    %get3A_265 = tpu.vector_load %arg10[%get3A_263, %get3A_264] {strides = array<i32>} : memref<1x128xi32, #tpu.memory_space<vmem>>, vector<16xi32>,
    %gather3A_266 = tpu.vector_load_idx %arg16[%get3A_261] : memref<10000xi32, #tpu.memory_space<vmem>>[vector<16xi32>], vector<16xi32>,
    %bitcast3A_267 = vector.bitcast %gather3A_266 : vector<16xi32> to vector<32xbf16>
    %gather3A_268 = tpu.vector_load_idx %arg16[%get3A_265] : memref<10000xi32, #tpu.memory_space<vmem>>[vector<16xi32>], vector<16xi32>,
    %bitcast3A_269 = vector.bitcast %gather3A_268 : vector<16xi32> to vector<32xbf16>
    %unpack3A_270 = tpu.unpack_subelements %bitcast3A_267, 0 {pack_format = #tpu.pack_format<interleaved>} : vector<32xbf16> -> vector<16xf32>
    %unpack3A_271 = tpu.unpack_subelements %bitcast3A_267, 1 {pack_format = #tpu.pack_format<interleaved>} : vector<32xbf16> -> vector<16xf32>
    %unpack3A_272 = tpu.unpack_subelements %bitcast3A_269, 0 {pack_format = #tpu.pack_format<interleaved>} : vector<32xbf16> -> vector<16xf32>
    %unpack3A_273 = tpu.unpack_subelements %bitcast3A_269, 1 {pack_format = #tpu.pack_format<interleaved>} : vector<32xbf16> -> vector<16xf32>
    %add3A_274 = arith.addf %get3A_59, %unpack3A_273 : vector<16xf32>
    %ge3A_275 = arith.constant 0.000000e+00 : f32
    %ge3A_276 = vector.broadcast %ge3A_275 : f32 to vector<16xf32>
    %ge3A_277 = arith.cmpf oge, %add3A_274, %ge3A_276 : vector<16xf32>
    %mul3A_278 = arith.constant 2.000000e-01 : f32
    %mul3A_279 = vector.broadcast %mul3A_278 : f32 to vector<16xf32>
    %mul3A_280 = arith.mulf %add3A_274, %mul3A_279 : vector<16xf32>
    %select_n3A_281 = arith.select %ge3A_277, %add3A_274, %mul3A_280 : vector<16xi1>, vector<16xf32>
    %add3A_282 = arith.addf %unpack3A_270, %unpack3A_273 : vector<16xf32>
    %ge3A_283 = arith.constant 0.000000e+00 : f32
    %ge3A_284 = vector.broadcast %ge3A_283 : f32 to vector<16xf32>
    %ge3A_285 = arith.cmpf oge, %add3A_282, %ge3A_284 : vector<16xf32>
    %mul3A_286 = arith.constant 2.000000e-01 : f32
    %mul3A_287 = vector.broadcast %mul3A_286 : f32 to vector<16xf32>
    %mul3A_288 = arith.mulf %add3A_282, %mul3A_287 : vector<16xf32>
    %select_n3A_289 = arith.select %ge3A_285, %add3A_282, %mul3A_288 : vector<16xi1>, vector<16xf32>
    %add3A_290 = arith.constant 0 : i32
    %add3A_291 = arith.addi %select_n3A_11, %add3A_290 : i32
    %lt3A_292 = arith.constant 5000 : i32
    %lt3A_293 = arith.cmpi slt, %add3A_291, %lt3A_292 : i32
    %sub3A_294 = arith.subf %select_n3A_289, %select_n3A_281 : vector<16xf32>
    %exp3A_295 = math.exp %sub3A_294 : vector<16xf32>
    %jit3A_296 = arith.constant 0.000000e+00 : f32
    %broadcast_in_dim3A_297 = vector.broadcast %jit3A_296 : f32 to vector<16xf32>
    %select_n3A_298 = arith.select %lt3A_293, %exp3A_295, %broadcast_in_dim3A_297 : vector<16xf32>
    %swap3A_299 = arith.constant 48 : index
    %swap3A_300 = tpu.vector_load %arg14[%swap3A_299] {strides = array<i32>} : memref<64xf32, #tpu.memory_space<vmem>>, vector<16xf32>,
    tpu.vector_store %arg14[%swap3A_299], %select_n3A_298 {strides = array<i32>} : memref<64xf32, #tpu.memory_space<vmem>>, vector<16xf32>,
    %swap3A_301 = arith.constant 0 : i32
    %swap3A_302 = arith.index_cast %swap3A_301 : i32 to index
    %swap3A_303 = arith.constant 48 : index
    %swap3A_304 = tpu.vector_load %arg12[%swap3A_302, %swap3A_303] {strides = array<i32>} : memref<1x64xi32, #tpu.memory_space<vmem>>, vector<16xi32>,
    tpu.vector_store %arg12[%swap3A_302, %swap3A_303], %get3A_265 {strides = array<i32>} : memref<1x64xi32, #tpu.memory_space<vmem>>, vector<16xi32>,
    %scan3A_305 = arith.constant 0 : i32
    %scan3A_306 = arith.constant 16 : i32
    %scan3A_307 = arith.addi %scan3A_305, %scan3A_306 : i32
    %scan3A_308 = arith.constant 1 : i32
    scf.for %scan3A_711 = %scan3A_305 to %scan3A_307 step %scan3A_308  : i32 {
      %mul3A_712 = arith.constant 1 : i32
      %mul3A_713 = arith.muli %scan3A_711, %mul3A_712 : i32
      %add3A_714 = arith.constant 0 : i32
      %add3A_715 = arith.addi %add3A_714, %mul3A_713 : i32
      %add3A_716 = arith.constant 0 : i32
      %add3A_717 = arith.addi %add3A_716, %add3A_715 : i32
      %broadcast_in_dim3A_718 = vector.broadcast %add3A_715 : i32 to vector<16x1xi32>
      %gather3A_719 = vector.shape_cast %broadcast_in_dim3A_718 : vector<16x1xi32> to vector<16xi32>
      %gather3A_720 = tpu.dynamic_gather %select_n3A_158[%gather3A_719] in [0] : vector<16xf32>, vector<16xi32> -> vector<16xf32>
      %get3A_721 = arith.index_cast %add3A_717 : i32 to index
      %get3A_722 = arith.constant 0 : index
      %get3A_723 = tpu.vector_load %arg20[%get3A_721, %get3A_722] {strides = array<i32>} : memref<64x128xf32, #tpu.memory_space<vmem>>, vector<16xf32>,
      %mul3A_724 = arith.mulf %get3A_723, %gather3A_720 : vector<16xf32>
      %swap3A_725 = arith.index_cast %add3A_717 : i32 to index
      %swap3A_726 = arith.constant 0 : index
      %swap3A_727 = tpu.vector_load %arg20[%swap3A_725, %swap3A_726] {strides = array<i32>} : memref<64x128xf32, #tpu.memory_space<vmem>>, vector<16xf32>,
      tpu.vector_store %arg20[%swap3A_725, %swap3A_726], %mul3A_724 {strides = array<i32>} : memref<64x128xf32, #tpu.memory_space<vmem>>, vector<16xf32>,
      %get3A_728 = arith.index_cast %add3A_717 : i32 to index
      %get3A_729 = arith.constant 16 : index
      %get3A_730 = tpu.vector_load %arg20[%get3A_728, %get3A_729] {strides = array<i32>} : memref<64x128xf32, #tpu.memory_space<vmem>>, vector<16xf32>,
      %mul3A_731 = arith.mulf %get3A_730, %gather3A_720 : vector<16xf32>
      %swap3A_732 = arith.index_cast %add3A_717 : i32 to index
      %swap3A_733 = arith.constant 16 : index
      %swap3A_734 = tpu.vector_load %arg20[%swap3A_732, %swap3A_733] {strides = array<i32>} : memref<64x128xf32, #tpu.memory_space<vmem>>, vector<16xf32>,
      tpu.vector_store %arg20[%swap3A_732, %swap3A_733], %mul3A_731 {strides = array<i32>} : memref<64x128xf32, #tpu.memory_space<vmem>>, vector<16xf32>,
      %get3A_735 = arith.index_cast %add3A_717 : i32 to index
      %get3A_736 = arith.constant 32 : index
      %get3A_737 = tpu.vector_load %arg20[%get3A_735, %get3A_736] {strides = array<i32>} : memref<64x128xf32, #tpu.memory_space<vmem>>, vector<16xf32>,
      %mul3A_738 = arith.mulf %get3A_737, %gather3A_720 : vector<16xf32>
      %swap3A_739 = arith.index_cast %add3A_717 : i32 to index
      %swap3A_740 = arith.constant 32 : index
      %swap3A_741 = tpu.vector_load %arg20[%swap3A_739, %swap3A_740] {strides = array<i32>} : memref<64x128xf32, #tpu.memory_space<vmem>>, vector<16xf32>,
      tpu.vector_store %arg20[%swap3A_739, %swap3A_740], %mul3A_738 {strides = array<i32>} : memref<64x128xf32, #tpu.memory_space<vmem>>, vector<16xf32>,
      %get3A_742 = arith.index_cast %add3A_717 : i32 to index
      %get3A_743 = arith.constant 48 : index
      %get3A_744 = tpu.vector_load %arg20[%get3A_742, %get3A_743] {strides = array<i32>} : memref<64x128xf32, #tpu.memory_space<vmem>>, vector<16xf32>,
      %mul3A_745 = arith.mulf %get3A_744, %gather3A_720 : vector<16xf32>
      %swap3A_746 = arith.index_cast %add3A_717 : i32 to index
      %swap3A_747 = arith.constant 48 : index
      %swap3A_748 = tpu.vector_load %arg20[%swap3A_746, %swap3A_747] {strides = array<i32>} : memref<64x128xf32, #tpu.memory_space<vmem>>, vector<16xf32>,
      tpu.vector_store %arg20[%swap3A_746, %swap3A_747], %mul3A_745 {strides = array<i32>} : memref<64x128xf32, #tpu.memory_space<vmem>>, vector<16xf32>,
      %get3A_749 = arith.index_cast %add3A_717 : i32 to index
      %get3A_750 = arith.constant 64 : index
      %get3A_751 = tpu.vector_load %arg20[%get3A_749, %get3A_750] {strides = array<i32>} : memref<64x128xf32, #tpu.memory_space<vmem>>, vector<16xf32>,
      %mul3A_752 = arith.mulf %get3A_751, %gather3A_720 : vector<16xf32>
      %swap3A_753 = arith.index_cast %add3A_717 : i32 to index
      %swap3A_754 = arith.constant 64 : index
      %swap3A_755 = tpu.vector_load %arg20[%swap3A_753, %swap3A_754] {strides = array<i32>} : memref<64x128xf32, #tpu.memory_space<vmem>>, vector<16xf32>,
      tpu.vector_store %arg20[%swap3A_753, %swap3A_754], %mul3A_752 {strides = array<i32>} : memref<64x128xf32, #tpu.memory_space<vmem>>, vector<16xf32>,
      %get3A_756 = arith.index_cast %add3A_717 : i32 to index
      %get3A_757 = arith.constant 80 : index
      %get3A_758 = tpu.vector_load %arg20[%get3A_756, %get3A_757] {strides = array<i32>} : memref<64x128xf32, #tpu.memory_space<vmem>>, vector<16xf32>,
      %mul3A_759 = arith.mulf %get3A_758, %gather3A_720 : vector<16xf32>
      %swap3A_760 = arith.index_cast %add3A_717 : i32 to index
      %swap3A_761 = arith.constant 80 : index
      %swap3A_762 = tpu.vector_load %arg20[%swap3A_760, %swap3A_761] {strides = array<i32>} : memref<64x128xf32, #tpu.memory_space<vmem>>, vector<16xf32>,
      tpu.vector_store %arg20[%swap3A_760, %swap3A_761], %mul3A_759 {strides = array<i32>} : memref<64x128xf32, #tpu.memory_space<vmem>>, vector<16xf32>,
      %get3A_763 = arith.index_cast %add3A_717 : i32 to index
      %get3A_764 = arith.constant 96 : index
      %get3A_765 = tpu.vector_load %arg20[%get3A_763, %get3A_764] {strides = array<i32>} : memref<64x128xf32, #tpu.memory_space<vmem>>, vector<16xf32>,
      %mul3A_766 = arith.mulf %get3A_765, %gather3A_720 : vector<16xf32>
      %swap3A_767 = arith.index_cast %add3A_717 : i32 to index
      %swap3A_768 = arith.constant 96 : index
      %swap3A_769 = tpu.vector_load %arg20[%swap3A_767, %swap3A_768] {strides = array<i32>} : memref<64x128xf32, #tpu.memory_space<vmem>>, vector<16xf32>,
      tpu.vector_store %arg20[%swap3A_767, %swap3A_768], %mul3A_766 {strides = array<i32>} : memref<64x128xf32, #tpu.memory_space<vmem>>, vector<16xf32>,
      %get3A_770 = arith.index_cast %add3A_717 : i32 to index
      %get3A_771 = arith.constant 112 : index
      %get3A_772 = tpu.vector_load %arg20[%get3A_770, %get3A_771] {strides = array<i32>} : memref<64x128xf32, #tpu.memory_space<vmem>>, vector<16xf32>,
      %mul3A_773 = arith.mulf %get3A_772, %gather3A_720 : vector<16xf32>
      %swap3A_774 = arith.index_cast %add3A_717 : i32 to index
      %swap3A_775 = arith.constant 112 : index
      %swap3A_776 = tpu.vector_load %arg20[%swap3A_774, %swap3A_775] {strides = array<i32>} : memref<64x128xf32, #tpu.memory_space<vmem>>, vector<16xf32>,
      tpu.vector_store %arg20[%swap3A_774, %swap3A_775], %mul3A_773 {strides = array<i32>} : memref<64x128xf32, #tpu.memory_space<vmem>>, vector<16xf32>,
    }
    %scan3A_309 = arith.constant 16 : i32
    %scan3A_310 = arith.constant 0 : i32
    %scan3A_311 = arith.constant 16 : i32
    %scan3A_312 = arith.addi %scan3A_310, %scan3A_311 : i32
    %scan3A_313 = arith.constant 1 : i32
    scf.for %scan3A_711 = %scan3A_310 to %scan3A_312 step %scan3A_313  : i32 {
      %mul3A_712 = arith.constant 1 : i32
      %mul3A_713 = arith.muli %scan3A_711, %mul3A_712 : i32
      %add3A_714 = arith.constant 0 : i32
      %add3A_715 = arith.addi %add3A_714, %mul3A_713 : i32
      %add3A_716 = arith.constant 16 : i32
      %add3A_717 = arith.addi %add3A_716, %add3A_715 : i32
      %broadcast_in_dim3A_718 = vector.broadcast %add3A_715 : i32 to vector<16x1xi32>
      %gather3A_719 = vector.shape_cast %broadcast_in_dim3A_718 : vector<16x1xi32> to vector<16xi32>
      %gather3A_720 = tpu.dynamic_gather %select_n3A_204[%gather3A_719] in [0] : vector<16xf32>, vector<16xi32> -> vector<16xf32>
      %get3A_721 = arith.index_cast %add3A_717 : i32 to index
      %get3A_722 = arith.constant 0 : index
      %get3A_723 = tpu.vector_load %arg20[%get3A_721, %get3A_722] {strides = array<i32>} : memref<64x128xf32, #tpu.memory_space<vmem>>, vector<16xf32>,
      %mul3A_724 = arith.mulf %get3A_723, %gather3A_720 : vector<16xf32>
      %swap3A_725 = arith.index_cast %add3A_717 : i32 to index
      %swap3A_726 = arith.constant 0 : index
      %swap3A_727 = tpu.vector_load %arg20[%swap3A_725, %swap3A_726] {strides = array<i32>} : memref<64x128xf32, #tpu.memory_space<vmem>>, vector<16xf32>,
      tpu.vector_store %arg20[%swap3A_725, %swap3A_726], %mul3A_724 {strides = array<i32>} : memref<64x128xf32, #tpu.memory_space<vmem>>, vector<16xf32>,
      %get3A_728 = arith.index_cast %add3A_717 : i32 to index
      %get3A_729 = arith.constant 16 : index
      %get3A_730 = tpu.vector_load %arg20[%get3A_728, %get3A_729] {strides = array<i32>} : memref<64x128xf32, #tpu.memory_space<vmem>>, vector<16xf32>,
      %mul3A_731 = arith.mulf %get3A_730, %gather3A_720 : vector<16xf32>
      %swap3A_732 = arith.index_cast %add3A_717 : i32 to index
      %swap3A_733 = arith.constant 16 : index
      %swap3A_734 = tpu.vector_load %arg20[%swap3A_732, %swap3A_733] {strides = array<i32>} : memref<64x128xf32, #tpu.memory_space<vmem>>, vector<16xf32>,
      tpu.vector_store %arg20[%swap3A_732, %swap3A_733], %mul3A_731 {strides = array<i32>} : memref<64x128xf32, #tpu.memory_space<vmem>>, vector<16xf32>,
      %get3A_735 = arith.index_cast %add3A_717 : i32 to index
      %get3A_736 = arith.constant 32 : index
      %get3A_737 = tpu.vector_load %arg20[%get3A_735, %get3A_736] {strides = array<i32>} : memref<64x128xf32, #tpu.memory_space<vmem>>, vector<16xf32>,
      %mul3A_738 = arith.mulf %get3A_737, %gather3A_720 : vector<16xf32>
      %swap3A_739 = arith.index_cast %add3A_717 : i32 to index
      %swap3A_740 = arith.constant 32 : index
      %swap3A_741 = tpu.vector_load %arg20[%swap3A_739, %swap3A_740] {strides = array<i32>} : memref<64x128xf32, #tpu.memory_space<vmem>>, vector<16xf32>,
      tpu.vector_store %arg20[%swap3A_739, %swap3A_740], %mul3A_738 {strides = array<i32>} : memref<64x128xf32, #tpu.memory_space<vmem>>, vector<16xf32>,
      %get3A_742 = arith.index_cast %add3A_717 : i32 to index
      %get3A_743 = arith.constant 48 : index
      %get3A_744 = tpu.vector_load %arg20[%get3A_742, %get3A_743] {strides = array<i32>} : memref<64x128xf32, #tpu.memory_space<vmem>>, vector<16xf32>,
      %mul3A_745 = arith.mulf %get3A_744, %gather3A_720 : vector<16xf32>
      %swap3A_746 = arith.index_cast %add3A_717 : i32 to index
      %swap3A_747 = arith.constant 48 : index
      %swap3A_748 = tpu.vector_load %arg20[%swap3A_746, %swap3A_747] {strides = array<i32>} : memref<64x128xf32, #tpu.memory_space<vmem>>, vector<16xf32>,
      tpu.vector_store %arg20[%swap3A_746, %swap3A_747], %mul3A_745 {strides = array<i32>} : memref<64x128xf32, #tpu.memory_space<vmem>>, vector<16xf32>,
      %get3A_749 = arith.index_cast %add3A_717 : i32 to index
      %get3A_750 = arith.constant 64 : index
      %get3A_751 = tpu.vector_load %arg20[%get3A_749, %get3A_750] {strides = array<i32>} : memref<64x128xf32, #tpu.memory_space<vmem>>, vector<16xf32>,
      %mul3A_752 = arith.mulf %get3A_751, %gather3A_720 : vector<16xf32>
      %swap3A_753 = arith.index_cast %add3A_717 : i32 to index
      %swap3A_754 = arith.constant 64 : index
      %swap3A_755 = tpu.vector_load %arg20[%swap3A_753, %swap3A_754] {strides = array<i32>} : memref<64x128xf32, #tpu.memory_space<vmem>>, vector<16xf32>,
      tpu.vector_store %arg20[%swap3A_753, %swap3A_754], %mul3A_752 {strides = array<i32>} : memref<64x128xf32, #tpu.memory_space<vmem>>, vector<16xf32>,
      %get3A_756 = arith.index_cast %add3A_717 : i32 to index
      %get3A_757 = arith.constant 80 : index
      %get3A_758 = tpu.vector_load %arg20[%get3A_756, %get3A_757] {strides = array<i32>} : memref<64x128xf32, #tpu.memory_space<vmem>>, vector<16xf32>,
      %mul3A_759 = arith.mulf %get3A_758, %gather3A_720 : vector<16xf32>
      %swap3A_760 = arith.index_cast %add3A_717 : i32 to index
      %swap3A_761 = arith.constant 80 : index
      %swap3A_762 = tpu.vector_load %arg20[%swap3A_760, %swap3A_761] {strides = array<i32>} : memref<64x128xf32, #tpu.memory_space<vmem>>, vector<16xf32>,
      tpu.vector_store %arg20[%swap3A_760, %swap3A_761], %mul3A_759 {strides = array<i32>} : memref<64x128xf32, #tpu.memory_space<vmem>>, vector<16xf32>,
      %get3A_763 = arith.index_cast %add3A_717 : i32 to index
      %get3A_764 = arith.constant 96 : index
      %get3A_765 = tpu.vector_load %arg20[%get3A_763, %get3A_764] {strides = array<i32>} : memref<64x128xf32, #tpu.memory_space<vmem>>, vector<16xf32>,
      %mul3A_766 = arith.mulf %get3A_765, %gather3A_720 : vector<16xf32>
      %swap3A_767 = arith.index_cast %add3A_717 : i32 to index
      %swap3A_768 = arith.constant 96 : index
      %swap3A_769 = tpu.vector_load %arg20[%swap3A_767, %swap3A_768] {strides = array<i32>} : memref<64x128xf32, #tpu.memory_space<vmem>>, vector<16xf32>,
      tpu.vector_store %arg20[%swap3A_767, %swap3A_768], %mul3A_766 {strides = array<i32>} : memref<64x128xf32, #tpu.memory_space<vmem>>, vector<16xf32>,
      %get3A_770 = arith.index_cast %add3A_717 : i32 to index
      %get3A_771 = arith.constant 112 : index
      %get3A_772 = tpu.vector_load %arg20[%get3A_770, %get3A_771] {strides = array<i32>} : memref<64x128xf32, #tpu.memory_space<vmem>>, vector<16xf32>,
      %mul3A_773 = arith.mulf %get3A_772, %gather3A_720 : vector<16xf32>
      %swap3A_774 = arith.index_cast %add3A_717 : i32 to index
      %swap3A_775 = arith.constant 112 : index
      %swap3A_776 = tpu.vector_load %arg20[%swap3A_774, %swap3A_775] {strides = array<i32>} : memref<64x128xf32, #tpu.memory_space<vmem>>, vector<16xf32>,
      tpu.vector_store %arg20[%swap3A_774, %swap3A_775], %mul3A_773 {strides = array<i32>} : memref<64x128xf32, #tpu.memory_space<vmem>>, vector<16xf32>,
    }
    %scan3A_314 = arith.constant 16 : i32
    %scan3A_315 = arith.constant 0 : i32
    %scan3A_316 = arith.constant 16 : i32
    %scan3A_317 = arith.addi %scan3A_315, %scan3A_316 : i32
    %scan3A_318 = arith.constant 1 : i32
    scf.for %scan3A_711 = %scan3A_315 to %scan3A_317 step %scan3A_318  : i32 {
      %mul3A_712 = arith.constant 1 : i32
      %mul3A_713 = arith.muli %scan3A_711, %mul3A_712 : i32
      %add3A_714 = arith.constant 0 : i32
      %add3A_715 = arith.addi %add3A_714, %mul3A_713 : i32
      %add3A_716 = arith.constant 32 : i32
      %add3A_717 = arith.addi %add3A_716, %add3A_715 : i32
      %broadcast_in_dim3A_718 = vector.broadcast %add3A_715 : i32 to vector<16x1xi32>
      %gather3A_719 = vector.shape_cast %broadcast_in_dim3A_718 : vector<16x1xi32> to vector<16xi32>
      %gather3A_720 = tpu.dynamic_gather %select_n3A_251[%gather3A_719] in [0] : vector<16xf32>, vector<16xi32> -> vector<16xf32>
      %get3A_721 = arith.index_cast %add3A_717 : i32 to index
      %get3A_722 = arith.constant 0 : index
      %get3A_723 = tpu.vector_load %arg20[%get3A_721, %get3A_722] {strides = array<i32>} : memref<64x128xf32, #tpu.memory_space<vmem>>, vector<16xf32>,
      %mul3A_724 = arith.mulf %get3A_723, %gather3A_720 : vector<16xf32>
      %swap3A_725 = arith.index_cast %add3A_717 : i32 to index
      %swap3A_726 = arith.constant 0 : index
      %swap3A_727 = tpu.vector_load %arg20[%swap3A_725, %swap3A_726] {strides = array<i32>} : memref<64x128xf32, #tpu.memory_space<vmem>>, vector<16xf32>,
      tpu.vector_store %arg20[%swap3A_725, %swap3A_726], %mul3A_724 {strides = array<i32>} : memref<64x128xf32, #tpu.memory_space<vmem>>, vector<16xf32>,
      %get3A_728 = arith.index_cast %add3A_717 : i32 to index
      %get3A_729 = arith.constant 16 : index
      %get3A_730 = tpu.vector_load %arg20[%get3A_728, %get3A_729] {strides = array<i32>} : memref<64x128xf32, #tpu.memory_space<vmem>>, vector<16xf32>,
      %mul3A_731 = arith.mulf %get3A_730, %gather3A_720 : vector<16xf32>
      %swap3A_732 = arith.index_cast %add3A_717 : i32 to index
      %swap3A_733 = arith.constant 16 : index
      %swap3A_734 = tpu.vector_load %arg20[%swap3A_732, %swap3A_733] {strides = array<i32>} : memref<64x128xf32, #tpu.memory_space<vmem>>, vector<16xf32>,
      tpu.vector_store %arg20[%swap3A_732, %swap3A_733], %mul3A_731 {strides = array<i32>} : memref<64x128xf32, #tpu.memory_space<vmem>>, vector<16xf32>,
      %get3A_735 = arith.index_cast %add3A_717 : i32 to index
      %get3A_736 = arith.constant 32 : index
      %get3A_737 = tpu.vector_load %arg20[%get3A_735, %get3A_736] {strides = array<i32>} : memref<64x128xf32, #tpu.memory_space<vmem>>, vector<16xf32>,
      %mul3A_738 = arith.mulf %get3A_737, %gather3A_720 : vector<16xf32>
      %swap3A_739 = arith.index_cast %add3A_717 : i32 to index
      %swap3A_740 = arith.constant 32 : index
      %swap3A_741 = tpu.vector_load %arg20[%swap3A_739, %swap3A_740] {strides = array<i32>} : memref<64x128xf32, #tpu.memory_space<vmem>>, vector<16xf32>,
      tpu.vector_store %arg20[%swap3A_739, %swap3A_740], %mul3A_738 {strides = array<i32>} : memref<64x128xf32, #tpu.memory_space<vmem>>, vector<16xf32>,
      %get3A_742 = arith.index_cast %add3A_717 : i32 to index
      %get3A_743 = arith.constant 48 : index
      %get3A_744 = tpu.vector_load %arg20[%get3A_742, %get3A_743] {strides = array<i32>} : memref<64x128xf32, #tpu.memory_space<vmem>>, vector<16xf32>,
      %mul3A_745 = arith.mulf %get3A_744, %gather3A_720 : vector<16xf32>
      %swap3A_746 = arith.index_cast %add3A_717 : i32 to index
      %swap3A_747 = arith.constant 48 : index
      %swap3A_748 = tpu.vector_load %arg20[%swap3A_746, %swap3A_747] {strides = array<i32>} : memref<64x128xf32, #tpu.memory_space<vmem>>, vector<16xf32>,
      tpu.vector_store %arg20[%swap3A_746, %swap3A_747], %mul3A_745 {strides = array<i32>} : memref<64x128xf32, #tpu.memory_space<vmem>>, vector<16xf32>,
      %get3A_749 = arith.index_cast %add3A_717 : i32 to index
      %get3A_750 = arith.constant 64 : index
      %get3A_751 = tpu.vector_load %arg20[%get3A_749, %get3A_750] {strides = array<i32>} : memref<64x128xf32, #tpu.memory_space<vmem>>, vector<16xf32>,
      %mul3A_752 = arith.mulf %get3A_751, %gather3A_720 : vector<16xf32>
      %swap3A_753 = arith.index_cast %add3A_717 : i32 to index
      %swap3A_754 = arith.constant 64 : index
      %swap3A_755 = tpu.vector_load %arg20[%swap3A_753, %swap3A_754] {strides = array<i32>} : memref<64x128xf32, #tpu.memory_space<vmem>>, vector<16xf32>,
      tpu.vector_store %arg20[%swap3A_753, %swap3A_754], %mul3A_752 {strides = array<i32>} : memref<64x128xf32, #tpu.memory_space<vmem>>, vector<16xf32>,
      %get3A_756 = arith.index_cast %add3A_717 : i32 to index
      %get3A_757 = arith.constant 80 : index
      %get3A_758 = tpu.vector_load %arg20[%get3A_756, %get3A_757] {strides = array<i32>} : memref<64x128xf32, #tpu.memory_space<vmem>>, vector<16xf32>,
      %mul3A_759 = arith.mulf %get3A_758, %gather3A_720 : vector<16xf32>
      %swap3A_760 = arith.index_cast %add3A_717 : i32 to index
      %swap3A_761 = arith.constant 80 : index
      %swap3A_762 = tpu.vector_load %arg20[%swap3A_760, %swap3A_761] {strides = array<i32>} : memref<64x128xf32, #tpu.memory_space<vmem>>, vector<16xf32>,
      tpu.vector_store %arg20[%swap3A_760, %swap3A_761], %mul3A_759 {strides = array<i32>} : memref<64x128xf32, #tpu.memory_space<vmem>>, vector<16xf32>,
      %get3A_763 = arith.index_cast %add3A_717 : i32 to index
      %get3A_764 = arith.constant 96 : index
      %get3A_765 = tpu.vector_load %arg20[%get3A_763, %get3A_764] {strides = array<i32>} : memref<64x128xf32, #tpu.memory_space<vmem>>, vector<16xf32>,
      %mul3A_766 = arith.mulf %get3A_765, %gather3A_720 : vector<16xf32>
      %swap3A_767 = arith.index_cast %add3A_717 : i32 to index
      %swap3A_768 = arith.constant 96 : index
      %swap3A_769 = tpu.vector_load %arg20[%swap3A_767, %swap3A_768] {strides = array<i32>} : memref<64x128xf32, #tpu.memory_space<vmem>>, vector<16xf32>,
      tpu.vector_store %arg20[%swap3A_767, %swap3A_768], %mul3A_766 {strides = array<i32>} : memref<64x128xf32, #tpu.memory_space<vmem>>, vector<16xf32>,
      %get3A_770 = arith.index_cast %add3A_717 : i32 to index
      %get3A_771 = arith.constant 112 : index
      %get3A_772 = tpu.vector_load %arg20[%get3A_770, %get3A_771] {strides = array<i32>} : memref<64x128xf32, #tpu.memory_space<vmem>>, vector<16xf32>,
      %mul3A_773 = arith.mulf %get3A_772, %gather3A_720 : vector<16xf32>
      %swap3A_774 = arith.index_cast %add3A_717 : i32 to index
      %swap3A_775 = arith.constant 112 : index
      %swap3A_776 = tpu.vector_load %arg20[%swap3A_774, %swap3A_775] {strides = array<i32>} : memref<64x128xf32, #tpu.memory_space<vmem>>, vector<16xf32>,
      tpu.vector_store %arg20[%swap3A_774, %swap3A_775], %mul3A_773 {strides = array<i32>} : memref<64x128xf32, #tpu.memory_space<vmem>>, vector<16xf32>,
    }
    %scan3A_319 = arith.constant 16 : i32
    %scan3A_320 = arith.constant 0 : i32
    %scan3A_321 = arith.constant 16 : i32
    %scan3A_322 = arith.addi %scan3A_320, %scan3A_321 : i32
    %scan3A_323 = arith.constant 1 : i32
    scf.for %scan3A_711 = %scan3A_320 to %scan3A_322 step %scan3A_323  : i32 {
      %mul3A_712 = arith.constant 1 : i32
      %mul3A_713 = arith.muli %scan3A_711, %mul3A_712 : i32
      %add3A_714 = arith.constant 0 : i32
      %add3A_715 = arith.addi %add3A_714, %mul3A_713 : i32
      %add3A_716 = arith.constant 48 : i32
      %add3A_717 = arith.addi %add3A_716, %add3A_715 : i32
      %broadcast_in_dim3A_718 = vector.broadcast %add3A_715 : i32 to vector<16x1xi32>
      %gather3A_719 = vector.shape_cast %broadcast_in_dim3A_718 : vector<16x1xi32> to vector<16xi32>
      %gather3A_720 = tpu.dynamic_gather %select_n3A_298[%gather3A_719] in [0] : vector<16xf32>, vector<16xi32> -> vector<16xf32>
      %get3A_721 = arith.index_cast %add3A_717 : i32 to index
      %get3A_722 = arith.constant 0 : index
      %get3A_723 = tpu.vector_load %arg20[%get3A_721, %get3A_722] {strides = array<i32>} : memref<64x128xf32, #tpu.memory_space<vmem>>, vector<16xf32>,
      %mul3A_724 = arith.mulf %get3A_723, %gather3A_720 : vector<16xf32>
      %swap3A_725 = arith.index_cast %add3A_717 : i32 to index
      %swap3A_726 = arith.constant 0 : index
      %swap3A_727 = tpu.vector_load %arg20[%swap3A_725, %swap3A_726] {strides = array<i32>} : memref<64x128xf32, #tpu.memory_space<vmem>>, vector<16xf32>,
      tpu.vector_store %arg20[%swap3A_725, %swap3A_726], %mul3A_724 {strides = array<i32>} : memref<64x128xf32, #tpu.memory_space<vmem>>, vector<16xf32>,
      %get3A_728 = arith.index_cast %add3A_717 : i32 to index
      %get3A_729 = arith.constant 16 : index
      %get3A_730 = tpu.vector_load %arg20[%get3A_728, %get3A_729] {strides = array<i32>} : memref<64x128xf32, #tpu.memory_space<vmem>>, vector<16xf32>,
      %mul3A_731 = arith.mulf %get3A_730, %gather3A_720 : vector<16xf32>
      %swap3A_732 = arith.index_cast %add3A_717 : i32 to index
      %swap3A_733 = arith.constant 16 : index
      %swap3A_734 = tpu.vector_load %arg20[%swap3A_732, %swap3A_733] {strides = array<i32>} : memref<64x128xf32, #tpu.memory_space<vmem>>, vector<16xf32>,
      tpu.vector_store %arg20[%swap3A_732, %swap3A_733], %mul3A_731 {strides = array<i32>} : memref<64x128xf32, #tpu.memory_space<vmem>>, vector<16xf32>,
      %get3A_735 = arith.index_cast %add3A_717 : i32 to index
      %get3A_736 = arith.constant 32 : index
      %get3A_737 = tpu.vector_load %arg20[%get3A_735, %get3A_736] {strides = array<i32>} : memref<64x128xf32, #tpu.memory_space<vmem>>, vector<16xf32>,
      %mul3A_738 = arith.mulf %get3A_737, %gather3A_720 : vector<16xf32>
      %swap3A_739 = arith.index_cast %add3A_717 : i32 to index
      %swap3A_740 = arith.constant 32 : index
      %swap3A_741 = tpu.vector_load %arg20[%swap3A_739, %swap3A_740] {strides = array<i32>} : memref<64x128xf32, #tpu.memory_space<vmem>>, vector<16xf32>,
      tpu.vector_store %arg20[%swap3A_739, %swap3A_740], %mul3A_738 {strides = array<i32>} : memref<64x128xf32, #tpu.memory_space<vmem>>, vector<16xf32>,
      %get3A_742 = arith.index_cast %add3A_717 : i32 to index
      %get3A_743 = arith.constant 48 : index
      %get3A_744 = tpu.vector_load %arg20[%get3A_742, %get3A_743] {strides = array<i32>} : memref<64x128xf32, #tpu.memory_space<vmem>>, vector<16xf32>,
      %mul3A_745 = arith.mulf %get3A_744, %gather3A_720 : vector<16xf32>
      %swap3A_746 = arith.index_cast %add3A_717 : i32 to index
      %swap3A_747 = arith.constant 48 : index
      %swap3A_748 = tpu.vector_load %arg20[%swap3A_746, %swap3A_747] {strides = array<i32>} : memref<64x128xf32, #tpu.memory_space<vmem>>, vector<16xf32>,
      tpu.vector_store %arg20[%swap3A_746, %swap3A_747], %mul3A_745 {strides = array<i32>} : memref<64x128xf32, #tpu.memory_space<vmem>>, vector<16xf32>,
      %get3A_749 = arith.index_cast %add3A_717 : i32 to index
      %get3A_750 = arith.constant 64 : index
      %get3A_751 = tpu.vector_load %arg20[%get3A_749, %get3A_750] {strides = array<i32>} : memref<64x128xf32, #tpu.memory_space<vmem>>, vector<16xf32>,
      %mul3A_752 = arith.mulf %get3A_751, %gather3A_720 : vector<16xf32>
      %swap3A_753 = arith.index_cast %add3A_717 : i32 to index
      %swap3A_754 = arith.constant 64 : index
      %swap3A_755 = tpu.vector_load %arg20[%swap3A_753, %swap3A_754] {strides = array<i32>} : memref<64x128xf32, #tpu.memory_space<vmem>>, vector<16xf32>,
      tpu.vector_store %arg20[%swap3A_753, %swap3A_754], %mul3A_752 {strides = array<i32>} : memref<64x128xf32, #tpu.memory_space<vmem>>, vector<16xf32>,
      %get3A_756 = arith.index_cast %add3A_717 : i32 to index
      %get3A_757 = arith.constant 80 : index
      %get3A_758 = tpu.vector_load %arg20[%get3A_756, %get3A_757] {strides = array<i32>} : memref<64x128xf32, #tpu.memory_space<vmem>>, vector<16xf32>,
      %mul3A_759 = arith.mulf %get3A_758, %gather3A_720 : vector<16xf32>
      %swap3A_760 = arith.index_cast %add3A_717 : i32 to index
      %swap3A_761 = arith.constant 80 : index
      %swap3A_762 = tpu.vector_load %arg20[%swap3A_760, %swap3A_761] {strides = array<i32>} : memref<64x128xf32, #tpu.memory_space<vmem>>, vector<16xf32>,
      tpu.vector_store %arg20[%swap3A_760, %swap3A_761], %mul3A_759 {strides = array<i32>} : memref<64x128xf32, #tpu.memory_space<vmem>>, vector<16xf32>,
      %get3A_763 = arith.index_cast %add3A_717 : i32 to index
      %get3A_764 = arith.constant 96 : index
      %get3A_765 = tpu.vector_load %arg20[%get3A_763, %get3A_764] {strides = array<i32>} : memref<64x128xf32, #tpu.memory_space<vmem>>, vector<16xf32>,
      %mul3A_766 = arith.mulf %get3A_765, %gather3A_720 : vector<16xf32>
      %swap3A_767 = arith.index_cast %add3A_717 : i32 to index
      %swap3A_768 = arith.constant 96 : index
      %swap3A_769 = tpu.vector_load %arg20[%swap3A_767, %swap3A_768] {strides = array<i32>} : memref<64x128xf32, #tpu.memory_space<vmem>>, vector<16xf32>,
      tpu.vector_store %arg20[%swap3A_767, %swap3A_768], %mul3A_766 {strides = array<i32>} : memref<64x128xf32, #tpu.memory_space<vmem>>, vector<16xf32>,
      %get3A_770 = arith.index_cast %add3A_717 : i32 to index
      %get3A_771 = arith.constant 112 : index
      %get3A_772 = tpu.vector_load %arg20[%get3A_770, %get3A_771] {strides = array<i32>} : memref<64x128xf32, #tpu.memory_space<vmem>>, vector<16xf32>,
      %mul3A_773 = arith.mulf %get3A_772, %gather3A_720 : vector<16xf32>
      %swap3A_774 = arith.index_cast %add3A_717 : i32 to index
      %swap3A_775 = arith.constant 112 : index
      %swap3A_776 = tpu.vector_load %arg20[%swap3A_774, %swap3A_775] {strides = array<i32>} : memref<64x128xf32, #tpu.memory_space<vmem>>, vector<16xf32>,
      tpu.vector_store %arg20[%swap3A_774, %swap3A_775], %mul3A_773 {strides = array<i32>} : memref<64x128xf32, #tpu.memory_space<vmem>>, vector<16xf32>,
    }
    %scan3A_324 = arith.constant 16 : i32
    %dma_start3A_325 = arith.constant 0 : i32
    %dma_start3A_326 = arith.constant 0 : i32
    %dma_start3A_327 = tpu.memref_slice %arg12[%dma_start3A_325, %dma_start3A_326] : memref<1x64xi32, #tpu.memory_space<vmem>> -> memref<1x64xi32, #tpu.memory_space<vmem>>
    %dma_start3A_328 = tpu.memref_squeeze %dma_start3A_327 : memref<1x64xi32, #tpu.memory_space<vmem>> -> memref<64xi32, #tpu.memory_space<vmem>>
    %dma_start3A_329 = arith.constant 0 : i32
    %dma_start3A_330 = arith.constant 0 : i32
    %dma_start3A_331 = tpu.memref_slice %arg22[%dma_start3A_329, %dma_start3A_330] : memref<10112x128xf32, #tpu.memory_space<vmem_shared>> -> memref<10112x128xf32, #tpu.memory_space<vmem_shared>>
    tpu.enqueue_indirect_dma source(%arg20 : memref<64x128xf32, #tpu.memory_space<vmem>>) target(%dma_start3A_331 : memref<10112x128xf32, #tpu.memory_space<vmem_shared>>) offsets(%dma_start3A_328 : memref<64xi32, #tpu.memory_space<vmem>>) semaphore(%arg28 : memref<!tpu.dma_semaphore, #tpu.memory_space<semaphore_mem>>) {add = true}
    %dma_start3A_332 = arith.constant 0 : i32
    %dma_start3A_333 = arith.constant 0 : i32
    %dma_start3A_334 = tpu.memref_slice %arg12[%dma_start3A_332, %dma_start3A_333] : memref<1x64xi32, #tpu.memory_space<vmem>> -> memref<1x64xi32, #tpu.memory_space<vmem>>
    %dma_start3A_335 = tpu.memref_squeeze %dma_start3A_334 : memref<1x64xi32, #tpu.memory_space<vmem>> -> memref<64xi32, #tpu.memory_space<vmem>>
    %dma_start3A_336 = arith.constant 0 : i32
    %dma_start3A_337 = tpu.memref_slice %arg23[%dma_start3A_336] : memref<10112xf32, #tpu.memory_space<vmem_shared>> -> memref<10112xf32, #tpu.memory_space<vmem_shared>>
    tpu.enqueue_indirect_dma source(%arg14 : memref<64xf32, #tpu.memory_space<vmem>>) target(%dma_start3A_337 : memref<10112xf32, #tpu.memory_space<vmem_shared>>) offsets(%dma_start3A_335 : memref<64xi32, #tpu.memory_space<vmem>>) semaphore(%arg30 : memref<!tpu.dma_semaphore, #tpu.memory_space<semaphore_mem>>) {add = true}
    %add3A_338 = arith.constant 0 : i32
    %add3A_339 = arith.constant 2 : i32
    %add3A_340 = arith.addi %add3A_338, %add3A_339 : i32
    %add3A_341 = arith.addi %select_n3A_11, %add3A_340 : i32
    %min3A_342 = arith.constant 5119 : i32
    %min3A_343 = arith.minsi %add3A_341, %min3A_342 : i32
    %dma_start3A_344 = arith.constant 0 : i32
    %dma_start3A_345 = arith.constant 0 : i32
    %dma_start3A_346 = tpu.memref_slice %arg2[%min3A_343, %dma_start3A_344, %dma_start3A_345] : memref<5120x1x128xi32, #tpu.memory_space<hbm>> -> memref<1x1x128xi32, #tpu.memory_space<hbm>>
    %dma_start3A_347 = tpu.memref_squeeze %dma_start3A_346 : memref<1x1x128xi32, #tpu.memory_space<hbm>> -> memref<1x128xi32, #tpu.memory_space<hbm>>
    %dma_start3A_348 = arith.constant 0 : i32
    %dma_start3A_349 = arith.constant 0 : i32
    %dma_start3A_350 = tpu.memref_slice %arg2[%min3A_343, %dma_start3A_348, %dma_start3A_349] : memref<5120x1x128xi32, #tpu.memory_space<hbm>> -> memref<1x1x128xi32, #tpu.memory_space<hbm>>
    %dma_start3A_351 = tpu.memref_squeeze %dma_start3A_350 : memref<1x1x128xi32, #tpu.memory_space<hbm>> -> memref<1x128xi32, #tpu.memory_space<hbm>>
    tpu.enqueue_dma source(%dma_start3A_351 : memref<1x128xi32, #tpu.memory_space<hbm>>) target(%arg10 : memref<1x128xi32, #tpu.memory_space<vmem>>) target_semaphore(%arg24 : memref<!tpu.dma_semaphore, #tpu.memory_space<semaphore_mem>>)
    %add3A_352 = arith.constant 0 : i32
    %add3A_353 = arith.addi %select_n3A_11, %add3A_352 : i32
    %min3A_354 = arith.constant 5119 : i32
    %min3A_355 = arith.minsi %add3A_353, %min3A_354 : i32
    %dma_wait3A_356 = arith.constant 0 : i32
    %dma_wait3A_357 = arith.constant 0 : i32
    %dma_wait3A_358 = tpu.memref_slice %arg2[%min3A_355, %dma_wait3A_356, %dma_wait3A_357] : memref<5120x1x128xi32, #tpu.memory_space<hbm>> -> memref<1x1x128xi32, #tpu.memory_space<hbm>>
    %dma_wait3A_359 = tpu.memref_squeeze %dma_wait3A_358 : memref<1x1x128xi32, #tpu.memory_space<hbm>> -> memref<1x128xi32, #tpu.memory_space<hbm>>
    %dma_wait3A_360 = arith.constant 0 : i32
    %dma_wait3A_361 = arith.constant 0 : i32
    %dma_wait3A_362 = tpu.memref_slice %arg2[%min3A_355, %dma_wait3A_360, %dma_wait3A_361] : memref<5120x1x128xi32, #tpu.memory_space<hbm>> -> memref<1x1x128xi32, #tpu.memory_space<hbm>>
    %dma_wait3A_363 = tpu.memref_squeeze %dma_wait3A_362 : memref<1x1x128xi32, #tpu.memory_space<hbm>> -> memref<1x128xi32, #tpu.memory_space<hbm>>
    tpu.wait_dma2 semaphore(%arg24 : memref<!tpu.dma_semaphore, #tpu.memory_space<semaphore_mem>>) src(%dma_wait3A_363 : memref<1x128xi32, #tpu.memory_space<hbm>>) dst(%arg10 : memref<1x128xi32, #tpu.memory_space<vmem>>)
    %dma_wait3A_364 = arith.constant 0 : i32
    %dma_wait3A_365 = arith.constant 0 : i32
    %dma_wait3A_366 = tpu.memref_slice %arg12[%dma_wait3A_364, %dma_wait3A_365] : memref<1x64xi32, #tpu.memory_space<vmem>> -> memref<1x64xi32, #tpu.memory_space<vmem>>
    %dma_wait3A_367 = tpu.memref_squeeze %dma_wait3A_366 : memref<1x64xi32, #tpu.memory_space<vmem>> -> memref<64xi32, #tpu.memory_space<vmem>>
    %dma_wait3A_368 = arith.constant 0 : i32
    %dma_wait3A_369 = arith.constant 0 : i32
    %dma_wait3A_370 = tpu.memref_slice %arg22[%dma_wait3A_368, %dma_wait3A_369] : memref<10112x128xf32, #tpu.memory_space<vmem_shared>> -> memref<10112x128xf32, #tpu.memory_space<vmem_shared>>
    tpu.wait_indirect_dma semaphore(%arg28 : memref<!tpu.dma_semaphore, #tpu.memory_space<semaphore_mem>>) src(%arg20 : memref<64x128xf32, #tpu.memory_space<vmem>>) dst(%dma_wait3A_370 : memref<10112x128xf32, #tpu.memory_space<vmem_shared>>)
    %dma_start3A_371 = arith.constant 0 : i32
    %dma_start3A_372 = arith.constant 0 : i32
    %dma_start3A_373 = tpu.memref_slice %arg10[%dma_start3A_371, %dma_start3A_372] : memref<1x128xi32, #tpu.memory_space<vmem>> -> memref<1x64xi32, #tpu.memory_space<vmem>>
    %dma_start3A_374 = tpu.memref_squeeze %dma_start3A_373 : memref<1x64xi32, #tpu.memory_space<vmem>> -> memref<64xi32, #tpu.memory_space<vmem>>
    %dma_start3A_375 = arith.constant 0 : i32
    %dma_start3A_376 = arith.constant 0 : i32
    %dma_start3A_377 = tpu.memref_slice %arg5[%dma_start3A_375, %dma_start3A_376] : memref<10000x128xf32, #tpu.memory_space<hbm>> -> memref<10000x128xf32, #tpu.memory_space<hbm>>
    tpu.enqueue_indirect_dma source(%dma_start3A_377 : memref<10000x128xf32, #tpu.memory_space<hbm>>) target(%arg20 : memref<64x128xf32, #tpu.memory_space<vmem>>) offsets(%dma_start3A_374 : memref<64xi32, #tpu.memory_space<vmem>>) semaphore(%arg26 : memref<!tpu.dma_semaphore, #tpu.memory_space<semaphore_mem>>)
    %dma_wait3A_378 = arith.constant 0 : i32
    %dma_wait3A_379 = arith.constant 0 : i32
    %dma_wait3A_380 = tpu.memref_slice %arg11[%dma_wait3A_378, %dma_wait3A_379] : memref<1x128xi32, #tpu.memory_space<vmem>> -> memref<1x64xi32, #tpu.memory_space<vmem>>
    %dma_wait3A_381 = tpu.memref_squeeze %dma_wait3A_380 : memref<1x64xi32, #tpu.memory_space<vmem>> -> memref<64xi32, #tpu.memory_space<vmem>>
    %dma_wait3A_382 = arith.constant 0 : i32
    %dma_wait3A_383 = arith.constant 0 : i32
    %dma_wait3A_384 = tpu.memref_slice %arg5[%dma_wait3A_382, %dma_wait3A_383] : memref<10000x128xf32, #tpu.memory_space<hbm>> -> memref<10000x128xf32, #tpu.memory_space<hbm>>
    tpu.wait_indirect_dma semaphore(%arg27 : memref<!tpu.dma_semaphore, #tpu.memory_space<semaphore_mem>>) src(%dma_wait3A_384 : memref<10000x128xf32, #tpu.memory_space<hbm>>) dst(%arg21 : memref<64x128xf32, #tpu.memory_space<vmem>>)
    %get3A_385 = arith.constant 0 : i32
    %get3A_386 = arith.index_cast %get3A_385 : i32 to index
    %get3A_387 = arith.constant 0 : index
    %get3A_388 = tpu.vector_load %arg11[%get3A_386, %get3A_387] {strides = array<i32>} : memref<1x128xi32, #tpu.memory_space<vmem>>, vector<16xi32>,
    %get3A_389 = arith.constant 0 : i32
    %get3A_390 = arith.index_cast %get3A_389 : i32 to index
    %get3A_391 = arith.constant 64 : index
    %get3A_392 = tpu.vector_load %arg11[%get3A_390, %get3A_391] {strides = array<i32>} : memref<1x128xi32, #tpu.memory_space<vmem>>, vector<16xi32>,
    %gather3A_393 = tpu.vector_load_idx %arg16[%get3A_388] : memref<10000xi32, #tpu.memory_space<vmem>>[vector<16xi32>], vector<16xi32>,
    %bitcast3A_394 = vector.bitcast %gather3A_393 : vector<16xi32> to vector<32xbf16>
    %gather3A_395 = tpu.vector_load_idx %arg16[%get3A_392] : memref<10000xi32, #tpu.memory_space<vmem>>[vector<16xi32>], vector<16xi32>,
    %bitcast3A_396 = vector.bitcast %gather3A_395 : vector<16xi32> to vector<32xbf16>
    %unpack3A_397 = tpu.unpack_subelements %bitcast3A_394, 0 {pack_format = #tpu.pack_format<interleaved>} : vector<32xbf16> -> vector<16xf32>
    %unpack3A_398 = tpu.unpack_subelements %bitcast3A_394, 1 {pack_format = #tpu.pack_format<interleaved>} : vector<32xbf16> -> vector<16xf32>
    %unpack3A_399 = tpu.unpack_subelements %bitcast3A_396, 0 {pack_format = #tpu.pack_format<interleaved>} : vector<32xbf16> -> vector<16xf32>
    %unpack3A_400 = tpu.unpack_subelements %bitcast3A_396, 1 {pack_format = #tpu.pack_format<interleaved>} : vector<32xbf16> -> vector<16xf32>
    %add3A_401 = arith.addf %get3A_59, %unpack3A_400 : vector<16xf32>
    %ge3A_402 = arith.constant 0.000000e+00 : f32
    %ge3A_403 = vector.broadcast %ge3A_402 : f32 to vector<16xf32>
    %ge3A_404 = arith.cmpf oge, %add3A_401, %ge3A_403 : vector<16xf32>
    %mul3A_405 = arith.constant 2.000000e-01 : f32
    %mul3A_406 = vector.broadcast %mul3A_405 : f32 to vector<16xf32>
    %mul3A_407 = arith.mulf %add3A_401, %mul3A_406 : vector<16xf32>
    %select_n3A_408 = arith.select %ge3A_404, %add3A_401, %mul3A_407 : vector<16xi1>, vector<16xf32>
    %add3A_409 = arith.addf %unpack3A_397, %unpack3A_400 : vector<16xf32>
    %ge3A_410 = arith.constant 0.000000e+00 : f32
    %ge3A_411 = vector.broadcast %ge3A_410 : f32 to vector<16xf32>
    %ge3A_412 = arith.cmpf oge, %add3A_409, %ge3A_411 : vector<16xf32>
    %mul3A_413 = arith.constant 2.000000e-01 : f32
    %mul3A_414 = vector.broadcast %mul3A_413 : f32 to vector<16xf32>
    %mul3A_415 = arith.mulf %add3A_409, %mul3A_414 : vector<16xf32>
    %select_n3A_416 = arith.select %ge3A_412, %add3A_409, %mul3A_415 : vector<16xi1>, vector<16xf32>
    %add3A_417 = arith.constant 1 : i32
    %add3A_418 = arith.addi %select_n3A_11, %add3A_417 : i32
    %lt3A_419 = arith.constant 5000 : i32
    %lt3A_420 = arith.cmpi slt, %add3A_418, %lt3A_419 : i32
    %sub3A_421 = arith.subf %select_n3A_416, %select_n3A_408 : vector<16xf32>
    %exp3A_422 = math.exp %sub3A_421 : vector<16xf32>
    %jit3A_423 = arith.constant 0.000000e+00 : f32
    %broadcast_in_dim3A_424 = vector.broadcast %jit3A_423 : f32 to vector<16xf32>
    %select_n3A_425 = arith.select %lt3A_420, %exp3A_422, %broadcast_in_dim3A_424 : vector<16xf32>
    %swap3A_426 = arith.constant 0 : index
    %swap3A_427 = tpu.vector_load %arg15[%swap3A_426] {strides = array<i32>} : memref<64xf32, #tpu.memory_space<vmem>>, vector<16xf32>,
    tpu.vector_store %arg15[%swap3A_426], %select_n3A_425 {strides = array<i32>} : memref<64xf32, #tpu.memory_space<vmem>>, vector<16xf32>,
    %swap3A_428 = arith.constant 0 : i32
    %swap3A_429 = arith.index_cast %swap3A_428 : i32 to index
    %swap3A_430 = arith.constant 0 : index
    %swap3A_431 = tpu.vector_load %arg13[%swap3A_429, %swap3A_430] {strides = array<i32>} : memref<1x64xi32, #tpu.memory_space<vmem>>, vector<16xi32>,
    tpu.vector_store %arg13[%swap3A_429, %swap3A_430], %get3A_392 {strides = array<i32>} : memref<1x64xi32, #tpu.memory_space<vmem>>, vector<16xi32>,
    %get3A_432 = arith.constant 0 : i32
    %get3A_433 = arith.index_cast %get3A_432 : i32 to index
    %get3A_434 = arith.constant 16 : index
    %get3A_435 = tpu.vector_load %arg11[%get3A_433, %get3A_434] {strides = array<i32>} : memref<1x128xi32, #tpu.memory_space<vmem>>, vector<16xi32>,
    %get3A_436 = arith.constant 0 : i32
    %get3A_437 = arith.index_cast %get3A_436 : i32 to index
    %get3A_438 = arith.constant 80 : index
    %get3A_439 = tpu.vector_load %arg11[%get3A_437, %get3A_438] {strides = array<i32>} : memref<1x128xi32, #tpu.memory_space<vmem>>, vector<16xi32>,
    %gather3A_440 = tpu.vector_load_idx %arg16[%get3A_435] : memref<10000xi32, #tpu.memory_space<vmem>>[vector<16xi32>], vector<16xi32>,
    %bitcast3A_441 = vector.bitcast %gather3A_440 : vector<16xi32> to vector<32xbf16>
    %gather3A_442 = tpu.vector_load_idx %arg16[%get3A_439] : memref<10000xi32, #tpu.memory_space<vmem>>[vector<16xi32>], vector<16xi32>,
    %bitcast3A_443 = vector.bitcast %gather3A_442 : vector<16xi32> to vector<32xbf16>
    %unpack3A_444 = tpu.unpack_subelements %bitcast3A_441, 0 {pack_format = #tpu.pack_format<interleaved>} : vector<32xbf16> -> vector<16xf32>
    %unpack3A_445 = tpu.unpack_subelements %bitcast3A_441, 1 {pack_format = #tpu.pack_format<interleaved>} : vector<32xbf16> -> vector<16xf32>
    %unpack3A_446 = tpu.unpack_subelements %bitcast3A_443, 0 {pack_format = #tpu.pack_format<interleaved>} : vector<32xbf16> -> vector<16xf32>
    %unpack3A_447 = tpu.unpack_subelements %bitcast3A_443, 1 {pack_format = #tpu.pack_format<interleaved>} : vector<32xbf16> -> vector<16xf32>
    %add3A_448 = arith.addf %get3A_59, %unpack3A_447 : vector<16xf32>
    %ge3A_449 = arith.constant 0.000000e+00 : f32
    %ge3A_450 = vector.broadcast %ge3A_449 : f32 to vector<16xf32>
    %ge3A_451 = arith.cmpf oge, %add3A_448, %ge3A_450 : vector<16xf32>
    %mul3A_452 = arith.constant 2.000000e-01 : f32
    %mul3A_453 = vector.broadcast %mul3A_452 : f32 to vector<16xf32>
    %mul3A_454 = arith.mulf %add3A_448, %mul3A_453 : vector<16xf32>
    %select_n3A_455 = arith.select %ge3A_451, %add3A_448, %mul3A_454 : vector<16xi1>, vector<16xf32>
    %add3A_456 = arith.addf %unpack3A_444, %unpack3A_447 : vector<16xf32>
    %ge3A_457 = arith.constant 0.000000e+00 : f32
    %ge3A_458 = vector.broadcast %ge3A_457 : f32 to vector<16xf32>
    %ge3A_459 = arith.cmpf oge, %add3A_456, %ge3A_458 : vector<16xf32>
    %mul3A_460 = arith.constant 2.000000e-01 : f32
    %mul3A_461 = vector.broadcast %mul3A_460 : f32 to vector<16xf32>
    %mul3A_462 = arith.mulf %add3A_456, %mul3A_461 : vector<16xf32>
    %select_n3A_463 = arith.select %ge3A_459, %add3A_456, %mul3A_462 : vector<16xi1>, vector<16xf32>
    %add3A_464 = arith.constant 1 : i32
    %add3A_465 = arith.addi %select_n3A_11, %add3A_464 : i32
    %lt3A_466 = arith.constant 5000 : i32
    %lt3A_467 = arith.cmpi slt, %add3A_465, %lt3A_466 : i32
    %sub3A_468 = arith.subf %select_n3A_463, %select_n3A_455 : vector<16xf32>
    %exp3A_469 = math.exp %sub3A_468 : vector<16xf32>
    %jit3A_470 = arith.constant 0.000000e+00 : f32
    %broadcast_in_dim3A_471 = vector.broadcast %jit3A_470 : f32 to vector<16xf32>
    %select_n3A_472 = arith.select %lt3A_467, %exp3A_469, %broadcast_in_dim3A_471 : vector<16xf32>
    %swap3A_473 = arith.constant 16 : index
    %swap3A_474 = tpu.vector_load %arg15[%swap3A_473] {strides = array<i32>} : memref<64xf32, #tpu.memory_space<vmem>>, vector<16xf32>,
    tpu.vector_store %arg15[%swap3A_473], %select_n3A_472 {strides = array<i32>} : memref<64xf32, #tpu.memory_space<vmem>>, vector<16xf32>,
    %swap3A_475 = arith.constant 0 : i32
    %swap3A_476 = arith.index_cast %swap3A_475 : i32 to index
    %swap3A_477 = arith.constant 16 : index
    %swap3A_478 = tpu.vector_load %arg13[%swap3A_476, %swap3A_477] {strides = array<i32>} : memref<1x64xi32, #tpu.memory_space<vmem>>, vector<16xi32>,
    tpu.vector_store %arg13[%swap3A_476, %swap3A_477], %get3A_439 {strides = array<i32>} : memref<1x64xi32, #tpu.memory_space<vmem>>, vector<16xi32>,
    %get3A_479 = arith.constant 0 : i32
    %get3A_480 = arith.index_cast %get3A_479 : i32 to index
    %get3A_481 = arith.constant 32 : index
    %get3A_482 = tpu.vector_load %arg11[%get3A_480, %get3A_481] {strides = array<i32>} : memref<1x128xi32, #tpu.memory_space<vmem>>, vector<16xi32>,
    %get3A_483 = arith.constant 0 : i32
    %get3A_484 = arith.index_cast %get3A_483 : i32 to index
    %get3A_485 = arith.constant 96 : index
    %get3A_486 = tpu.vector_load %arg11[%get3A_484, %get3A_485] {strides = array<i32>} : memref<1x128xi32, #tpu.memory_space<vmem>>, vector<16xi32>,
    %gather3A_487 = tpu.vector_load_idx %arg16[%get3A_482] : memref<10000xi32, #tpu.memory_space<vmem>>[vector<16xi32>], vector<16xi32>,
    %bitcast3A_488 = vector.bitcast %gather3A_487 : vector<16xi32> to vector<32xbf16>
    %gather3A_489 = tpu.vector_load_idx %arg16[%get3A_486] : memref<10000xi32, #tpu.memory_space<vmem>>[vector<16xi32>], vector<16xi32>,
    %bitcast3A_490 = vector.bitcast %gather3A_489 : vector<16xi32> to vector<32xbf16>
    %unpack3A_491 = tpu.unpack_subelements %bitcast3A_488, 0 {pack_format = #tpu.pack_format<interleaved>} : vector<32xbf16> -> vector<16xf32>
    %unpack3A_492 = tpu.unpack_subelements %bitcast3A_488, 1 {pack_format = #tpu.pack_format<interleaved>} : vector<32xbf16> -> vector<16xf32>
    %unpack3A_493 = tpu.unpack_subelements %bitcast3A_490, 0 {pack_format = #tpu.pack_format<interleaved>} : vector<32xbf16> -> vector<16xf32>
    %unpack3A_494 = tpu.unpack_subelements %bitcast3A_490, 1 {pack_format = #tpu.pack_format<interleaved>} : vector<32xbf16> -> vector<16xf32>
    %add3A_495 = arith.addf %get3A_59, %unpack3A_494 : vector<16xf32>
    %ge3A_496 = arith.constant 0.000000e+00 : f32
    %ge3A_497 = vector.broadcast %ge3A_496 : f32 to vector<16xf32>
    %ge3A_498 = arith.cmpf oge, %add3A_495, %ge3A_497 : vector<16xf32>
    %mul3A_499 = arith.constant 2.000000e-01 : f32
    %mul3A_500 = vector.broadcast %mul3A_499 : f32 to vector<16xf32>
    %mul3A_501 = arith.mulf %add3A_495, %mul3A_500 : vector<16xf32>
    %select_n3A_502 = arith.select %ge3A_498, %add3A_495, %mul3A_501 : vector<16xi1>, vector<16xf32>
    %add3A_503 = arith.addf %unpack3A_491, %unpack3A_494 : vector<16xf32>
    %ge3A_504 = arith.constant 0.000000e+00 : f32
    %ge3A_505 = vector.broadcast %ge3A_504 : f32 to vector<16xf32>
    %ge3A_506 = arith.cmpf oge, %add3A_503, %ge3A_505 : vector<16xf32>
    %mul3A_507 = arith.constant 2.000000e-01 : f32
    %mul3A_508 = vector.broadcast %mul3A_507 : f32 to vector<16xf32>
    %mul3A_509 = arith.mulf %add3A_503, %mul3A_508 : vector<16xf32>
    %select_n3A_510 = arith.select %ge3A_506, %add3A_503, %mul3A_509 : vector<16xi1>, vector<16xf32>
    %add3A_511 = arith.constant 1 : i32
    %add3A_512 = arith.addi %select_n3A_11, %add3A_511 : i32
    %lt3A_513 = arith.constant 5000 : i32
    %lt3A_514 = arith.cmpi slt, %add3A_512, %lt3A_513 : i32
    %sub3A_515 = arith.subf %select_n3A_510, %select_n3A_502 : vector<16xf32>
    %exp3A_516 = math.exp %sub3A_515 : vector<16xf32>
    %jit3A_517 = arith.constant 0.000000e+00 : f32
    %broadcast_in_dim3A_518 = vector.broadcast %jit3A_517 : f32 to vector<16xf32>
    %select_n3A_519 = arith.select %lt3A_514, %exp3A_516, %broadcast_in_dim3A_518 : vector<16xf32>
    %swap3A_520 = arith.constant 32 : index
    %swap3A_521 = tpu.vector_load %arg15[%swap3A_520] {strides = array<i32>} : memref<64xf32, #tpu.memory_space<vmem>>, vector<16xf32>,
    tpu.vector_store %arg15[%swap3A_520], %select_n3A_519 {strides = array<i32>} : memref<64xf32, #tpu.memory_space<vmem>>, vector<16xf32>,
    %swap3A_522 = arith.constant 0 : i32
    %swap3A_523 = arith.index_cast %swap3A_522 : i32 to index
    %swap3A_524 = arith.constant 32 : index
    %swap3A_525 = tpu.vector_load %arg13[%swap3A_523, %swap3A_524] {strides = array<i32>} : memref<1x64xi32, #tpu.memory_space<vmem>>, vector<16xi32>,
    tpu.vector_store %arg13[%swap3A_523, %swap3A_524], %get3A_486 {strides = array<i32>} : memref<1x64xi32, #tpu.memory_space<vmem>>, vector<16xi32>,
    %get3A_526 = arith.constant 0 : i32
    %get3A_527 = arith.index_cast %get3A_526 : i32 to index
    %get3A_528 = arith.constant 48 : index
    %get3A_529 = tpu.vector_load %arg11[%get3A_527, %get3A_528] {strides = array<i32>} : memref<1x128xi32, #tpu.memory_space<vmem>>, vector<16xi32>,
    %get3A_530 = arith.constant 0 : i32
    %get3A_531 = arith.index_cast %get3A_530 : i32 to index
    %get3A_532 = arith.constant 112 : index
    %get3A_533 = tpu.vector_load %arg11[%get3A_531, %get3A_532] {strides = array<i32>} : memref<1x128xi32, #tpu.memory_space<vmem>>, vector<16xi32>,
    %gather3A_534 = tpu.vector_load_idx %arg16[%get3A_529] : memref<10000xi32, #tpu.memory_space<vmem>>[vector<16xi32>], vector<16xi32>,
    %bitcast3A_535 = vector.bitcast %gather3A_534 : vector<16xi32> to vector<32xbf16>
    %gather3A_536 = tpu.vector_load_idx %arg16[%get3A_533] : memref<10000xi32, #tpu.memory_space<vmem>>[vector<16xi32>], vector<16xi32>,
    %bitcast3A_537 = vector.bitcast %gather3A_536 : vector<16xi32> to vector<32xbf16>
    %unpack3A_538 = tpu.unpack_subelements %bitcast3A_535, 0 {pack_format = #tpu.pack_format<interleaved>} : vector<32xbf16> -> vector<16xf32>
    %unpack3A_539 = tpu.unpack_subelements %bitcast3A_535, 1 {pack_format = #tpu.pack_format<interleaved>} : vector<32xbf16> -> vector<16xf32>
    %unpack3A_540 = tpu.unpack_subelements %bitcast3A_537, 0 {pack_format = #tpu.pack_format<interleaved>} : vector<32xbf16> -> vector<16xf32>
    %unpack3A_541 = tpu.unpack_subelements %bitcast3A_537, 1 {pack_format = #tpu.pack_format<interleaved>} : vector<32xbf16> -> vector<16xf32>
    %add3A_542 = arith.addf %get3A_59, %unpack3A_541 : vector<16xf32>
    %ge3A_543 = arith.constant 0.000000e+00 : f32
    %ge3A_544 = vector.broadcast %ge3A_543 : f32 to vector<16xf32>
    %ge3A_545 = arith.cmpf oge, %add3A_542, %ge3A_544 : vector<16xf32>
    %mul3A_546 = arith.constant 2.000000e-01 : f32
    %mul3A_547 = vector.broadcast %mul3A_546 : f32 to vector<16xf32>
    %mul3A_548 = arith.mulf %add3A_542, %mul3A_547 : vector<16xf32>
    %select_n3A_549 = arith.select %ge3A_545, %add3A_542, %mul3A_548 : vector<16xi1>, vector<16xf32>
    %add3A_550 = arith.addf %unpack3A_538, %unpack3A_541 : vector<16xf32>
    %ge3A_551 = arith.constant 0.000000e+00 : f32
    %ge3A_552 = vector.broadcast %ge3A_551 : f32 to vector<16xf32>
    %ge3A_553 = arith.cmpf oge, %add3A_550, %ge3A_552 : vector<16xf32>
    %mul3A_554 = arith.constant 2.000000e-01 : f32
    %mul3A_555 = vector.broadcast %mul3A_554 : f32 to vector<16xf32>
    %mul3A_556 = arith.mulf %add3A_550, %mul3A_555 : vector<16xf32>
    %select_n3A_557 = arith.select %ge3A_553, %add3A_550, %mul3A_556 : vector<16xi1>, vector<16xf32>
    %add3A_558 = arith.constant 1 : i32
    %add3A_559 = arith.addi %select_n3A_11, %add3A_558 : i32
    %lt3A_560 = arith.constant 5000 : i32
    %lt3A_561 = arith.cmpi slt, %add3A_559, %lt3A_560 : i32
    %sub3A_562 = arith.subf %select_n3A_557, %select_n3A_549 : vector<16xf32>
    %exp3A_563 = math.exp %sub3A_562 : vector<16xf32>
    %jit3A_564 = arith.constant 0.000000e+00 : f32
    %broadcast_in_dim3A_565 = vector.broadcast %jit3A_564 : f32 to vector<16xf32>
    %select_n3A_566 = arith.select %lt3A_561, %exp3A_563, %broadcast_in_dim3A_565 : vector<16xf32>
    %swap3A_567 = arith.constant 48 : index
    %swap3A_568 = tpu.vector_load %arg15[%swap3A_567] {strides = array<i32>} : memref<64xf32, #tpu.memory_space<vmem>>, vector<16xf32>,
    tpu.vector_store %arg15[%swap3A_567], %select_n3A_566 {strides = array<i32>} : memref<64xf32, #tpu.memory_space<vmem>>, vector<16xf32>,
    %swap3A_569 = arith.constant 0 : i32
    %swap3A_570 = arith.index_cast %swap3A_569 : i32 to index
    %swap3A_571 = arith.constant 48 : index
    %swap3A_572 = tpu.vector_load %arg13[%swap3A_570, %swap3A_571] {strides = array<i32>} : memref<1x64xi32, #tpu.memory_space<vmem>>, vector<16xi32>,
    tpu.vector_store %arg13[%swap3A_570, %swap3A_571], %get3A_533 {strides = array<i32>} : memref<1x64xi32, #tpu.memory_space<vmem>>, vector<16xi32>,
    %scan3A_573 = arith.constant 0 : i32
    %scan3A_574 = arith.constant 16 : i32
    %scan3A_575 = arith.addi %scan3A_573, %scan3A_574 : i32
    %scan3A_576 = arith.constant 1 : i32
    scf.for %scan3A_711 = %scan3A_573 to %scan3A_575 step %scan3A_576  : i32 {
      %mul3A_712 = arith.constant 1 : i32
      %mul3A_713 = arith.muli %scan3A_711, %mul3A_712 : i32
      %add3A_714 = arith.constant 0 : i32
      %add3A_715 = arith.addi %add3A_714, %mul3A_713 : i32
      %add3A_716 = arith.constant 0 : i32
      %add3A_717 = arith.addi %add3A_716, %add3A_715 : i32
      %broadcast_in_dim3A_718 = vector.broadcast %add3A_715 : i32 to vector<16x1xi32>
      %gather3A_719 = vector.shape_cast %broadcast_in_dim3A_718 : vector<16x1xi32> to vector<16xi32>
      %gather3A_720 = tpu.dynamic_gather %select_n3A_425[%gather3A_719] in [0] : vector<16xf32>, vector<16xi32> -> vector<16xf32>
      %get3A_721 = arith.index_cast %add3A_717 : i32 to index
      %get3A_722 = arith.constant 0 : index
      %get3A_723 = tpu.vector_load %arg21[%get3A_721, %get3A_722] {strides = array<i32>} : memref<64x128xf32, #tpu.memory_space<vmem>>, vector<16xf32>,
      %mul3A_724 = arith.mulf %get3A_723, %gather3A_720 : vector<16xf32>
      %swap3A_725 = arith.index_cast %add3A_717 : i32 to index
      %swap3A_726 = arith.constant 0 : index
      %swap3A_727 = tpu.vector_load %arg21[%swap3A_725, %swap3A_726] {strides = array<i32>} : memref<64x128xf32, #tpu.memory_space<vmem>>, vector<16xf32>,
      tpu.vector_store %arg21[%swap3A_725, %swap3A_726], %mul3A_724 {strides = array<i32>} : memref<64x128xf32, #tpu.memory_space<vmem>>, vector<16xf32>,
      %get3A_728 = arith.index_cast %add3A_717 : i32 to index
      %get3A_729 = arith.constant 16 : index
      %get3A_730 = tpu.vector_load %arg21[%get3A_728, %get3A_729] {strides = array<i32>} : memref<64x128xf32, #tpu.memory_space<vmem>>, vector<16xf32>,
      %mul3A_731 = arith.mulf %get3A_730, %gather3A_720 : vector<16xf32>
      %swap3A_732 = arith.index_cast %add3A_717 : i32 to index
      %swap3A_733 = arith.constant 16 : index
      %swap3A_734 = tpu.vector_load %arg21[%swap3A_732, %swap3A_733] {strides = array<i32>} : memref<64x128xf32, #tpu.memory_space<vmem>>, vector<16xf32>,
      tpu.vector_store %arg21[%swap3A_732, %swap3A_733], %mul3A_731 {strides = array<i32>} : memref<64x128xf32, #tpu.memory_space<vmem>>, vector<16xf32>,
      %get3A_735 = arith.index_cast %add3A_717 : i32 to index
      %get3A_736 = arith.constant 32 : index
      %get3A_737 = tpu.vector_load %arg21[%get3A_735, %get3A_736] {strides = array<i32>} : memref<64x128xf32, #tpu.memory_space<vmem>>, vector<16xf32>,
      %mul3A_738 = arith.mulf %get3A_737, %gather3A_720 : vector<16xf32>
      %swap3A_739 = arith.index_cast %add3A_717 : i32 to index
      %swap3A_740 = arith.constant 32 : index
      %swap3A_741 = tpu.vector_load %arg21[%swap3A_739, %swap3A_740] {strides = array<i32>} : memref<64x128xf32, #tpu.memory_space<vmem>>, vector<16xf32>,
      tpu.vector_store %arg21[%swap3A_739, %swap3A_740], %mul3A_738 {strides = array<i32>} : memref<64x128xf32, #tpu.memory_space<vmem>>, vector<16xf32>,
      %get3A_742 = arith.index_cast %add3A_717 : i32 to index
      %get3A_743 = arith.constant 48 : index
      %get3A_744 = tpu.vector_load %arg21[%get3A_742, %get3A_743] {strides = array<i32>} : memref<64x128xf32, #tpu.memory_space<vmem>>, vector<16xf32>,
      %mul3A_745 = arith.mulf %get3A_744, %gather3A_720 : vector<16xf32>
      %swap3A_746 = arith.index_cast %add3A_717 : i32 to index
      %swap3A_747 = arith.constant 48 : index
      %swap3A_748 = tpu.vector_load %arg21[%swap3A_746, %swap3A_747] {strides = array<i32>} : memref<64x128xf32, #tpu.memory_space<vmem>>, vector<16xf32>,
      tpu.vector_store %arg21[%swap3A_746, %swap3A_747], %mul3A_745 {strides = array<i32>} : memref<64x128xf32, #tpu.memory_space<vmem>>, vector<16xf32>,
      %get3A_749 = arith.index_cast %add3A_717 : i32 to index
      %get3A_750 = arith.constant 64 : index
      %get3A_751 = tpu.vector_load %arg21[%get3A_749, %get3A_750] {strides = array<i32>} : memref<64x128xf32, #tpu.memory_space<vmem>>, vector<16xf32>,
      %mul3A_752 = arith.mulf %get3A_751, %gather3A_720 : vector<16xf32>
      %swap3A_753 = arith.index_cast %add3A_717 : i32 to index
      %swap3A_754 = arith.constant 64 : index
      %swap3A_755 = tpu.vector_load %arg21[%swap3A_753, %swap3A_754] {strides = array<i32>} : memref<64x128xf32, #tpu.memory_space<vmem>>, vector<16xf32>,
      tpu.vector_store %arg21[%swap3A_753, %swap3A_754], %mul3A_752 {strides = array<i32>} : memref<64x128xf32, #tpu.memory_space<vmem>>, vector<16xf32>,
      %get3A_756 = arith.index_cast %add3A_717 : i32 to index
      %get3A_757 = arith.constant 80 : index
      %get3A_758 = tpu.vector_load %arg21[%get3A_756, %get3A_757] {strides = array<i32>} : memref<64x128xf32, #tpu.memory_space<vmem>>, vector<16xf32>,
      %mul3A_759 = arith.mulf %get3A_758, %gather3A_720 : vector<16xf32>
      %swap3A_760 = arith.index_cast %add3A_717 : i32 to index
      %swap3A_761 = arith.constant 80 : index
      %swap3A_762 = tpu.vector_load %arg21[%swap3A_760, %swap3A_761] {strides = array<i32>} : memref<64x128xf32, #tpu.memory_space<vmem>>, vector<16xf32>,
      tpu.vector_store %arg21[%swap3A_760, %swap3A_761], %mul3A_759 {strides = array<i32>} : memref<64x128xf32, #tpu.memory_space<vmem>>, vector<16xf32>,
      %get3A_763 = arith.index_cast %add3A_717 : i32 to index
      %get3A_764 = arith.constant 96 : index
      %get3A_765 = tpu.vector_load %arg21[%get3A_763, %get3A_764] {strides = array<i32>} : memref<64x128xf32, #tpu.memory_space<vmem>>, vector<16xf32>,
      %mul3A_766 = arith.mulf %get3A_765, %gather3A_720 : vector<16xf32>
      %swap3A_767 = arith.index_cast %add3A_717 : i32 to index
      %swap3A_768 = arith.constant 96 : index
      %swap3A_769 = tpu.vector_load %arg21[%swap3A_767, %swap3A_768] {strides = array<i32>} : memref<64x128xf32, #tpu.memory_space<vmem>>, vector<16xf32>,
      tpu.vector_store %arg21[%swap3A_767, %swap3A_768], %mul3A_766 {strides = array<i32>} : memref<64x128xf32, #tpu.memory_space<vmem>>, vector<16xf32>,
      %get3A_770 = arith.index_cast %add3A_717 : i32 to index
      %get3A_771 = arith.constant 112 : index
      %get3A_772 = tpu.vector_load %arg21[%get3A_770, %get3A_771] {strides = array<i32>} : memref<64x128xf32, #tpu.memory_space<vmem>>, vector<16xf32>,
      %mul3A_773 = arith.mulf %get3A_772, %gather3A_720 : vector<16xf32>
      %swap3A_774 = arith.index_cast %add3A_717 : i32 to index
      %swap3A_775 = arith.constant 112 : index
      %swap3A_776 = tpu.vector_load %arg21[%swap3A_774, %swap3A_775] {strides = array<i32>} : memref<64x128xf32, #tpu.memory_space<vmem>>, vector<16xf32>,
      tpu.vector_store %arg21[%swap3A_774, %swap3A_775], %mul3A_773 {strides = array<i32>} : memref<64x128xf32, #tpu.memory_space<vmem>>, vector<16xf32>,
    }
    %scan3A_577 = arith.constant 16 : i32
    %scan3A_578 = arith.constant 0 : i32
    %scan3A_579 = arith.constant 16 : i32
    %scan3A_580 = arith.addi %scan3A_578, %scan3A_579 : i32
    %scan3A_581 = arith.constant 1 : i32
    scf.for %scan3A_711 = %scan3A_578 to %scan3A_580 step %scan3A_581  : i32 {
      %mul3A_712 = arith.constant 1 : i32
      %mul3A_713 = arith.muli %scan3A_711, %mul3A_712 : i32
      %add3A_714 = arith.constant 0 : i32
      %add3A_715 = arith.addi %add3A_714, %mul3A_713 : i32
      %add3A_716 = arith.constant 16 : i32
      %add3A_717 = arith.addi %add3A_716, %add3A_715 : i32
      %broadcast_in_dim3A_718 = vector.broadcast %add3A_715 : i32 to vector<16x1xi32>
      %gather3A_719 = vector.shape_cast %broadcast_in_dim3A_718 : vector<16x1xi32> to vector<16xi32>
      %gather3A_720 = tpu.dynamic_gather %select_n3A_472[%gather3A_719] in [0] : vector<16xf32>, vector<16xi32> -> vector<16xf32>
      %get3A_721 = arith.index_cast %add3A_717 : i32 to index
      %get3A_722 = arith.constant 0 : index
      %get3A_723 = tpu.vector_load %arg21[%get3A_721, %get3A_722] {strides = array<i32>} : memref<64x128xf32, #tpu.memory_space<vmem>>, vector<16xf32>,
      %mul3A_724 = arith.mulf %get3A_723, %gather3A_720 : vector<16xf32>
      %swap3A_725 = arith.index_cast %add3A_717 : i32 to index
      %swap3A_726 = arith.constant 0 : index
      %swap3A_727 = tpu.vector_load %arg21[%swap3A_725, %swap3A_726] {strides = array<i32>} : memref<64x128xf32, #tpu.memory_space<vmem>>, vector<16xf32>,
      tpu.vector_store %arg21[%swap3A_725, %swap3A_726], %mul3A_724 {strides = array<i32>} : memref<64x128xf32, #tpu.memory_space<vmem>>, vector<16xf32>,
      %get3A_728 = arith.index_cast %add3A_717 : i32 to index
      %get3A_729 = arith.constant 16 : index
      %get3A_730 = tpu.vector_load %arg21[%get3A_728, %get3A_729] {strides = array<i32>} : memref<64x128xf32, #tpu.memory_space<vmem>>, vector<16xf32>,
      %mul3A_731 = arith.mulf %get3A_730, %gather3A_720 : vector<16xf32>
      %swap3A_732 = arith.index_cast %add3A_717 : i32 to index
      %swap3A_733 = arith.constant 16 : index
      %swap3A_734 = tpu.vector_load %arg21[%swap3A_732, %swap3A_733] {strides = array<i32>} : memref<64x128xf32, #tpu.memory_space<vmem>>, vector<16xf32>,
      tpu.vector_store %arg21[%swap3A_732, %swap3A_733], %mul3A_731 {strides = array<i32>} : memref<64x128xf32, #tpu.memory_space<vmem>>, vector<16xf32>,
      %get3A_735 = arith.index_cast %add3A_717 : i32 to index
      %get3A_736 = arith.constant 32 : index
      %get3A_737 = tpu.vector_load %arg21[%get3A_735, %get3A_736] {strides = array<i32>} : memref<64x128xf32, #tpu.memory_space<vmem>>, vector<16xf32>,
      %mul3A_738 = arith.mulf %get3A_737, %gather3A_720 : vector<16xf32>
      %swap3A_739 = arith.index_cast %add3A_717 : i32 to index
      %swap3A_740 = arith.constant 32 : index
      %swap3A_741 = tpu.vector_load %arg21[%swap3A_739, %swap3A_740] {strides = array<i32>} : memref<64x128xf32, #tpu.memory_space<vmem>>, vector<16xf32>,
      tpu.vector_store %arg21[%swap3A_739, %swap3A_740], %mul3A_738 {strides = array<i32>} : memref<64x128xf32, #tpu.memory_space<vmem>>, vector<16xf32>,
      %get3A_742 = arith.index_cast %add3A_717 : i32 to index
      %get3A_743 = arith.constant 48 : index
      %get3A_744 = tpu.vector_load %arg21[%get3A_742, %get3A_743] {strides = array<i32>} : memref<64x128xf32, #tpu.memory_space<vmem>>, vector<16xf32>,
      %mul3A_745 = arith.mulf %get3A_744, %gather3A_720 : vector<16xf32>
      %swap3A_746 = arith.index_cast %add3A_717 : i32 to index
      %swap3A_747 = arith.constant 48 : index
      %swap3A_748 = tpu.vector_load %arg21[%swap3A_746, %swap3A_747] {strides = array<i32>} : memref<64x128xf32, #tpu.memory_space<vmem>>, vector<16xf32>,
      tpu.vector_store %arg21[%swap3A_746, %swap3A_747], %mul3A_745 {strides = array<i32>} : memref<64x128xf32, #tpu.memory_space<vmem>>, vector<16xf32>,
      %get3A_749 = arith.index_cast %add3A_717 : i32 to index
      %get3A_750 = arith.constant 64 : index
      %get3A_751 = tpu.vector_load %arg21[%get3A_749, %get3A_750] {strides = array<i32>} : memref<64x128xf32, #tpu.memory_space<vmem>>, vector<16xf32>,
      %mul3A_752 = arith.mulf %get3A_751, %gather3A_720 : vector<16xf32>
      %swap3A_753 = arith.index_cast %add3A_717 : i32 to index
      %swap3A_754 = arith.constant 64 : index
      %swap3A_755 = tpu.vector_load %arg21[%swap3A_753, %swap3A_754] {strides = array<i32>} : memref<64x128xf32, #tpu.memory_space<vmem>>, vector<16xf32>,
      tpu.vector_store %arg21[%swap3A_753, %swap3A_754], %mul3A_752 {strides = array<i32>} : memref<64x128xf32, #tpu.memory_space<vmem>>, vector<16xf32>,
      %get3A_756 = arith.index_cast %add3A_717 : i32 to index
      %get3A_757 = arith.constant 80 : index
      %get3A_758 = tpu.vector_load %arg21[%get3A_756, %get3A_757] {strides = array<i32>} : memref<64x128xf32, #tpu.memory_space<vmem>>, vector<16xf32>,
      %mul3A_759 = arith.mulf %get3A_758, %gather3A_720 : vector<16xf32>
      %swap3A_760 = arith.index_cast %add3A_717 : i32 to index
      %swap3A_761 = arith.constant 80 : index
      %swap3A_762 = tpu.vector_load %arg21[%swap3A_760, %swap3A_761] {strides = array<i32>} : memref<64x128xf32, #tpu.memory_space<vmem>>, vector<16xf32>,
      tpu.vector_store %arg21[%swap3A_760, %swap3A_761], %mul3A_759 {strides = array<i32>} : memref<64x128xf32, #tpu.memory_space<vmem>>, vector<16xf32>,
      %get3A_763 = arith.index_cast %add3A_717 : i32 to index
      %get3A_764 = arith.constant 96 : index
      %get3A_765 = tpu.vector_load %arg21[%get3A_763, %get3A_764] {strides = array<i32>} : memref<64x128xf32, #tpu.memory_space<vmem>>, vector<16xf32>,
      %mul3A_766 = arith.mulf %get3A_765, %gather3A_720 : vector<16xf32>
      %swap3A_767 = arith.index_cast %add3A_717 : i32 to index
      %swap3A_768 = arith.constant 96 : index
      %swap3A_769 = tpu.vector_load %arg21[%swap3A_767, %swap3A_768] {strides = array<i32>} : memref<64x128xf32, #tpu.memory_space<vmem>>, vector<16xf32>,
      tpu.vector_store %arg21[%swap3A_767, %swap3A_768], %mul3A_766 {strides = array<i32>} : memref<64x128xf32, #tpu.memory_space<vmem>>, vector<16xf32>,
      %get3A_770 = arith.index_cast %add3A_717 : i32 to index
      %get3A_771 = arith.constant 112 : index
      %get3A_772 = tpu.vector_load %arg21[%get3A_770, %get3A_771] {strides = array<i32>} : memref<64x128xf32, #tpu.memory_space<vmem>>, vector<16xf32>,
      %mul3A_773 = arith.mulf %get3A_772, %gather3A_720 : vector<16xf32>
      %swap3A_774 = arith.index_cast %add3A_717 : i32 to index
      %swap3A_775 = arith.constant 112 : index
      %swap3A_776 = tpu.vector_load %arg21[%swap3A_774, %swap3A_775] {strides = array<i32>} : memref<64x128xf32, #tpu.memory_space<vmem>>, vector<16xf32>,
      tpu.vector_store %arg21[%swap3A_774, %swap3A_775], %mul3A_773 {strides = array<i32>} : memref<64x128xf32, #tpu.memory_space<vmem>>, vector<16xf32>,
    }
    %scan3A_582 = arith.constant 16 : i32
    %scan3A_583 = arith.constant 0 : i32
    %scan3A_584 = arith.constant 16 : i32
    %scan3A_585 = arith.addi %scan3A_583, %scan3A_584 : i32
    %scan3A_586 = arith.constant 1 : i32
    scf.for %scan3A_711 = %scan3A_583 to %scan3A_585 step %scan3A_586  : i32 {
      %mul3A_712 = arith.constant 1 : i32
      %mul3A_713 = arith.muli %scan3A_711, %mul3A_712 : i32
      %add3A_714 = arith.constant 0 : i32
      %add3A_715 = arith.addi %add3A_714, %mul3A_713 : i32
      %add3A_716 = arith.constant 32 : i32
      %add3A_717 = arith.addi %add3A_716, %add3A_715 : i32
      %broadcast_in_dim3A_718 = vector.broadcast %add3A_715 : i32 to vector<16x1xi32>
      %gather3A_719 = vector.shape_cast %broadcast_in_dim3A_718 : vector<16x1xi32> to vector<16xi32>
      %gather3A_720 = tpu.dynamic_gather %select_n3A_519[%gather3A_719] in [0] : vector<16xf32>, vector<16xi32> -> vector<16xf32>
      %get3A_721 = arith.index_cast %add3A_717 : i32 to index
      %get3A_722 = arith.constant 0 : index
      %get3A_723 = tpu.vector_load %arg21[%get3A_721, %get3A_722] {strides = array<i32>} : memref<64x128xf32, #tpu.memory_space<vmem>>, vector<16xf32>,
      %mul3A_724 = arith.mulf %get3A_723, %gather3A_720 : vector<16xf32>
      %swap3A_725 = arith.index_cast %add3A_717 : i32 to index
      %swap3A_726 = arith.constant 0 : index
      %swap3A_727 = tpu.vector_load %arg21[%swap3A_725, %swap3A_726] {strides = array<i32>} : memref<64x128xf32, #tpu.memory_space<vmem>>, vector<16xf32>,
      tpu.vector_store %arg21[%swap3A_725, %swap3A_726], %mul3A_724 {strides = array<i32>} : memref<64x128xf32, #tpu.memory_space<vmem>>, vector<16xf32>,
      %get3A_728 = arith.index_cast %add3A_717 : i32 to index
      %get3A_729 = arith.constant 16 : index
      %get3A_730 = tpu.vector_load %arg21[%get3A_728, %get3A_729] {strides = array<i32>} : memref<64x128xf32, #tpu.memory_space<vmem>>, vector<16xf32>,
      %mul3A_731 = arith.mulf %get3A_730, %gather3A_720 : vector<16xf32>
      %swap3A_732 = arith.index_cast %add3A_717 : i32 to index
      %swap3A_733 = arith.constant 16 : index
      %swap3A_734 = tpu.vector_load %arg21[%swap3A_732, %swap3A_733] {strides = array<i32>} : memref<64x128xf32, #tpu.memory_space<vmem>>, vector<16xf32>,
      tpu.vector_store %arg21[%swap3A_732, %swap3A_733], %mul3A_731 {strides = array<i32>} : memref<64x128xf32, #tpu.memory_space<vmem>>, vector<16xf32>,
      %get3A_735 = arith.index_cast %add3A_717 : i32 to index
      %get3A_736 = arith.constant 32 : index
      %get3A_737 = tpu.vector_load %arg21[%get3A_735, %get3A_736] {strides = array<i32>} : memref<64x128xf32, #tpu.memory_space<vmem>>, vector<16xf32>,
      %mul3A_738 = arith.mulf %get3A_737, %gather3A_720 : vector<16xf32>
      %swap3A_739 = arith.index_cast %add3A_717 : i32 to index
      %swap3A_740 = arith.constant 32 : index
      %swap3A_741 = tpu.vector_load %arg21[%swap3A_739, %swap3A_740] {strides = array<i32>} : memref<64x128xf32, #tpu.memory_space<vmem>>, vector<16xf32>,
      tpu.vector_store %arg21[%swap3A_739, %swap3A_740], %mul3A_738 {strides = array<i32>} : memref<64x128xf32, #tpu.memory_space<vmem>>, vector<16xf32>,
      %get3A_742 = arith.index_cast %add3A_717 : i32 to index
      %get3A_743 = arith.constant 48 : index
      %get3A_744 = tpu.vector_load %arg21[%get3A_742, %get3A_743] {strides = array<i32>} : memref<64x128xf32, #tpu.memory_space<vmem>>, vector<16xf32>,
      %mul3A_745 = arith.mulf %get3A_744, %gather3A_720 : vector<16xf32>
      %swap3A_746 = arith.index_cast %add3A_717 : i32 to index
      %swap3A_747 = arith.constant 48 : index
      %swap3A_748 = tpu.vector_load %arg21[%swap3A_746, %swap3A_747] {strides = array<i32>} : memref<64x128xf32, #tpu.memory_space<vmem>>, vector<16xf32>,
      tpu.vector_store %arg21[%swap3A_746, %swap3A_747], %mul3A_745 {strides = array<i32>} : memref<64x128xf32, #tpu.memory_space<vmem>>, vector<16xf32>,
      %get3A_749 = arith.index_cast %add3A_717 : i32 to index
      %get3A_750 = arith.constant 64 : index
      %get3A_751 = tpu.vector_load %arg21[%get3A_749, %get3A_750] {strides = array<i32>} : memref<64x128xf32, #tpu.memory_space<vmem>>, vector<16xf32>,
      %mul3A_752 = arith.mulf %get3A_751, %gather3A_720 : vector<16xf32>
      %swap3A_753 = arith.index_cast %add3A_717 : i32 to index
      %swap3A_754 = arith.constant 64 : index
      %swap3A_755 = tpu.vector_load %arg21[%swap3A_753, %swap3A_754] {strides = array<i32>} : memref<64x128xf32, #tpu.memory_space<vmem>>, vector<16xf32>,
      tpu.vector_store %arg21[%swap3A_753, %swap3A_754], %mul3A_752 {strides = array<i32>} : memref<64x128xf32, #tpu.memory_space<vmem>>, vector<16xf32>,
      %get3A_756 = arith.index_cast %add3A_717 : i32 to index
      %get3A_757 = arith.constant 80 : index
      %get3A_758 = tpu.vector_load %arg21[%get3A_756, %get3A_757] {strides = array<i32>} : memref<64x128xf32, #tpu.memory_space<vmem>>, vector<16xf32>,
      %mul3A_759 = arith.mulf %get3A_758, %gather3A_720 : vector<16xf32>
      %swap3A_760 = arith.index_cast %add3A_717 : i32 to index
      %swap3A_761 = arith.constant 80 : index
      %swap3A_762 = tpu.vector_load %arg21[%swap3A_760, %swap3A_761] {strides = array<i32>} : memref<64x128xf32, #tpu.memory_space<vmem>>, vector<16xf32>,
      tpu.vector_store %arg21[%swap3A_760, %swap3A_761], %mul3A_759 {strides = array<i32>} : memref<64x128xf32, #tpu.memory_space<vmem>>, vector<16xf32>,
      %get3A_763 = arith.index_cast %add3A_717 : i32 to index
      %get3A_764 = arith.constant 96 : index
      %get3A_765 = tpu.vector_load %arg21[%get3A_763, %get3A_764] {strides = array<i32>} : memref<64x128xf32, #tpu.memory_space<vmem>>, vector<16xf32>,
      %mul3A_766 = arith.mulf %get3A_765, %gather3A_720 : vector<16xf32>
      %swap3A_767 = arith.index_cast %add3A_717 : i32 to index
      %swap3A_768 = arith.constant 96 : index
      %swap3A_769 = tpu.vector_load %arg21[%swap3A_767, %swap3A_768] {strides = array<i32>} : memref<64x128xf32, #tpu.memory_space<vmem>>, vector<16xf32>,
      tpu.vector_store %arg21[%swap3A_767, %swap3A_768], %mul3A_766 {strides = array<i32>} : memref<64x128xf32, #tpu.memory_space<vmem>>, vector<16xf32>,
      %get3A_770 = arith.index_cast %add3A_717 : i32 to index
      %get3A_771 = arith.constant 112 : index
      %get3A_772 = tpu.vector_load %arg21[%get3A_770, %get3A_771] {strides = array<i32>} : memref<64x128xf32, #tpu.memory_space<vmem>>, vector<16xf32>,
      %mul3A_773 = arith.mulf %get3A_772, %gather3A_720 : vector<16xf32>
      %swap3A_774 = arith.index_cast %add3A_717 : i32 to index
      %swap3A_775 = arith.constant 112 : index
      %swap3A_776 = tpu.vector_load %arg21[%swap3A_774, %swap3A_775] {strides = array<i32>} : memref<64x128xf32, #tpu.memory_space<vmem>>, vector<16xf32>,
      tpu.vector_store %arg21[%swap3A_774, %swap3A_775], %mul3A_773 {strides = array<i32>} : memref<64x128xf32, #tpu.memory_space<vmem>>, vector<16xf32>,
    }
    %scan3A_587 = arith.constant 16 : i32
    %scan3A_588 = arith.constant 0 : i32
    %scan3A_589 = arith.constant 16 : i32
    %scan3A_590 = arith.addi %scan3A_588, %scan3A_589 : i32
    %scan3A_591 = arith.constant 1 : i32
    scf.for %scan3A_711 = %scan3A_588 to %scan3A_590 step %scan3A_591  : i32 {
      %mul3A_712 = arith.constant 1 : i32
      %mul3A_713 = arith.muli %scan3A_711, %mul3A_712 : i32
      %add3A_714 = arith.constant 0 : i32
      %add3A_715 = arith.addi %add3A_714, %mul3A_713 : i32
      %add3A_716 = arith.constant 48 : i32
      %add3A_717 = arith.addi %add3A_716, %add3A_715 : i32
      %broadcast_in_dim3A_718 = vector.broadcast %add3A_715 : i32 to vector<16x1xi32>
      %gather3A_719 = vector.shape_cast %broadcast_in_dim3A_718 : vector<16x1xi32> to vector<16xi32>
      %gather3A_720 = tpu.dynamic_gather %select_n3A_566[%gather3A_719] in [0] : vector<16xf32>, vector<16xi32> -> vector<16xf32>
      %get3A_721 = arith.index_cast %add3A_717 : i32 to index
      %get3A_722 = arith.constant 0 : index
      %get3A_723 = tpu.vector_load %arg21[%get3A_721, %get3A_722] {strides = array<i32>} : memref<64x128xf32, #tpu.memory_space<vmem>>, vector<16xf32>,
      %mul3A_724 = arith.mulf %get3A_723, %gather3A_720 : vector<16xf32>
      %swap3A_725 = arith.index_cast %add3A_717 : i32 to index
      %swap3A_726 = arith.constant 0 : index
      %swap3A_727 = tpu.vector_load %arg21[%swap3A_725, %swap3A_726] {strides = array<i32>} : memref<64x128xf32, #tpu.memory_space<vmem>>, vector<16xf32>,
      tpu.vector_store %arg21[%swap3A_725, %swap3A_726], %mul3A_724 {strides = array<i32>} : memref<64x128xf32, #tpu.memory_space<vmem>>, vector<16xf32>,
      %get3A_728 = arith.index_cast %add3A_717 : i32 to index
      %get3A_729 = arith.constant 16 : index
      %get3A_730 = tpu.vector_load %arg21[%get3A_728, %get3A_729] {strides = array<i32>} : memref<64x128xf32, #tpu.memory_space<vmem>>, vector<16xf32>,
      %mul3A_731 = arith.mulf %get3A_730, %gather3A_720 : vector<16xf32>
      %swap3A_732 = arith.index_cast %add3A_717 : i32 to index
      %swap3A_733 = arith.constant 16 : index
      %swap3A_734 = tpu.vector_load %arg21[%swap3A_732, %swap3A_733] {strides = array<i32>} : memref<64x128xf32, #tpu.memory_space<vmem>>, vector<16xf32>,
      tpu.vector_store %arg21[%swap3A_732, %swap3A_733], %mul3A_731 {strides = array<i32>} : memref<64x128xf32, #tpu.memory_space<vmem>>, vector<16xf32>,
      %get3A_735 = arith.index_cast %add3A_717 : i32 to index
      %get3A_736 = arith.constant 32 : index
      %get3A_737 = tpu.vector_load %arg21[%get3A_735, %get3A_736] {strides = array<i32>} : memref<64x128xf32, #tpu.memory_space<vmem>>, vector<16xf32>,
      %mul3A_738 = arith.mulf %get3A_737, %gather3A_720 : vector<16xf32>
      %swap3A_739 = arith.index_cast %add3A_717 : i32 to index
      %swap3A_740 = arith.constant 32 : index
      %swap3A_741 = tpu.vector_load %arg21[%swap3A_739, %swap3A_740] {strides = array<i32>} : memref<64x128xf32, #tpu.memory_space<vmem>>, vector<16xf32>,
      tpu.vector_store %arg21[%swap3A_739, %swap3A_740], %mul3A_738 {strides = array<i32>} : memref<64x128xf32, #tpu.memory_space<vmem>>, vector<16xf32>,
      %get3A_742 = arith.index_cast %add3A_717 : i32 to index
      %get3A_743 = arith.constant 48 : index
      %get3A_744 = tpu.vector_load %arg21[%get3A_742, %get3A_743] {strides = array<i32>} : memref<64x128xf32, #tpu.memory_space<vmem>>, vector<16xf32>,
      %mul3A_745 = arith.mulf %get3A_744, %gather3A_720 : vector<16xf32>
      %swap3A_746 = arith.index_cast %add3A_717 : i32 to index
      %swap3A_747 = arith.constant 48 : index
      %swap3A_748 = tpu.vector_load %arg21[%swap3A_746, %swap3A_747] {strides = array<i32>} : memref<64x128xf32, #tpu.memory_space<vmem>>, vector<16xf32>,
      tpu.vector_store %arg21[%swap3A_746, %swap3A_747], %mul3A_745 {strides = array<i32>} : memref<64x128xf32, #tpu.memory_space<vmem>>, vector<16xf32>,
      %get3A_749 = arith.index_cast %add3A_717 : i32 to index
      %get3A_750 = arith.constant 64 : index
      %get3A_751 = tpu.vector_load %arg21[%get3A_749, %get3A_750] {strides = array<i32>} : memref<64x128xf32, #tpu.memory_space<vmem>>, vector<16xf32>,
      %mul3A_752 = arith.mulf %get3A_751, %gather3A_720 : vector<16xf32>
      %swap3A_753 = arith.index_cast %add3A_717 : i32 to index
      %swap3A_754 = arith.constant 64 : index
      %swap3A_755 = tpu.vector_load %arg21[%swap3A_753, %swap3A_754] {strides = array<i32>} : memref<64x128xf32, #tpu.memory_space<vmem>>, vector<16xf32>,
      tpu.vector_store %arg21[%swap3A_753, %swap3A_754], %mul3A_752 {strides = array<i32>} : memref<64x128xf32, #tpu.memory_space<vmem>>, vector<16xf32>,
      %get3A_756 = arith.index_cast %add3A_717 : i32 to index
      %get3A_757 = arith.constant 80 : index
      %get3A_758 = tpu.vector_load %arg21[%get3A_756, %get3A_757] {strides = array<i32>} : memref<64x128xf32, #tpu.memory_space<vmem>>, vector<16xf32>,
      %mul3A_759 = arith.mulf %get3A_758, %gather3A_720 : vector<16xf32>
      %swap3A_760 = arith.index_cast %add3A_717 : i32 to index
      %swap3A_761 = arith.constant 80 : index
      %swap3A_762 = tpu.vector_load %arg21[%swap3A_760, %swap3A_761] {strides = array<i32>} : memref<64x128xf32, #tpu.memory_space<vmem>>, vector<16xf32>,
      tpu.vector_store %arg21[%swap3A_760, %swap3A_761], %mul3A_759 {strides = array<i32>} : memref<64x128xf32, #tpu.memory_space<vmem>>, vector<16xf32>,
      %get3A_763 = arith.index_cast %add3A_717 : i32 to index
      %get3A_764 = arith.constant 96 : index
      %get3A_765 = tpu.vector_load %arg21[%get3A_763, %get3A_764] {strides = array<i32>} : memref<64x128xf32, #tpu.memory_space<vmem>>, vector<16xf32>,
      %mul3A_766 = arith.mulf %get3A_765, %gather3A_720 : vector<16xf32>
      %swap3A_767 = arith.index_cast %add3A_717 : i32 to index
      %swap3A_768 = arith.constant 96 : index
      %swap3A_769 = tpu.vector_load %arg21[%swap3A_767, %swap3A_768] {strides = array<i32>} : memref<64x128xf32, #tpu.memory_space<vmem>>, vector<16xf32>,
      tpu.vector_store %arg21[%swap3A_767, %swap3A_768], %mul3A_766 {strides = array<i32>} : memref<64x128xf32, #tpu.memory_space<vmem>>, vector<16xf32>,
      %get3A_770 = arith.index_cast %add3A_717 : i32 to index
      %get3A_771 = arith.constant 112 : index
      %get3A_772 = tpu.vector_load %arg21[%get3A_770, %get3A_771] {strides = array<i32>} : memref<64x128xf32, #tpu.memory_space<vmem>>, vector<16xf32>,
      %mul3A_773 = arith.mulf %get3A_772, %gather3A_720 : vector<16xf32>
      %swap3A_774 = arith.index_cast %add3A_717 : i32 to index
      %swap3A_775 = arith.constant 112 : index
      %swap3A_776 = tpu.vector_load %arg21[%swap3A_774, %swap3A_775] {strides = array<i32>} : memref<64x128xf32, #tpu.memory_space<vmem>>, vector<16xf32>,
      tpu.vector_store %arg21[%swap3A_774, %swap3A_775], %mul3A_773 {strides = array<i32>} : memref<64x128xf32, #tpu.memory_space<vmem>>, vector<16xf32>,
    }
    %scan3A_592 = arith.constant 16 : i32
    %dma_start3A_593 = arith.constant 0 : i32
    %dma_start3A_594 = arith.constant 0 : i32
    %dma_start3A_595 = tpu.memref_slice %arg13[%dma_start3A_593, %dma_start3A_594] : memref<1x64xi32, #tpu.memory_space<vmem>> -> memref<1x64xi32, #tpu.memory_space<vmem>>
    %dma_start3A_596 = tpu.memref_squeeze %dma_start3A_595 : memref<1x64xi32, #tpu.memory_space<vmem>> -> memref<64xi32, #tpu.memory_space<vmem>>
    %dma_start3A_597 = arith.constant 0 : i32
    %dma_start3A_598 = arith.constant 0 : i32
    %dma_start3A_599 = tpu.memref_slice %arg22[%dma_start3A_597, %dma_start3A_598] : memref<10112x128xf32, #tpu.memory_space<vmem_shared>> -> memref<10112x128xf32, #tpu.memory_space<vmem_shared>>
    tpu.enqueue_indirect_dma source(%arg21 : memref<64x128xf32, #tpu.memory_space<vmem>>) target(%dma_start3A_599 : memref<10112x128xf32, #tpu.memory_space<vmem_shared>>) offsets(%dma_start3A_596 : memref<64xi32, #tpu.memory_space<vmem>>) semaphore(%arg29 : memref<!tpu.dma_semaphore, #tpu.memory_space<semaphore_mem>>) {add = true}
    %dma_start3A_600 = arith.constant 0 : i32
    %dma_start3A_601 = arith.constant 0 : i32
    %dma_start3A_602 = tpu.memref_slice %arg13[%dma_start3A_600, %dma_start3A_601] : memref<1x64xi32, #tpu.memory_space<vmem>> -> memref<1x64xi32, #tpu.memory_space<vmem>>
    %dma_start3A_603 = tpu.memref_squeeze %dma_start3A_602 : memref<1x64xi32, #tpu.memory_space<vmem>> -> memref<64xi32, #tpu.memory_space<vmem>>
    %dma_start3A_604 = arith.constant 0 : i32
    %dma_start3A_605 = tpu.memref_slice %arg23[%dma_start3A_604] : memref<10112xf32, #tpu.memory_space<vmem_shared>> -> memref<10112xf32, #tpu.memory_space<vmem_shared>>
    tpu.enqueue_indirect_dma source(%arg15 : memref<64xf32, #tpu.memory_space<vmem>>) target(%dma_start3A_605 : memref<10112xf32, #tpu.memory_space<vmem_shared>>) offsets(%dma_start3A_603 : memref<64xi32, #tpu.memory_space<vmem>>) semaphore(%arg31 : memref<!tpu.dma_semaphore, #tpu.memory_space<semaphore_mem>>) {add = true}
    %add3A_606 = arith.constant 1 : i32
    %add3A_607 = arith.constant 2 : i32
    %add3A_608 = arith.addi %add3A_606, %add3A_607 : i32
    %add3A_609 = arith.addi %select_n3A_11, %add3A_608 : i32
    %min3A_610 = arith.constant 5119 : i32
    %min3A_611 = arith.minsi %add3A_609, %min3A_610 : i32
    %dma_start3A_612 = arith.constant 0 : i32
    %dma_start3A_613 = arith.constant 0 : i32
    %dma_start3A_614 = tpu.memref_slice %arg2[%min3A_611, %dma_start3A_612, %dma_start3A_613] : memref<5120x1x128xi32, #tpu.memory_space<hbm>> -> memref<1x1x128xi32, #tpu.memory_space<hbm>>
    %dma_start3A_615 = tpu.memref_squeeze %dma_start3A_614 : memref<1x1x128xi32, #tpu.memory_space<hbm>> -> memref<1x128xi32, #tpu.memory_space<hbm>>
    %dma_start3A_616 = arith.constant 0 : i32
    %dma_start3A_617 = arith.constant 0 : i32
    %dma_start3A_618 = tpu.memref_slice %arg2[%min3A_611, %dma_start3A_616, %dma_start3A_617] : memref<5120x1x128xi32, #tpu.memory_space<hbm>> -> memref<1x1x128xi32, #tpu.memory_space<hbm>>
    %dma_start3A_619 = tpu.memref_squeeze %dma_start3A_618 : memref<1x1x128xi32, #tpu.memory_space<hbm>> -> memref<1x128xi32, #tpu.memory_space<hbm>>
    tpu.enqueue_dma source(%dma_start3A_619 : memref<1x128xi32, #tpu.memory_space<hbm>>) target(%arg11 : memref<1x128xi32, #tpu.memory_space<vmem>>) target_semaphore(%arg25 : memref<!tpu.dma_semaphore, #tpu.memory_space<semaphore_mem>>)
    %jit3A_620 = arith.constant 2 : i32
    %div3A = arith.divsi %select_n3A, %jit3A_620 : i32
    %sign3A = arith.constant 0 : i32
    %sign3A_621 = arith.cmpi sgt, %select_n3A, %sign3A : i32
    %sign3A_622 = arith.extui %sign3A_621 : i1 to i32
    %sign3A_623 = arith.constant 0 : i32
    %sign3A_624 = arith.cmpi slt, %select_n3A, %sign3A_623 : i32
    %sign3A_625 = arith.extui %sign3A_624 : i1 to i32
    %sign3A_626 = arith.subi %sign3A_622, %sign3A_625 : i32
    %sign3A_627 = arith.constant 0 : i32
    %sign3A_628 = arith.cmpi sgt, %jit3A_620, %sign3A_627 : i32
    %sign3A_629 = arith.extui %sign3A_628 : i1 to i32
    %sign3A_630 = arith.constant 0 : i32
    %sign3A_631 = arith.cmpi slt, %jit3A_620, %sign3A_630 : i32
    %sign3A_632 = arith.extui %sign3A_631 : i1 to i32
    %sign3A_633 = arith.subi %sign3A_629, %sign3A_632 : i32
    %ne3A = arith.cmpi ne, %sign3A_626, %sign3A_633 : i32
    %rem3A = arith.remsi %select_n3A, %jit3A_620 : i32
    %ne3A_634 = arith.constant 0 : i32
    %ne3A_635 = arith.cmpi ne, %rem3A, %ne3A_634 : i32
    %and3A = arith.andi %ne3A, %ne3A_635 : i1
    %sub3A_636 = arith.constant 1 : i32
    %sub3A_637 = arith.subi %div3A, %sub3A_636 : i32
    %select_n3A_638 = arith.select %and3A, %sub3A_637, %div3A : i32
    %sub3A_639 = arith.constant 1 : i32
    %sub3A_640 = arith.subi %select_n3A_638, %sub3A_639 : i32
    %sub3A_641 = arith.constant 1 : i32
    %sub3A_642 = arith.constant 1 : i32
    %sub3A_643 = arith.subi %sub3A_641, %sub3A_642 : i32
    %add3A_644 = arith.addi %sub3A_640, %sub3A_643 : i32
    %div3A_645 = arith.constant 1 : i32
    %div3A_646 = arith.divsi %add3A_644, %div3A_645 : i32
    %while3A = arith.constant 1 : i32
    %while3A_647 = arith.constant 1 : i32
    %while3A_648 = arith.constant 0 : i32
    %while3A_649 = arith.subi %div3A_646, %while3A_648 : i32
    %while3A_650 = arith.addi %while3A_648, %while3A_649 : i32
    %while3A_651 = arith.constant 1 : i32
    %while3A_652 = arith.divsi %while3A_649, %while3A_651 : i32
    %while3A_653 = arith.muli %while3A_652, %while3A_651 : i32
    %while3A_654 = arith.addi %while3A_648, %while3A_653 : i32
    %while3A_655 = arith.constant 1 : i32
    scf.for %while3A_711 = %while3A_648 to %while3A_654 step %while3A_655  : i32 {
      %mul3A_712 = arith.muli %while3A_711, %while3A : i32
      %add3A_713 = arith.addi %while3A_647, %mul3A_712 : i32
      %mul3A_714 = arith.constant 2 : i32
      %mul3A_715 = arith.muli %mul3A_714, %add3A_713 : i32
      %add3A_716 = arith.constant 0 : i32
      %add3A_717 = arith.addi %select_n3A_11, %add3A_716 : i32
      %min3A_718 = arith.constant 5119 : i32
      %min3A_719 = arith.minsi %add3A_717, %min3A_718 : i32
      %dma_wait3A_720 = arith.constant 0 : i32
      %dma_wait3A_721 = arith.constant 0 : i32
      %dma_wait3A_722 = tpu.memref_slice %arg2[%min3A_719, %dma_wait3A_720, %dma_wait3A_721] : memref<5120x1x128xi32, #tpu.memory_space<hbm>> -> memref<1x1x128xi32, #tpu.memory_space<hbm>>
      %dma_wait3A_723 = tpu.memref_squeeze %dma_wait3A_722 : memref<1x1x128xi32, #tpu.memory_space<hbm>> -> memref<1x128xi32, #tpu.memory_space<hbm>>
      %dma_wait3A_724 = arith.constant 0 : i32
      %dma_wait3A_725 = arith.constant 0 : i32
      %dma_wait3A_726 = tpu.memref_slice %arg2[%min3A_719, %dma_wait3A_724, %dma_wait3A_725] : memref<5120x1x128xi32, #tpu.memory_space<hbm>> -> memref<1x1x128xi32, #tpu.memory_space<hbm>>
      %dma_wait3A_727 = tpu.memref_squeeze %dma_wait3A_726 : memref<1x1x128xi32, #tpu.memory_space<hbm>> -> memref<1x128xi32, #tpu.memory_space<hbm>>
      tpu.wait_dma2 semaphore(%arg25 : memref<!tpu.dma_semaphore, #tpu.memory_space<semaphore_mem>>) src(%dma_wait3A_727 : memref<1x128xi32, #tpu.memory_space<hbm>>) dst(%arg11 : memref<1x128xi32, #tpu.memory_space<vmem>>)
      %dma_wait3A_728 = arith.constant 0 : i32
      %dma_wait3A_729 = arith.constant 0 : i32
      %dma_wait3A_730 = tpu.memref_slice %arg13[%dma_wait3A_728, %dma_wait3A_729] : memref<1x64xi32, #tpu.memory_space<vmem>> -> memref<1x64xi32, #tpu.memory_space<vmem>>
      %dma_wait3A_731 = tpu.memref_squeeze %dma_wait3A_730 : memref<1x64xi32, #tpu.memory_space<vmem>> -> memref<64xi32, #tpu.memory_space<vmem>>
      %dma_wait3A_732 = arith.constant 0 : i32
      %dma_wait3A_733 = arith.constant 0 : i32
      %dma_wait3A_734 = tpu.memref_slice %arg22[%dma_wait3A_732, %dma_wait3A_733] : memref<10112x128xf32, #tpu.memory_space<vmem_shared>> -> memref<10112x128xf32, #tpu.memory_space<vmem_shared>>
      tpu.wait_indirect_dma semaphore(%arg29 : memref<!tpu.dma_semaphore, #tpu.memory_space<semaphore_mem>>) src(%arg21 : memref<64x128xf32, #tpu.memory_space<vmem>>) dst(%dma_wait3A_734 : memref<10112x128xf32, #tpu.memory_space<vmem_shared>>)
      %dma_start3A_735 = arith.constant 0 : i32
      %dma_start3A_736 = arith.constant 0 : i32
      %dma_start3A_737 = tpu.memref_slice %arg11[%dma_start3A_735, %dma_start3A_736] : memref<1x128xi32, #tpu.memory_space<vmem>> -> memref<1x64xi32, #tpu.memory_space<vmem>>
      %dma_start3A_738 = tpu.memref_squeeze %dma_start3A_737 : memref<1x64xi32, #tpu.memory_space<vmem>> -> memref<64xi32, #tpu.memory_space<vmem>>
      %dma_start3A_739 = arith.constant 0 : i32
      %dma_start3A_740 = arith.constant 0 : i32
      %dma_start3A_741 = tpu.memref_slice %arg5[%dma_start3A_739, %dma_start3A_740] : memref<10000x128xf32, #tpu.memory_space<hbm>> -> memref<10000x128xf32, #tpu.memory_space<hbm>>
      tpu.enqueue_indirect_dma source(%dma_start3A_741 : memref<10000x128xf32, #tpu.memory_space<hbm>>) target(%arg21 : memref<64x128xf32, #tpu.memory_space<vmem>>) offsets(%dma_start3A_738 : memref<64xi32, #tpu.memory_space<vmem>>) semaphore(%arg27 : memref<!tpu.dma_semaphore, #tpu.memory_space<semaphore_mem>>)
      %dma_wait3A_742 = arith.constant 0 : i32
      %dma_wait3A_743 = arith.constant 0 : i32
      %dma_wait3A_744 = tpu.memref_slice %arg12[%dma_wait3A_742, %dma_wait3A_743] : memref<1x64xi32, #tpu.memory_space<vmem>> -> memref<1x64xi32, #tpu.memory_space<vmem>>
      %dma_wait3A_745 = tpu.memref_squeeze %dma_wait3A_744 : memref<1x64xi32, #tpu.memory_space<vmem>> -> memref<64xi32, #tpu.memory_space<vmem>>
      %dma_wait3A_746 = arith.constant 0 : i32
      %dma_wait3A_747 = tpu.memref_slice %arg23[%dma_wait3A_746] : memref<10112xf32, #tpu.memory_space<vmem_shared>> -> memref<10112xf32, #tpu.memory_space<vmem_shared>>
      tpu.wait_indirect_dma semaphore(%arg30 : memref<!tpu.dma_semaphore, #tpu.memory_space<semaphore_mem>>) src(%arg14 : memref<64xf32, #tpu.memory_space<vmem>>) dst(%dma_wait3A_747 : memref<10112xf32, #tpu.memory_space<vmem_shared>>)
      %dma_wait3A_748 = arith.constant 0 : i32
      %dma_wait3A_749 = arith.constant 0 : i32
      %dma_wait3A_750 = tpu.memref_slice %arg10[%dma_wait3A_748, %dma_wait3A_749] : memref<1x128xi32, #tpu.memory_space<vmem>> -> memref<1x64xi32, #tpu.memory_space<vmem>>
      %dma_wait3A_751 = tpu.memref_squeeze %dma_wait3A_750 : memref<1x64xi32, #tpu.memory_space<vmem>> -> memref<64xi32, #tpu.memory_space<vmem>>
      %dma_wait3A_752 = arith.constant 0 : i32
      %dma_wait3A_753 = arith.constant 0 : i32
      %dma_wait3A_754 = tpu.memref_slice %arg5[%dma_wait3A_752, %dma_wait3A_753] : memref<10000x128xf32, #tpu.memory_space<hbm>> -> memref<10000x128xf32, #tpu.memory_space<hbm>>
      tpu.wait_indirect_dma semaphore(%arg26 : memref<!tpu.dma_semaphore, #tpu.memory_space<semaphore_mem>>) src(%dma_wait3A_754 : memref<10000x128xf32, #tpu.memory_space<hbm>>) dst(%arg20 : memref<64x128xf32, #tpu.memory_space<vmem>>)
      %get3A_755 = arith.constant 0 : i32
      %get3A_756 = arith.index_cast %get3A_755 : i32 to index
      %get3A_757 = arith.constant 0 : index
      %get3A_758 = tpu.vector_load %arg10[%get3A_756, %get3A_757] {strides = array<i32>} : memref<1x128xi32, #tpu.memory_space<vmem>>, vector<16xi32>,
      %get3A_759 = arith.constant 0 : i32
      %get3A_760 = arith.index_cast %get3A_759 : i32 to index
      %get3A_761 = arith.constant 64 : index
      %get3A_762 = tpu.vector_load %arg10[%get3A_760, %get3A_761] {strides = array<i32>} : memref<1x128xi32, #tpu.memory_space<vmem>>, vector<16xi32>,
      %gather3A_763 = tpu.vector_load_idx %arg16[%get3A_758] : memref<10000xi32, #tpu.memory_space<vmem>>[vector<16xi32>], vector<16xi32>,
      %bitcast3A_764 = vector.bitcast %gather3A_763 : vector<16xi32> to vector<32xbf16>
      %gather3A_765 = tpu.vector_load_idx %arg16[%get3A_762] : memref<10000xi32, #tpu.memory_space<vmem>>[vector<16xi32>], vector<16xi32>,
      %bitcast3A_766 = vector.bitcast %gather3A_765 : vector<16xi32> to vector<32xbf16>
      %unpack3A_767 = tpu.unpack_subelements %bitcast3A_764, 0 {pack_format = #tpu.pack_format<interleaved>} : vector<32xbf16> -> vector<16xf32>
      %unpack3A_768 = tpu.unpack_subelements %bitcast3A_764, 1 {pack_format = #tpu.pack_format<interleaved>} : vector<32xbf16> -> vector<16xf32>
      %unpack3A_769 = tpu.unpack_subelements %bitcast3A_766, 0 {pack_format = #tpu.pack_format<interleaved>} : vector<32xbf16> -> vector<16xf32>
      %unpack3A_770 = tpu.unpack_subelements %bitcast3A_766, 1 {pack_format = #tpu.pack_format<interleaved>} : vector<32xbf16> -> vector<16xf32>
      %add3A_771 = arith.addf %get3A_59, %unpack3A_770 : vector<16xf32>
      %ge3A_772 = arith.constant 0.000000e+00 : f32
      %ge3A_773 = vector.broadcast %ge3A_772 : f32 to vector<16xf32>
      %ge3A_774 = arith.cmpf oge, %add3A_771, %ge3A_773 : vector<16xf32>
      %mul3A_775 = arith.constant 2.000000e-01 : f32
      %mul3A_776 = vector.broadcast %mul3A_775 : f32 to vector<16xf32>
      %mul3A_777 = arith.mulf %add3A_771, %mul3A_776 : vector<16xf32>
      %select_n3A_778 = arith.select %ge3A_774, %add3A_771, %mul3A_777 : vector<16xi1>, vector<16xf32>
      %add3A_779 = arith.addf %unpack3A_767, %unpack3A_770 : vector<16xf32>
      %ge3A_780 = arith.constant 0.000000e+00 : f32
      %ge3A_781 = vector.broadcast %ge3A_780 : f32 to vector<16xf32>
      %ge3A_782 = arith.cmpf oge, %add3A_779, %ge3A_781 : vector<16xf32>
      %mul3A_783 = arith.constant 2.000000e-01 : f32
      %mul3A_784 = vector.broadcast %mul3A_783 : f32 to vector<16xf32>
      %mul3A_785 = arith.mulf %add3A_779, %mul3A_784 : vector<16xf32>
      %select_n3A_786 = arith.select %ge3A_782, %add3A_779, %mul3A_785 : vector<16xi1>, vector<16xf32>
      %add3A_787 = arith.addi %select_n3A_11, %mul3A_715 : i32
      %lt3A_788 = arith.constant 5000 : i32
      %lt3A_789 = arith.cmpi slt, %add3A_787, %lt3A_788 : i32
      %sub3A_790 = arith.subf %select_n3A_786, %select_n3A_778 : vector<16xf32>
      %exp3A_791 = math.exp %sub3A_790 : vector<16xf32>
      %jit3A_792 = arith.constant 0.000000e+00 : f32
      %broadcast_in_dim3A_793 = vector.broadcast %jit3A_792 : f32 to vector<16xf32>
      %select_n3A_794 = arith.select %lt3A_789, %exp3A_791, %broadcast_in_dim3A_793 : vector<16xf32>
      %swap3A_795 = arith.constant 0 : index
      %swap3A_796 = tpu.vector_load %arg14[%swap3A_795] {strides = array<i32>} : memref<64xf32, #tpu.memory_space<vmem>>, vector<16xf32>,
      tpu.vector_store %arg14[%swap3A_795], %select_n3A_794 {strides = array<i32>} : memref<64xf32, #tpu.memory_space<vmem>>, vector<16xf32>,
      %swap3A_797 = arith.constant 0 : i32
      %swap3A_798 = arith.index_cast %swap3A_797 : i32 to index
      %swap3A_799 = arith.constant 0 : index
      %swap3A_800 = tpu.vector_load %arg12[%swap3A_798, %swap3A_799] {strides = array<i32>} : memref<1x64xi32, #tpu.memory_space<vmem>>, vector<16xi32>,
      tpu.vector_store %arg12[%swap3A_798, %swap3A_799], %get3A_762 {strides = array<i32>} : memref<1x64xi32, #tpu.memory_space<vmem>>, vector<16xi32>,
      %get3A_801 = arith.constant 0 : i32
      %get3A_802 = arith.index_cast %get3A_801 : i32 to index
      %get3A_803 = arith.constant 16 : index
      %get3A_804 = tpu.vector_load %arg10[%get3A_802, %get3A_803] {strides = array<i32>} : memref<1x128xi32, #tpu.memory_space<vmem>>, vector<16xi32>,
      %get3A_805 = arith.constant 0 : i32
      %get3A_806 = arith.index_cast %get3A_805 : i32 to index
      %get3A_807 = arith.constant 80 : index
      %get3A_808 = tpu.vector_load %arg10[%get3A_806, %get3A_807] {strides = array<i32>} : memref<1x128xi32, #tpu.memory_space<vmem>>, vector<16xi32>,
      %gather3A_809 = tpu.vector_load_idx %arg16[%get3A_804] : memref<10000xi32, #tpu.memory_space<vmem>>[vector<16xi32>], vector<16xi32>,
      %bitcast3A_810 = vector.bitcast %gather3A_809 : vector<16xi32> to vector<32xbf16>
      %gather3A_811 = tpu.vector_load_idx %arg16[%get3A_808] : memref<10000xi32, #tpu.memory_space<vmem>>[vector<16xi32>], vector<16xi32>,
      %bitcast3A_812 = vector.bitcast %gather3A_811 : vector<16xi32> to vector<32xbf16>
      %unpack3A_813 = tpu.unpack_subelements %bitcast3A_810, 0 {pack_format = #tpu.pack_format<interleaved>} : vector<32xbf16> -> vector<16xf32>
      %unpack3A_814 = tpu.unpack_subelements %bitcast3A_810, 1 {pack_format = #tpu.pack_format<interleaved>} : vector<32xbf16> -> vector<16xf32>
      %unpack3A_815 = tpu.unpack_subelements %bitcast3A_812, 0 {pack_format = #tpu.pack_format<interleaved>} : vector<32xbf16> -> vector<16xf32>
      %unpack3A_816 = tpu.unpack_subelements %bitcast3A_812, 1 {pack_format = #tpu.pack_format<interleaved>} : vector<32xbf16> -> vector<16xf32>
      %add3A_817 = arith.addf %get3A_59, %unpack3A_816 : vector<16xf32>
      %ge3A_818 = arith.constant 0.000000e+00 : f32
      %ge3A_819 = vector.broadcast %ge3A_818 : f32 to vector<16xf32>
      %ge3A_820 = arith.cmpf oge, %add3A_817, %ge3A_819 : vector<16xf32>
      %mul3A_821 = arith.constant 2.000000e-01 : f32
      %mul3A_822 = vector.broadcast %mul3A_821 : f32 to vector<16xf32>
      %mul3A_823 = arith.mulf %add3A_817, %mul3A_822 : vector<16xf32>
      %select_n3A_824 = arith.select %ge3A_820, %add3A_817, %mul3A_823 : vector<16xi1>, vector<16xf32>
      %add3A_825 = arith.addf %unpack3A_813, %unpack3A_816 : vector<16xf32>
      %ge3A_826 = arith.constant 0.000000e+00 : f32
      %ge3A_827 = vector.broadcast %ge3A_826 : f32 to vector<16xf32>
      %ge3A_828 = arith.cmpf oge, %add3A_825, %ge3A_827 : vector<16xf32>
      %mul3A_829 = arith.constant 2.000000e-01 : f32
      %mul3A_830 = vector.broadcast %mul3A_829 : f32 to vector<16xf32>
      %mul3A_831 = arith.mulf %add3A_825, %mul3A_830 : vector<16xf32>
      %select_n3A_832 = arith.select %ge3A_828, %add3A_825, %mul3A_831 : vector<16xi1>, vector<16xf32>
      %add3A_833 = arith.addi %select_n3A_11, %mul3A_715 : i32
      %lt3A_834 = arith.constant 5000 : i32
      %lt3A_835 = arith.cmpi slt, %add3A_833, %lt3A_834 : i32
      %sub3A_836 = arith.subf %select_n3A_832, %select_n3A_824 : vector<16xf32>
      %exp3A_837 = math.exp %sub3A_836 : vector<16xf32>
      %jit3A_838 = arith.constant 0.000000e+00 : f32
      %broadcast_in_dim3A_839 = vector.broadcast %jit3A_838 : f32 to vector<16xf32>
      %select_n3A_840 = arith.select %lt3A_835, %exp3A_837, %broadcast_in_dim3A_839 : vector<16xf32>
      %swap3A_841 = arith.constant 16 : index
      %swap3A_842 = tpu.vector_load %arg14[%swap3A_841] {strides = array<i32>} : memref<64xf32, #tpu.memory_space<vmem>>, vector<16xf32>,
      tpu.vector_store %arg14[%swap3A_841], %select_n3A_840 {strides = array<i32>} : memref<64xf32, #tpu.memory_space<vmem>>, vector<16xf32>,
      %swap3A_843 = arith.constant 0 : i32
      %swap3A_844 = arith.index_cast %swap3A_843 : i32 to index
      %swap3A_845 = arith.constant 16 : index
      %swap3A_846 = tpu.vector_load %arg12[%swap3A_844, %swap3A_845] {strides = array<i32>} : memref<1x64xi32, #tpu.memory_space<vmem>>, vector<16xi32>,
      tpu.vector_store %arg12[%swap3A_844, %swap3A_845], %get3A_808 {strides = array<i32>} : memref<1x64xi32, #tpu.memory_space<vmem>>, vector<16xi32>,
      %get3A_847 = arith.constant 0 : i32
      %get3A_848 = arith.index_cast %get3A_847 : i32 to index
      %get3A_849 = arith.constant 32 : index
      %get3A_850 = tpu.vector_load %arg10[%get3A_848, %get3A_849] {strides = array<i32>} : memref<1x128xi32, #tpu.memory_space<vmem>>, vector<16xi32>,
      %get3A_851 = arith.constant 0 : i32
      %get3A_852 = arith.index_cast %get3A_851 : i32 to index
      %get3A_853 = arith.constant 96 : index
      %get3A_854 = tpu.vector_load %arg10[%get3A_852, %get3A_853] {strides = array<i32>} : memref<1x128xi32, #tpu.memory_space<vmem>>, vector<16xi32>,
      %gather3A_855 = tpu.vector_load_idx %arg16[%get3A_850] : memref<10000xi32, #tpu.memory_space<vmem>>[vector<16xi32>], vector<16xi32>,
      %bitcast3A_856 = vector.bitcast %gather3A_855 : vector<16xi32> to vector<32xbf16>
      %gather3A_857 = tpu.vector_load_idx %arg16[%get3A_854] : memref<10000xi32, #tpu.memory_space<vmem>>[vector<16xi32>], vector<16xi32>,
      %bitcast3A_858 = vector.bitcast %gather3A_857 : vector<16xi32> to vector<32xbf16>
      %unpack3A_859 = tpu.unpack_subelements %bitcast3A_856, 0 {pack_format = #tpu.pack_format<interleaved>} : vector<32xbf16> -> vector<16xf32>
      %unpack3A_860 = tpu.unpack_subelements %bitcast3A_856, 1 {pack_format = #tpu.pack_format<interleaved>} : vector<32xbf16> -> vector<16xf32>
      %unpack3A_861 = tpu.unpack_subelements %bitcast3A_858, 0 {pack_format = #tpu.pack_format<interleaved>} : vector<32xbf16> -> vector<16xf32>
      %unpack3A_862 = tpu.unpack_subelements %bitcast3A_858, 1 {pack_format = #tpu.pack_format<interleaved>} : vector<32xbf16> -> vector<16xf32>
      %add3A_863 = arith.addf %get3A_59, %unpack3A_862 : vector<16xf32>
      %ge3A_864 = arith.constant 0.000000e+00 : f32
      %ge3A_865 = vector.broadcast %ge3A_864 : f32 to vector<16xf32>
      %ge3A_866 = arith.cmpf oge, %add3A_863, %ge3A_865 : vector<16xf32>
      %mul3A_867 = arith.constant 2.000000e-01 : f32
      %mul3A_868 = vector.broadcast %mul3A_867 : f32 to vector<16xf32>
      %mul3A_869 = arith.mulf %add3A_863, %mul3A_868 : vector<16xf32>
      %select_n3A_870 = arith.select %ge3A_866, %add3A_863, %mul3A_869 : vector<16xi1>, vector<16xf32>
      %add3A_871 = arith.addf %unpack3A_859, %unpack3A_862 : vector<16xf32>
      %ge3A_872 = arith.constant 0.000000e+00 : f32
      %ge3A_873 = vector.broadcast %ge3A_872 : f32 to vector<16xf32>
      %ge3A_874 = arith.cmpf oge, %add3A_871, %ge3A_873 : vector<16xf32>
      %mul3A_875 = arith.constant 2.000000e-01 : f32
      %mul3A_876 = vector.broadcast %mul3A_875 : f32 to vector<16xf32>
      %mul3A_877 = arith.mulf %add3A_871, %mul3A_876 : vector<16xf32>
      %select_n3A_878 = arith.select %ge3A_874, %add3A_871, %mul3A_877 : vector<16xi1>, vector<16xf32>
      %add3A_879 = arith.addi %select_n3A_11, %mul3A_715 : i32
      %lt3A_880 = arith.constant 5000 : i32
      %lt3A_881 = arith.cmpi slt, %add3A_879, %lt3A_880 : i32
      %sub3A_882 = arith.subf %select_n3A_878, %select_n3A_870 : vector<16xf32>
      %exp3A_883 = math.exp %sub3A_882 : vector<16xf32>
      %jit3A_884 = arith.constant 0.000000e+00 : f32
      %broadcast_in_dim3A_885 = vector.broadcast %jit3A_884 : f32 to vector<16xf32>
      %select_n3A_886 = arith.select %lt3A_881, %exp3A_883, %broadcast_in_dim3A_885 : vector<16xf32>
      %swap3A_887 = arith.constant 32 : index
      %swap3A_888 = tpu.vector_load %arg14[%swap3A_887] {strides = array<i32>} : memref<64xf32, #tpu.memory_space<vmem>>, vector<16xf32>,
      tpu.vector_store %arg14[%swap3A_887], %select_n3A_886 {strides = array<i32>} : memref<64xf32, #tpu.memory_space<vmem>>, vector<16xf32>,
      %swap3A_889 = arith.constant 0 : i32
      %swap3A_890 = arith.index_cast %swap3A_889 : i32 to index
      %swap3A_891 = arith.constant 32 : index
      %swap3A_892 = tpu.vector_load %arg12[%swap3A_890, %swap3A_891] {strides = array<i32>} : memref<1x64xi32, #tpu.memory_space<vmem>>, vector<16xi32>,
      tpu.vector_store %arg12[%swap3A_890, %swap3A_891], %get3A_854 {strides = array<i32>} : memref<1x64xi32, #tpu.memory_space<vmem>>, vector<16xi32>,
      %get3A_893 = arith.constant 0 : i32
      %get3A_894 = arith.index_cast %get3A_893 : i32 to index
      %get3A_895 = arith.constant 48 : index
      %get3A_896 = tpu.vector_load %arg10[%get3A_894, %get3A_895] {strides = array<i32>} : memref<1x128xi32, #tpu.memory_space<vmem>>, vector<16xi32>,
      %get3A_897 = arith.constant 0 : i32
      %get3A_898 = arith.index_cast %get3A_897 : i32 to index
      %get3A_899 = arith.constant 112 : index
      %get3A_900 = tpu.vector_load %arg10[%get3A_898, %get3A_899] {strides = array<i32>} : memref<1x128xi32, #tpu.memory_space<vmem>>, vector<16xi32>,
      %gather3A_901 = tpu.vector_load_idx %arg16[%get3A_896] : memref<10000xi32, #tpu.memory_space<vmem>>[vector<16xi32>], vector<16xi32>,
      %bitcast3A_902 = vector.bitcast %gather3A_901 : vector<16xi32> to vector<32xbf16>
      %gather3A_903 = tpu.vector_load_idx %arg16[%get3A_900] : memref<10000xi32, #tpu.memory_space<vmem>>[vector<16xi32>], vector<16xi32>,
      %bitcast3A_904 = vector.bitcast %gather3A_903 : vector<16xi32> to vector<32xbf16>
      %unpack3A_905 = tpu.unpack_subelements %bitcast3A_902, 0 {pack_format = #tpu.pack_format<interleaved>} : vector<32xbf16> -> vector<16xf32>
      %unpack3A_906 = tpu.unpack_subelements %bitcast3A_902, 1 {pack_format = #tpu.pack_format<interleaved>} : vector<32xbf16> -> vector<16xf32>
      %unpack3A_907 = tpu.unpack_subelements %bitcast3A_904, 0 {pack_format = #tpu.pack_format<interleaved>} : vector<32xbf16> -> vector<16xf32>
      %unpack3A_908 = tpu.unpack_subelements %bitcast3A_904, 1 {pack_format = #tpu.pack_format<interleaved>} : vector<32xbf16> -> vector<16xf32>
      %add3A_909 = arith.addf %get3A_59, %unpack3A_908 : vector<16xf32>
      %ge3A_910 = arith.constant 0.000000e+00 : f32
      %ge3A_911 = vector.broadcast %ge3A_910 : f32 to vector<16xf32>
      %ge3A_912 = arith.cmpf oge, %add3A_909, %ge3A_911 : vector<16xf32>
      %mul3A_913 = arith.constant 2.000000e-01 : f32
      %mul3A_914 = vector.broadcast %mul3A_913 : f32 to vector<16xf32>
      %mul3A_915 = arith.mulf %add3A_909, %mul3A_914 : vector<16xf32>
      %select_n3A_916 = arith.select %ge3A_912, %add3A_909, %mul3A_915 : vector<16xi1>, vector<16xf32>
      %add3A_917 = arith.addf %unpack3A_905, %unpack3A_908 : vector<16xf32>
      %ge3A_918 = arith.constant 0.000000e+00 : f32
      %ge3A_919 = vector.broadcast %ge3A_918 : f32 to vector<16xf32>
      %ge3A_920 = arith.cmpf oge, %add3A_917, %ge3A_919 : vector<16xf32>
      %mul3A_921 = arith.constant 2.000000e-01 : f32
      %mul3A_922 = vector.broadcast %mul3A_921 : f32 to vector<16xf32>
      %mul3A_923 = arith.mulf %add3A_917, %mul3A_922 : vector<16xf32>
      %select_n3A_924 = arith.select %ge3A_920, %add3A_917, %mul3A_923 : vector<16xi1>, vector<16xf32>
      %add3A_925 = arith.addi %select_n3A_11, %mul3A_715 : i32
      %lt3A_926 = arith.constant 5000 : i32
      %lt3A_927 = arith.cmpi slt, %add3A_925, %lt3A_926 : i32
      %sub3A_928 = arith.subf %select_n3A_924, %select_n3A_916 : vector<16xf32>
      %exp3A_929 = math.exp %sub3A_928 : vector<16xf32>
      %jit3A_930 = arith.constant 0.000000e+00 : f32
      %broadcast_in_dim3A_931 = vector.broadcast %jit3A_930 : f32 to vector<16xf32>
      %select_n3A_932 = arith.select %lt3A_927, %exp3A_929, %broadcast_in_dim3A_931 : vector<16xf32>
      %swap3A_933 = arith.constant 48 : index
      %swap3A_934 = tpu.vector_load %arg14[%swap3A_933] {strides = array<i32>} : memref<64xf32, #tpu.memory_space<vmem>>, vector<16xf32>,
      tpu.vector_store %arg14[%swap3A_933], %select_n3A_932 {strides = array<i32>} : memref<64xf32, #tpu.memory_space<vmem>>, vector<16xf32>,
      %swap3A_935 = arith.constant 0 : i32
      %swap3A_936 = arith.index_cast %swap3A_935 : i32 to index
      %swap3A_937 = arith.constant 48 : index
      %swap3A_938 = tpu.vector_load %arg12[%swap3A_936, %swap3A_937] {strides = array<i32>} : memref<1x64xi32, #tpu.memory_space<vmem>>, vector<16xi32>,
      tpu.vector_store %arg12[%swap3A_936, %swap3A_937], %get3A_900 {strides = array<i32>} : memref<1x64xi32, #tpu.memory_space<vmem>>, vector<16xi32>,
      %scan3A_939 = arith.constant 0 : i32
      %scan3A_940 = arith.constant 16 : i32
      %scan3A_941 = arith.addi %scan3A_939, %scan3A_940 : i32
      %scan3A_942 = arith.constant 1 : i32
      scf.for %scan3A_1258 = %scan3A_939 to %scan3A_941 step %scan3A_942  : i32 {
        %mul3A_1259 = arith.constant 1 : i32
        %mul3A_1260 = arith.muli %scan3A_1258, %mul3A_1259 : i32
        %add3A_1261 = arith.constant 0 : i32
        %add3A_1262 = arith.addi %add3A_1261, %mul3A_1260 : i32
        %add3A_1263 = arith.constant 0 : i32
        %add3A_1264 = arith.addi %add3A_1263, %add3A_1262 : i32
        %broadcast_in_dim3A_1265 = vector.broadcast %add3A_1262 : i32 to vector<16x1xi32>
        %gather3A_1266 = vector.shape_cast %broadcast_in_dim3A_1265 : vector<16x1xi32> to vector<16xi32>
        %gather3A_1267 = tpu.dynamic_gather %select_n3A_794[%gather3A_1266] in [0] : vector<16xf32>, vector<16xi32> -> vector<16xf32>
        %get3A_1268 = arith.index_cast %add3A_1264 : i32 to index
        %get3A_1269 = arith.constant 0 : index
        %get3A_1270 = tpu.vector_load %arg20[%get3A_1268, %get3A_1269] {strides = array<i32>} : memref<64x128xf32, #tpu.memory_space<vmem>>, vector<16xf32>,
        %mul3A_1271 = arith.mulf %get3A_1270, %gather3A_1267 : vector<16xf32>
        %swap3A_1272 = arith.index_cast %add3A_1264 : i32 to index
        %swap3A_1273 = arith.constant 0 : index
        %swap3A_1274 = tpu.vector_load %arg20[%swap3A_1272, %swap3A_1273] {strides = array<i32>} : memref<64x128xf32, #tpu.memory_space<vmem>>, vector<16xf32>,
        tpu.vector_store %arg20[%swap3A_1272, %swap3A_1273], %mul3A_1271 {strides = array<i32>} : memref<64x128xf32, #tpu.memory_space<vmem>>, vector<16xf32>,
        %get3A_1275 = arith.index_cast %add3A_1264 : i32 to index
        %get3A_1276 = arith.constant 16 : index
        %get3A_1277 = tpu.vector_load %arg20[%get3A_1275, %get3A_1276] {strides = array<i32>} : memref<64x128xf32, #tpu.memory_space<vmem>>, vector<16xf32>,
        %mul3A_1278 = arith.mulf %get3A_1277, %gather3A_1267 : vector<16xf32>
        %swap3A_1279 = arith.index_cast %add3A_1264 : i32 to index
        %swap3A_1280 = arith.constant 16 : index
        %swap3A_1281 = tpu.vector_load %arg20[%swap3A_1279, %swap3A_1280] {strides = array<i32>} : memref<64x128xf32, #tpu.memory_space<vmem>>, vector<16xf32>,
        tpu.vector_store %arg20[%swap3A_1279, %swap3A_1280], %mul3A_1278 {strides = array<i32>} : memref<64x128xf32, #tpu.memory_space<vmem>>, vector<16xf32>,
        %get3A_1282 = arith.index_cast %add3A_1264 : i32 to index
        %get3A_1283 = arith.constant 32 : index
        %get3A_1284 = tpu.vector_load %arg20[%get3A_1282, %get3A_1283] {strides = array<i32>} : memref<64x128xf32, #tpu.memory_space<vmem>>, vector<16xf32>,
        %mul3A_1285 = arith.mulf %get3A_1284, %gather3A_1267 : vector<16xf32>
        %swap3A_1286 = arith.index_cast %add3A_1264 : i32 to index
        %swap3A_1287 = arith.constant 32 : index
        %swap3A_1288 = tpu.vector_load %arg20[%swap3A_1286, %swap3A_1287] {strides = array<i32>} : memref<64x128xf32, #tpu.memory_space<vmem>>, vector<16xf32>,
        tpu.vector_store %arg20[%swap3A_1286, %swap3A_1287], %mul3A_1285 {strides = array<i32>} : memref<64x128xf32, #tpu.memory_space<vmem>>, vector<16xf32>,
        %get3A_1289 = arith.index_cast %add3A_1264 : i32 to index
        %get3A_1290 = arith.constant 48 : index
        %get3A_1291 = tpu.vector_load %arg20[%get3A_1289, %get3A_1290] {strides = array<i32>} : memref<64x128xf32, #tpu.memory_space<vmem>>, vector<16xf32>,
        %mul3A_1292 = arith.mulf %get3A_1291, %gather3A_1267 : vector<16xf32>
        %swap3A_1293 = arith.index_cast %add3A_1264 : i32 to index
        %swap3A_1294 = arith.constant 48 : index
        %swap3A_1295 = tpu.vector_load %arg20[%swap3A_1293, %swap3A_1294] {strides = array<i32>} : memref<64x128xf32, #tpu.memory_space<vmem>>, vector<16xf32>,
        tpu.vector_store %arg20[%swap3A_1293, %swap3A_1294], %mul3A_1292 {strides = array<i32>} : memref<64x128xf32, #tpu.memory_space<vmem>>, vector<16xf32>,
        %get3A_1296 = arith.index_cast %add3A_1264 : i32 to index
        %get3A_1297 = arith.constant 64 : index
        %get3A_1298 = tpu.vector_load %arg20[%get3A_1296, %get3A_1297] {strides = array<i32>} : memref<64x128xf32, #tpu.memory_space<vmem>>, vector<16xf32>,
        %mul3A_1299 = arith.mulf %get3A_1298, %gather3A_1267 : vector<16xf32>
        %swap3A_1300 = arith.index_cast %add3A_1264 : i32 to index
        %swap3A_1301 = arith.constant 64 : index
        %swap3A_1302 = tpu.vector_load %arg20[%swap3A_1300, %swap3A_1301] {strides = array<i32>} : memref<64x128xf32, #tpu.memory_space<vmem>>, vector<16xf32>,
        tpu.vector_store %arg20[%swap3A_1300, %swap3A_1301], %mul3A_1299 {strides = array<i32>} : memref<64x128xf32, #tpu.memory_space<vmem>>, vector<16xf32>,
        %get3A_1303 = arith.index_cast %add3A_1264 : i32 to index
        %get3A_1304 = arith.constant 80 : index
        %get3A_1305 = tpu.vector_load %arg20[%get3A_1303, %get3A_1304] {strides = array<i32>} : memref<64x128xf32, #tpu.memory_space<vmem>>, vector<16xf32>,
        %mul3A_1306 = arith.mulf %get3A_1305, %gather3A_1267 : vector<16xf32>
        %swap3A_1307 = arith.index_cast %add3A_1264 : i32 to index
        %swap3A_1308 = arith.constant 80 : index
        %swap3A_1309 = tpu.vector_load %arg20[%swap3A_1307, %swap3A_1308] {strides = array<i32>} : memref<64x128xf32, #tpu.memory_space<vmem>>, vector<16xf32>,
        tpu.vector_store %arg20[%swap3A_1307, %swap3A_1308], %mul3A_1306 {strides = array<i32>} : memref<64x128xf32, #tpu.memory_space<vmem>>, vector<16xf32>,
        %get3A_1310 = arith.index_cast %add3A_1264 : i32 to index
        %get3A_1311 = arith.constant 96 : index
        %get3A_1312 = tpu.vector_load %arg20[%get3A_1310, %get3A_1311] {strides = array<i32>} : memref<64x128xf32, #tpu.memory_space<vmem>>, vector<16xf32>,
        %mul3A_1313 = arith.mulf %get3A_1312, %gather3A_1267 : vector<16xf32>
        %swap3A_1314 = arith.index_cast %add3A_1264 : i32 to index
        %swap3A_1315 = arith.constant 96 : index
        %swap3A_1316 = tpu.vector_load %arg20[%swap3A_1314, %swap3A_1315] {strides = array<i32>} : memref<64x128xf32, #tpu.memory_space<vmem>>, vector<16xf32>,
        tpu.vector_store %arg20[%swap3A_1314, %swap3A_1315], %mul3A_1313 {strides = array<i32>} : memref<64x128xf32, #tpu.memory_space<vmem>>, vector<16xf32>,
        %get3A_1317 = arith.index_cast %add3A_1264 : i32 to index
        %get3A_1318 = arith.constant 112 : index
        %get3A_1319 = tpu.vector_load %arg20[%get3A_1317, %get3A_1318] {strides = array<i32>} : memref<64x128xf32, #tpu.memory_space<vmem>>, vector<16xf32>,
        %mul3A_1320 = arith.mulf %get3A_1319, %gather3A_1267 : vector<16xf32>
        %swap3A_1321 = arith.index_cast %add3A_1264 : i32 to index
        %swap3A_1322 = arith.constant 112 : index
        %swap3A_1323 = tpu.vector_load %arg20[%swap3A_1321, %swap3A_1322] {strides = array<i32>} : memref<64x128xf32, #tpu.memory_space<vmem>>, vector<16xf32>,
        tpu.vector_store %arg20[%swap3A_1321, %swap3A_1322], %mul3A_1320 {strides = array<i32>} : memref<64x128xf32, #tpu.memory_space<vmem>>, vector<16xf32>,
      }
      %scan3A_943 = arith.constant 16 : i32
      %scan3A_944 = arith.constant 0 : i32
      %scan3A_945 = arith.constant 16 : i32
      %scan3A_946 = arith.addi %scan3A_944, %scan3A_945 : i32
      %scan3A_947 = arith.constant 1 : i32
      scf.for %scan3A_1258 = %scan3A_944 to %scan3A_946 step %scan3A_947  : i32 {
        %mul3A_1259 = arith.constant 1 : i32
        %mul3A_1260 = arith.muli %scan3A_1258, %mul3A_1259 : i32
        %add3A_1261 = arith.constant 0 : i32
        %add3A_1262 = arith.addi %add3A_1261, %mul3A_1260 : i32
        %add3A_1263 = arith.constant 16 : i32
        %add3A_1264 = arith.addi %add3A_1263, %add3A_1262 : i32
        %broadcast_in_dim3A_1265 = vector.broadcast %add3A_1262 : i32 to vector<16x1xi32>
        %gather3A_1266 = vector.shape_cast %broadcast_in_dim3A_1265 : vector<16x1xi32> to vector<16xi32>
        %gather3A_1267 = tpu.dynamic_gather %select_n3A_840[%gather3A_1266] in [0] : vector<16xf32>, vector<16xi32> -> vector<16xf32>
        %get3A_1268 = arith.index_cast %add3A_1264 : i32 to index
        %get3A_1269 = arith.constant 0 : index
        %get3A_1270 = tpu.vector_load %arg20[%get3A_1268, %get3A_1269] {strides = array<i32>} : memref<64x128xf32, #tpu.memory_space<vmem>>, vector<16xf32>,
        %mul3A_1271 = arith.mulf %get3A_1270, %gather3A_1267 : vector<16xf32>
        %swap3A_1272 = arith.index_cast %add3A_1264 : i32 to index
        %swap3A_1273 = arith.constant 0 : index
        %swap3A_1274 = tpu.vector_load %arg20[%swap3A_1272, %swap3A_1273] {strides = array<i32>} : memref<64x128xf32, #tpu.memory_space<vmem>>, vector<16xf32>,
        tpu.vector_store %arg20[%swap3A_1272, %swap3A_1273], %mul3A_1271 {strides = array<i32>} : memref<64x128xf32, #tpu.memory_space<vmem>>, vector<16xf32>,
        %get3A_1275 = arith.index_cast %add3A_1264 : i32 to index
        %get3A_1276 = arith.constant 16 : index
        %get3A_1277 = tpu.vector_load %arg20[%get3A_1275, %get3A_1276] {strides = array<i32>} : memref<64x128xf32, #tpu.memory_space<vmem>>, vector<16xf32>,
        %mul3A_1278 = arith.mulf %get3A_1277, %gather3A_1267 : vector<16xf32>
        %swap3A_1279 = arith.index_cast %add3A_1264 : i32 to index
        %swap3A_1280 = arith.constant 16 : index
        %swap3A_1281 = tpu.vector_load %arg20[%swap3A_1279, %swap3A_1280] {strides = array<i32>} : memref<64x128xf32, #tpu.memory_space<vmem>>, vector<16xf32>,
        tpu.vector_store %arg20[%swap3A_1279, %swap3A_1280], %mul3A_1278 {strides = array<i32>} : memref<64x128xf32, #tpu.memory_space<vmem>>, vector<16xf32>,
        %get3A_1282 = arith.index_cast %add3A_1264 : i32 to index
        %get3A_1283 = arith.constant 32 : index
        %get3A_1284 = tpu.vector_load %arg20[%get3A_1282, %get3A_1283] {strides = array<i32>} : memref<64x128xf32, #tpu.memory_space<vmem>>, vector<16xf32>,
        %mul3A_1285 = arith.mulf %get3A_1284, %gather3A_1267 : vector<16xf32>
        %swap3A_1286 = arith.index_cast %add3A_1264 : i32 to index
        %swap3A_1287 = arith.constant 32 : index
        %swap3A_1288 = tpu.vector_load %arg20[%swap3A_1286, %swap3A_1287] {strides = array<i32>} : memref<64x128xf32, #tpu.memory_space<vmem>>, vector<16xf32>,
        tpu.vector_store %arg20[%swap3A_1286, %swap3A_1287], %mul3A_1285 {strides = array<i32>} : memref<64x128xf32, #tpu.memory_space<vmem>>, vector<16xf32>,
        %get3A_1289 = arith.index_cast %add3A_1264 : i32 to index
        %get3A_1290 = arith.constant 48 : index
        %get3A_1291 = tpu.vector_load %arg20[%get3A_1289, %get3A_1290] {strides = array<i32>} : memref<64x128xf32, #tpu.memory_space<vmem>>, vector<16xf32>,
        %mul3A_1292 = arith.mulf %get3A_1291, %gather3A_1267 : vector<16xf32>
        %swap3A_1293 = arith.index_cast %add3A_1264 : i32 to index
        %swap3A_1294 = arith.constant 48 : index
        %swap3A_1295 = tpu.vector_load %arg20[%swap3A_1293, %swap3A_1294] {strides = array<i32>} : memref<64x128xf32, #tpu.memory_space<vmem>>, vector<16xf32>,
        tpu.vector_store %arg20[%swap3A_1293, %swap3A_1294], %mul3A_1292 {strides = array<i32>} : memref<64x128xf32, #tpu.memory_space<vmem>>, vector<16xf32>,
        %get3A_1296 = arith.index_cast %add3A_1264 : i32 to index
        %get3A_1297 = arith.constant 64 : index
        %get3A_1298 = tpu.vector_load %arg20[%get3A_1296, %get3A_1297] {strides = array<i32>} : memref<64x128xf32, #tpu.memory_space<vmem>>, vector<16xf32>,
        %mul3A_1299 = arith.mulf %get3A_1298, %gather3A_1267 : vector<16xf32>
        %swap3A_1300 = arith.index_cast %add3A_1264 : i32 to index
        %swap3A_1301 = arith.constant 64 : index
        %swap3A_1302 = tpu.vector_load %arg20[%swap3A_1300, %swap3A_1301] {strides = array<i32>} : memref<64x128xf32, #tpu.memory_space<vmem>>, vector<16xf32>,
        tpu.vector_store %arg20[%swap3A_1300, %swap3A_1301], %mul3A_1299 {strides = array<i32>} : memref<64x128xf32, #tpu.memory_space<vmem>>, vector<16xf32>,
        %get3A_1303 = arith.index_cast %add3A_1264 : i32 to index
        %get3A_1304 = arith.constant 80 : index
        %get3A_1305 = tpu.vector_load %arg20[%get3A_1303, %get3A_1304] {strides = array<i32>} : memref<64x128xf32, #tpu.memory_space<vmem>>, vector<16xf32>,
        %mul3A_1306 = arith.mulf %get3A_1305, %gather3A_1267 : vector<16xf32>
        %swap3A_1307 = arith.index_cast %add3A_1264 : i32 to index
        %swap3A_1308 = arith.constant 80 : index
        %swap3A_1309 = tpu.vector_load %arg20[%swap3A_1307, %swap3A_1308] {strides = array<i32>} : memref<64x128xf32, #tpu.memory_space<vmem>>, vector<16xf32>,
        tpu.vector_store %arg20[%swap3A_1307, %swap3A_1308], %mul3A_1306 {strides = array<i32>} : memref<64x128xf32, #tpu.memory_space<vmem>>, vector<16xf32>,
        %get3A_1310 = arith.index_cast %add3A_1264 : i32 to index
        %get3A_1311 = arith.constant 96 : index
        %get3A_1312 = tpu.vector_load %arg20[%get3A_1310, %get3A_1311] {strides = array<i32>} : memref<64x128xf32, #tpu.memory_space<vmem>>, vector<16xf32>,
        %mul3A_1313 = arith.mulf %get3A_1312, %gather3A_1267 : vector<16xf32>
        %swap3A_1314 = arith.index_cast %add3A_1264 : i32 to index
        %swap3A_1315 = arith.constant 96 : index
        %swap3A_1316 = tpu.vector_load %arg20[%swap3A_1314, %swap3A_1315] {strides = array<i32>} : memref<64x128xf32, #tpu.memory_space<vmem>>, vector<16xf32>,
        tpu.vector_store %arg20[%swap3A_1314, %swap3A_1315], %mul3A_1313 {strides = array<i32>} : memref<64x128xf32, #tpu.memory_space<vmem>>, vector<16xf32>,
        %get3A_1317 = arith.index_cast %add3A_1264 : i32 to index
        %get3A_1318 = arith.constant 112 : index
        %get3A_1319 = tpu.vector_load %arg20[%get3A_1317, %get3A_1318] {strides = array<i32>} : memref<64x128xf32, #tpu.memory_space<vmem>>, vector<16xf32>,
        %mul3A_1320 = arith.mulf %get3A_1319, %gather3A_1267 : vector<16xf32>
        %swap3A_1321 = arith.index_cast %add3A_1264 : i32 to index
        %swap3A_1322 = arith.constant 112 : index
        %swap3A_1323 = tpu.vector_load %arg20[%swap3A_1321, %swap3A_1322] {strides = array<i32>} : memref<64x128xf32, #tpu.memory_space<vmem>>, vector<16xf32>,
        tpu.vector_store %arg20[%swap3A_1321, %swap3A_1322], %mul3A_1320 {strides = array<i32>} : memref<64x128xf32, #tpu.memory_space<vmem>>, vector<16xf32>,
      }
      %scan3A_948 = arith.constant 16 : i32
      %scan3A_949 = arith.constant 0 : i32
      %scan3A_950 = arith.constant 16 : i32
      %scan3A_951 = arith.addi %scan3A_949, %scan3A_950 : i32
      %scan3A_952 = arith.constant 1 : i32
      scf.for %scan3A_1258 = %scan3A_949 to %scan3A_951 step %scan3A_952  : i32 {
        %mul3A_1259 = arith.constant 1 : i32
        %mul3A_1260 = arith.muli %scan3A_1258, %mul3A_1259 : i32
        %add3A_1261 = arith.constant 0 : i32
        %add3A_1262 = arith.addi %add3A_1261, %mul3A_1260 : i32
        %add3A_1263 = arith.constant 32 : i32
        %add3A_1264 = arith.addi %add3A_1263, %add3A_1262 : i32
        %broadcast_in_dim3A_1265 = vector.broadcast %add3A_1262 : i32 to vector<16x1xi32>
        %gather3A_1266 = vector.shape_cast %broadcast_in_dim3A_1265 : vector<16x1xi32> to vector<16xi32>
        %gather3A_1267 = tpu.dynamic_gather %select_n3A_886[%gather3A_1266] in [0] : vector<16xf32>, vector<16xi32> -> vector<16xf32>
        %get3A_1268 = arith.index_cast %add3A_1264 : i32 to index
        %get3A_1269 = arith.constant 0 : index
        %get3A_1270 = tpu.vector_load %arg20[%get3A_1268, %get3A_1269] {strides = array<i32>} : memref<64x128xf32, #tpu.memory_space<vmem>>, vector<16xf32>,
        %mul3A_1271 = arith.mulf %get3A_1270, %gather3A_1267 : vector<16xf32>
        %swap3A_1272 = arith.index_cast %add3A_1264 : i32 to index
        %swap3A_1273 = arith.constant 0 : index
        %swap3A_1274 = tpu.vector_load %arg20[%swap3A_1272, %swap3A_1273] {strides = array<i32>} : memref<64x128xf32, #tpu.memory_space<vmem>>, vector<16xf32>,
        tpu.vector_store %arg20[%swap3A_1272, %swap3A_1273], %mul3A_1271 {strides = array<i32>} : memref<64x128xf32, #tpu.memory_space<vmem>>, vector<16xf32>,
        %get3A_1275 = arith.index_cast %add3A_1264 : i32 to index
        %get3A_1276 = arith.constant 16 : index
        %get3A_1277 = tpu.vector_load %arg20[%get3A_1275, %get3A_1276] {strides = array<i32>} : memref<64x128xf32, #tpu.memory_space<vmem>>, vector<16xf32>,
        %mul3A_1278 = arith.mulf %get3A_1277, %gather3A_1267 : vector<16xf32>
        %swap3A_1279 = arith.index_cast %add3A_1264 : i32 to index
        %swap3A_1280 = arith.constant 16 : index
        %swap3A_1281 = tpu.vector_load %arg20[%swap3A_1279, %swap3A_1280] {strides = array<i32>} : memref<64x128xf32, #tpu.memory_space<vmem>>, vector<16xf32>,
        tpu.vector_store %arg20[%swap3A_1279, %swap3A_1280], %mul3A_1278 {strides = array<i32>} : memref<64x128xf32, #tpu.memory_space<vmem>>, vector<16xf32>,
        %get3A_1282 = arith.index_cast %add3A_1264 : i32 to index
        %get3A_1283 = arith.constant 32 : index
        %get3A_1284 = tpu.vector_load %arg20[%get3A_1282, %get3A_1283] {strides = array<i32>} : memref<64x128xf32, #tpu.memory_space<vmem>>, vector<16xf32>,
        %mul3A_1285 = arith.mulf %get3A_1284, %gather3A_1267 : vector<16xf32>
        %swap3A_1286 = arith.index_cast %add3A_1264 : i32 to index
        %swap3A_1287 = arith.constant 32 : index
        %swap3A_1288 = tpu.vector_load %arg20[%swap3A_1286, %swap3A_1287] {strides = array<i32>} : memref<64x128xf32, #tpu.memory_space<vmem>>, vector<16xf32>,
        tpu.vector_store %arg20[%swap3A_1286, %swap3A_1287], %mul3A_1285 {strides = array<i32>} : memref<64x128xf32, #tpu.memory_space<vmem>>, vector<16xf32>,
        %get3A_1289 = arith.index_cast %add3A_1264 : i32 to index
        %get3A_1290 = arith.constant 48 : index
        %get3A_1291 = tpu.vector_load %arg20[%get3A_1289, %get3A_1290] {strides = array<i32>} : memref<64x128xf32, #tpu.memory_space<vmem>>, vector<16xf32>,
        %mul3A_1292 = arith.mulf %get3A_1291, %gather3A_1267 : vector<16xf32>
        %swap3A_1293 = arith.index_cast %add3A_1264 : i32 to index
        %swap3A_1294 = arith.constant 48 : index
        %swap3A_1295 = tpu.vector_load %arg20[%swap3A_1293, %swap3A_1294] {strides = array<i32>} : memref<64x128xf32, #tpu.memory_space<vmem>>, vector<16xf32>,
        tpu.vector_store %arg20[%swap3A_1293, %swap3A_1294], %mul3A_1292 {strides = array<i32>} : memref<64x128xf32, #tpu.memory_space<vmem>>, vector<16xf32>,
        %get3A_1296 = arith.index_cast %add3A_1264 : i32 to index
        %get3A_1297 = arith.constant 64 : index
        %get3A_1298 = tpu.vector_load %arg20[%get3A_1296, %get3A_1297] {strides = array<i32>} : memref<64x128xf32, #tpu.memory_space<vmem>>, vector<16xf32>,
        %mul3A_1299 = arith.mulf %get3A_1298, %gather3A_1267 : vector<16xf32>
        %swap3A_1300 = arith.index_cast %add3A_1264 : i32 to index
        %swap3A_1301 = arith.constant 64 : index
        %swap3A_1302 = tpu.vector_load %arg20[%swap3A_1300, %swap3A_1301] {strides = array<i32>} : memref<64x128xf32, #tpu.memory_space<vmem>>, vector<16xf32>,
        tpu.vector_store %arg20[%swap3A_1300, %swap3A_1301], %mul3A_1299 {strides = array<i32>} : memref<64x128xf32, #tpu.memory_space<vmem>>, vector<16xf32>,
        %get3A_1303 = arith.index_cast %add3A_1264 : i32 to index
        %get3A_1304 = arith.constant 80 : index
        %get3A_1305 = tpu.vector_load %arg20[%get3A_1303, %get3A_1304] {strides = array<i32>} : memref<64x128xf32, #tpu.memory_space<vmem>>, vector<16xf32>,
        %mul3A_1306 = arith.mulf %get3A_1305, %gather3A_1267 : vector<16xf32>
        %swap3A_1307 = arith.index_cast %add3A_1264 : i32 to index
        %swap3A_1308 = arith.constant 80 : index
        %swap3A_1309 = tpu.vector_load %arg20[%swap3A_1307, %swap3A_1308] {strides = array<i32>} : memref<64x128xf32, #tpu.memory_space<vmem>>, vector<16xf32>,
        tpu.vector_store %arg20[%swap3A_1307, %swap3A_1308], %mul3A_1306 {strides = array<i32>} : memref<64x128xf32, #tpu.memory_space<vmem>>, vector<16xf32>,
        %get3A_1310 = arith.index_cast %add3A_1264 : i32 to index
        %get3A_1311 = arith.constant 96 : index
        %get3A_1312 = tpu.vector_load %arg20[%get3A_1310, %get3A_1311] {strides = array<i32>} : memref<64x128xf32, #tpu.memory_space<vmem>>, vector<16xf32>,
        %mul3A_1313 = arith.mulf %get3A_1312, %gather3A_1267 : vector<16xf32>
        %swap3A_1314 = arith.index_cast %add3A_1264 : i32 to index
        %swap3A_1315 = arith.constant 96 : index
        %swap3A_1316 = tpu.vector_load %arg20[%swap3A_1314, %swap3A_1315] {strides = array<i32>} : memref<64x128xf32, #tpu.memory_space<vmem>>, vector<16xf32>,
        tpu.vector_store %arg20[%swap3A_1314, %swap3A_1315], %mul3A_1313 {strides = array<i32>} : memref<64x128xf32, #tpu.memory_space<vmem>>, vector<16xf32>,
        %get3A_1317 = arith.index_cast %add3A_1264 : i32 to index
        %get3A_1318 = arith.constant 112 : index
        %get3A_1319 = tpu.vector_load %arg20[%get3A_1317, %get3A_1318] {strides = array<i32>} : memref<64x128xf32, #tpu.memory_space<vmem>>, vector<16xf32>,
        %mul3A_1320 = arith.mulf %get3A_1319, %gather3A_1267 : vector<16xf32>
        %swap3A_1321 = arith.index_cast %add3A_1264 : i32 to index
        %swap3A_1322 = arith.constant 112 : index
        %swap3A_1323 = tpu.vector_load %arg20[%swap3A_1321, %swap3A_1322] {strides = array<i32>} : memref<64x128xf32, #tpu.memory_space<vmem>>, vector<16xf32>,
        tpu.vector_store %arg20[%swap3A_1321, %swap3A_1322], %mul3A_1320 {strides = array<i32>} : memref<64x128xf32, #tpu.memory_space<vmem>>, vector<16xf32>,
      }
      %scan3A_953 = arith.constant 16 : i32
      %scan3A_954 = arith.constant 0 : i32
      %scan3A_955 = arith.constant 16 : i32
      %scan3A_956 = arith.addi %scan3A_954, %scan3A_955 : i32
      %scan3A_957 = arith.constant 1 : i32
      scf.for %scan3A_1258 = %scan3A_954 to %scan3A_956 step %scan3A_957  : i32 {
        %mul3A_1259 = arith.constant 1 : i32
        %mul3A_1260 = arith.muli %scan3A_1258, %mul3A_1259 : i32
        %add3A_1261 = arith.constant 0 : i32
        %add3A_1262 = arith.addi %add3A_1261, %mul3A_1260 : i32
        %add3A_1263 = arith.constant 48 : i32
        %add3A_1264 = arith.addi %add3A_1263, %add3A_1262 : i32
        %broadcast_in_dim3A_1265 = vector.broadcast %add3A_1262 : i32 to vector<16x1xi32>
        %gather3A_1266 = vector.shape_cast %broadcast_in_dim3A_1265 : vector<16x1xi32> to vector<16xi32>
        %gather3A_1267 = tpu.dynamic_gather %select_n3A_932[%gather3A_1266] in [0] : vector<16xf32>, vector<16xi32> -> vector<16xf32>
        %get3A_1268 = arith.index_cast %add3A_1264 : i32 to index
        %get3A_1269 = arith.constant 0 : index
        %get3A_1270 = tpu.vector_load %arg20[%get3A_1268, %get3A_1269] {strides = array<i32>} : memref<64x128xf32, #tpu.memory_space<vmem>>, vector<16xf32>,
        %mul3A_1271 = arith.mulf %get3A_1270, %gather3A_1267 : vector<16xf32>
        %swap3A_1272 = arith.index_cast %add3A_1264 : i32 to index
        %swap3A_1273 = arith.constant 0 : index
        %swap3A_1274 = tpu.vector_load %arg20[%swap3A_1272, %swap3A_1273] {strides = array<i32>} : memref<64x128xf32, #tpu.memory_space<vmem>>, vector<16xf32>,
        tpu.vector_store %arg20[%swap3A_1272, %swap3A_1273], %mul3A_1271 {strides = array<i32>} : memref<64x128xf32, #tpu.memory_space<vmem>>, vector<16xf32>,
        %get3A_1275 = arith.index_cast %add3A_1264 : i32 to index
        %get3A_1276 = arith.constant 16 : index
        %get3A_1277 = tpu.vector_load %arg20[%get3A_1275, %get3A_1276] {strides = array<i32>} : memref<64x128xf32, #tpu.memory_space<vmem>>, vector<16xf32>,
        %mul3A_1278 = arith.mulf %get3A_1277, %gather3A_1267 : vector<16xf32>
        %swap3A_1279 = arith.index_cast %add3A_1264 : i32 to index
        %swap3A_1280 = arith.constant 16 : index
        %swap3A_1281 = tpu.vector_load %arg20[%swap3A_1279, %swap3A_1280] {strides = array<i32>} : memref<64x128xf32, #tpu.memory_space<vmem>>, vector<16xf32>,
        tpu.vector_store %arg20[%swap3A_1279, %swap3A_1280], %mul3A_1278 {strides = array<i32>} : memref<64x128xf32, #tpu.memory_space<vmem>>, vector<16xf32>,
        %get3A_1282 = arith.index_cast %add3A_1264 : i32 to index
        %get3A_1283 = arith.constant 32 : index
        %get3A_1284 = tpu.vector_load %arg20[%get3A_1282, %get3A_1283] {strides = array<i32>} : memref<64x128xf32, #tpu.memory_space<vmem>>, vector<16xf32>,
        %mul3A_1285 = arith.mulf %get3A_1284, %gather3A_1267 : vector<16xf32>
        %swap3A_1286 = arith.index_cast %add3A_1264 : i32 to index
        %swap3A_1287 = arith.constant 32 : index
        %swap3A_1288 = tpu.vector_load %arg20[%swap3A_1286, %swap3A_1287] {strides = array<i32>} : memref<64x128xf32, #tpu.memory_space<vmem>>, vector<16xf32>,
        tpu.vector_store %arg20[%swap3A_1286, %swap3A_1287], %mul3A_1285 {strides = array<i32>} : memref<64x128xf32, #tpu.memory_space<vmem>>, vector<16xf32>,
        %get3A_1289 = arith.index_cast %add3A_1264 : i32 to index
        %get3A_1290 = arith.constant 48 : index
        %get3A_1291 = tpu.vector_load %arg20[%get3A_1289, %get3A_1290] {strides = array<i32>} : memref<64x128xf32, #tpu.memory_space<vmem>>, vector<16xf32>,
        %mul3A_1292 = arith.mulf %get3A_1291, %gather3A_1267 : vector<16xf32>
        %swap3A_1293 = arith.index_cast %add3A_1264 : i32 to index
        %swap3A_1294 = arith.constant 48 : index
        %swap3A_1295 = tpu.vector_load %arg20[%swap3A_1293, %swap3A_1294] {strides = array<i32>} : memref<64x128xf32, #tpu.memory_space<vmem>>, vector<16xf32>,
        tpu.vector_store %arg20[%swap3A_1293, %swap3A_1294], %mul3A_1292 {strides = array<i32>} : memref<64x128xf32, #tpu.memory_space<vmem>>, vector<16xf32>,
        %get3A_1296 = arith.index_cast %add3A_1264 : i32 to index
        %get3A_1297 = arith.constant 64 : index
        %get3A_1298 = tpu.vector_load %arg20[%get3A_1296, %get3A_1297] {strides = array<i32>} : memref<64x128xf32, #tpu.memory_space<vmem>>, vector<16xf32>,
        %mul3A_1299 = arith.mulf %get3A_1298, %gather3A_1267 : vector<16xf32>
        %swap3A_1300 = arith.index_cast %add3A_1264 : i32 to index
        %swap3A_1301 = arith.constant 64 : index
        %swap3A_1302 = tpu.vector_load %arg20[%swap3A_1300, %swap3A_1301] {strides = array<i32>} : memref<64x128xf32, #tpu.memory_space<vmem>>, vector<16xf32>,
        tpu.vector_store %arg20[%swap3A_1300, %swap3A_1301], %mul3A_1299 {strides = array<i32>} : memref<64x128xf32, #tpu.memory_space<vmem>>, vector<16xf32>,
        %get3A_1303 = arith.index_cast %add3A_1264 : i32 to index
        %get3A_1304 = arith.constant 80 : index
        %get3A_1305 = tpu.vector_load %arg20[%get3A_1303, %get3A_1304] {strides = array<i32>} : memref<64x128xf32, #tpu.memory_space<vmem>>, vector<16xf32>,
        %mul3A_1306 = arith.mulf %get3A_1305, %gather3A_1267 : vector<16xf32>
        %swap3A_1307 = arith.index_cast %add3A_1264 : i32 to index
        %swap3A_1308 = arith.constant 80 : index
        %swap3A_1309 = tpu.vector_load %arg20[%swap3A_1307, %swap3A_1308] {strides = array<i32>} : memref<64x128xf32, #tpu.memory_space<vmem>>, vector<16xf32>,
        tpu.vector_store %arg20[%swap3A_1307, %swap3A_1308], %mul3A_1306 {strides = array<i32>} : memref<64x128xf32, #tpu.memory_space<vmem>>, vector<16xf32>,
        %get3A_1310 = arith.index_cast %add3A_1264 : i32 to index
        %get3A_1311 = arith.constant 96 : index
        %get3A_1312 = tpu.vector_load %arg20[%get3A_1310, %get3A_1311] {strides = array<i32>} : memref<64x128xf32, #tpu.memory_space<vmem>>, vector<16xf32>,
        %mul3A_1313 = arith.mulf %get3A_1312, %gather3A_1267 : vector<16xf32>
        %swap3A_1314 = arith.index_cast %add3A_1264 : i32 to index
        %swap3A_1315 = arith.constant 96 : index
        %swap3A_1316 = tpu.vector_load %arg20[%swap3A_1314, %swap3A_1315] {strides = array<i32>} : memref<64x128xf32, #tpu.memory_space<vmem>>, vector<16xf32>,
        tpu.vector_store %arg20[%swap3A_1314, %swap3A_1315], %mul3A_1313 {strides = array<i32>} : memref<64x128xf32, #tpu.memory_space<vmem>>, vector<16xf32>,
        %get3A_1317 = arith.index_cast %add3A_1264 : i32 to index
        %get3A_1318 = arith.constant 112 : index
        %get3A_1319 = tpu.vector_load %arg20[%get3A_1317, %get3A_1318] {strides = array<i32>} : memref<64x128xf32, #tpu.memory_space<vmem>>, vector<16xf32>,
        %mul3A_1320 = arith.mulf %get3A_1319, %gather3A_1267 : vector<16xf32>
        %swap3A_1321 = arith.index_cast %add3A_1264 : i32 to index
        %swap3A_1322 = arith.constant 112 : index
        %swap3A_1323 = tpu.vector_load %arg20[%swap3A_1321, %swap3A_1322] {strides = array<i32>} : memref<64x128xf32, #tpu.memory_space<vmem>>, vector<16xf32>,
        tpu.vector_store %arg20[%swap3A_1321, %swap3A_1322], %mul3A_1320 {strides = array<i32>} : memref<64x128xf32, #tpu.memory_space<vmem>>, vector<16xf32>,
      }
      %scan3A_958 = arith.constant 16 : i32
      %dma_start3A_959 = arith.constant 0 : i32
      %dma_start3A_960 = arith.constant 0 : i32
      %dma_start3A_961 = tpu.memref_slice %arg12[%dma_start3A_959, %dma_start3A_960] : memref<1x64xi32, #tpu.memory_space<vmem>> -> memref<1x64xi32, #tpu.memory_space<vmem>>
      %dma_start3A_962 = tpu.memref_squeeze %dma_start3A_961 : memref<1x64xi32, #tpu.memory_space<vmem>> -> memref<64xi32, #tpu.memory_space<vmem>>
      %dma_start3A_963 = arith.constant 0 : i32
      %dma_start3A_964 = arith.constant 0 : i32
      %dma_start3A_965 = tpu.memref_slice %arg22[%dma_start3A_963, %dma_start3A_964] : memref<10112x128xf32, #tpu.memory_space<vmem_shared>> -> memref<10112x128xf32, #tpu.memory_space<vmem_shared>>
      tpu.enqueue_indirect_dma source(%arg20 : memref<64x128xf32, #tpu.memory_space<vmem>>) target(%dma_start3A_965 : memref<10112x128xf32, #tpu.memory_space<vmem_shared>>) offsets(%dma_start3A_962 : memref<64xi32, #tpu.memory_space<vmem>>) semaphore(%arg28 : memref<!tpu.dma_semaphore, #tpu.memory_space<semaphore_mem>>) {add = true}
      %dma_start3A_966 = arith.constant 0 : i32
      %dma_start3A_967 = arith.constant 0 : i32
      %dma_start3A_968 = tpu.memref_slice %arg12[%dma_start3A_966, %dma_start3A_967] : memref<1x64xi32, #tpu.memory_space<vmem>> -> memref<1x64xi32, #tpu.memory_space<vmem>>
      %dma_start3A_969 = tpu.memref_squeeze %dma_start3A_968 : memref<1x64xi32, #tpu.memory_space<vmem>> -> memref<64xi32, #tpu.memory_space<vmem>>
      %dma_start3A_970 = arith.constant 0 : i32
      %dma_start3A_971 = tpu.memref_slice %arg23[%dma_start3A_970] : memref<10112xf32, #tpu.memory_space<vmem_shared>> -> memref<10112xf32, #tpu.memory_space<vmem_shared>>
      tpu.enqueue_indirect_dma source(%arg14 : memref<64xf32, #tpu.memory_space<vmem>>) target(%dma_start3A_971 : memref<10112xf32, #tpu.memory_space<vmem_shared>>) offsets(%dma_start3A_969 : memref<64xi32, #tpu.memory_space<vmem>>) semaphore(%arg30 : memref<!tpu.dma_semaphore, #tpu.memory_space<semaphore_mem>>) {add = true}
      %add3A_972 = arith.constant 2 : i32
      %add3A_973 = arith.addi %mul3A_715, %add3A_972 : i32
      %add3A_974 = arith.addi %select_n3A_11, %add3A_973 : i32
      %min3A_975 = arith.constant 5119 : i32
      %min3A_976 = arith.minsi %add3A_974, %min3A_975 : i32
      %dma_start3A_977 = arith.constant 0 : i32
      %dma_start3A_978 = arith.constant 0 : i32
      %dma_start3A_979 = tpu.memref_slice %arg2[%min3A_976, %dma_start3A_977, %dma_start3A_978] : memref<5120x1x128xi32, #tpu.memory_space<hbm>> -> memref<1x1x128xi32, #tpu.memory_space<hbm>>
      %dma_start3A_980 = tpu.memref_squeeze %dma_start3A_979 : memref<1x1x128xi32, #tpu.memory_space<hbm>> -> memref<1x128xi32, #tpu.memory_space<hbm>>
      %dma_start3A_981 = arith.constant 0 : i32
      %dma_start3A_982 = arith.constant 0 : i32
      %dma_start3A_983 = tpu.memref_slice %arg2[%min3A_976, %dma_start3A_981, %dma_start3A_982] : memref<5120x1x128xi32, #tpu.memory_space<hbm>> -> memref<1x1x128xi32, #tpu.memory_space<hbm>>
      %dma_start3A_984 = tpu.memref_squeeze %dma_start3A_983 : memref<1x1x128xi32, #tpu.memory_space<hbm>> -> memref<1x128xi32, #tpu.memory_space<hbm>>
      tpu.enqueue_dma source(%dma_start3A_984 : memref<1x128xi32, #tpu.memory_space<hbm>>) target(%arg10 : memref<1x128xi32, #tpu.memory_space<vmem>>) target_semaphore(%arg24 : memref<!tpu.dma_semaphore, #tpu.memory_space<semaphore_mem>>)
      %mul3A_985 = arith.constant 2 : i32
      %mul3A_986 = arith.muli %mul3A_985, %add3A_713 : i32
      %add3A_987 = arith.constant 1 : i32
      %add3A_988 = arith.addi %mul3A_986, %add3A_987 : i32
      %add3A_989 = arith.constant 0 : i32
      %add3A_990 = arith.addi %select_n3A_11, %add3A_989 : i32
      %min3A_991 = arith.constant 5119 : i32
      %min3A_992 = arith.minsi %add3A_990, %min3A_991 : i32
      %dma_wait3A_993 = arith.constant 0 : i32
      %dma_wait3A_994 = arith.constant 0 : i32
      %dma_wait3A_995 = tpu.memref_slice %arg2[%min3A_992, %dma_wait3A_993, %dma_wait3A_994] : memref<5120x1x128xi32, #tpu.memory_space<hbm>> -> memref<1x1x128xi32, #tpu.memory_space<hbm>>
      %dma_wait3A_996 = tpu.memref_squeeze %dma_wait3A_995 : memref<1x1x128xi32, #tpu.memory_space<hbm>> -> memref<1x128xi32, #tpu.memory_space<hbm>>
      %dma_wait3A_997 = arith.constant 0 : i32
      %dma_wait3A_998 = arith.constant 0 : i32
      %dma_wait3A_999 = tpu.memref_slice %arg2[%min3A_992, %dma_wait3A_997, %dma_wait3A_998] : memref<5120x1x128xi32, #tpu.memory_space<hbm>> -> memref<1x1x128xi32, #tpu.memory_space<hbm>>
      %dma_wait3A_1000 = tpu.memref_squeeze %dma_wait3A_999 : memref<1x1x128xi32, #tpu.memory_space<hbm>> -> memref<1x128xi32, #tpu.memory_space<hbm>>
      tpu.wait_dma2 semaphore(%arg24 : memref<!tpu.dma_semaphore, #tpu.memory_space<semaphore_mem>>) src(%dma_wait3A_1000 : memref<1x128xi32, #tpu.memory_space<hbm>>) dst(%arg10 : memref<1x128xi32, #tpu.memory_space<vmem>>)
      %dma_wait3A_1001 = arith.constant 0 : i32
      %dma_wait3A_1002 = arith.constant 0 : i32
      %dma_wait3A_1003 = tpu.memref_slice %arg12[%dma_wait3A_1001, %dma_wait3A_1002] : memref<1x64xi32, #tpu.memory_space<vmem>> -> memref<1x64xi32, #tpu.memory_space<vmem>>
      %dma_wait3A_1004 = tpu.memref_squeeze %dma_wait3A_1003 : memref<1x64xi32, #tpu.memory_space<vmem>> -> memref<64xi32, #tpu.memory_space<vmem>>
      %dma_wait3A_1005 = arith.constant 0 : i32
      %dma_wait3A_1006 = arith.constant 0 : i32
      %dma_wait3A_1007 = tpu.memref_slice %arg22[%dma_wait3A_1005, %dma_wait3A_1006] : memref<10112x128xf32, #tpu.memory_space<vmem_shared>> -> memref<10112x128xf32, #tpu.memory_space<vmem_shared>>
      tpu.wait_indirect_dma semaphore(%arg28 : memref<!tpu.dma_semaphore, #tpu.memory_space<semaphore_mem>>) src(%arg20 : memref<64x128xf32, #tpu.memory_space<vmem>>) dst(%dma_wait3A_1007 : memref<10112x128xf32, #tpu.memory_space<vmem_shared>>)
      %dma_start3A_1008 = arith.constant 0 : i32
      %dma_start3A_1009 = arith.constant 0 : i32
      %dma_start3A_1010 = tpu.memref_slice %arg10[%dma_start3A_1008, %dma_start3A_1009] : memref<1x128xi32, #tpu.memory_space<vmem>> -> memref<1x64xi32, #tpu.memory_space<vmem>>
      %dma_start3A_1011 = tpu.memref_squeeze %dma_start3A_1010 : memref<1x64xi32, #tpu.memory_space<vmem>> -> memref<64xi32, #tpu.memory_space<vmem>>
      %dma_start3A_1012 = arith.constant 0 : i32
      %dma_start3A_1013 = arith.constant 0 : i32
      %dma_start3A_1014 = tpu.memref_slice %arg5[%dma_start3A_1012, %dma_start3A_1013] : memref<10000x128xf32, #tpu.memory_space<hbm>> -> memref<10000x128xf32, #tpu.memory_space<hbm>>
      tpu.enqueue_indirect_dma source(%dma_start3A_1014 : memref<10000x128xf32, #tpu.memory_space<hbm>>) target(%arg20 : memref<64x128xf32, #tpu.memory_space<vmem>>) offsets(%dma_start3A_1011 : memref<64xi32, #tpu.memory_space<vmem>>) semaphore(%arg26 : memref<!tpu.dma_semaphore, #tpu.memory_space<semaphore_mem>>)
      %dma_wait3A_1015 = arith.constant 0 : i32
      %dma_wait3A_1016 = arith.constant 0 : i32
      %dma_wait3A_1017 = tpu.memref_slice %arg13[%dma_wait3A_1015, %dma_wait3A_1016] : memref<1x64xi32, #tpu.memory_space<vmem>> -> memref<1x64xi32, #tpu.memory_space<vmem>>
      %dma_wait3A_1018 = tpu.memref_squeeze %dma_wait3A_1017 : memref<1x64xi32, #tpu.memory_space<vmem>> -> memref<64xi32, #tpu.memory_space<vmem>>
      %dma_wait3A_1019 = arith.constant 0 : i32
      %dma_wait3A_1020 = tpu.memref_slice %arg23[%dma_wait3A_1019] : memref<10112xf32, #tpu.memory_space<vmem_shared>> -> memref<10112xf32, #tpu.memory_space<vmem_shared>>
      tpu.wait_indirect_dma semaphore(%arg31 : memref<!tpu.dma_semaphore, #tpu.memory_space<semaphore_mem>>) src(%arg15 : memref<64xf32, #tpu.memory_space<vmem>>) dst(%dma_wait3A_1020 : memref<10112xf32, #tpu.memory_space<vmem_shared>>)
      %dma_wait3A_1021 = arith.constant 0 : i32
      %dma_wait3A_1022 = arith.constant 0 : i32
      %dma_wait3A_1023 = tpu.memref_slice %arg11[%dma_wait3A_1021, %dma_wait3A_1022] : memref<1x128xi32, #tpu.memory_space<vmem>> -> memref<1x64xi32, #tpu.memory_space<vmem>>
      %dma_wait3A_1024 = tpu.memref_squeeze %dma_wait3A_1023 : memref<1x64xi32, #tpu.memory_space<vmem>> -> memref<64xi32, #tpu.memory_space<vmem>>
      %dma_wait3A_1025 = arith.constant 0 : i32
      %dma_wait3A_1026 = arith.constant 0 : i32
      %dma_wait3A_1027 = tpu.memref_slice %arg5[%dma_wait3A_1025, %dma_wait3A_1026] : memref<10000x128xf32, #tpu.memory_space<hbm>> -> memref<10000x128xf32, #tpu.memory_space<hbm>>
      tpu.wait_indirect_dma semaphore(%arg27 : memref<!tpu.dma_semaphore, #tpu.memory_space<semaphore_mem>>) src(%dma_wait3A_1027 : memref<10000x128xf32, #tpu.memory_space<hbm>>) dst(%arg21 : memref<64x128xf32, #tpu.memory_space<vmem>>)
      %get3A_1028 = arith.constant 0 : i32
      %get3A_1029 = arith.index_cast %get3A_1028 : i32 to index
      %get3A_1030 = arith.constant 0 : index
      %get3A_1031 = tpu.vector_load %arg11[%get3A_1029, %get3A_1030] {strides = array<i32>} : memref<1x128xi32, #tpu.memory_space<vmem>>, vector<16xi32>,
      %get3A_1032 = arith.constant 0 : i32
      %get3A_1033 = arith.index_cast %get3A_1032 : i32 to index
      %get3A_1034 = arith.constant 64 : index
      %get3A_1035 = tpu.vector_load %arg11[%get3A_1033, %get3A_1034] {strides = array<i32>} : memref<1x128xi32, #tpu.memory_space<vmem>>, vector<16xi32>,
      %gather3A_1036 = tpu.vector_load_idx %arg16[%get3A_1031] : memref<10000xi32, #tpu.memory_space<vmem>>[vector<16xi32>], vector<16xi32>,
      %bitcast3A_1037 = vector.bitcast %gather3A_1036 : vector<16xi32> to vector<32xbf16>
      %gather3A_1038 = tpu.vector_load_idx %arg16[%get3A_1035] : memref<10000xi32, #tpu.memory_space<vmem>>[vector<16xi32>], vector<16xi32>,
      %bitcast3A_1039 = vector.bitcast %gather3A_1038 : vector<16xi32> to vector<32xbf16>
      %unpack3A_1040 = tpu.unpack_subelements %bitcast3A_1037, 0 {pack_format = #tpu.pack_format<interleaved>} : vector<32xbf16> -> vector<16xf32>
      %unpack3A_1041 = tpu.unpack_subelements %bitcast3A_1037, 1 {pack_format = #tpu.pack_format<interleaved>} : vector<32xbf16> -> vector<16xf32>
      %unpack3A_1042 = tpu.unpack_subelements %bitcast3A_1039, 0 {pack_format = #tpu.pack_format<interleaved>} : vector<32xbf16> -> vector<16xf32>
      %unpack3A_1043 = tpu.unpack_subelements %bitcast3A_1039, 1 {pack_format = #tpu.pack_format<interleaved>} : vector<32xbf16> -> vector<16xf32>
      %add3A_1044 = arith.addf %get3A_59, %unpack3A_1043 : vector<16xf32>
      %ge3A_1045 = arith.constant 0.000000e+00 : f32
      %ge3A_1046 = vector.broadcast %ge3A_1045 : f32 to vector<16xf32>
      %ge3A_1047 = arith.cmpf oge, %add3A_1044, %ge3A_1046 : vector<16xf32>
      %mul3A_1048 = arith.constant 2.000000e-01 : f32
      %mul3A_1049 = vector.broadcast %mul3A_1048 : f32 to vector<16xf32>
      %mul3A_1050 = arith.mulf %add3A_1044, %mul3A_1049 : vector<16xf32>
      %select_n3A_1051 = arith.select %ge3A_1047, %add3A_1044, %mul3A_1050 : vector<16xi1>, vector<16xf32>
      %add3A_1052 = arith.addf %unpack3A_1040, %unpack3A_1043 : vector<16xf32>
      %ge3A_1053 = arith.constant 0.000000e+00 : f32
      %ge3A_1054 = vector.broadcast %ge3A_1053 : f32 to vector<16xf32>
      %ge3A_1055 = arith.cmpf oge, %add3A_1052, %ge3A_1054 : vector<16xf32>
      %mul3A_1056 = arith.constant 2.000000e-01 : f32
      %mul3A_1057 = vector.broadcast %mul3A_1056 : f32 to vector<16xf32>
      %mul3A_1058 = arith.mulf %add3A_1052, %mul3A_1057 : vector<16xf32>
      %select_n3A_1059 = arith.select %ge3A_1055, %add3A_1052, %mul3A_1058 : vector<16xi1>, vector<16xf32>
      %add3A_1060 = arith.addi %select_n3A_11, %add3A_988 : i32
      %lt3A_1061 = arith.constant 5000 : i32
      %lt3A_1062 = arith.cmpi slt, %add3A_1060, %lt3A_1061 : i32
      %sub3A_1063 = arith.subf %select_n3A_1059, %select_n3A_1051 : vector<16xf32>
      %exp3A_1064 = math.exp %sub3A_1063 : vector<16xf32>
      %jit3A_1065 = arith.constant 0.000000e+00 : f32
      %broadcast_in_dim3A_1066 = vector.broadcast %jit3A_1065 : f32 to vector<16xf32>
      %select_n3A_1067 = arith.select %lt3A_1062, %exp3A_1064, %broadcast_in_dim3A_1066 : vector<16xf32>
      %swap3A_1068 = arith.constant 0 : index
      %swap3A_1069 = tpu.vector_load %arg15[%swap3A_1068] {strides = array<i32>} : memref<64xf32, #tpu.memory_space<vmem>>, vector<16xf32>,
      tpu.vector_store %arg15[%swap3A_1068], %select_n3A_1067 {strides = array<i32>} : memref<64xf32, #tpu.memory_space<vmem>>, vector<16xf32>,
      %swap3A_1070 = arith.constant 0 : i32
      %swap3A_1071 = arith.index_cast %swap3A_1070 : i32 to index
      %swap3A_1072 = arith.constant 0 : index
      %swap3A_1073 = tpu.vector_load %arg13[%swap3A_1071, %swap3A_1072] {strides = array<i32>} : memref<1x64xi32, #tpu.memory_space<vmem>>, vector<16xi32>,
      tpu.vector_store %arg13[%swap3A_1071, %swap3A_1072], %get3A_1035 {strides = array<i32>} : memref<1x64xi32, #tpu.memory_space<vmem>>, vector<16xi32>,
      %get3A_1074 = arith.constant 0 : i32
      %get3A_1075 = arith.index_cast %get3A_1074 : i32 to index
      %get3A_1076 = arith.constant 16 : index
      %get3A_1077 = tpu.vector_load %arg11[%get3A_1075, %get3A_1076] {strides = array<i32>} : memref<1x128xi32, #tpu.memory_space<vmem>>, vector<16xi32>,
      %get3A_1078 = arith.constant 0 : i32
      %get3A_1079 = arith.index_cast %get3A_1078 : i32 to index
      %get3A_1080 = arith.constant 80 : index
      %get3A_1081 = tpu.vector_load %arg11[%get3A_1079, %get3A_1080] {strides = array<i32>} : memref<1x128xi32, #tpu.memory_space<vmem>>, vector<16xi32>,
      %gather3A_1082 = tpu.vector_load_idx %arg16[%get3A_1077] : memref<10000xi32, #tpu.memory_space<vmem>>[vector<16xi32>], vector<16xi32>,
      %bitcast3A_1083 = vector.bitcast %gather3A_1082 : vector<16xi32> to vector<32xbf16>
      %gather3A_1084 = tpu.vector_load_idx %arg16[%get3A_1081] : memref<10000xi32, #tpu.memory_space<vmem>>[vector<16xi32>], vector<16xi32>,
      %bitcast3A_1085 = vector.bitcast %gather3A_1084 : vector<16xi32> to vector<32xbf16>
      %unpack3A_1086 = tpu.unpack_subelements %bitcast3A_1083, 0 {pack_format = #tpu.pack_format<interleaved>} : vector<32xbf16> -> vector<16xf32>
      %unpack3A_1087 = tpu.unpack_subelements %bitcast3A_1083, 1 {pack_format = #tpu.pack_format<interleaved>} : vector<32xbf16> -> vector<16xf32>
      %unpack3A_1088 = tpu.unpack_subelements %bitcast3A_1085, 0 {pack_format = #tpu.pack_format<interleaved>} : vector<32xbf16> -> vector<16xf32>
      %unpack3A_1089 = tpu.unpack_subelements %bitcast3A_1085, 1 {pack_format = #tpu.pack_format<interleaved>} : vector<32xbf16> -> vector<16xf32>
      %add3A_1090 = arith.addf %get3A_59, %unpack3A_1089 : vector<16xf32>
      %ge3A_1091 = arith.constant 0.000000e+00 : f32
      %ge3A_1092 = vector.broadcast %ge3A_1091 : f32 to vector<16xf32>
      %ge3A_1093 = arith.cmpf oge, %add3A_1090, %ge3A_1092 : vector<16xf32>
      %mul3A_1094 = arith.constant 2.000000e-01 : f32
      %mul3A_1095 = vector.broadcast %mul3A_1094 : f32 to vector<16xf32>
      %mul3A_1096 = arith.mulf %add3A_1090, %mul3A_1095 : vector<16xf32>
      %select_n3A_1097 = arith.select %ge3A_1093, %add3A_1090, %mul3A_1096 : vector<16xi1>, vector<16xf32>
      %add3A_1098 = arith.addf %unpack3A_1086, %unpack3A_1089 : vector<16xf32>
      %ge3A_1099 = arith.constant 0.000000e+00 : f32
      %ge3A_1100 = vector.broadcast %ge3A_1099 : f32 to vector<16xf32>
      %ge3A_1101 = arith.cmpf oge, %add3A_1098, %ge3A_1100 : vector<16xf32>
      %mul3A_1102 = arith.constant 2.000000e-01 : f32
      %mul3A_1103 = vector.broadcast %mul3A_1102 : f32 to vector<16xf32>
      %mul3A_1104 = arith.mulf %add3A_1098, %mul3A_1103 : vector<16xf32>
      %select_n3A_1105 = arith.select %ge3A_1101, %add3A_1098, %mul3A_1104 : vector<16xi1>, vector<16xf32>
      %add3A_1106 = arith.addi %select_n3A_11, %add3A_988 : i32
      %lt3A_1107 = arith.constant 5000 : i32
      %lt3A_1108 = arith.cmpi slt, %add3A_1106, %lt3A_1107 : i32
      %sub3A_1109 = arith.subf %select_n3A_1105, %select_n3A_1097 : vector<16xf32>
      %exp3A_1110 = math.exp %sub3A_1109 : vector<16xf32>
      %jit3A_1111 = arith.constant 0.000000e+00 : f32
      %broadcast_in_dim3A_1112 = vector.broadcast %jit3A_1111 : f32 to vector<16xf32>
      %select_n3A_1113 = arith.select %lt3A_1108, %exp3A_1110, %broadcast_in_dim3A_1112 : vector<16xf32>
      %swap3A_1114 = arith.constant 16 : index
      %swap3A_1115 = tpu.vector_load %arg15[%swap3A_1114] {strides = array<i32>} : memref<64xf32, #tpu.memory_space<vmem>>, vector<16xf32>,
      tpu.vector_store %arg15[%swap3A_1114], %select_n3A_1113 {strides = array<i32>} : memref<64xf32, #tpu.memory_space<vmem>>, vector<16xf32>,
      %swap3A_1116 = arith.constant 0 : i32
      %swap3A_1117 = arith.index_cast %swap3A_1116 : i32 to index
      %swap3A_1118 = arith.constant 16 : index
      %swap3A_1119 = tpu.vector_load %arg13[%swap3A_1117, %swap3A_1118] {strides = array<i32>} : memref<1x64xi32, #tpu.memory_space<vmem>>, vector<16xi32>,
      tpu.vector_store %arg13[%swap3A_1117, %swap3A_1118], %get3A_1081 {strides = array<i32>} : memref<1x64xi32, #tpu.memory_space<vmem>>, vector<16xi32>,
      %get3A_1120 = arith.constant 0 : i32
      %get3A_1121 = arith.index_cast %get3A_1120 : i32 to index
      %get3A_1122 = arith.constant 32 : index
      %get3A_1123 = tpu.vector_load %arg11[%get3A_1121, %get3A_1122] {strides = array<i32>} : memref<1x128xi32, #tpu.memory_space<vmem>>, vector<16xi32>,
      %get3A_1124 = arith.constant 0 : i32
      %get3A_1125 = arith.index_cast %get3A_1124 : i32 to index
      %get3A_1126 = arith.constant 96 : index
      %get3A_1127 = tpu.vector_load %arg11[%get3A_1125, %get3A_1126] {strides = array<i32>} : memref<1x128xi32, #tpu.memory_space<vmem>>, vector<16xi32>,
      %gather3A_1128 = tpu.vector_load_idx %arg16[%get3A_1123] : memref<10000xi32, #tpu.memory_space<vmem>>[vector<16xi32>], vector<16xi32>,
      %bitcast3A_1129 = vector.bitcast %gather3A_1128 : vector<16xi32> to vector<32xbf16>
      %gather3A_1130 = tpu.vector_load_idx %arg16[%get3A_1127] : memref<10000xi32, #tpu.memory_space<vmem>>[vector<16xi32>], vector<16xi32>,
      %bitcast3A_1131 = vector.bitcast %gather3A_1130 : vector<16xi32> to vector<32xbf16>
      %unpack3A_1132 = tpu.unpack_subelements %bitcast3A_1129, 0 {pack_format = #tpu.pack_format<interleaved>} : vector<32xbf16> -> vector<16xf32>
      %unpack3A_1133 = tpu.unpack_subelements %bitcast3A_1129, 1 {pack_format = #tpu.pack_format<interleaved>} : vector<32xbf16> -> vector<16xf32>
      %unpack3A_1134 = tpu.unpack_subelements %bitcast3A_1131, 0 {pack_format = #tpu.pack_format<interleaved>} : vector<32xbf16> -> vector<16xf32>
      %unpack3A_1135 = tpu.unpack_subelements %bitcast3A_1131, 1 {pack_format = #tpu.pack_format<interleaved>} : vector<32xbf16> -> vector<16xf32>
      %add3A_1136 = arith.addf %get3A_59, %unpack3A_1135 : vector<16xf32>
      %ge3A_1137 = arith.constant 0.000000e+00 : f32
      %ge3A_1138 = vector.broadcast %ge3A_1137 : f32 to vector<16xf32>
      %ge3A_1139 = arith.cmpf oge, %add3A_1136, %ge3A_1138 : vector<16xf32>
      %mul3A_1140 = arith.constant 2.000000e-01 : f32
      %mul3A_1141 = vector.broadcast %mul3A_1140 : f32 to vector<16xf32>
      %mul3A_1142 = arith.mulf %add3A_1136, %mul3A_1141 : vector<16xf32>
      %select_n3A_1143 = arith.select %ge3A_1139, %add3A_1136, %mul3A_1142 : vector<16xi1>, vector<16xf32>
      %add3A_1144 = arith.addf %unpack3A_1132, %unpack3A_1135 : vector<16xf32>
      %ge3A_1145 = arith.constant 0.000000e+00 : f32
      %ge3A_1146 = vector.broadcast %ge3A_1145 : f32 to vector<16xf32>
      %ge3A_1147 = arith.cmpf oge, %add3A_1144, %ge3A_1146 : vector<16xf32>
      %mul3A_1148 = arith.constant 2.000000e-01 : f32
      %mul3A_1149 = vector.broadcast %mul3A_1148 : f32 to vector<16xf32>
      %mul3A_1150 = arith.mulf %add3A_1144, %mul3A_1149 : vector<16xf32>
      %select_n3A_1151 = arith.select %ge3A_1147, %add3A_1144, %mul3A_1150 : vector<16xi1>, vector<16xf32>
      %add3A_1152 = arith.addi %select_n3A_11, %add3A_988 : i32
      %lt3A_1153 = arith.constant 5000 : i32
      %lt3A_1154 = arith.cmpi slt, %add3A_1152, %lt3A_1153 : i32
      %sub3A_1155 = arith.subf %select_n3A_1151, %select_n3A_1143 : vector<16xf32>
      %exp3A_1156 = math.exp %sub3A_1155 : vector<16xf32>
      %jit3A_1157 = arith.constant 0.000000e+00 : f32
      %broadcast_in_dim3A_1158 = vector.broadcast %jit3A_1157 : f32 to vector<16xf32>
      %select_n3A_1159 = arith.select %lt3A_1154, %exp3A_1156, %broadcast_in_dim3A_1158 : vector<16xf32>
      %swap3A_1160 = arith.constant 32 : index
      %swap3A_1161 = tpu.vector_load %arg15[%swap3A_1160] {strides = array<i32>} : memref<64xf32, #tpu.memory_space<vmem>>, vector<16xf32>,
      tpu.vector_store %arg15[%swap3A_1160], %select_n3A_1159 {strides = array<i32>} : memref<64xf32, #tpu.memory_space<vmem>>, vector<16xf32>,
      %swap3A_1162 = arith.constant 0 : i32
      %swap3A_1163 = arith.index_cast %swap3A_1162 : i32 to index
      %swap3A_1164 = arith.constant 32 : index
      %swap3A_1165 = tpu.vector_load %arg13[%swap3A_1163, %swap3A_1164] {strides = array<i32>} : memref<1x64xi32, #tpu.memory_space<vmem>>, vector<16xi32>,
      tpu.vector_store %arg13[%swap3A_1163, %swap3A_1164], %get3A_1127 {strides = array<i32>} : memref<1x64xi32, #tpu.memory_space<vmem>>, vector<16xi32>,
      %get3A_1166 = arith.constant 0 : i32
      %get3A_1167 = arith.index_cast %get3A_1166 : i32 to index
      %get3A_1168 = arith.constant 48 : index
      %get3A_1169 = tpu.vector_load %arg11[%get3A_1167, %get3A_1168] {strides = array<i32>} : memref<1x128xi32, #tpu.memory_space<vmem>>, vector<16xi32>,
      %get3A_1170 = arith.constant 0 : i32
      %get3A_1171 = arith.index_cast %get3A_1170 : i32 to index
      %get3A_1172 = arith.constant 112 : index
      %get3A_1173 = tpu.vector_load %arg11[%get3A_1171, %get3A_1172] {strides = array<i32>} : memref<1x128xi32, #tpu.memory_space<vmem>>, vector<16xi32>,
      %gather3A_1174 = tpu.vector_load_idx %arg16[%get3A_1169] : memref<10000xi32, #tpu.memory_space<vmem>>[vector<16xi32>], vector<16xi32>,
      %bitcast3A_1175 = vector.bitcast %gather3A_1174 : vector<16xi32> to vector<32xbf16>
      %gather3A_1176 = tpu.vector_load_idx %arg16[%get3A_1173] : memref<10000xi32, #tpu.memory_space<vmem>>[vector<16xi32>], vector<16xi32>,
      %bitcast3A_1177 = vector.bitcast %gather3A_1176 : vector<16xi32> to vector<32xbf16>
      %unpack3A_1178 = tpu.unpack_subelements %bitcast3A_1175, 0 {pack_format = #tpu.pack_format<interleaved>} : vector<32xbf16> -> vector<16xf32>
      %unpack3A_1179 = tpu.unpack_subelements %bitcast3A_1175, 1 {pack_format = #tpu.pack_format<interleaved>} : vector<32xbf16> -> vector<16xf32>
      %unpack3A_1180 = tpu.unpack_subelements %bitcast3A_1177, 0 {pack_format = #tpu.pack_format<interleaved>} : vector<32xbf16> -> vector<16xf32>
      %unpack3A_1181 = tpu.unpack_subelements %bitcast3A_1177, 1 {pack_format = #tpu.pack_format<interleaved>} : vector<32xbf16> -> vector<16xf32>
      %add3A_1182 = arith.addf %get3A_59, %unpack3A_1181 : vector<16xf32>
      %ge3A_1183 = arith.constant 0.000000e+00 : f32
      %ge3A_1184 = vector.broadcast %ge3A_1183 : f32 to vector<16xf32>
      %ge3A_1185 = arith.cmpf oge, %add3A_1182, %ge3A_1184 : vector<16xf32>
      %mul3A_1186 = arith.constant 2.000000e-01 : f32
      %mul3A_1187 = vector.broadcast %mul3A_1186 : f32 to vector<16xf32>
      %mul3A_1188 = arith.mulf %add3A_1182, %mul3A_1187 : vector<16xf32>
      %select_n3A_1189 = arith.select %ge3A_1185, %add3A_1182, %mul3A_1188 : vector<16xi1>, vector<16xf32>
      %add3A_1190 = arith.addf %unpack3A_1178, %unpack3A_1181 : vector<16xf32>
      %ge3A_1191 = arith.constant 0.000000e+00 : f32
      %ge3A_1192 = vector.broadcast %ge3A_1191 : f32 to vector<16xf32>
      %ge3A_1193 = arith.cmpf oge, %add3A_1190, %ge3A_1192 : vector<16xf32>
      %mul3A_1194 = arith.constant 2.000000e-01 : f32
      %mul3A_1195 = vector.broadcast %mul3A_1194 : f32 to vector<16xf32>
      %mul3A_1196 = arith.mulf %add3A_1190, %mul3A_1195 : vector<16xf32>
      %select_n3A_1197 = arith.select %ge3A_1193, %add3A_1190, %mul3A_1196 : vector<16xi1>, vector<16xf32>
      %add3A_1198 = arith.addi %select_n3A_11, %add3A_988 : i32
      %lt3A_1199 = arith.constant 5000 : i32
      %lt3A_1200 = arith.cmpi slt, %add3A_1198, %lt3A_1199 : i32
      %sub3A_1201 = arith.subf %select_n3A_1197, %select_n3A_1189 : vector<16xf32>
      %exp3A_1202 = math.exp %sub3A_1201 : vector<16xf32>
      %jit3A_1203 = arith.constant 0.000000e+00 : f32
      %broadcast_in_dim3A_1204 = vector.broadcast %jit3A_1203 : f32 to vector<16xf32>
      %select_n3A_1205 = arith.select %lt3A_1200, %exp3A_1202, %broadcast_in_dim3A_1204 : vector<16xf32>
      %swap3A_1206 = arith.constant 48 : index
      %swap3A_1207 = tpu.vector_load %arg15[%swap3A_1206] {strides = array<i32>} : memref<64xf32, #tpu.memory_space<vmem>>, vector<16xf32>,
      tpu.vector_store %arg15[%swap3A_1206], %select_n3A_1205 {strides = array<i32>} : memref<64xf32, #tpu.memory_space<vmem>>, vector<16xf32>,
      %swap3A_1208 = arith.constant 0 : i32
      %swap3A_1209 = arith.index_cast %swap3A_1208 : i32 to index
      %swap3A_1210 = arith.constant 48 : index
      %swap3A_1211 = tpu.vector_load %arg13[%swap3A_1209, %swap3A_1210] {strides = array<i32>} : memref<1x64xi32, #tpu.memory_space<vmem>>, vector<16xi32>,
      tpu.vector_store %arg13[%swap3A_1209, %swap3A_1210], %get3A_1173 {strides = array<i32>} : memref<1x64xi32, #tpu.memory_space<vmem>>, vector<16xi32>,
      %scan3A_1212 = arith.constant 0 : i32
      %scan3A_1213 = arith.constant 16 : i32
      %scan3A_1214 = arith.addi %scan3A_1212, %scan3A_1213 : i32
      %scan3A_1215 = arith.constant 1 : i32
      scf.for %scan3A_1258 = %scan3A_1212 to %scan3A_1214 step %scan3A_1215  : i32 {
        %mul3A_1259 = arith.constant 1 : i32
        %mul3A_1260 = arith.muli %scan3A_1258, %mul3A_1259 : i32
        %add3A_1261 = arith.constant 0 : i32
        %add3A_1262 = arith.addi %add3A_1261, %mul3A_1260 : i32
        %add3A_1263 = arith.constant 0 : i32
        %add3A_1264 = arith.addi %add3A_1263, %add3A_1262 : i32
        %broadcast_in_dim3A_1265 = vector.broadcast %add3A_1262 : i32 to vector<16x1xi32>
        %gather3A_1266 = vector.shape_cast %broadcast_in_dim3A_1265 : vector<16x1xi32> to vector<16xi32>
        %gather3A_1267 = tpu.dynamic_gather %select_n3A_1067[%gather3A_1266] in [0] : vector<16xf32>, vector<16xi32> -> vector<16xf32>
        %get3A_1268 = arith.index_cast %add3A_1264 : i32 to index
        %get3A_1269 = arith.constant 0 : index
        %get3A_1270 = tpu.vector_load %arg21[%get3A_1268, %get3A_1269] {strides = array<i32>} : memref<64x128xf32, #tpu.memory_space<vmem>>, vector<16xf32>,
        %mul3A_1271 = arith.mulf %get3A_1270, %gather3A_1267 : vector<16xf32>
        %swap3A_1272 = arith.index_cast %add3A_1264 : i32 to index
        %swap3A_1273 = arith.constant 0 : index
        %swap3A_1274 = tpu.vector_load %arg21[%swap3A_1272, %swap3A_1273] {strides = array<i32>} : memref<64x128xf32, #tpu.memory_space<vmem>>, vector<16xf32>,
        tpu.vector_store %arg21[%swap3A_1272, %swap3A_1273], %mul3A_1271 {strides = array<i32>} : memref<64x128xf32, #tpu.memory_space<vmem>>, vector<16xf32>,
        %get3A_1275 = arith.index_cast %add3A_1264 : i32 to index
        %get3A_1276 = arith.constant 16 : index
        %get3A_1277 = tpu.vector_load %arg21[%get3A_1275, %get3A_1276] {strides = array<i32>} : memref<64x128xf32, #tpu.memory_space<vmem>>, vector<16xf32>,
        %mul3A_1278 = arith.mulf %get3A_1277, %gather3A_1267 : vector<16xf32>
        %swap3A_1279 = arith.index_cast %add3A_1264 : i32 to index
        %swap3A_1280 = arith.constant 16 : index
        %swap3A_1281 = tpu.vector_load %arg21[%swap3A_1279, %swap3A_1280] {strides = array<i32>} : memref<64x128xf32, #tpu.memory_space<vmem>>, vector<16xf32>,
        tpu.vector_store %arg21[%swap3A_1279, %swap3A_1280], %mul3A_1278 {strides = array<i32>} : memref<64x128xf32, #tpu.memory_space<vmem>>, vector<16xf32>,
        %get3A_1282 = arith.index_cast %add3A_1264 : i32 to index
        %get3A_1283 = arith.constant 32 : index
        %get3A_1284 = tpu.vector_load %arg21[%get3A_1282, %get3A_1283] {strides = array<i32>} : memref<64x128xf32, #tpu.memory_space<vmem>>, vector<16xf32>,
        %mul3A_1285 = arith.mulf %get3A_1284, %gather3A_1267 : vector<16xf32>
        %swap3A_1286 = arith.index_cast %add3A_1264 : i32 to index
        %swap3A_1287 = arith.constant 32 : index
        %swap3A_1288 = tpu.vector_load %arg21[%swap3A_1286, %swap3A_1287] {strides = array<i32>} : memref<64x128xf32, #tpu.memory_space<vmem>>, vector<16xf32>,
        tpu.vector_store %arg21[%swap3A_1286, %swap3A_1287], %mul3A_1285 {strides = array<i32>} : memref<64x128xf32, #tpu.memory_space<vmem>>, vector<16xf32>,
        %get3A_1289 = arith.index_cast %add3A_1264 : i32 to index
        %get3A_1290 = arith.constant 48 : index
        %get3A_1291 = tpu.vector_load %arg21[%get3A_1289, %get3A_1290] {strides = array<i32>} : memref<64x128xf32, #tpu.memory_space<vmem>>, vector<16xf32>,
        %mul3A_1292 = arith.mulf %get3A_1291, %gather3A_1267 : vector<16xf32>
        %swap3A_1293 = arith.index_cast %add3A_1264 : i32 to index
        %swap3A_1294 = arith.constant 48 : index
        %swap3A_1295 = tpu.vector_load %arg21[%swap3A_1293, %swap3A_1294] {strides = array<i32>} : memref<64x128xf32, #tpu.memory_space<vmem>>, vector<16xf32>,
        tpu.vector_store %arg21[%swap3A_1293, %swap3A_1294], %mul3A_1292 {strides = array<i32>} : memref<64x128xf32, #tpu.memory_space<vmem>>, vector<16xf32>,
        %get3A_1296 = arith.index_cast %add3A_1264 : i32 to index
        %get3A_1297 = arith.constant 64 : index
        %get3A_1298 = tpu.vector_load %arg21[%get3A_1296, %get3A_1297] {strides = array<i32>} : memref<64x128xf32, #tpu.memory_space<vmem>>, vector<16xf32>,
        %mul3A_1299 = arith.mulf %get3A_1298, %gather3A_1267 : vector<16xf32>
        %swap3A_1300 = arith.index_cast %add3A_1264 : i32 to index
        %swap3A_1301 = arith.constant 64 : index
        %swap3A_1302 = tpu.vector_load %arg21[%swap3A_1300, %swap3A_1301] {strides = array<i32>} : memref<64x128xf32, #tpu.memory_space<vmem>>, vector<16xf32>,
        tpu.vector_store %arg21[%swap3A_1300, %swap3A_1301], %mul3A_1299 {strides = array<i32>} : memref<64x128xf32, #tpu.memory_space<vmem>>, vector<16xf32>,
        %get3A_1303 = arith.index_cast %add3A_1264 : i32 to index
        %get3A_1304 = arith.constant 80 : index
        %get3A_1305 = tpu.vector_load %arg21[%get3A_1303, %get3A_1304] {strides = array<i32>} : memref<64x128xf32, #tpu.memory_space<vmem>>, vector<16xf32>,
        %mul3A_1306 = arith.mulf %get3A_1305, %gather3A_1267 : vector<16xf32>
        %swap3A_1307 = arith.index_cast %add3A_1264 : i32 to index
        %swap3A_1308 = arith.constant 80 : index
        %swap3A_1309 = tpu.vector_load %arg21[%swap3A_1307, %swap3A_1308] {strides = array<i32>} : memref<64x128xf32, #tpu.memory_space<vmem>>, vector<16xf32>,
        tpu.vector_store %arg21[%swap3A_1307, %swap3A_1308], %mul3A_1306 {strides = array<i32>} : memref<64x128xf32, #tpu.memory_space<vmem>>, vector<16xf32>,
        %get3A_1310 = arith.index_cast %add3A_1264 : i32 to index
        %get3A_1311 = arith.constant 96 : index
        %get3A_1312 = tpu.vector_load %arg21[%get3A_1310, %get3A_1311] {strides = array<i32>} : memref<64x128xf32, #tpu.memory_space<vmem>>, vector<16xf32>,
        %mul3A_1313 = arith.mulf %get3A_1312, %gather3A_1267 : vector<16xf32>
        %swap3A_1314 = arith.index_cast %add3A_1264 : i32 to index
        %swap3A_1315 = arith.constant 96 : index
        %swap3A_1316 = tpu.vector_load %arg21[%swap3A_1314, %swap3A_1315] {strides = array<i32>} : memref<64x128xf32, #tpu.memory_space<vmem>>, vector<16xf32>,
        tpu.vector_store %arg21[%swap3A_1314, %swap3A_1315], %mul3A_1313 {strides = array<i32>} : memref<64x128xf32, #tpu.memory_space<vmem>>, vector<16xf32>,
        %get3A_1317 = arith.index_cast %add3A_1264 : i32 to index
        %get3A_1318 = arith.constant 112 : index
        %get3A_1319 = tpu.vector_load %arg21[%get3A_1317, %get3A_1318] {strides = array<i32>} : memref<64x128xf32, #tpu.memory_space<vmem>>, vector<16xf32>,
        %mul3A_1320 = arith.mulf %get3A_1319, %gather3A_1267 : vector<16xf32>
        %swap3A_1321 = arith.index_cast %add3A_1264 : i32 to index
        %swap3A_1322 = arith.constant 112 : index
        %swap3A_1323 = tpu.vector_load %arg21[%swap3A_1321, %swap3A_1322] {strides = array<i32>} : memref<64x128xf32, #tpu.memory_space<vmem>>, vector<16xf32>,
        tpu.vector_store %arg21[%swap3A_1321, %swap3A_1322], %mul3A_1320 {strides = array<i32>} : memref<64x128xf32, #tpu.memory_space<vmem>>, vector<16xf32>,
      }
      %scan3A_1216 = arith.constant 16 : i32
      %scan3A_1217 = arith.constant 0 : i32
      %scan3A_1218 = arith.constant 16 : i32
      %scan3A_1219 = arith.addi %scan3A_1217, %scan3A_1218 : i32
      %scan3A_1220 = arith.constant 1 : i32
      scf.for %scan3A_1258 = %scan3A_1217 to %scan3A_1219 step %scan3A_1220  : i32 {
        %mul3A_1259 = arith.constant 1 : i32
        %mul3A_1260 = arith.muli %scan3A_1258, %mul3A_1259 : i32
        %add3A_1261 = arith.constant 0 : i32
        %add3A_1262 = arith.addi %add3A_1261, %mul3A_1260 : i32
        %add3A_1263 = arith.constant 16 : i32
        %add3A_1264 = arith.addi %add3A_1263, %add3A_1262 : i32
        %broadcast_in_dim3A_1265 = vector.broadcast %add3A_1262 : i32 to vector<16x1xi32>
        %gather3A_1266 = vector.shape_cast %broadcast_in_dim3A_1265 : vector<16x1xi32> to vector<16xi32>
        %gather3A_1267 = tpu.dynamic_gather %select_n3A_1113[%gather3A_1266] in [0] : vector<16xf32>, vector<16xi32> -> vector<16xf32>
        %get3A_1268 = arith.index_cast %add3A_1264 : i32 to index
        %get3A_1269 = arith.constant 0 : index
        %get3A_1270 = tpu.vector_load %arg21[%get3A_1268, %get3A_1269] {strides = array<i32>} : memref<64x128xf32, #tpu.memory_space<vmem>>, vector<16xf32>,
        %mul3A_1271 = arith.mulf %get3A_1270, %gather3A_1267 : vector<16xf32>
        %swap3A_1272 = arith.index_cast %add3A_1264 : i32 to index
        %swap3A_1273 = arith.constant 0 : index
        %swap3A_1274 = tpu.vector_load %arg21[%swap3A_1272, %swap3A_1273] {strides = array<i32>} : memref<64x128xf32, #tpu.memory_space<vmem>>, vector<16xf32>,
        tpu.vector_store %arg21[%swap3A_1272, %swap3A_1273], %mul3A_1271 {strides = array<i32>} : memref<64x128xf32, #tpu.memory_space<vmem>>, vector<16xf32>,
        %get3A_1275 = arith.index_cast %add3A_1264 : i32 to index
        %get3A_1276 = arith.constant 16 : index
        %get3A_1277 = tpu.vector_load %arg21[%get3A_1275, %get3A_1276] {strides = array<i32>} : memref<64x128xf32, #tpu.memory_space<vmem>>, vector<16xf32>,
        %mul3A_1278 = arith.mulf %get3A_1277, %gather3A_1267 : vector<16xf32>
        %swap3A_1279 = arith.index_cast %add3A_1264 : i32 to index
        %swap3A_1280 = arith.constant 16 : index
        %swap3A_1281 = tpu.vector_load %arg21[%swap3A_1279, %swap3A_1280] {strides = array<i32>} : memref<64x128xf32, #tpu.memory_space<vmem>>, vector<16xf32>,
        tpu.vector_store %arg21[%swap3A_1279, %swap3A_1280], %mul3A_1278 {strides = array<i32>} : memref<64x128xf32, #tpu.memory_space<vmem>>, vector<16xf32>,
        %get3A_1282 = arith.index_cast %add3A_1264 : i32 to index
        %get3A_1283 = arith.constant 32 : index
        %get3A_1284 = tpu.vector_load %arg21[%get3A_1282, %get3A_1283] {strides = array<i32>} : memref<64x128xf32, #tpu.memory_space<vmem>>, vector<16xf32>,
        %mul3A_1285 = arith.mulf %get3A_1284, %gather3A_1267 : vector<16xf32>
        %swap3A_1286 = arith.index_cast %add3A_1264 : i32 to index
        %swap3A_1287 = arith.constant 32 : index
        %swap3A_1288 = tpu.vector_load %arg21[%swap3A_1286, %swap3A_1287] {strides = array<i32>} : memref<64x128xf32, #tpu.memory_space<vmem>>, vector<16xf32>,
        tpu.vector_store %arg21[%swap3A_1286, %swap3A_1287], %mul3A_1285 {strides = array<i32>} : memref<64x128xf32, #tpu.memory_space<vmem>>, vector<16xf32>,
        %get3A_1289 = arith.index_cast %add3A_1264 : i32 to index
        %get3A_1290 = arith.constant 48 : index
        %get3A_1291 = tpu.vector_load %arg21[%get3A_1289, %get3A_1290] {strides = array<i32>} : memref<64x128xf32, #tpu.memory_space<vmem>>, vector<16xf32>,
        %mul3A_1292 = arith.mulf %get3A_1291, %gather3A_1267 : vector<16xf32>
        %swap3A_1293 = arith.index_cast %add3A_1264 : i32 to index
        %swap3A_1294 = arith.constant 48 : index
        %swap3A_1295 = tpu.vector_load %arg21[%swap3A_1293, %swap3A_1294] {strides = array<i32>} : memref<64x128xf32, #tpu.memory_space<vmem>>, vector<16xf32>,
        tpu.vector_store %arg21[%swap3A_1293, %swap3A_1294], %mul3A_1292 {strides = array<i32>} : memref<64x128xf32, #tpu.memory_space<vmem>>, vector<16xf32>,
        %get3A_1296 = arith.index_cast %add3A_1264 : i32 to index
        %get3A_1297 = arith.constant 64 : index
        %get3A_1298 = tpu.vector_load %arg21[%get3A_1296, %get3A_1297] {strides = array<i32>} : memref<64x128xf32, #tpu.memory_space<vmem>>, vector<16xf32>,
        %mul3A_1299 = arith.mulf %get3A_1298, %gather3A_1267 : vector<16xf32>
        %swap3A_1300 = arith.index_cast %add3A_1264 : i32 to index
        %swap3A_1301 = arith.constant 64 : index
        %swap3A_1302 = tpu.vector_load %arg21[%swap3A_1300, %swap3A_1301] {strides = array<i32>} : memref<64x128xf32, #tpu.memory_space<vmem>>, vector<16xf32>,
        tpu.vector_store %arg21[%swap3A_1300, %swap3A_1301], %mul3A_1299 {strides = array<i32>} : memref<64x128xf32, #tpu.memory_space<vmem>>, vector<16xf32>,
        %get3A_1303 = arith.index_cast %add3A_1264 : i32 to index
        %get3A_1304 = arith.constant 80 : index
        %get3A_1305 = tpu.vector_load %arg21[%get3A_1303, %get3A_1304] {strides = array<i32>} : memref<64x128xf32, #tpu.memory_space<vmem>>, vector<16xf32>,
        %mul3A_1306 = arith.mulf %get3A_1305, %gather3A_1267 : vector<16xf32>
        %swap3A_1307 = arith.index_cast %add3A_1264 : i32 to index
        %swap3A_1308 = arith.constant 80 : index
        %swap3A_1309 = tpu.vector_load %arg21[%swap3A_1307, %swap3A_1308] {strides = array<i32>} : memref<64x128xf32, #tpu.memory_space<vmem>>, vector<16xf32>,
        tpu.vector_store %arg21[%swap3A_1307, %swap3A_1308], %mul3A_1306 {strides = array<i32>} : memref<64x128xf32, #tpu.memory_space<vmem>>, vector<16xf32>,
        %get3A_1310 = arith.index_cast %add3A_1264 : i32 to index
        %get3A_1311 = arith.constant 96 : index
        %get3A_1312 = tpu.vector_load %arg21[%get3A_1310, %get3A_1311] {strides = array<i32>} : memref<64x128xf32, #tpu.memory_space<vmem>>, vector<16xf32>,
        %mul3A_1313 = arith.mulf %get3A_1312, %gather3A_1267 : vector<16xf32>
        %swap3A_1314 = arith.index_cast %add3A_1264 : i32 to index
        %swap3A_1315 = arith.constant 96 : index
        %swap3A_1316 = tpu.vector_load %arg21[%swap3A_1314, %swap3A_1315] {strides = array<i32>} : memref<64x128xf32, #tpu.memory_space<vmem>>, vector<16xf32>,
        tpu.vector_store %arg21[%swap3A_1314, %swap3A_1315], %mul3A_1313 {strides = array<i32>} : memref<64x128xf32, #tpu.memory_space<vmem>>, vector<16xf32>,
        %get3A_1317 = arith.index_cast %add3A_1264 : i32 to index
        %get3A_1318 = arith.constant 112 : index
        %get3A_1319 = tpu.vector_load %arg21[%get3A_1317, %get3A_1318] {strides = array<i32>} : memref<64x128xf32, #tpu.memory_space<vmem>>, vector<16xf32>,
        %mul3A_1320 = arith.mulf %get3A_1319, %gather3A_1267 : vector<16xf32>
        %swap3A_1321 = arith.index_cast %add3A_1264 : i32 to index
        %swap3A_1322 = arith.constant 112 : index
        %swap3A_1323 = tpu.vector_load %arg21[%swap3A_1321, %swap3A_1322] {strides = array<i32>} : memref<64x128xf32, #tpu.memory_space<vmem>>, vector<16xf32>,
        tpu.vector_store %arg21[%swap3A_1321, %swap3A_1322], %mul3A_1320 {strides = array<i32>} : memref<64x128xf32, #tpu.memory_space<vmem>>, vector<16xf32>,
      }
      %scan3A_1221 = arith.constant 16 : i32
      %scan3A_1222 = arith.constant 0 : i32
      %scan3A_1223 = arith.constant 16 : i32
      %scan3A_1224 = arith.addi %scan3A_1222, %scan3A_1223 : i32
      %scan3A_1225 = arith.constant 1 : i32
      scf.for %scan3A_1258 = %scan3A_1222 to %scan3A_1224 step %scan3A_1225  : i32 {
        %mul3A_1259 = arith.constant 1 : i32
        %mul3A_1260 = arith.muli %scan3A_1258, %mul3A_1259 : i32
        %add3A_1261 = arith.constant 0 : i32
        %add3A_1262 = arith.addi %add3A_1261, %mul3A_1260 : i32
        %add3A_1263 = arith.constant 32 : i32
        %add3A_1264 = arith.addi %add3A_1263, %add3A_1262 : i32
        %broadcast_in_dim3A_1265 = vector.broadcast %add3A_1262 : i32 to vector<16x1xi32>
        %gather3A_1266 = vector.shape_cast %broadcast_in_dim3A_1265 : vector<16x1xi32> to vector<16xi32>
        %gather3A_1267 = tpu.dynamic_gather %select_n3A_1159[%gather3A_1266] in [0] : vector<16xf32>, vector<16xi32> -> vector<16xf32>
        %get3A_1268 = arith.index_cast %add3A_1264 : i32 to index
        %get3A_1269 = arith.constant 0 : index
        %get3A_1270 = tpu.vector_load %arg21[%get3A_1268, %get3A_1269] {strides = array<i32>} : memref<64x128xf32, #tpu.memory_space<vmem>>, vector<16xf32>,
        %mul3A_1271 = arith.mulf %get3A_1270, %gather3A_1267 : vector<16xf32>
        %swap3A_1272 = arith.index_cast %add3A_1264 : i32 to index
        %swap3A_1273 = arith.constant 0 : index
        %swap3A_1274 = tpu.vector_load %arg21[%swap3A_1272, %swap3A_1273] {strides = array<i32>} : memref<64x128xf32, #tpu.memory_space<vmem>>, vector<16xf32>,
        tpu.vector_store %arg21[%swap3A_1272, %swap3A_1273], %mul3A_1271 {strides = array<i32>} : memref<64x128xf32, #tpu.memory_space<vmem>>, vector<16xf32>,
        %get3A_1275 = arith.index_cast %add3A_1264 : i32 to index
        %get3A_1276 = arith.constant 16 : index
        %get3A_1277 = tpu.vector_load %arg21[%get3A_1275, %get3A_1276] {strides = array<i32>} : memref<64x128xf32, #tpu.memory_space<vmem>>, vector<16xf32>,
        %mul3A_1278 = arith.mulf %get3A_1277, %gather3A_1267 : vector<16xf32>
        %swap3A_1279 = arith.index_cast %add3A_1264 : i32 to index
        %swap3A_1280 = arith.constant 16 : index
        %swap3A_1281 = tpu.vector_load %arg21[%swap3A_1279, %swap3A_1280] {strides = array<i32>} : memref<64x128xf32, #tpu.memory_space<vmem>>, vector<16xf32>,
        tpu.vector_store %arg21[%swap3A_1279, %swap3A_1280], %mul3A_1278 {strides = array<i32>} : memref<64x128xf32, #tpu.memory_space<vmem>>, vector<16xf32>,
        %get3A_1282 = arith.index_cast %add3A_1264 : i32 to index
        %get3A_1283 = arith.constant 32 : index
        %get3A_1284 = tpu.vector_load %arg21[%get3A_1282, %get3A_1283] {strides = array<i32>} : memref<64x128xf32, #tpu.memory_space<vmem>>, vector<16xf32>,
        %mul3A_1285 = arith.mulf %get3A_1284, %gather3A_1267 : vector<16xf32>
        %swap3A_1286 = arith.index_cast %add3A_1264 : i32 to index
        %swap3A_1287 = arith.constant 32 : index
        %swap3A_1288 = tpu.vector_load %arg21[%swap3A_1286, %swap3A_1287] {strides = array<i32>} : memref<64x128xf32, #tpu.memory_space<vmem>>, vector<16xf32>,
        tpu.vector_store %arg21[%swap3A_1286, %swap3A_1287], %mul3A_1285 {strides = array<i32>} : memref<64x128xf32, #tpu.memory_space<vmem>>, vector<16xf32>,
        %get3A_1289 = arith.index_cast %add3A_1264 : i32 to index
        %get3A_1290 = arith.constant 48 : index
        %get3A_1291 = tpu.vector_load %arg21[%get3A_1289, %get3A_1290] {strides = array<i32>} : memref<64x128xf32, #tpu.memory_space<vmem>>, vector<16xf32>,
        %mul3A_1292 = arith.mulf %get3A_1291, %gather3A_1267 : vector<16xf32>
        %swap3A_1293 = arith.index_cast %add3A_1264 : i32 to index
        %swap3A_1294 = arith.constant 48 : index
        %swap3A_1295 = tpu.vector_load %arg21[%swap3A_1293, %swap3A_1294] {strides = array<i32>} : memref<64x128xf32, #tpu.memory_space<vmem>>, vector<16xf32>,
        tpu.vector_store %arg21[%swap3A_1293, %swap3A_1294], %mul3A_1292 {strides = array<i32>} : memref<64x128xf32, #tpu.memory_space<vmem>>, vector<16xf32>,
        %get3A_1296 = arith.index_cast %add3A_1264 : i32 to index
        %get3A_1297 = arith.constant 64 : index
        %get3A_1298 = tpu.vector_load %arg21[%get3A_1296, %get3A_1297] {strides = array<i32>} : memref<64x128xf32, #tpu.memory_space<vmem>>, vector<16xf32>,
        %mul3A_1299 = arith.mulf %get3A_1298, %gather3A_1267 : vector<16xf32>
        %swap3A_1300 = arith.index_cast %add3A_1264 : i32 to index
        %swap3A_1301 = arith.constant 64 : index
        %swap3A_1302 = tpu.vector_load %arg21[%swap3A_1300, %swap3A_1301] {strides = array<i32>} : memref<64x128xf32, #tpu.memory_space<vmem>>, vector<16xf32>,
        tpu.vector_store %arg21[%swap3A_1300, %swap3A_1301], %mul3A_1299 {strides = array<i32>} : memref<64x128xf32, #tpu.memory_space<vmem>>, vector<16xf32>,
        %get3A_1303 = arith.index_cast %add3A_1264 : i32 to index
        %get3A_1304 = arith.constant 80 : index
        %get3A_1305 = tpu.vector_load %arg21[%get3A_1303, %get3A_1304] {strides = array<i32>} : memref<64x128xf32, #tpu.memory_space<vmem>>, vector<16xf32>,
        %mul3A_1306 = arith.mulf %get3A_1305, %gather3A_1267 : vector<16xf32>
        %swap3A_1307 = arith.index_cast %add3A_1264 : i32 to index
        %swap3A_1308 = arith.constant 80 : index
        %swap3A_1309 = tpu.vector_load %arg21[%swap3A_1307, %swap3A_1308] {strides = array<i32>} : memref<64x128xf32, #tpu.memory_space<vmem>>, vector<16xf32>,
        tpu.vector_store %arg21[%swap3A_1307, %swap3A_1308], %mul3A_1306 {strides = array<i32>} : memref<64x128xf32, #tpu.memory_space<vmem>>, vector<16xf32>,
        %get3A_1310 = arith.index_cast %add3A_1264 : i32 to index
        %get3A_1311 = arith.constant 96 : index
        %get3A_1312 = tpu.vector_load %arg21[%get3A_1310, %get3A_1311] {strides = array<i32>} : memref<64x128xf32, #tpu.memory_space<vmem>>, vector<16xf32>,
        %mul3A_1313 = arith.mulf %get3A_1312, %gather3A_1267 : vector<16xf32>
        %swap3A_1314 = arith.index_cast %add3A_1264 : i32 to index
        %swap3A_1315 = arith.constant 96 : index
        %swap3A_1316 = tpu.vector_load %arg21[%swap3A_1314, %swap3A_1315] {strides = array<i32>} : memref<64x128xf32, #tpu.memory_space<vmem>>, vector<16xf32>,
        tpu.vector_store %arg21[%swap3A_1314, %swap3A_1315], %mul3A_1313 {strides = array<i32>} : memref<64x128xf32, #tpu.memory_space<vmem>>, vector<16xf32>,
        %get3A_1317 = arith.index_cast %add3A_1264 : i32 to index
        %get3A_1318 = arith.constant 112 : index
        %get3A_1319 = tpu.vector_load %arg21[%get3A_1317, %get3A_1318] {strides = array<i32>} : memref<64x128xf32, #tpu.memory_space<vmem>>, vector<16xf32>,
        %mul3A_1320 = arith.mulf %get3A_1319, %gather3A_1267 : vector<16xf32>
        %swap3A_1321 = arith.index_cast %add3A_1264 : i32 to index
        %swap3A_1322 = arith.constant 112 : index
        %swap3A_1323 = tpu.vector_load %arg21[%swap3A_1321, %swap3A_1322] {strides = array<i32>} : memref<64x128xf32, #tpu.memory_space<vmem>>, vector<16xf32>,
        tpu.vector_store %arg21[%swap3A_1321, %swap3A_1322], %mul3A_1320 {strides = array<i32>} : memref<64x128xf32, #tpu.memory_space<vmem>>, vector<16xf32>,
      }
      %scan3A_1226 = arith.constant 16 : i32
      %scan3A_1227 = arith.constant 0 : i32
      %scan3A_1228 = arith.constant 16 : i32
      %scan3A_1229 = arith.addi %scan3A_1227, %scan3A_1228 : i32
      %scan3A_1230 = arith.constant 1 : i32
      scf.for %scan3A_1258 = %scan3A_1227 to %scan3A_1229 step %scan3A_1230  : i32 {
        %mul3A_1259 = arith.constant 1 : i32
        %mul3A_1260 = arith.muli %scan3A_1258, %mul3A_1259 : i32
        %add3A_1261 = arith.constant 0 : i32
        %add3A_1262 = arith.addi %add3A_1261, %mul3A_1260 : i32
        %add3A_1263 = arith.constant 48 : i32
        %add3A_1264 = arith.addi %add3A_1263, %add3A_1262 : i32
        %broadcast_in_dim3A_1265 = vector.broadcast %add3A_1262 : i32 to vector<16x1xi32>
        %gather3A_1266 = vector.shape_cast %broadcast_in_dim3A_1265 : vector<16x1xi32> to vector<16xi32>
        %gather3A_1267 = tpu.dynamic_gather %select_n3A_1205[%gather3A_1266] in [0] : vector<16xf32>, vector<16xi32> -> vector<16xf32>
        %get3A_1268 = arith.index_cast %add3A_1264 : i32 to index
        %get3A_1269 = arith.constant 0 : index
        %get3A_1270 = tpu.vector_load %arg21[%get3A_1268, %get3A_1269] {strides = array<i32>} : memref<64x128xf32, #tpu.memory_space<vmem>>, vector<16xf32>,
        %mul3A_1271 = arith.mulf %get3A_1270, %gather3A_1267 : vector<16xf32>
        %swap3A_1272 = arith.index_cast %add3A_1264 : i32 to index
        %swap3A_1273 = arith.constant 0 : index
        %swap3A_1274 = tpu.vector_load %arg21[%swap3A_1272, %swap3A_1273] {strides = array<i32>} : memref<64x128xf32, #tpu.memory_space<vmem>>, vector<16xf32>,
        tpu.vector_store %arg21[%swap3A_1272, %swap3A_1273], %mul3A_1271 {strides = array<i32>} : memref<64x128xf32, #tpu.memory_space<vmem>>, vector<16xf32>,
        %get3A_1275 = arith.index_cast %add3A_1264 : i32 to index
        %get3A_1276 = arith.constant 16 : index
        %get3A_1277 = tpu.vector_load %arg21[%get3A_1275, %get3A_1276] {strides = array<i32>} : memref<64x128xf32, #tpu.memory_space<vmem>>, vector<16xf32>,
        %mul3A_1278 = arith.mulf %get3A_1277, %gather3A_1267 : vector<16xf32>
        %swap3A_1279 = arith.index_cast %add3A_1264 : i32 to index
        %swap3A_1280 = arith.constant 16 : index
        %swap3A_1281 = tpu.vector_load %arg21[%swap3A_1279, %swap3A_1280] {strides = array<i32>} : memref<64x128xf32, #tpu.memory_space<vmem>>, vector<16xf32>,
        tpu.vector_store %arg21[%swap3A_1279, %swap3A_1280], %mul3A_1278 {strides = array<i32>} : memref<64x128xf32, #tpu.memory_space<vmem>>, vector<16xf32>,
        %get3A_1282 = arith.index_cast %add3A_1264 : i32 to index
        %get3A_1283 = arith.constant 32 : index
        %get3A_1284 = tpu.vector_load %arg21[%get3A_1282, %get3A_1283] {strides = array<i32>} : memref<64x128xf32, #tpu.memory_space<vmem>>, vector<16xf32>,
        %mul3A_1285 = arith.mulf %get3A_1284, %gather3A_1267 : vector<16xf32>
        %swap3A_1286 = arith.index_cast %add3A_1264 : i32 to index
        %swap3A_1287 = arith.constant 32 : index
        %swap3A_1288 = tpu.vector_load %arg21[%swap3A_1286, %swap3A_1287] {strides = array<i32>} : memref<64x128xf32, #tpu.memory_space<vmem>>, vector<16xf32>,
        tpu.vector_store %arg21[%swap3A_1286, %swap3A_1287], %mul3A_1285 {strides = array<i32>} : memref<64x128xf32, #tpu.memory_space<vmem>>, vector<16xf32>,
        %get3A_1289 = arith.index_cast %add3A_1264 : i32 to index
        %get3A_1290 = arith.constant 48 : index
        %get3A_1291 = tpu.vector_load %arg21[%get3A_1289, %get3A_1290] {strides = array<i32>} : memref<64x128xf32, #tpu.memory_space<vmem>>, vector<16xf32>,
        %mul3A_1292 = arith.mulf %get3A_1291, %gather3A_1267 : vector<16xf32>
        %swap3A_1293 = arith.index_cast %add3A_1264 : i32 to index
        %swap3A_1294 = arith.constant 48 : index
        %swap3A_1295 = tpu.vector_load %arg21[%swap3A_1293, %swap3A_1294] {strides = array<i32>} : memref<64x128xf32, #tpu.memory_space<vmem>>, vector<16xf32>,
        tpu.vector_store %arg21[%swap3A_1293, %swap3A_1294], %mul3A_1292 {strides = array<i32>} : memref<64x128xf32, #tpu.memory_space<vmem>>, vector<16xf32>,
        %get3A_1296 = arith.index_cast %add3A_1264 : i32 to index
        %get3A_1297 = arith.constant 64 : index
        %get3A_1298 = tpu.vector_load %arg21[%get3A_1296, %get3A_1297] {strides = array<i32>} : memref<64x128xf32, #tpu.memory_space<vmem>>, vector<16xf32>,
        %mul3A_1299 = arith.mulf %get3A_1298, %gather3A_1267 : vector<16xf32>
        %swap3A_1300 = arith.index_cast %add3A_1264 : i32 to index
        %swap3A_1301 = arith.constant 64 : index
        %swap3A_1302 = tpu.vector_load %arg21[%swap3A_1300, %swap3A_1301] {strides = array<i32>} : memref<64x128xf32, #tpu.memory_space<vmem>>, vector<16xf32>,
        tpu.vector_store %arg21[%swap3A_1300, %swap3A_1301], %mul3A_1299 {strides = array<i32>} : memref<64x128xf32, #tpu.memory_space<vmem>>, vector<16xf32>,
        %get3A_1303 = arith.index_cast %add3A_1264 : i32 to index
        %get3A_1304 = arith.constant 80 : index
        %get3A_1305 = tpu.vector_load %arg21[%get3A_1303, %get3A_1304] {strides = array<i32>} : memref<64x128xf32, #tpu.memory_space<vmem>>, vector<16xf32>,
        %mul3A_1306 = arith.mulf %get3A_1305, %gather3A_1267 : vector<16xf32>
        %swap3A_1307 = arith.index_cast %add3A_1264 : i32 to index
        %swap3A_1308 = arith.constant 80 : index
        %swap3A_1309 = tpu.vector_load %arg21[%swap3A_1307, %swap3A_1308] {strides = array<i32>} : memref<64x128xf32, #tpu.memory_space<vmem>>, vector<16xf32>,
        tpu.vector_store %arg21[%swap3A_1307, %swap3A_1308], %mul3A_1306 {strides = array<i32>} : memref<64x128xf32, #tpu.memory_space<vmem>>, vector<16xf32>,
        %get3A_1310 = arith.index_cast %add3A_1264 : i32 to index
        %get3A_1311 = arith.constant 96 : index
        %get3A_1312 = tpu.vector_load %arg21[%get3A_1310, %get3A_1311] {strides = array<i32>} : memref<64x128xf32, #tpu.memory_space<vmem>>, vector<16xf32>,
        %mul3A_1313 = arith.mulf %get3A_1312, %gather3A_1267 : vector<16xf32>
        %swap3A_1314 = arith.index_cast %add3A_1264 : i32 to index
        %swap3A_1315 = arith.constant 96 : index
        %swap3A_1316 = tpu.vector_load %arg21[%swap3A_1314, %swap3A_1315] {strides = array<i32>} : memref<64x128xf32, #tpu.memory_space<vmem>>, vector<16xf32>,
        tpu.vector_store %arg21[%swap3A_1314, %swap3A_1315], %mul3A_1313 {strides = array<i32>} : memref<64x128xf32, #tpu.memory_space<vmem>>, vector<16xf32>,
        %get3A_1317 = arith.index_cast %add3A_1264 : i32 to index
        %get3A_1318 = arith.constant 112 : index
        %get3A_1319 = tpu.vector_load %arg21[%get3A_1317, %get3A_1318] {strides = array<i32>} : memref<64x128xf32, #tpu.memory_space<vmem>>, vector<16xf32>,
        %mul3A_1320 = arith.mulf %get3A_1319, %gather3A_1267 : vector<16xf32>
        %swap3A_1321 = arith.index_cast %add3A_1264 : i32 to index
        %swap3A_1322 = arith.constant 112 : index
        %swap3A_1323 = tpu.vector_load %arg21[%swap3A_1321, %swap3A_1322] {strides = array<i32>} : memref<64x128xf32, #tpu.memory_space<vmem>>, vector<16xf32>,
        tpu.vector_store %arg21[%swap3A_1321, %swap3A_1322], %mul3A_1320 {strides = array<i32>} : memref<64x128xf32, #tpu.memory_space<vmem>>, vector<16xf32>,
      }
      %scan3A_1231 = arith.constant 16 : i32
      %dma_start3A_1232 = arith.constant 0 : i32
      %dma_start3A_1233 = arith.constant 0 : i32
      %dma_start3A_1234 = tpu.memref_slice %arg13[%dma_start3A_1232, %dma_start3A_1233] : memref<1x64xi32, #tpu.memory_space<vmem>> -> memref<1x64xi32, #tpu.memory_space<vmem>>
      %dma_start3A_1235 = tpu.memref_squeeze %dma_start3A_1234 : memref<1x64xi32, #tpu.memory_space<vmem>> -> memref<64xi32, #tpu.memory_space<vmem>>
      %dma_start3A_1236 = arith.constant 0 : i32
      %dma_start3A_1237 = arith.constant 0 : i32
      %dma_start3A_1238 = tpu.memref_slice %arg22[%dma_start3A_1236, %dma_start3A_1237] : memref<10112x128xf32, #tpu.memory_space<vmem_shared>> -> memref<10112x128xf32, #tpu.memory_space<vmem_shared>>
      tpu.enqueue_indirect_dma source(%arg21 : memref<64x128xf32, #tpu.memory_space<vmem>>) target(%dma_start3A_1238 : memref<10112x128xf32, #tpu.memory_space<vmem_shared>>) offsets(%dma_start3A_1235 : memref<64xi32, #tpu.memory_space<vmem>>) semaphore(%arg29 : memref<!tpu.dma_semaphore, #tpu.memory_space<semaphore_mem>>) {add = true}
      %dma_start3A_1239 = arith.constant 0 : i32
      %dma_start3A_1240 = arith.constant 0 : i32
      %dma_start3A_1241 = tpu.memref_slice %arg13[%dma_start3A_1239, %dma_start3A_1240] : memref<1x64xi32, #tpu.memory_space<vmem>> -> memref<1x64xi32, #tpu.memory_space<vmem>>
      %dma_start3A_1242 = tpu.memref_squeeze %dma_start3A_1241 : memref<1x64xi32, #tpu.memory_space<vmem>> -> memref<64xi32, #tpu.memory_space<vmem>>
      %dma_start3A_1243 = arith.constant 0 : i32
      %dma_start3A_1244 = tpu.memref_slice %arg23[%dma_start3A_1243] : memref<10112xf32, #tpu.memory_space<vmem_shared>> -> memref<10112xf32, #tpu.memory_space<vmem_shared>>
      tpu.enqueue_indirect_dma source(%arg15 : memref<64xf32, #tpu.memory_space<vmem>>) target(%dma_start3A_1244 : memref<10112xf32, #tpu.memory_space<vmem_shared>>) offsets(%dma_start3A_1242 : memref<64xi32, #tpu.memory_space<vmem>>) semaphore(%arg31 : memref<!tpu.dma_semaphore, #tpu.memory_space<semaphore_mem>>) {add = true}
      %add3A_1245 = arith.constant 2 : i32
      %add3A_1246 = arith.addi %add3A_988, %add3A_1245 : i32
      %add3A_1247 = arith.addi %select_n3A_11, %add3A_1246 : i32
      %min3A_1248 = arith.constant 5119 : i32
      %min3A_1249 = arith.minsi %add3A_1247, %min3A_1248 : i32
      %dma_start3A_1250 = arith.constant 0 : i32
      %dma_start3A_1251 = arith.constant 0 : i32
      %dma_start3A_1252 = tpu.memref_slice %arg2[%min3A_1249, %dma_start3A_1250, %dma_start3A_1251] : memref<5120x1x128xi32, #tpu.memory_space<hbm>> -> memref<1x1x128xi32, #tpu.memory_space<hbm>>
      %dma_start3A_1253 = tpu.memref_squeeze %dma_start3A_1252 : memref<1x1x128xi32, #tpu.memory_space<hbm>> -> memref<1x128xi32, #tpu.memory_space<hbm>>
      %dma_start3A_1254 = arith.constant 0 : i32
      %dma_start3A_1255 = arith.constant 0 : i32
      %dma_start3A_1256 = tpu.memref_slice %arg2[%min3A_1249, %dma_start3A_1254, %dma_start3A_1255] : memref<5120x1x128xi32, #tpu.memory_space<hbm>> -> memref<1x1x128xi32, #tpu.memory_space<hbm>>
      %dma_start3A_1257 = tpu.memref_squeeze %dma_start3A_1256 : memref<1x1x128xi32, #tpu.memory_space<hbm>> -> memref<1x128xi32, #tpu.memory_space<hbm>>
      tpu.enqueue_dma source(%dma_start3A_1257 : memref<1x128xi32, #tpu.memory_space<hbm>>) target(%arg11 : memref<1x128xi32, #tpu.memory_space<vmem>>) target_semaphore(%arg25 : memref<!tpu.dma_semaphore, #tpu.memory_space<semaphore_mem>>)
    }
    %while3A_656 = arith.constant 1 : i32
    scf.for %while3A_711 = %while3A_654 to %while3A_650 step %while3A_656  : i32 {
      %mul3A_712 = arith.muli %while3A_711, %while3A : i32
      %add3A_713 = arith.addi %while3A_647, %mul3A_712 : i32
      %mul3A_714 = arith.constant 2 : i32
      %mul3A_715 = arith.muli %mul3A_714, %add3A_713 : i32
      %add3A_716 = arith.constant 0 : i32
      %add3A_717 = arith.addi %select_n3A_11, %add3A_716 : i32
      %min3A_718 = arith.constant 5119 : i32
      %min3A_719 = arith.minsi %add3A_717, %min3A_718 : i32
      %dma_wait3A_720 = arith.constant 0 : i32
      %dma_wait3A_721 = arith.constant 0 : i32
      %dma_wait3A_722 = tpu.memref_slice %arg2[%min3A_719, %dma_wait3A_720, %dma_wait3A_721] : memref<5120x1x128xi32, #tpu.memory_space<hbm>> -> memref<1x1x128xi32, #tpu.memory_space<hbm>>
      %dma_wait3A_723 = tpu.memref_squeeze %dma_wait3A_722 : memref<1x1x128xi32, #tpu.memory_space<hbm>> -> memref<1x128xi32, #tpu.memory_space<hbm>>
      %dma_wait3A_724 = arith.constant 0 : i32
      %dma_wait3A_725 = arith.constant 0 : i32
      %dma_wait3A_726 = tpu.memref_slice %arg2[%min3A_719, %dma_wait3A_724, %dma_wait3A_725] : memref<5120x1x128xi32, #tpu.memory_space<hbm>> -> memref<1x1x128xi32, #tpu.memory_space<hbm>>
      %dma_wait3A_727 = tpu.memref_squeeze %dma_wait3A_726 : memref<1x1x128xi32, #tpu.memory_space<hbm>> -> memref<1x128xi32, #tpu.memory_space<hbm>>
      tpu.wait_dma2 semaphore(%arg25 : memref<!tpu.dma_semaphore, #tpu.memory_space<semaphore_mem>>) src(%dma_wait3A_727 : memref<1x128xi32, #tpu.memory_space<hbm>>) dst(%arg11 : memref<1x128xi32, #tpu.memory_space<vmem>>)
      %dma_wait3A_728 = arith.constant 0 : i32
      %dma_wait3A_729 = arith.constant 0 : i32
      %dma_wait3A_730 = tpu.memref_slice %arg13[%dma_wait3A_728, %dma_wait3A_729] : memref<1x64xi32, #tpu.memory_space<vmem>> -> memref<1x64xi32, #tpu.memory_space<vmem>>
      %dma_wait3A_731 = tpu.memref_squeeze %dma_wait3A_730 : memref<1x64xi32, #tpu.memory_space<vmem>> -> memref<64xi32, #tpu.memory_space<vmem>>
      %dma_wait3A_732 = arith.constant 0 : i32
      %dma_wait3A_733 = arith.constant 0 : i32
      %dma_wait3A_734 = tpu.memref_slice %arg22[%dma_wait3A_732, %dma_wait3A_733] : memref<10112x128xf32, #tpu.memory_space<vmem_shared>> -> memref<10112x128xf32, #tpu.memory_space<vmem_shared>>
      tpu.wait_indirect_dma semaphore(%arg29 : memref<!tpu.dma_semaphore, #tpu.memory_space<semaphore_mem>>) src(%arg21 : memref<64x128xf32, #tpu.memory_space<vmem>>) dst(%dma_wait3A_734 : memref<10112x128xf32, #tpu.memory_space<vmem_shared>>)
      %dma_start3A_735 = arith.constant 0 : i32
      %dma_start3A_736 = arith.constant 0 : i32
      %dma_start3A_737 = tpu.memref_slice %arg11[%dma_start3A_735, %dma_start3A_736] : memref<1x128xi32, #tpu.memory_space<vmem>> -> memref<1x64xi32, #tpu.memory_space<vmem>>
      %dma_start3A_738 = tpu.memref_squeeze %dma_start3A_737 : memref<1x64xi32, #tpu.memory_space<vmem>> -> memref<64xi32, #tpu.memory_space<vmem>>
      %dma_start3A_739 = arith.constant 0 : i32
      %dma_start3A_740 = arith.constant 0 : i32
      %dma_start3A_741 = tpu.memref_slice %arg5[%dma_start3A_739, %dma_start3A_740] : memref<10000x128xf32, #tpu.memory_space<hbm>> -> memref<10000x128xf32, #tpu.memory_space<hbm>>
      tpu.enqueue_indirect_dma source(%dma_start3A_741 : memref<10000x128xf32, #tpu.memory_space<hbm>>) target(%arg21 : memref<64x128xf32, #tpu.memory_space<vmem>>) offsets(%dma_start3A_738 : memref<64xi32, #tpu.memory_space<vmem>>) semaphore(%arg27 : memref<!tpu.dma_semaphore, #tpu.memory_space<semaphore_mem>>)
      %dma_wait3A_742 = arith.constant 0 : i32
      %dma_wait3A_743 = arith.constant 0 : i32
      %dma_wait3A_744 = tpu.memref_slice %arg12[%dma_wait3A_742, %dma_wait3A_743] : memref<1x64xi32, #tpu.memory_space<vmem>> -> memref<1x64xi32, #tpu.memory_space<vmem>>
      %dma_wait3A_745 = tpu.memref_squeeze %dma_wait3A_744 : memref<1x64xi32, #tpu.memory_space<vmem>> -> memref<64xi32, #tpu.memory_space<vmem>>
      %dma_wait3A_746 = arith.constant 0 : i32
      %dma_wait3A_747 = tpu.memref_slice %arg23[%dma_wait3A_746] : memref<10112xf32, #tpu.memory_space<vmem_shared>> -> memref<10112xf32, #tpu.memory_space<vmem_shared>>
      tpu.wait_indirect_dma semaphore(%arg30 : memref<!tpu.dma_semaphore, #tpu.memory_space<semaphore_mem>>) src(%arg14 : memref<64xf32, #tpu.memory_space<vmem>>) dst(%dma_wait3A_747 : memref<10112xf32, #tpu.memory_space<vmem_shared>>)
      %dma_wait3A_748 = arith.constant 0 : i32
      %dma_wait3A_749 = arith.constant 0 : i32
      %dma_wait3A_750 = tpu.memref_slice %arg10[%dma_wait3A_748, %dma_wait3A_749] : memref<1x128xi32, #tpu.memory_space<vmem>> -> memref<1x64xi32, #tpu.memory_space<vmem>>
      %dma_wait3A_751 = tpu.memref_squeeze %dma_wait3A_750 : memref<1x64xi32, #tpu.memory_space<vmem>> -> memref<64xi32, #tpu.memory_space<vmem>>
      %dma_wait3A_752 = arith.constant 0 : i32
      %dma_wait3A_753 = arith.constant 0 : i32
      %dma_wait3A_754 = tpu.memref_slice %arg5[%dma_wait3A_752, %dma_wait3A_753] : memref<10000x128xf32, #tpu.memory_space<hbm>> -> memref<10000x128xf32, #tpu.memory_space<hbm>>
      tpu.wait_indirect_dma semaphore(%arg26 : memref<!tpu.dma_semaphore, #tpu.memory_space<semaphore_mem>>) src(%dma_wait3A_754 : memref<10000x128xf32, #tpu.memory_space<hbm>>) dst(%arg20 : memref<64x128xf32, #tpu.memory_space<vmem>>)
      %get3A_755 = arith.constant 0 : i32
      %get3A_756 = arith.index_cast %get3A_755 : i32 to index
      %get3A_757 = arith.constant 0 : index
      %get3A_758 = tpu.vector_load %arg10[%get3A_756, %get3A_757] {strides = array<i32>} : memref<1x128xi32, #tpu.memory_space<vmem>>, vector<16xi32>,
      %get3A_759 = arith.constant 0 : i32
      %get3A_760 = arith.index_cast %get3A_759 : i32 to index
      %get3A_761 = arith.constant 64 : index
      %get3A_762 = tpu.vector_load %arg10[%get3A_760, %get3A_761] {strides = array<i32>} : memref<1x128xi32, #tpu.memory_space<vmem>>, vector<16xi32>,
      %gather3A_763 = tpu.vector_load_idx %arg16[%get3A_758] : memref<10000xi32, #tpu.memory_space<vmem>>[vector<16xi32>], vector<16xi32>,
      %bitcast3A_764 = vector.bitcast %gather3A_763 : vector<16xi32> to vector<32xbf16>
      %gather3A_765 = tpu.vector_load_idx %arg16[%get3A_762] : memref<10000xi32, #tpu.memory_space<vmem>>[vector<16xi32>], vector<16xi32>,
      %bitcast3A_766 = vector.bitcast %gather3A_765 : vector<16xi32> to vector<32xbf16>
      %unpack3A_767 = tpu.unpack_subelements %bitcast3A_764, 0 {pack_format = #tpu.pack_format<interleaved>} : vector<32xbf16> -> vector<16xf32>
      %unpack3A_768 = tpu.unpack_subelements %bitcast3A_764, 1 {pack_format = #tpu.pack_format<interleaved>} : vector<32xbf16> -> vector<16xf32>
      %unpack3A_769 = tpu.unpack_subelements %bitcast3A_766, 0 {pack_format = #tpu.pack_format<interleaved>} : vector<32xbf16> -> vector<16xf32>
      %unpack3A_770 = tpu.unpack_subelements %bitcast3A_766, 1 {pack_format = #tpu.pack_format<interleaved>} : vector<32xbf16> -> vector<16xf32>
      %add3A_771 = arith.addf %get3A_59, %unpack3A_770 : vector<16xf32>
      %ge3A_772 = arith.constant 0.000000e+00 : f32
      %ge3A_773 = vector.broadcast %ge3A_772 : f32 to vector<16xf32>
      %ge3A_774 = arith.cmpf oge, %add3A_771, %ge3A_773 : vector<16xf32>
      %mul3A_775 = arith.constant 2.000000e-01 : f32
      %mul3A_776 = vector.broadcast %mul3A_775 : f32 to vector<16xf32>
      %mul3A_777 = arith.mulf %add3A_771, %mul3A_776 : vector<16xf32>
      %select_n3A_778 = arith.select %ge3A_774, %add3A_771, %mul3A_777 : vector<16xi1>, vector<16xf32>
      %add3A_779 = arith.addf %unpack3A_767, %unpack3A_770 : vector<16xf32>
      %ge3A_780 = arith.constant 0.000000e+00 : f32
      %ge3A_781 = vector.broadcast %ge3A_780 : f32 to vector<16xf32>
      %ge3A_782 = arith.cmpf oge, %add3A_779, %ge3A_781 : vector<16xf32>
      %mul3A_783 = arith.constant 2.000000e-01 : f32
      %mul3A_784 = vector.broadcast %mul3A_783 : f32 to vector<16xf32>
      %mul3A_785 = arith.mulf %add3A_779, %mul3A_784 : vector<16xf32>
      %select_n3A_786 = arith.select %ge3A_782, %add3A_779, %mul3A_785 : vector<16xi1>, vector<16xf32>
      %add3A_787 = arith.addi %select_n3A_11, %mul3A_715 : i32
      %lt3A_788 = arith.constant 5000 : i32
      %lt3A_789 = arith.cmpi slt, %add3A_787, %lt3A_788 : i32
      %sub3A_790 = arith.subf %select_n3A_786, %select_n3A_778 : vector<16xf32>
      %exp3A_791 = math.exp %sub3A_790 : vector<16xf32>
      %jit3A_792 = arith.constant 0.000000e+00 : f32
      %broadcast_in_dim3A_793 = vector.broadcast %jit3A_792 : f32 to vector<16xf32>
      %select_n3A_794 = arith.select %lt3A_789, %exp3A_791, %broadcast_in_dim3A_793 : vector<16xf32>
      %swap3A_795 = arith.constant 0 : index
      %swap3A_796 = tpu.vector_load %arg14[%swap3A_795] {strides = array<i32>} : memref<64xf32, #tpu.memory_space<vmem>>, vector<16xf32>,
      tpu.vector_store %arg14[%swap3A_795], %select_n3A_794 {strides = array<i32>} : memref<64xf32, #tpu.memory_space<vmem>>, vector<16xf32>,
      %swap3A_797 = arith.constant 0 : i32
      %swap3A_798 = arith.index_cast %swap3A_797 : i32 to index
      %swap3A_799 = arith.constant 0 : index
      %swap3A_800 = tpu.vector_load %arg12[%swap3A_798, %swap3A_799] {strides = array<i32>} : memref<1x64xi32, #tpu.memory_space<vmem>>, vector<16xi32>,
      tpu.vector_store %arg12[%swap3A_798, %swap3A_799], %get3A_762 {strides = array<i32>} : memref<1x64xi32, #tpu.memory_space<vmem>>, vector<16xi32>,
      %get3A_801 = arith.constant 0 : i32
      %get3A_802 = arith.index_cast %get3A_801 : i32 to index
      %get3A_803 = arith.constant 16 : index
      %get3A_804 = tpu.vector_load %arg10[%get3A_802, %get3A_803] {strides = array<i32>} : memref<1x128xi32, #tpu.memory_space<vmem>>, vector<16xi32>,
      %get3A_805 = arith.constant 0 : i32
      %get3A_806 = arith.index_cast %get3A_805 : i32 to index
      %get3A_807 = arith.constant 80 : index
      %get3A_808 = tpu.vector_load %arg10[%get3A_806, %get3A_807] {strides = array<i32>} : memref<1x128xi32, #tpu.memory_space<vmem>>, vector<16xi32>,
      %gather3A_809 = tpu.vector_load_idx %arg16[%get3A_804] : memref<10000xi32, #tpu.memory_space<vmem>>[vector<16xi32>], vector<16xi32>,
      %bitcast3A_810 = vector.bitcast %gather3A_809 : vector<16xi32> to vector<32xbf16>
      %gather3A_811 = tpu.vector_load_idx %arg16[%get3A_808] : memref<10000xi32, #tpu.memory_space<vmem>>[vector<16xi32>], vector<16xi32>,
      %bitcast3A_812 = vector.bitcast %gather3A_811 : vector<16xi32> to vector<32xbf16>
      %unpack3A_813 = tpu.unpack_subelements %bitcast3A_810, 0 {pack_format = #tpu.pack_format<interleaved>} : vector<32xbf16> -> vector<16xf32>
      %unpack3A_814 = tpu.unpack_subelements %bitcast3A_810, 1 {pack_format = #tpu.pack_format<interleaved>} : vector<32xbf16> -> vector<16xf32>
      %unpack3A_815 = tpu.unpack_subelements %bitcast3A_812, 0 {pack_format = #tpu.pack_format<interleaved>} : vector<32xbf16> -> vector<16xf32>
      %unpack3A_816 = tpu.unpack_subelements %bitcast3A_812, 1 {pack_format = #tpu.pack_format<interleaved>} : vector<32xbf16> -> vector<16xf32>
      %add3A_817 = arith.addf %get3A_59, %unpack3A_816 : vector<16xf32>
      %ge3A_818 = arith.constant 0.000000e+00 : f32
      %ge3A_819 = vector.broadcast %ge3A_818 : f32 to vector<16xf32>
      %ge3A_820 = arith.cmpf oge, %add3A_817, %ge3A_819 : vector<16xf32>
      %mul3A_821 = arith.constant 2.000000e-01 : f32
      %mul3A_822 = vector.broadcast %mul3A_821 : f32 to vector<16xf32>
      %mul3A_823 = arith.mulf %add3A_817, %mul3A_822 : vector<16xf32>
      %select_n3A_824 = arith.select %ge3A_820, %add3A_817, %mul3A_823 : vector<16xi1>, vector<16xf32>
      %add3A_825 = arith.addf %unpack3A_813, %unpack3A_816 : vector<16xf32>
      %ge3A_826 = arith.constant 0.000000e+00 : f32
      %ge3A_827 = vector.broadcast %ge3A_826 : f32 to vector<16xf32>
      %ge3A_828 = arith.cmpf oge, %add3A_825, %ge3A_827 : vector<16xf32>
      %mul3A_829 = arith.constant 2.000000e-01 : f32
      %mul3A_830 = vector.broadcast %mul3A_829 : f32 to vector<16xf32>
      %mul3A_831 = arith.mulf %add3A_825, %mul3A_830 : vector<16xf32>
      %select_n3A_832 = arith.select %ge3A_828, %add3A_825, %mul3A_831 : vector<16xi1>, vector<16xf32>
      %add3A_833 = arith.addi %select_n3A_11, %mul3A_715 : i32
      %lt3A_834 = arith.constant 5000 : i32
      %lt3A_835 = arith.cmpi slt, %add3A_833, %lt3A_834 : i32
      %sub3A_836 = arith.subf %select_n3A_832, %select_n3A_824 : vector<16xf32>
      %exp3A_837 = math.exp %sub3A_836 : vector<16xf32>
      %jit3A_838 = arith.constant 0.000000e+00 : f32
      %broadcast_in_dim3A_839 = vector.broadcast %jit3A_838 : f32 to vector<16xf32>
      %select_n3A_840 = arith.select %lt3A_835, %exp3A_837, %broadcast_in_dim3A_839 : vector<16xf32>
      %swap3A_841 = arith.constant 16 : index
      %swap3A_842 = tpu.vector_load %arg14[%swap3A_841] {strides = array<i32>} : memref<64xf32, #tpu.memory_space<vmem>>, vector<16xf32>,
      tpu.vector_store %arg14[%swap3A_841], %select_n3A_840 {strides = array<i32>} : memref<64xf32, #tpu.memory_space<vmem>>, vector<16xf32>,
      %swap3A_843 = arith.constant 0 : i32
      %swap3A_844 = arith.index_cast %swap3A_843 : i32 to index
      %swap3A_845 = arith.constant 16 : index
      %swap3A_846 = tpu.vector_load %arg12[%swap3A_844, %swap3A_845] {strides = array<i32>} : memref<1x64xi32, #tpu.memory_space<vmem>>, vector<16xi32>,
      tpu.vector_store %arg12[%swap3A_844, %swap3A_845], %get3A_808 {strides = array<i32>} : memref<1x64xi32, #tpu.memory_space<vmem>>, vector<16xi32>,
      %get3A_847 = arith.constant 0 : i32
      %get3A_848 = arith.index_cast %get3A_847 : i32 to index
      %get3A_849 = arith.constant 32 : index
      %get3A_850 = tpu.vector_load %arg10[%get3A_848, %get3A_849] {strides = array<i32>} : memref<1x128xi32, #tpu.memory_space<vmem>>, vector<16xi32>,
      %get3A_851 = arith.constant 0 : i32
      %get3A_852 = arith.index_cast %get3A_851 : i32 to index
      %get3A_853 = arith.constant 96 : index
      %get3A_854 = tpu.vector_load %arg10[%get3A_852, %get3A_853] {strides = array<i32>} : memref<1x128xi32, #tpu.memory_space<vmem>>, vector<16xi32>,
      %gather3A_855 = tpu.vector_load_idx %arg16[%get3A_850] : memref<10000xi32, #tpu.memory_space<vmem>>[vector<16xi32>], vector<16xi32>,
      %bitcast3A_856 = vector.bitcast %gather3A_855 : vector<16xi32> to vector<32xbf16>
      %gather3A_857 = tpu.vector_load_idx %arg16[%get3A_854] : memref<10000xi32, #tpu.memory_space<vmem>>[vector<16xi32>], vector<16xi32>,
      %bitcast3A_858 = vector.bitcast %gather3A_857 : vector<16xi32> to vector<32xbf16>
      %unpack3A_859 = tpu.unpack_subelements %bitcast3A_856, 0 {pack_format = #tpu.pack_format<interleaved>} : vector<32xbf16> -> vector<16xf32>
      %unpack3A_860 = tpu.unpack_subelements %bitcast3A_856, 1 {pack_format = #tpu.pack_format<interleaved>} : vector<32xbf16> -> vector<16xf32>
      %unpack3A_861 = tpu.unpack_subelements %bitcast3A_858, 0 {pack_format = #tpu.pack_format<interleaved>} : vector<32xbf16> -> vector<16xf32>
      %unpack3A_862 = tpu.unpack_subelements %bitcast3A_858, 1 {pack_format = #tpu.pack_format<interleaved>} : vector<32xbf16> -> vector<16xf32>
      %add3A_863 = arith.addf %get3A_59, %unpack3A_862 : vector<16xf32>
      %ge3A_864 = arith.constant 0.000000e+00 : f32
      %ge3A_865 = vector.broadcast %ge3A_864 : f32 to vector<16xf32>
      %ge3A_866 = arith.cmpf oge, %add3A_863, %ge3A_865 : vector<16xf32>
      %mul3A_867 = arith.constant 2.000000e-01 : f32
      %mul3A_868 = vector.broadcast %mul3A_867 : f32 to vector<16xf32>
      %mul3A_869 = arith.mulf %add3A_863, %mul3A_868 : vector<16xf32>
      %select_n3A_870 = arith.select %ge3A_866, %add3A_863, %mul3A_869 : vector<16xi1>, vector<16xf32>
      %add3A_871 = arith.addf %unpack3A_859, %unpack3A_862 : vector<16xf32>
      %ge3A_872 = arith.constant 0.000000e+00 : f32
      %ge3A_873 = vector.broadcast %ge3A_872 : f32 to vector<16xf32>
      %ge3A_874 = arith.cmpf oge, %add3A_871, %ge3A_873 : vector<16xf32>
      %mul3A_875 = arith.constant 2.000000e-01 : f32
      %mul3A_876 = vector.broadcast %mul3A_875 : f32 to vector<16xf32>
      %mul3A_877 = arith.mulf %add3A_871, %mul3A_876 : vector<16xf32>
      %select_n3A_878 = arith.select %ge3A_874, %add3A_871, %mul3A_877 : vector<16xi1>, vector<16xf32>
      %add3A_879 = arith.addi %select_n3A_11, %mul3A_715 : i32
      %lt3A_880 = arith.constant 5000 : i32
      %lt3A_881 = arith.cmpi slt, %add3A_879, %lt3A_880 : i32
      %sub3A_882 = arith.subf %select_n3A_878, %select_n3A_870 : vector<16xf32>
      %exp3A_883 = math.exp %sub3A_882 : vector<16xf32>
      %jit3A_884 = arith.constant 0.000000e+00 : f32
      %broadcast_in_dim3A_885 = vector.broadcast %jit3A_884 : f32 to vector<16xf32>
      %select_n3A_886 = arith.select %lt3A_881, %exp3A_883, %broadcast_in_dim3A_885 : vector<16xf32>
      %swap3A_887 = arith.constant 32 : index
      %swap3A_888 = tpu.vector_load %arg14[%swap3A_887] {strides = array<i32>} : memref<64xf32, #tpu.memory_space<vmem>>, vector<16xf32>,
      tpu.vector_store %arg14[%swap3A_887], %select_n3A_886 {strides = array<i32>} : memref<64xf32, #tpu.memory_space<vmem>>, vector<16xf32>,
      %swap3A_889 = arith.constant 0 : i32
      %swap3A_890 = arith.index_cast %swap3A_889 : i32 to index
      %swap3A_891 = arith.constant 32 : index
      %swap3A_892 = tpu.vector_load %arg12[%swap3A_890, %swap3A_891] {strides = array<i32>} : memref<1x64xi32, #tpu.memory_space<vmem>>, vector<16xi32>,
      tpu.vector_store %arg12[%swap3A_890, %swap3A_891], %get3A_854 {strides = array<i32>} : memref<1x64xi32, #tpu.memory_space<vmem>>, vector<16xi32>,
      %get3A_893 = arith.constant 0 : i32
      %get3A_894 = arith.index_cast %get3A_893 : i32 to index
      %get3A_895 = arith.constant 48 : index
      %get3A_896 = tpu.vector_load %arg10[%get3A_894, %get3A_895] {strides = array<i32>} : memref<1x128xi32, #tpu.memory_space<vmem>>, vector<16xi32>,
      %get3A_897 = arith.constant 0 : i32
      %get3A_898 = arith.index_cast %get3A_897 : i32 to index
      %get3A_899 = arith.constant 112 : index
      %get3A_900 = tpu.vector_load %arg10[%get3A_898, %get3A_899] {strides = array<i32>} : memref<1x128xi32, #tpu.memory_space<vmem>>, vector<16xi32>,
      %gather3A_901 = tpu.vector_load_idx %arg16[%get3A_896] : memref<10000xi32, #tpu.memory_space<vmem>>[vector<16xi32>], vector<16xi32>,
      %bitcast3A_902 = vector.bitcast %gather3A_901 : vector<16xi32> to vector<32xbf16>
      %gather3A_903 = tpu.vector_load_idx %arg16[%get3A_900] : memref<10000xi32, #tpu.memory_space<vmem>>[vector<16xi32>], vector<16xi32>,
      %bitcast3A_904 = vector.bitcast %gather3A_903 : vector<16xi32> to vector<32xbf16>
      %unpack3A_905 = tpu.unpack_subelements %bitcast3A_902, 0 {pack_format = #tpu.pack_format<interleaved>} : vector<32xbf16> -> vector<16xf32>
      %unpack3A_906 = tpu.unpack_subelements %bitcast3A_902, 1 {pack_format = #tpu.pack_format<interleaved>} : vector<32xbf16> -> vector<16xf32>
      %unpack3A_907 = tpu.unpack_subelements %bitcast3A_904, 0 {pack_format = #tpu.pack_format<interleaved>} : vector<32xbf16> -> vector<16xf32>
      %unpack3A_908 = tpu.unpack_subelements %bitcast3A_904, 1 {pack_format = #tpu.pack_format<interleaved>} : vector<32xbf16> -> vector<16xf32>
      %add3A_909 = arith.addf %get3A_59, %unpack3A_908 : vector<16xf32>
      %ge3A_910 = arith.constant 0.000000e+00 : f32
      %ge3A_911 = vector.broadcast %ge3A_910 : f32 to vector<16xf32>
      %ge3A_912 = arith.cmpf oge, %add3A_909, %ge3A_911 : vector<16xf32>
      %mul3A_913 = arith.constant 2.000000e-01 : f32
      %mul3A_914 = vector.broadcast %mul3A_913 : f32 to vector<16xf32>
      %mul3A_915 = arith.mulf %add3A_909, %mul3A_914 : vector<16xf32>
      %select_n3A_916 = arith.select %ge3A_912, %add3A_909, %mul3A_915 : vector<16xi1>, vector<16xf32>
      %add3A_917 = arith.addf %unpack3A_905, %unpack3A_908 : vector<16xf32>
      %ge3A_918 = arith.constant 0.000000e+00 : f32
      %ge3A_919 = vector.broadcast %ge3A_918 : f32 to vector<16xf32>
      %ge3A_920 = arith.cmpf oge, %add3A_917, %ge3A_919 : vector<16xf32>
      %mul3A_921 = arith.constant 2.000000e-01 : f32
      %mul3A_922 = vector.broadcast %mul3A_921 : f32 to vector<16xf32>
      %mul3A_923 = arith.mulf %add3A_917, %mul3A_922 : vector<16xf32>
      %select_n3A_924 = arith.select %ge3A_920, %add3A_917, %mul3A_923 : vector<16xi1>, vector<16xf32>
      %add3A_925 = arith.addi %select_n3A_11, %mul3A_715 : i32
      %lt3A_926 = arith.constant 5000 : i32
      %lt3A_927 = arith.cmpi slt, %add3A_925, %lt3A_926 : i32
      %sub3A_928 = arith.subf %select_n3A_924, %select_n3A_916 : vector<16xf32>
      %exp3A_929 = math.exp %sub3A_928 : vector<16xf32>
      %jit3A_930 = arith.constant 0.000000e+00 : f32
      %broadcast_in_dim3A_931 = vector.broadcast %jit3A_930 : f32 to vector<16xf32>
      %select_n3A_932 = arith.select %lt3A_927, %exp3A_929, %broadcast_in_dim3A_931 : vector<16xf32>
      %swap3A_933 = arith.constant 48 : index
      %swap3A_934 = tpu.vector_load %arg14[%swap3A_933] {strides = array<i32>} : memref<64xf32, #tpu.memory_space<vmem>>, vector<16xf32>,
      tpu.vector_store %arg14[%swap3A_933], %select_n3A_932 {strides = array<i32>} : memref<64xf32, #tpu.memory_space<vmem>>, vector<16xf32>,
      %swap3A_935 = arith.constant 0 : i32
      %swap3A_936 = arith.index_cast %swap3A_935 : i32 to index
      %swap3A_937 = arith.constant 48 : index
      %swap3A_938 = tpu.vector_load %arg12[%swap3A_936, %swap3A_937] {strides = array<i32>} : memref<1x64xi32, #tpu.memory_space<vmem>>, vector<16xi32>,
      tpu.vector_store %arg12[%swap3A_936, %swap3A_937], %get3A_900 {strides = array<i32>} : memref<1x64xi32, #tpu.memory_space<vmem>>, vector<16xi32>,
      %scan3A_939 = arith.constant 0 : i32
      %scan3A_940 = arith.constant 16 : i32
      %scan3A_941 = arith.addi %scan3A_939, %scan3A_940 : i32
      %scan3A_942 = arith.constant 1 : i32
      scf.for %scan3A_1258 = %scan3A_939 to %scan3A_941 step %scan3A_942  : i32 {
        %mul3A_1259 = arith.constant 1 : i32
        %mul3A_1260 = arith.muli %scan3A_1258, %mul3A_1259 : i32
        %add3A_1261 = arith.constant 0 : i32
        %add3A_1262 = arith.addi %add3A_1261, %mul3A_1260 : i32
        %add3A_1263 = arith.constant 0 : i32
        %add3A_1264 = arith.addi %add3A_1263, %add3A_1262 : i32
        %broadcast_in_dim3A_1265 = vector.broadcast %add3A_1262 : i32 to vector<16x1xi32>
        %gather3A_1266 = vector.shape_cast %broadcast_in_dim3A_1265 : vector<16x1xi32> to vector<16xi32>
        %gather3A_1267 = tpu.dynamic_gather %select_n3A_794[%gather3A_1266] in [0] : vector<16xf32>, vector<16xi32> -> vector<16xf32>
        %get3A_1268 = arith.index_cast %add3A_1264 : i32 to index
        %get3A_1269 = arith.constant 0 : index
        %get3A_1270 = tpu.vector_load %arg20[%get3A_1268, %get3A_1269] {strides = array<i32>} : memref<64x128xf32, #tpu.memory_space<vmem>>, vector<16xf32>,
        %mul3A_1271 = arith.mulf %get3A_1270, %gather3A_1267 : vector<16xf32>
        %swap3A_1272 = arith.index_cast %add3A_1264 : i32 to index
        %swap3A_1273 = arith.constant 0 : index
        %swap3A_1274 = tpu.vector_load %arg20[%swap3A_1272, %swap3A_1273] {strides = array<i32>} : memref<64x128xf32, #tpu.memory_space<vmem>>, vector<16xf32>,
        tpu.vector_store %arg20[%swap3A_1272, %swap3A_1273], %mul3A_1271 {strides = array<i32>} : memref<64x128xf32, #tpu.memory_space<vmem>>, vector<16xf32>,
        %get3A_1275 = arith.index_cast %add3A_1264 : i32 to index
        %get3A_1276 = arith.constant 16 : index
        %get3A_1277 = tpu.vector_load %arg20[%get3A_1275, %get3A_1276] {strides = array<i32>} : memref<64x128xf32, #tpu.memory_space<vmem>>, vector<16xf32>,
        %mul3A_1278 = arith.mulf %get3A_1277, %gather3A_1267 : vector<16xf32>
        %swap3A_1279 = arith.index_cast %add3A_1264 : i32 to index
        %swap3A_1280 = arith.constant 16 : index
        %swap3A_1281 = tpu.vector_load %arg20[%swap3A_1279, %swap3A_1280] {strides = array<i32>} : memref<64x128xf32, #tpu.memory_space<vmem>>, vector<16xf32>,
        tpu.vector_store %arg20[%swap3A_1279, %swap3A_1280], %mul3A_1278 {strides = array<i32>} : memref<64x128xf32, #tpu.memory_space<vmem>>, vector<16xf32>,
        %get3A_1282 = arith.index_cast %add3A_1264 : i32 to index
        %get3A_1283 = arith.constant 32 : index
        %get3A_1284 = tpu.vector_load %arg20[%get3A_1282, %get3A_1283] {strides = array<i32>} : memref<64x128xf32, #tpu.memory_space<vmem>>, vector<16xf32>,
        %mul3A_1285 = arith.mulf %get3A_1284, %gather3A_1267 : vector<16xf32>
        %swap3A_1286 = arith.index_cast %add3A_1264 : i32 to index
        %swap3A_1287 = arith.constant 32 : index
        %swap3A_1288 = tpu.vector_load %arg20[%swap3A_1286, %swap3A_1287] {strides = array<i32>} : memref<64x128xf32, #tpu.memory_space<vmem>>, vector<16xf32>,
        tpu.vector_store %arg20[%swap3A_1286, %swap3A_1287], %mul3A_1285 {strides = array<i32>} : memref<64x128xf32, #tpu.memory_space<vmem>>, vector<16xf32>,
        %get3A_1289 = arith.index_cast %add3A_1264 : i32 to index
        %get3A_1290 = arith.constant 48 : index
        %get3A_1291 = tpu.vector_load %arg20[%get3A_1289, %get3A_1290] {strides = array<i32>} : memref<64x128xf32, #tpu.memory_space<vmem>>, vector<16xf32>,
        %mul3A_1292 = arith.mulf %get3A_1291, %gather3A_1267 : vector<16xf32>
        %swap3A_1293 = arith.index_cast %add3A_1264 : i32 to index
        %swap3A_1294 = arith.constant 48 : index
        %swap3A_1295 = tpu.vector_load %arg20[%swap3A_1293, %swap3A_1294] {strides = array<i32>} : memref<64x128xf32, #tpu.memory_space<vmem>>, vector<16xf32>,
        tpu.vector_store %arg20[%swap3A_1293, %swap3A_1294], %mul3A_1292 {strides = array<i32>} : memref<64x128xf32, #tpu.memory_space<vmem>>, vector<16xf32>,
        %get3A_1296 = arith.index_cast %add3A_1264 : i32 to index
        %get3A_1297 = arith.constant 64 : index
        %get3A_1298 = tpu.vector_load %arg20[%get3A_1296, %get3A_1297] {strides = array<i32>} : memref<64x128xf32, #tpu.memory_space<vmem>>, vector<16xf32>,
        %mul3A_1299 = arith.mulf %get3A_1298, %gather3A_1267 : vector<16xf32>
        %swap3A_1300 = arith.index_cast %add3A_1264 : i32 to index
        %swap3A_1301 = arith.constant 64 : index
        %swap3A_1302 = tpu.vector_load %arg20[%swap3A_1300, %swap3A_1301] {strides = array<i32>} : memref<64x128xf32, #tpu.memory_space<vmem>>, vector<16xf32>,
        tpu.vector_store %arg20[%swap3A_1300, %swap3A_1301], %mul3A_1299 {strides = array<i32>} : memref<64x128xf32, #tpu.memory_space<vmem>>, vector<16xf32>,
        %get3A_1303 = arith.index_cast %add3A_1264 : i32 to index
        %get3A_1304 = arith.constant 80 : index
        %get3A_1305 = tpu.vector_load %arg20[%get3A_1303, %get3A_1304] {strides = array<i32>} : memref<64x128xf32, #tpu.memory_space<vmem>>, vector<16xf32>,
        %mul3A_1306 = arith.mulf %get3A_1305, %gather3A_1267 : vector<16xf32>
        %swap3A_1307 = arith.index_cast %add3A_1264 : i32 to index
        %swap3A_1308 = arith.constant 80 : index
        %swap3A_1309 = tpu.vector_load %arg20[%swap3A_1307, %swap3A_1308] {strides = array<i32>} : memref<64x128xf32, #tpu.memory_space<vmem>>, vector<16xf32>,
        tpu.vector_store %arg20[%swap3A_1307, %swap3A_1308], %mul3A_1306 {strides = array<i32>} : memref<64x128xf32, #tpu.memory_space<vmem>>, vector<16xf32>,
        %get3A_1310 = arith.index_cast %add3A_1264 : i32 to index
        %get3A_1311 = arith.constant 96 : index
        %get3A_1312 = tpu.vector_load %arg20[%get3A_1310, %get3A_1311] {strides = array<i32>} : memref<64x128xf32, #tpu.memory_space<vmem>>, vector<16xf32>,
        %mul3A_1313 = arith.mulf %get3A_1312, %gather3A_1267 : vector<16xf32>
        %swap3A_1314 = arith.index_cast %add3A_1264 : i32 to index
        %swap3A_1315 = arith.constant 96 : index
        %swap3A_1316 = tpu.vector_load %arg20[%swap3A_1314, %swap3A_1315] {strides = array<i32>} : memref<64x128xf32, #tpu.memory_space<vmem>>, vector<16xf32>,
        tpu.vector_store %arg20[%swap3A_1314, %swap3A_1315], %mul3A_1313 {strides = array<i32>} : memref<64x128xf32, #tpu.memory_space<vmem>>, vector<16xf32>,
        %get3A_1317 = arith.index_cast %add3A_1264 : i32 to index
        %get3A_1318 = arith.constant 112 : index
        %get3A_1319 = tpu.vector_load %arg20[%get3A_1317, %get3A_1318] {strides = array<i32>} : memref<64x128xf32, #tpu.memory_space<vmem>>, vector<16xf32>,
        %mul3A_1320 = arith.mulf %get3A_1319, %gather3A_1267 : vector<16xf32>
        %swap3A_1321 = arith.index_cast %add3A_1264 : i32 to index
        %swap3A_1322 = arith.constant 112 : index
        %swap3A_1323 = tpu.vector_load %arg20[%swap3A_1321, %swap3A_1322] {strides = array<i32>} : memref<64x128xf32, #tpu.memory_space<vmem>>, vector<16xf32>,
        tpu.vector_store %arg20[%swap3A_1321, %swap3A_1322], %mul3A_1320 {strides = array<i32>} : memref<64x128xf32, #tpu.memory_space<vmem>>, vector<16xf32>,
      }
      %scan3A_943 = arith.constant 16 : i32
      %scan3A_944 = arith.constant 0 : i32
      %scan3A_945 = arith.constant 16 : i32
      %scan3A_946 = arith.addi %scan3A_944, %scan3A_945 : i32
      %scan3A_947 = arith.constant 1 : i32
      scf.for %scan3A_1258 = %scan3A_944 to %scan3A_946 step %scan3A_947  : i32 {
        %mul3A_1259 = arith.constant 1 : i32
        %mul3A_1260 = arith.muli %scan3A_1258, %mul3A_1259 : i32
        %add3A_1261 = arith.constant 0 : i32
        %add3A_1262 = arith.addi %add3A_1261, %mul3A_1260 : i32
        %add3A_1263 = arith.constant 16 : i32
        %add3A_1264 = arith.addi %add3A_1263, %add3A_1262 : i32
        %broadcast_in_dim3A_1265 = vector.broadcast %add3A_1262 : i32 to vector<16x1xi32>
        %gather3A_1266 = vector.shape_cast %broadcast_in_dim3A_1265 : vector<16x1xi32> to vector<16xi32>
        %gather3A_1267 = tpu.dynamic_gather %select_n3A_840[%gather3A_1266] in [0] : vector<16xf32>, vector<16xi32> -> vector<16xf32>
        %get3A_1268 = arith.index_cast %add3A_1264 : i32 to index
        %get3A_1269 = arith.constant 0 : index
        %get3A_1270 = tpu.vector_load %arg20[%get3A_1268, %get3A_1269] {strides = array<i32>} : memref<64x128xf32, #tpu.memory_space<vmem>>, vector<16xf32>,
        %mul3A_1271 = arith.mulf %get3A_1270, %gather3A_1267 : vector<16xf32>
        %swap3A_1272 = arith.index_cast %add3A_1264 : i32 to index
        %swap3A_1273 = arith.constant 0 : index
        %swap3A_1274 = tpu.vector_load %arg20[%swap3A_1272, %swap3A_1273] {strides = array<i32>} : memref<64x128xf32, #tpu.memory_space<vmem>>, vector<16xf32>,
        tpu.vector_store %arg20[%swap3A_1272, %swap3A_1273], %mul3A_1271 {strides = array<i32>} : memref<64x128xf32, #tpu.memory_space<vmem>>, vector<16xf32>,
        %get3A_1275 = arith.index_cast %add3A_1264 : i32 to index
        %get3A_1276 = arith.constant 16 : index
        %get3A_1277 = tpu.vector_load %arg20[%get3A_1275, %get3A_1276] {strides = array<i32>} : memref<64x128xf32, #tpu.memory_space<vmem>>, vector<16xf32>,
        %mul3A_1278 = arith.mulf %get3A_1277, %gather3A_1267 : vector<16xf32>
        %swap3A_1279 = arith.index_cast %add3A_1264 : i32 to index
        %swap3A_1280 = arith.constant 16 : index
        %swap3A_1281 = tpu.vector_load %arg20[%swap3A_1279, %swap3A_1280] {strides = array<i32>} : memref<64x128xf32, #tpu.memory_space<vmem>>, vector<16xf32>,
        tpu.vector_store %arg20[%swap3A_1279, %swap3A_1280], %mul3A_1278 {strides = array<i32>} : memref<64x128xf32, #tpu.memory_space<vmem>>, vector<16xf32>,
        %get3A_1282 = arith.index_cast %add3A_1264 : i32 to index
        %get3A_1283 = arith.constant 32 : index
        %get3A_1284 = tpu.vector_load %arg20[%get3A_1282, %get3A_1283] {strides = array<i32>} : memref<64x128xf32, #tpu.memory_space<vmem>>, vector<16xf32>,
        %mul3A_1285 = arith.mulf %get3A_1284, %gather3A_1267 : vector<16xf32>
        %swap3A_1286 = arith.index_cast %add3A_1264 : i32 to index
        %swap3A_1287 = arith.constant 32 : index
        %swap3A_1288 = tpu.vector_load %arg20[%swap3A_1286, %swap3A_1287] {strides = array<i32>} : memref<64x128xf32, #tpu.memory_space<vmem>>, vector<16xf32>,
        tpu.vector_store %arg20[%swap3A_1286, %swap3A_1287], %mul3A_1285 {strides = array<i32>} : memref<64x128xf32, #tpu.memory_space<vmem>>, vector<16xf32>,
        %get3A_1289 = arith.index_cast %add3A_1264 : i32 to index
        %get3A_1290 = arith.constant 48 : index
        %get3A_1291 = tpu.vector_load %arg20[%get3A_1289, %get3A_1290] {strides = array<i32>} : memref<64x128xf32, #tpu.memory_space<vmem>>, vector<16xf32>,
        %mul3A_1292 = arith.mulf %get3A_1291, %gather3A_1267 : vector<16xf32>
        %swap3A_1293 = arith.index_cast %add3A_1264 : i32 to index
        %swap3A_1294 = arith.constant 48 : index
        %swap3A_1295 = tpu.vector_load %arg20[%swap3A_1293, %swap3A_1294] {strides = array<i32>} : memref<64x128xf32, #tpu.memory_space<vmem>>, vector<16xf32>,
        tpu.vector_store %arg20[%swap3A_1293, %swap3A_1294], %mul3A_1292 {strides = array<i32>} : memref<64x128xf32, #tpu.memory_space<vmem>>, vector<16xf32>,
        %get3A_1296 = arith.index_cast %add3A_1264 : i32 to index
        %get3A_1297 = arith.constant 64 : index
        %get3A_1298 = tpu.vector_load %arg20[%get3A_1296, %get3A_1297] {strides = array<i32>} : memref<64x128xf32, #tpu.memory_space<vmem>>, vector<16xf32>,
        %mul3A_1299 = arith.mulf %get3A_1298, %gather3A_1267 : vector<16xf32>
        %swap3A_1300 = arith.index_cast %add3A_1264 : i32 to index
        %swap3A_1301 = arith.constant 64 : index
        %swap3A_1302 = tpu.vector_load %arg20[%swap3A_1300, %swap3A_1301] {strides = array<i32>} : memref<64x128xf32, #tpu.memory_space<vmem>>, vector<16xf32>,
        tpu.vector_store %arg20[%swap3A_1300, %swap3A_1301], %mul3A_1299 {strides = array<i32>} : memref<64x128xf32, #tpu.memory_space<vmem>>, vector<16xf32>,
        %get3A_1303 = arith.index_cast %add3A_1264 : i32 to index
        %get3A_1304 = arith.constant 80 : index
        %get3A_1305 = tpu.vector_load %arg20[%get3A_1303, %get3A_1304] {strides = array<i32>} : memref<64x128xf32, #tpu.memory_space<vmem>>, vector<16xf32>,
        %mul3A_1306 = arith.mulf %get3A_1305, %gather3A_1267 : vector<16xf32>
        %swap3A_1307 = arith.index_cast %add3A_1264 : i32 to index
        %swap3A_1308 = arith.constant 80 : index
        %swap3A_1309 = tpu.vector_load %arg20[%swap3A_1307, %swap3A_1308] {strides = array<i32>} : memref<64x128xf32, #tpu.memory_space<vmem>>, vector<16xf32>,
        tpu.vector_store %arg20[%swap3A_1307, %swap3A_1308], %mul3A_1306 {strides = array<i32>} : memref<64x128xf32, #tpu.memory_space<vmem>>, vector<16xf32>,
        %get3A_1310 = arith.index_cast %add3A_1264 : i32 to index
        %get3A_1311 = arith.constant 96 : index
        %get3A_1312 = tpu.vector_load %arg20[%get3A_1310, %get3A_1311] {strides = array<i32>} : memref<64x128xf32, #tpu.memory_space<vmem>>, vector<16xf32>,
        %mul3A_1313 = arith.mulf %get3A_1312, %gather3A_1267 : vector<16xf32>
        %swap3A_1314 = arith.index_cast %add3A_1264 : i32 to index
        %swap3A_1315 = arith.constant 96 : index
        %swap3A_1316 = tpu.vector_load %arg20[%swap3A_1314, %swap3A_1315] {strides = array<i32>} : memref<64x128xf32, #tpu.memory_space<vmem>>, vector<16xf32>,
        tpu.vector_store %arg20[%swap3A_1314, %swap3A_1315], %mul3A_1313 {strides = array<i32>} : memref<64x128xf32, #tpu.memory_space<vmem>>, vector<16xf32>,
        %get3A_1317 = arith.index_cast %add3A_1264 : i32 to index
        %get3A_1318 = arith.constant 112 : index
        %get3A_1319 = tpu.vector_load %arg20[%get3A_1317, %get3A_1318] {strides = array<i32>} : memref<64x128xf32, #tpu.memory_space<vmem>>, vector<16xf32>,
        %mul3A_1320 = arith.mulf %get3A_1319, %gather3A_1267 : vector<16xf32>
        %swap3A_1321 = arith.index_cast %add3A_1264 : i32 to index
        %swap3A_1322 = arith.constant 112 : index
        %swap3A_1323 = tpu.vector_load %arg20[%swap3A_1321, %swap3A_1322] {strides = array<i32>} : memref<64x128xf32, #tpu.memory_space<vmem>>, vector<16xf32>,
        tpu.vector_store %arg20[%swap3A_1321, %swap3A_1322], %mul3A_1320 {strides = array<i32>} : memref<64x128xf32, #tpu.memory_space<vmem>>, vector<16xf32>,
      }
      %scan3A_948 = arith.constant 16 : i32
      %scan3A_949 = arith.constant 0 : i32
      %scan3A_950 = arith.constant 16 : i32
      %scan3A_951 = arith.addi %scan3A_949, %scan3A_950 : i32
      %scan3A_952 = arith.constant 1 : i32
      scf.for %scan3A_1258 = %scan3A_949 to %scan3A_951 step %scan3A_952  : i32 {
        %mul3A_1259 = arith.constant 1 : i32
        %mul3A_1260 = arith.muli %scan3A_1258, %mul3A_1259 : i32
        %add3A_1261 = arith.constant 0 : i32
        %add3A_1262 = arith.addi %add3A_1261, %mul3A_1260 : i32
        %add3A_1263 = arith.constant 32 : i32
        %add3A_1264 = arith.addi %add3A_1263, %add3A_1262 : i32
        %broadcast_in_dim3A_1265 = vector.broadcast %add3A_1262 : i32 to vector<16x1xi32>
        %gather3A_1266 = vector.shape_cast %broadcast_in_dim3A_1265 : vector<16x1xi32> to vector<16xi32>
        %gather3A_1267 = tpu.dynamic_gather %select_n3A_886[%gather3A_1266] in [0] : vector<16xf32>, vector<16xi32> -> vector<16xf32>
        %get3A_1268 = arith.index_cast %add3A_1264 : i32 to index
        %get3A_1269 = arith.constant 0 : index
        %get3A_1270 = tpu.vector_load %arg20[%get3A_1268, %get3A_1269] {strides = array<i32>} : memref<64x128xf32, #tpu.memory_space<vmem>>, vector<16xf32>,
        %mul3A_1271 = arith.mulf %get3A_1270, %gather3A_1267 : vector<16xf32>
        %swap3A_1272 = arith.index_cast %add3A_1264 : i32 to index
        %swap3A_1273 = arith.constant 0 : index
        %swap3A_1274 = tpu.vector_load %arg20[%swap3A_1272, %swap3A_1273] {strides = array<i32>} : memref<64x128xf32, #tpu.memory_space<vmem>>, vector<16xf32>,
        tpu.vector_store %arg20[%swap3A_1272, %swap3A_1273], %mul3A_1271 {strides = array<i32>} : memref<64x128xf32, #tpu.memory_space<vmem>>, vector<16xf32>,
        %get3A_1275 = arith.index_cast %add3A_1264 : i32 to index
        %get3A_1276 = arith.constant 16 : index
        %get3A_1277 = tpu.vector_load %arg20[%get3A_1275, %get3A_1276] {strides = array<i32>} : memref<64x128xf32, #tpu.memory_space<vmem>>, vector<16xf32>,
        %mul3A_1278 = arith.mulf %get3A_1277, %gather3A_1267 : vector<16xf32>
        %swap3A_1279 = arith.index_cast %add3A_1264 : i32 to index
        %swap3A_1280 = arith.constant 16 : index
        %swap3A_1281 = tpu.vector_load %arg20[%swap3A_1279, %swap3A_1280] {strides = array<i32>} : memref<64x128xf32, #tpu.memory_space<vmem>>, vector<16xf32>,
        tpu.vector_store %arg20[%swap3A_1279, %swap3A_1280], %mul3A_1278 {strides = array<i32>} : memref<64x128xf32, #tpu.memory_space<vmem>>, vector<16xf32>,
        %get3A_1282 = arith.index_cast %add3A_1264 : i32 to index
        %get3A_1283 = arith.constant 32 : index
        %get3A_1284 = tpu.vector_load %arg20[%get3A_1282, %get3A_1283] {strides = array<i32>} : memref<64x128xf32, #tpu.memory_space<vmem>>, vector<16xf32>,
        %mul3A_1285 = arith.mulf %get3A_1284, %gather3A_1267 : vector<16xf32>
        %swap3A_1286 = arith.index_cast %add3A_1264 : i32 to index
        %swap3A_1287 = arith.constant 32 : index
        %swap3A_1288 = tpu.vector_load %arg20[%swap3A_1286, %swap3A_1287] {strides = array<i32>} : memref<64x128xf32, #tpu.memory_space<vmem>>, vector<16xf32>,
        tpu.vector_store %arg20[%swap3A_1286, %swap3A_1287], %mul3A_1285 {strides = array<i32>} : memref<64x128xf32, #tpu.memory_space<vmem>>, vector<16xf32>,
        %get3A_1289 = arith.index_cast %add3A_1264 : i32 to index
        %get3A_1290 = arith.constant 48 : index
        %get3A_1291 = tpu.vector_load %arg20[%get3A_1289, %get3A_1290] {strides = array<i32>} : memref<64x128xf32, #tpu.memory_space<vmem>>, vector<16xf32>,
        %mul3A_1292 = arith.mulf %get3A_1291, %gather3A_1267 : vector<16xf32>
        %swap3A_1293 = arith.index_cast %add3A_1264 : i32 to index
        %swap3A_1294 = arith.constant 48 : index
        %swap3A_1295 = tpu.vector_load %arg20[%swap3A_1293, %swap3A_1294] {strides = array<i32>} : memref<64x128xf32, #tpu.memory_space<vmem>>, vector<16xf32>,
        tpu.vector_store %arg20[%swap3A_1293, %swap3A_1294], %mul3A_1292 {strides = array<i32>} : memref<64x128xf32, #tpu.memory_space<vmem>>, vector<16xf32>,
        %get3A_1296 = arith.index_cast %add3A_1264 : i32 to index
        %get3A_1297 = arith.constant 64 : index
        %get3A_1298 = tpu.vector_load %arg20[%get3A_1296, %get3A_1297] {strides = array<i32>} : memref<64x128xf32, #tpu.memory_space<vmem>>, vector<16xf32>,
        %mul3A_1299 = arith.mulf %get3A_1298, %gather3A_1267 : vector<16xf32>
        %swap3A_1300 = arith.index_cast %add3A_1264 : i32 to index
        %swap3A_1301 = arith.constant 64 : index
        %swap3A_1302 = tpu.vector_load %arg20[%swap3A_1300, %swap3A_1301] {strides = array<i32>} : memref<64x128xf32, #tpu.memory_space<vmem>>, vector<16xf32>,
        tpu.vector_store %arg20[%swap3A_1300, %swap3A_1301], %mul3A_1299 {strides = array<i32>} : memref<64x128xf32, #tpu.memory_space<vmem>>, vector<16xf32>,
        %get3A_1303 = arith.index_cast %add3A_1264 : i32 to index
        %get3A_1304 = arith.constant 80 : index
        %get3A_1305 = tpu.vector_load %arg20[%get3A_1303, %get3A_1304] {strides = array<i32>} : memref<64x128xf32, #tpu.memory_space<vmem>>, vector<16xf32>,
        %mul3A_1306 = arith.mulf %get3A_1305, %gather3A_1267 : vector<16xf32>
        %swap3A_1307 = arith.index_cast %add3A_1264 : i32 to index
        %swap3A_1308 = arith.constant 80 : index
        %swap3A_1309 = tpu.vector_load %arg20[%swap3A_1307, %swap3A_1308] {strides = array<i32>} : memref<64x128xf32, #tpu.memory_space<vmem>>, vector<16xf32>,
        tpu.vector_store %arg20[%swap3A_1307, %swap3A_1308], %mul3A_1306 {strides = array<i32>} : memref<64x128xf32, #tpu.memory_space<vmem>>, vector<16xf32>,
        %get3A_1310 = arith.index_cast %add3A_1264 : i32 to index
        %get3A_1311 = arith.constant 96 : index
        %get3A_1312 = tpu.vector_load %arg20[%get3A_1310, %get3A_1311] {strides = array<i32>} : memref<64x128xf32, #tpu.memory_space<vmem>>, vector<16xf32>,
        %mul3A_1313 = arith.mulf %get3A_1312, %gather3A_1267 : vector<16xf32>
        %swap3A_1314 = arith.index_cast %add3A_1264 : i32 to index
        %swap3A_1315 = arith.constant 96 : index
        %swap3A_1316 = tpu.vector_load %arg20[%swap3A_1314, %swap3A_1315] {strides = array<i32>} : memref<64x128xf32, #tpu.memory_space<vmem>>, vector<16xf32>,
        tpu.vector_store %arg20[%swap3A_1314, %swap3A_1315], %mul3A_1313 {strides = array<i32>} : memref<64x128xf32, #tpu.memory_space<vmem>>, vector<16xf32>,
        %get3A_1317 = arith.index_cast %add3A_1264 : i32 to index
        %get3A_1318 = arith.constant 112 : index
        %get3A_1319 = tpu.vector_load %arg20[%get3A_1317, %get3A_1318] {strides = array<i32>} : memref<64x128xf32, #tpu.memory_space<vmem>>, vector<16xf32>,
        %mul3A_1320 = arith.mulf %get3A_1319, %gather3A_1267 : vector<16xf32>
        %swap3A_1321 = arith.index_cast %add3A_1264 : i32 to index
        %swap3A_1322 = arith.constant 112 : index
        %swap3A_1323 = tpu.vector_load %arg20[%swap3A_1321, %swap3A_1322] {strides = array<i32>} : memref<64x128xf32, #tpu.memory_space<vmem>>, vector<16xf32>,
        tpu.vector_store %arg20[%swap3A_1321, %swap3A_1322], %mul3A_1320 {strides = array<i32>} : memref<64x128xf32, #tpu.memory_space<vmem>>, vector<16xf32>,
      }
      %scan3A_953 = arith.constant 16 : i32
      %scan3A_954 = arith.constant 0 : i32
      %scan3A_955 = arith.constant 16 : i32
      %scan3A_956 = arith.addi %scan3A_954, %scan3A_955 : i32
      %scan3A_957 = arith.constant 1 : i32
      scf.for %scan3A_1258 = %scan3A_954 to %scan3A_956 step %scan3A_957  : i32 {
        %mul3A_1259 = arith.constant 1 : i32
        %mul3A_1260 = arith.muli %scan3A_1258, %mul3A_1259 : i32
        %add3A_1261 = arith.constant 0 : i32
        %add3A_1262 = arith.addi %add3A_1261, %mul3A_1260 : i32
        %add3A_1263 = arith.constant 48 : i32
        %add3A_1264 = arith.addi %add3A_1263, %add3A_1262 : i32
        %broadcast_in_dim3A_1265 = vector.broadcast %add3A_1262 : i32 to vector<16x1xi32>
        %gather3A_1266 = vector.shape_cast %broadcast_in_dim3A_1265 : vector<16x1xi32> to vector<16xi32>
        %gather3A_1267 = tpu.dynamic_gather %select_n3A_932[%gather3A_1266] in [0] : vector<16xf32>, vector<16xi32> -> vector<16xf32>
        %get3A_1268 = arith.index_cast %add3A_1264 : i32 to index
        %get3A_1269 = arith.constant 0 : index
        %get3A_1270 = tpu.vector_load %arg20[%get3A_1268, %get3A_1269] {strides = array<i32>} : memref<64x128xf32, #tpu.memory_space<vmem>>, vector<16xf32>,
        %mul3A_1271 = arith.mulf %get3A_1270, %gather3A_1267 : vector<16xf32>
        %swap3A_1272 = arith.index_cast %add3A_1264 : i32 to index
        %swap3A_1273 = arith.constant 0 : index
        %swap3A_1274 = tpu.vector_load %arg20[%swap3A_1272, %swap3A_1273] {strides = array<i32>} : memref<64x128xf32, #tpu.memory_space<vmem>>, vector<16xf32>,
        tpu.vector_store %arg20[%swap3A_1272, %swap3A_1273], %mul3A_1271 {strides = array<i32>} : memref<64x128xf32, #tpu.memory_space<vmem>>, vector<16xf32>,
        %get3A_1275 = arith.index_cast %add3A_1264 : i32 to index
        %get3A_1276 = arith.constant 16 : index
        %get3A_1277 = tpu.vector_load %arg20[%get3A_1275, %get3A_1276] {strides = array<i32>} : memref<64x128xf32, #tpu.memory_space<vmem>>, vector<16xf32>,
        %mul3A_1278 = arith.mulf %get3A_1277, %gather3A_1267 : vector<16xf32>
        %swap3A_1279 = arith.index_cast %add3A_1264 : i32 to index
        %swap3A_1280 = arith.constant 16 : index
        %swap3A_1281 = tpu.vector_load %arg20[%swap3A_1279, %swap3A_1280] {strides = array<i32>} : memref<64x128xf32, #tpu.memory_space<vmem>>, vector<16xf32>,
        tpu.vector_store %arg20[%swap3A_1279, %swap3A_1280], %mul3A_1278 {strides = array<i32>} : memref<64x128xf32, #tpu.memory_space<vmem>>, vector<16xf32>,
        %get3A_1282 = arith.index_cast %add3A_1264 : i32 to index
        %get3A_1283 = arith.constant 32 : index
        %get3A_1284 = tpu.vector_load %arg20[%get3A_1282, %get3A_1283] {strides = array<i32>} : memref<64x128xf32, #tpu.memory_space<vmem>>, vector<16xf32>,
        %mul3A_1285 = arith.mulf %get3A_1284, %gather3A_1267 : vector<16xf32>
        %swap3A_1286 = arith.index_cast %add3A_1264 : i32 to index
        %swap3A_1287 = arith.constant 32 : index
        %swap3A_1288 = tpu.vector_load %arg20[%swap3A_1286, %swap3A_1287] {strides = array<i32>} : memref<64x128xf32, #tpu.memory_space<vmem>>, vector<16xf32>,
        tpu.vector_store %arg20[%swap3A_1286, %swap3A_1287], %mul3A_1285 {strides = array<i32>} : memref<64x128xf32, #tpu.memory_space<vmem>>, vector<16xf32>,
        %get3A_1289 = arith.index_cast %add3A_1264 : i32 to index
        %get3A_1290 = arith.constant 48 : index
        %get3A_1291 = tpu.vector_load %arg20[%get3A_1289, %get3A_1290] {strides = array<i32>} : memref<64x128xf32, #tpu.memory_space<vmem>>, vector<16xf32>,
        %mul3A_1292 = arith.mulf %get3A_1291, %gather3A_1267 : vector<16xf32>
        %swap3A_1293 = arith.index_cast %add3A_1264 : i32 to index
        %swap3A_1294 = arith.constant 48 : index
        %swap3A_1295 = tpu.vector_load %arg20[%swap3A_1293, %swap3A_1294] {strides = array<i32>} : memref<64x128xf32, #tpu.memory_space<vmem>>, vector<16xf32>,
        tpu.vector_store %arg20[%swap3A_1293, %swap3A_1294], %mul3A_1292 {strides = array<i32>} : memref<64x128xf32, #tpu.memory_space<vmem>>, vector<16xf32>,
        %get3A_1296 = arith.index_cast %add3A_1264 : i32 to index
        %get3A_1297 = arith.constant 64 : index
        %get3A_1298 = tpu.vector_load %arg20[%get3A_1296, %get3A_1297] {strides = array<i32>} : memref<64x128xf32, #tpu.memory_space<vmem>>, vector<16xf32>,
        %mul3A_1299 = arith.mulf %get3A_1298, %gather3A_1267 : vector<16xf32>
        %swap3A_1300 = arith.index_cast %add3A_1264 : i32 to index
        %swap3A_1301 = arith.constant 64 : index
        %swap3A_1302 = tpu.vector_load %arg20[%swap3A_1300, %swap3A_1301] {strides = array<i32>} : memref<64x128xf32, #tpu.memory_space<vmem>>, vector<16xf32>,
        tpu.vector_store %arg20[%swap3A_1300, %swap3A_1301], %mul3A_1299 {strides = array<i32>} : memref<64x128xf32, #tpu.memory_space<vmem>>, vector<16xf32>,
        %get3A_1303 = arith.index_cast %add3A_1264 : i32 to index
        %get3A_1304 = arith.constant 80 : index
        %get3A_1305 = tpu.vector_load %arg20[%get3A_1303, %get3A_1304] {strides = array<i32>} : memref<64x128xf32, #tpu.memory_space<vmem>>, vector<16xf32>,
        %mul3A_1306 = arith.mulf %get3A_1305, %gather3A_1267 : vector<16xf32>
        %swap3A_1307 = arith.index_cast %add3A_1264 : i32 to index
        %swap3A_1308 = arith.constant 80 : index
        %swap3A_1309 = tpu.vector_load %arg20[%swap3A_1307, %swap3A_1308] {strides = array<i32>} : memref<64x128xf32, #tpu.memory_space<vmem>>, vector<16xf32>,
        tpu.vector_store %arg20[%swap3A_1307, %swap3A_1308], %mul3A_1306 {strides = array<i32>} : memref<64x128xf32, #tpu.memory_space<vmem>>, vector<16xf32>,
        %get3A_1310 = arith.index_cast %add3A_1264 : i32 to index
        %get3A_1311 = arith.constant 96 : index
        %get3A_1312 = tpu.vector_load %arg20[%get3A_1310, %get3A_1311] {strides = array<i32>} : memref<64x128xf32, #tpu.memory_space<vmem>>, vector<16xf32>,
        %mul3A_1313 = arith.mulf %get3A_1312, %gather3A_1267 : vector<16xf32>
        %swap3A_1314 = arith.index_cast %add3A_1264 : i32 to index
        %swap3A_1315 = arith.constant 96 : index
        %swap3A_1316 = tpu.vector_load %arg20[%swap3A_1314, %swap3A_1315] {strides = array<i32>} : memref<64x128xf32, #tpu.memory_space<vmem>>, vector<16xf32>,
        tpu.vector_store %arg20[%swap3A_1314, %swap3A_1315], %mul3A_1313 {strides = array<i32>} : memref<64x128xf32, #tpu.memory_space<vmem>>, vector<16xf32>,
        %get3A_1317 = arith.index_cast %add3A_1264 : i32 to index
        %get3A_1318 = arith.constant 112 : index
        %get3A_1319 = tpu.vector_load %arg20[%get3A_1317, %get3A_1318] {strides = array<i32>} : memref<64x128xf32, #tpu.memory_space<vmem>>, vector<16xf32>,
        %mul3A_1320 = arith.mulf %get3A_1319, %gather3A_1267 : vector<16xf32>
        %swap3A_1321 = arith.index_cast %add3A_1264 : i32 to index
        %swap3A_1322 = arith.constant 112 : index
        %swap3A_1323 = tpu.vector_load %arg20[%swap3A_1321, %swap3A_1322] {strides = array<i32>} : memref<64x128xf32, #tpu.memory_space<vmem>>, vector<16xf32>,
        tpu.vector_store %arg20[%swap3A_1321, %swap3A_1322], %mul3A_1320 {strides = array<i32>} : memref<64x128xf32, #tpu.memory_space<vmem>>, vector<16xf32>,
      }
      %scan3A_958 = arith.constant 16 : i32
      %dma_start3A_959 = arith.constant 0 : i32
      %dma_start3A_960 = arith.constant 0 : i32
      %dma_start3A_961 = tpu.memref_slice %arg12[%dma_start3A_959, %dma_start3A_960] : memref<1x64xi32, #tpu.memory_space<vmem>> -> memref<1x64xi32, #tpu.memory_space<vmem>>
      %dma_start3A_962 = tpu.memref_squeeze %dma_start3A_961 : memref<1x64xi32, #tpu.memory_space<vmem>> -> memref<64xi32, #tpu.memory_space<vmem>>
      %dma_start3A_963 = arith.constant 0 : i32
      %dma_start3A_964 = arith.constant 0 : i32
      %dma_start3A_965 = tpu.memref_slice %arg22[%dma_start3A_963, %dma_start3A_964] : memref<10112x128xf32, #tpu.memory_space<vmem_shared>> -> memref<10112x128xf32, #tpu.memory_space<vmem_shared>>
      tpu.enqueue_indirect_dma source(%arg20 : memref<64x128xf32, #tpu.memory_space<vmem>>) target(%dma_start3A_965 : memref<10112x128xf32, #tpu.memory_space<vmem_shared>>) offsets(%dma_start3A_962 : memref<64xi32, #tpu.memory_space<vmem>>) semaphore(%arg28 : memref<!tpu.dma_semaphore, #tpu.memory_space<semaphore_mem>>) {add = true}
      %dma_start3A_966 = arith.constant 0 : i32
      %dma_start3A_967 = arith.constant 0 : i32
      %dma_start3A_968 = tpu.memref_slice %arg12[%dma_start3A_966, %dma_start3A_967] : memref<1x64xi32, #tpu.memory_space<vmem>> -> memref<1x64xi32, #tpu.memory_space<vmem>>
      %dma_start3A_969 = tpu.memref_squeeze %dma_start3A_968 : memref<1x64xi32, #tpu.memory_space<vmem>> -> memref<64xi32, #tpu.memory_space<vmem>>
      %dma_start3A_970 = arith.constant 0 : i32
      %dma_start3A_971 = tpu.memref_slice %arg23[%dma_start3A_970] : memref<10112xf32, #tpu.memory_space<vmem_shared>> -> memref<10112xf32, #tpu.memory_space<vmem_shared>>
      tpu.enqueue_indirect_dma source(%arg14 : memref<64xf32, #tpu.memory_space<vmem>>) target(%dma_start3A_971 : memref<10112xf32, #tpu.memory_space<vmem_shared>>) offsets(%dma_start3A_969 : memref<64xi32, #tpu.memory_space<vmem>>) semaphore(%arg30 : memref<!tpu.dma_semaphore, #tpu.memory_space<semaphore_mem>>) {add = true}
      %add3A_972 = arith.constant 2 : i32
      %add3A_973 = arith.addi %mul3A_715, %add3A_972 : i32
      %add3A_974 = arith.addi %select_n3A_11, %add3A_973 : i32
      %min3A_975 = arith.constant 5119 : i32
      %min3A_976 = arith.minsi %add3A_974, %min3A_975 : i32
      %dma_start3A_977 = arith.constant 0 : i32
      %dma_start3A_978 = arith.constant 0 : i32
      %dma_start3A_979 = tpu.memref_slice %arg2[%min3A_976, %dma_start3A_977, %dma_start3A_978] : memref<5120x1x128xi32, #tpu.memory_space<hbm>> -> memref<1x1x128xi32, #tpu.memory_space<hbm>>
      %dma_start3A_980 = tpu.memref_squeeze %dma_start3A_979 : memref<1x1x128xi32, #tpu.memory_space<hbm>> -> memref<1x128xi32, #tpu.memory_space<hbm>>
      %dma_start3A_981 = arith.constant 0 : i32
      %dma_start3A_982 = arith.constant 0 : i32
      %dma_start3A_983 = tpu.memref_slice %arg2[%min3A_976, %dma_start3A_981, %dma_start3A_982] : memref<5120x1x128xi32, #tpu.memory_space<hbm>> -> memref<1x1x128xi32, #tpu.memory_space<hbm>>
      %dma_start3A_984 = tpu.memref_squeeze %dma_start3A_983 : memref<1x1x128xi32, #tpu.memory_space<hbm>> -> memref<1x128xi32, #tpu.memory_space<hbm>>
      tpu.enqueue_dma source(%dma_start3A_984 : memref<1x128xi32, #tpu.memory_space<hbm>>) target(%arg10 : memref<1x128xi32, #tpu.memory_space<vmem>>) target_semaphore(%arg24 : memref<!tpu.dma_semaphore, #tpu.memory_space<semaphore_mem>>)
      %mul3A_985 = arith.constant 2 : i32
      %mul3A_986 = arith.muli %mul3A_985, %add3A_713 : i32
      %add3A_987 = arith.constant 1 : i32
      %add3A_988 = arith.addi %mul3A_986, %add3A_987 : i32
      %add3A_989 = arith.constant 0 : i32
      %add3A_990 = arith.addi %select_n3A_11, %add3A_989 : i32
      %min3A_991 = arith.constant 5119 : i32
      %min3A_992 = arith.minsi %add3A_990, %min3A_991 : i32
      %dma_wait3A_993 = arith.constant 0 : i32
      %dma_wait3A_994 = arith.constant 0 : i32
      %dma_wait3A_995 = tpu.memref_slice %arg2[%min3A_992, %dma_wait3A_993, %dma_wait3A_994] : memref<5120x1x128xi32, #tpu.memory_space<hbm>> -> memref<1x1x128xi32, #tpu.memory_space<hbm>>
      %dma_wait3A_996 = tpu.memref_squeeze %dma_wait3A_995 : memref<1x1x128xi32, #tpu.memory_space<hbm>> -> memref<1x128xi32, #tpu.memory_space<hbm>>
      %dma_wait3A_997 = arith.constant 0 : i32
      %dma_wait3A_998 = arith.constant 0 : i32
      %dma_wait3A_999 = tpu.memref_slice %arg2[%min3A_992, %dma_wait3A_997, %dma_wait3A_998] : memref<5120x1x128xi32, #tpu.memory_space<hbm>> -> memref<1x1x128xi32, #tpu.memory_space<hbm>>
      %dma_wait3A_1000 = tpu.memref_squeeze %dma_wait3A_999 : memref<1x1x128xi32, #tpu.memory_space<hbm>> -> memref<1x128xi32, #tpu.memory_space<hbm>>
      tpu.wait_dma2 semaphore(%arg24 : memref<!tpu.dma_semaphore, #tpu.memory_space<semaphore_mem>>) src(%dma_wait3A_1000 : memref<1x128xi32, #tpu.memory_space<hbm>>) dst(%arg10 : memref<1x128xi32, #tpu.memory_space<vmem>>)
      %dma_wait3A_1001 = arith.constant 0 : i32
      %dma_wait3A_1002 = arith.constant 0 : i32
      %dma_wait3A_1003 = tpu.memref_slice %arg12[%dma_wait3A_1001, %dma_wait3A_1002] : memref<1x64xi32, #tpu.memory_space<vmem>> -> memref<1x64xi32, #tpu.memory_space<vmem>>
      %dma_wait3A_1004 = tpu.memref_squeeze %dma_wait3A_1003 : memref<1x64xi32, #tpu.memory_space<vmem>> -> memref<64xi32, #tpu.memory_space<vmem>>
      %dma_wait3A_1005 = arith.constant 0 : i32
      %dma_wait3A_1006 = arith.constant 0 : i32
      %dma_wait3A_1007 = tpu.memref_slice %arg22[%dma_wait3A_1005, %dma_wait3A_1006] : memref<10112x128xf32, #tpu.memory_space<vmem_shared>> -> memref<10112x128xf32, #tpu.memory_space<vmem_shared>>
      tpu.wait_indirect_dma semaphore(%arg28 : memref<!tpu.dma_semaphore, #tpu.memory_space<semaphore_mem>>) src(%arg20 : memref<64x128xf32, #tpu.memory_space<vmem>>) dst(%dma_wait3A_1007 : memref<10112x128xf32, #tpu.memory_space<vmem_shared>>)
      %dma_start3A_1008 = arith.constant 0 : i32
      %dma_start3A_1009 = arith.constant 0 : i32
      %dma_start3A_1010 = tpu.memref_slice %arg10[%dma_start3A_1008, %dma_start3A_1009] : memref<1x128xi32, #tpu.memory_space<vmem>> -> memref<1x64xi32, #tpu.memory_space<vmem>>
      %dma_start3A_1011 = tpu.memref_squeeze %dma_start3A_1010 : memref<1x64xi32, #tpu.memory_space<vmem>> -> memref<64xi32, #tpu.memory_space<vmem>>
      %dma_start3A_1012 = arith.constant 0 : i32
      %dma_start3A_1013 = arith.constant 0 : i32
      %dma_start3A_1014 = tpu.memref_slice %arg5[%dma_start3A_1012, %dma_start3A_1013] : memref<10000x128xf32, #tpu.memory_space<hbm>> -> memref<10000x128xf32, #tpu.memory_space<hbm>>
      tpu.enqueue_indirect_dma source(%dma_start3A_1014 : memref<10000x128xf32, #tpu.memory_space<hbm>>) target(%arg20 : memref<64x128xf32, #tpu.memory_space<vmem>>) offsets(%dma_start3A_1011 : memref<64xi32, #tpu.memory_space<vmem>>) semaphore(%arg26 : memref<!tpu.dma_semaphore, #tpu.memory_space<semaphore_mem>>)
      %dma_wait3A_1015 = arith.constant 0 : i32
      %dma_wait3A_1016 = arith.constant 0 : i32
      %dma_wait3A_1017 = tpu.memref_slice %arg13[%dma_wait3A_1015, %dma_wait3A_1016] : memref<1x64xi32, #tpu.memory_space<vmem>> -> memref<1x64xi32, #tpu.memory_space<vmem>>
      %dma_wait3A_1018 = tpu.memref_squeeze %dma_wait3A_1017 : memref<1x64xi32, #tpu.memory_space<vmem>> -> memref<64xi32, #tpu.memory_space<vmem>>
      %dma_wait3A_1019 = arith.constant 0 : i32
      %dma_wait3A_1020 = tpu.memref_slice %arg23[%dma_wait3A_1019] : memref<10112xf32, #tpu.memory_space<vmem_shared>> -> memref<10112xf32, #tpu.memory_space<vmem_shared>>
      tpu.wait_indirect_dma semaphore(%arg31 : memref<!tpu.dma_semaphore, #tpu.memory_space<semaphore_mem>>) src(%arg15 : memref<64xf32, #tpu.memory_space<vmem>>) dst(%dma_wait3A_1020 : memref<10112xf32, #tpu.memory_space<vmem_shared>>)
      %dma_wait3A_1021 = arith.constant 0 : i32
      %dma_wait3A_1022 = arith.constant 0 : i32
      %dma_wait3A_1023 = tpu.memref_slice %arg11[%dma_wait3A_1021, %dma_wait3A_1022] : memref<1x128xi32, #tpu.memory_space<vmem>> -> memref<1x64xi32, #tpu.memory_space<vmem>>
      %dma_wait3A_1024 = tpu.memref_squeeze %dma_wait3A_1023 : memref<1x64xi32, #tpu.memory_space<vmem>> -> memref<64xi32, #tpu.memory_space<vmem>>
      %dma_wait3A_1025 = arith.constant 0 : i32
      %dma_wait3A_1026 = arith.constant 0 : i32
      %dma_wait3A_1027 = tpu.memref_slice %arg5[%dma_wait3A_1025, %dma_wait3A_1026] : memref<10000x128xf32, #tpu.memory_space<hbm>> -> memref<10000x128xf32, #tpu.memory_space<hbm>>
      tpu.wait_indirect_dma semaphore(%arg27 : memref<!tpu.dma_semaphore, #tpu.memory_space<semaphore_mem>>) src(%dma_wait3A_1027 : memref<10000x128xf32, #tpu.memory_space<hbm>>) dst(%arg21 : memref<64x128xf32, #tpu.memory_space<vmem>>)
      %get3A_1028 = arith.constant 0 : i32
      %get3A_1029 = arith.index_cast %get3A_1028 : i32 to index
      %get3A_1030 = arith.constant 0 : index
      %get3A_1031 = tpu.vector_load %arg11[%get3A_1029, %get3A_1030] {strides = array<i32>} : memref<1x128xi32, #tpu.memory_space<vmem>>, vector<16xi32>,
      %get3A_1032 = arith.constant 0 : i32
      %get3A_1033 = arith.index_cast %get3A_1032 : i32 to index
      %get3A_1034 = arith.constant 64 : index
      %get3A_1035 = tpu.vector_load %arg11[%get3A_1033, %get3A_1034] {strides = array<i32>} : memref<1x128xi32, #tpu.memory_space<vmem>>, vector<16xi32>,
      %gather3A_1036 = tpu.vector_load_idx %arg16[%get3A_1031] : memref<10000xi32, #tpu.memory_space<vmem>>[vector<16xi32>], vector<16xi32>,
      %bitcast3A_1037 = vector.bitcast %gather3A_1036 : vector<16xi32> to vector<32xbf16>
      %gather3A_1038 = tpu.vector_load_idx %arg16[%get3A_1035] : memref<10000xi32, #tpu.memory_space<vmem>>[vector<16xi32>], vector<16xi32>,
      %bitcast3A_1039 = vector.bitcast %gather3A_1038 : vector<16xi32> to vector<32xbf16>
      %unpack3A_1040 = tpu.unpack_subelements %bitcast3A_1037, 0 {pack_format = #tpu.pack_format<interleaved>} : vector<32xbf16> -> vector<16xf32>
      %unpack3A_1041 = tpu.unpack_subelements %bitcast3A_1037, 1 {pack_format = #tpu.pack_format<interleaved>} : vector<32xbf16> -> vector<16xf32>
      %unpack3A_1042 = tpu.unpack_subelements %bitcast3A_1039, 0 {pack_format = #tpu.pack_format<interleaved>} : vector<32xbf16> -> vector<16xf32>
      %unpack3A_1043 = tpu.unpack_subelements %bitcast3A_1039, 1 {pack_format = #tpu.pack_format<interleaved>} : vector<32xbf16> -> vector<16xf32>
      %add3A_1044 = arith.addf %get3A_59, %unpack3A_1043 : vector<16xf32>
      %ge3A_1045 = arith.constant 0.000000e+00 : f32
      %ge3A_1046 = vector.broadcast %ge3A_1045 : f32 to vector<16xf32>
      %ge3A_1047 = arith.cmpf oge, %add3A_1044, %ge3A_1046 : vector<16xf32>
      %mul3A_1048 = arith.constant 2.000000e-01 : f32
      %mul3A_1049 = vector.broadcast %mul3A_1048 : f32 to vector<16xf32>
      %mul3A_1050 = arith.mulf %add3A_1044, %mul3A_1049 : vector<16xf32>
      %select_n3A_1051 = arith.select %ge3A_1047, %add3A_1044, %mul3A_1050 : vector<16xi1>, vector<16xf32>
      %add3A_1052 = arith.addf %unpack3A_1040, %unpack3A_1043 : vector<16xf32>
      %ge3A_1053 = arith.constant 0.000000e+00 : f32
      %ge3A_1054 = vector.broadcast %ge3A_1053 : f32 to vector<16xf32>
      %ge3A_1055 = arith.cmpf oge, %add3A_1052, %ge3A_1054 : vector<16xf32>
      %mul3A_1056 = arith.constant 2.000000e-01 : f32
      %mul3A_1057 = vector.broadcast %mul3A_1056 : f32 to vector<16xf32>
      %mul3A_1058 = arith.mulf %add3A_1052, %mul3A_1057 : vector<16xf32>
      %select_n3A_1059 = arith.select %ge3A_1055, %add3A_1052, %mul3A_1058 : vector<16xi1>, vector<16xf32>
      %add3A_1060 = arith.addi %select_n3A_11, %add3A_988 : i32
      %lt3A_1061 = arith.constant 5000 : i32
      %lt3A_1062 = arith.cmpi slt, %add3A_1060, %lt3A_1061 : i32
      %sub3A_1063 = arith.subf %select_n3A_1059, %select_n3A_1051 : vector<16xf32>
      %exp3A_1064 = math.exp %sub3A_1063 : vector<16xf32>
      %jit3A_1065 = arith.constant 0.000000e+00 : f32
      %broadcast_in_dim3A_1066 = vector.broadcast %jit3A_1065 : f32 to vector<16xf32>
      %select_n3A_1067 = arith.select %lt3A_1062, %exp3A_1064, %broadcast_in_dim3A_1066 : vector<16xf32>
      %swap3A_1068 = arith.constant 0 : index
      %swap3A_1069 = tpu.vector_load %arg15[%swap3A_1068] {strides = array<i32>} : memref<64xf32, #tpu.memory_space<vmem>>, vector<16xf32>,
      tpu.vector_store %arg15[%swap3A_1068], %select_n3A_1067 {strides = array<i32>} : memref<64xf32, #tpu.memory_space<vmem>>, vector<16xf32>,
      %swap3A_1070 = arith.constant 0 : i32
      %swap3A_1071 = arith.index_cast %swap3A_1070 : i32 to index
      %swap3A_1072 = arith.constant 0 : index
      %swap3A_1073 = tpu.vector_load %arg13[%swap3A_1071, %swap3A_1072] {strides = array<i32>} : memref<1x64xi32, #tpu.memory_space<vmem>>, vector<16xi32>,
      tpu.vector_store %arg13[%swap3A_1071, %swap3A_1072], %get3A_1035 {strides = array<i32>} : memref<1x64xi32, #tpu.memory_space<vmem>>, vector<16xi32>,
      %get3A_1074 = arith.constant 0 : i32
      %get3A_1075 = arith.index_cast %get3A_1074 : i32 to index
      %get3A_1076 = arith.constant 16 : index
      %get3A_1077 = tpu.vector_load %arg11[%get3A_1075, %get3A_1076] {strides = array<i32>} : memref<1x128xi32, #tpu.memory_space<vmem>>, vector<16xi32>,
      %get3A_1078 = arith.constant 0 : i32
      %get3A_1079 = arith.index_cast %get3A_1078 : i32 to index
      %get3A_1080 = arith.constant 80 : index
      %get3A_1081 = tpu.vector_load %arg11[%get3A_1079, %get3A_1080] {strides = array<i32>} : memref<1x128xi32, #tpu.memory_space<vmem>>, vector<16xi32>,
      %gather3A_1082 = tpu.vector_load_idx %arg16[%get3A_1077] : memref<10000xi32, #tpu.memory_space<vmem>>[vector<16xi32>], vector<16xi32>,
      %bitcast3A_1083 = vector.bitcast %gather3A_1082 : vector<16xi32> to vector<32xbf16>
      %gather3A_1084 = tpu.vector_load_idx %arg16[%get3A_1081] : memref<10000xi32, #tpu.memory_space<vmem>>[vector<16xi32>], vector<16xi32>,
      %bitcast3A_1085 = vector.bitcast %gather3A_1084 : vector<16xi32> to vector<32xbf16>
      %unpack3A_1086 = tpu.unpack_subelements %bitcast3A_1083, 0 {pack_format = #tpu.pack_format<interleaved>} : vector<32xbf16> -> vector<16xf32>
      %unpack3A_1087 = tpu.unpack_subelements %bitcast3A_1083, 1 {pack_format = #tpu.pack_format<interleaved>} : vector<32xbf16> -> vector<16xf32>
      %unpack3A_1088 = tpu.unpack_subelements %bitcast3A_1085, 0 {pack_format = #tpu.pack_format<interleaved>} : vector<32xbf16> -> vector<16xf32>
      %unpack3A_1089 = tpu.unpack_subelements %bitcast3A_1085, 1 {pack_format = #tpu.pack_format<interleaved>} : vector<32xbf16> -> vector<16xf32>
      %add3A_1090 = arith.addf %get3A_59, %unpack3A_1089 : vector<16xf32>
      %ge3A_1091 = arith.constant 0.000000e+00 : f32
      %ge3A_1092 = vector.broadcast %ge3A_1091 : f32 to vector<16xf32>
      %ge3A_1093 = arith.cmpf oge, %add3A_1090, %ge3A_1092 : vector<16xf32>
      %mul3A_1094 = arith.constant 2.000000e-01 : f32
      %mul3A_1095 = vector.broadcast %mul3A_1094 : f32 to vector<16xf32>
      %mul3A_1096 = arith.mulf %add3A_1090, %mul3A_1095 : vector<16xf32>
      %select_n3A_1097 = arith.select %ge3A_1093, %add3A_1090, %mul3A_1096 : vector<16xi1>, vector<16xf32>
      %add3A_1098 = arith.addf %unpack3A_1086, %unpack3A_1089 : vector<16xf32>
      %ge3A_1099 = arith.constant 0.000000e+00 : f32
      %ge3A_1100 = vector.broadcast %ge3A_1099 : f32 to vector<16xf32>
      %ge3A_1101 = arith.cmpf oge, %add3A_1098, %ge3A_1100 : vector<16xf32>
      %mul3A_1102 = arith.constant 2.000000e-01 : f32
      %mul3A_1103 = vector.broadcast %mul3A_1102 : f32 to vector<16xf32>
      %mul3A_1104 = arith.mulf %add3A_1098, %mul3A_1103 : vector<16xf32>
      %select_n3A_1105 = arith.select %ge3A_1101, %add3A_1098, %mul3A_1104 : vector<16xi1>, vector<16xf32>
      %add3A_1106 = arith.addi %select_n3A_11, %add3A_988 : i32
      %lt3A_1107 = arith.constant 5000 : i32
      %lt3A_1108 = arith.cmpi slt, %add3A_1106, %lt3A_1107 : i32
      %sub3A_1109 = arith.subf %select_n3A_1105, %select_n3A_1097 : vector<16xf32>
      %exp3A_1110 = math.exp %sub3A_1109 : vector<16xf32>
      %jit3A_1111 = arith.constant 0.000000e+00 : f32
      %broadcast_in_dim3A_1112 = vector.broadcast %jit3A_1111 : f32 to vector<16xf32>
      %select_n3A_1113 = arith.select %lt3A_1108, %exp3A_1110, %broadcast_in_dim3A_1112 : vector<16xf32>
      %swap3A_1114 = arith.constant 16 : index
      %swap3A_1115 = tpu.vector_load %arg15[%swap3A_1114] {strides = array<i32>} : memref<64xf32, #tpu.memory_space<vmem>>, vector<16xf32>,
      tpu.vector_store %arg15[%swap3A_1114], %select_n3A_1113 {strides = array<i32>} : memref<64xf32, #tpu.memory_space<vmem>>, vector<16xf32>,
      %swap3A_1116 = arith.constant 0 : i32
      %swap3A_1117 = arith.index_cast %swap3A_1116 : i32 to index
      %swap3A_1118 = arith.constant 16 : index
      %swap3A_1119 = tpu.vector_load %arg13[%swap3A_1117, %swap3A_1118] {strides = array<i32>} : memref<1x64xi32, #tpu.memory_space<vmem>>, vector<16xi32>,
      tpu.vector_store %arg13[%swap3A_1117, %swap3A_1118], %get3A_1081 {strides = array<i32>} : memref<1x64xi32, #tpu.memory_space<vmem>>, vector<16xi32>,
      %get3A_1120 = arith.constant 0 : i32
      %get3A_1121 = arith.index_cast %get3A_1120 : i32 to index
      %get3A_1122 = arith.constant 32 : index
      %get3A_1123 = tpu.vector_load %arg11[%get3A_1121, %get3A_1122] {strides = array<i32>} : memref<1x128xi32, #tpu.memory_space<vmem>>, vector<16xi32>,
      %get3A_1124 = arith.constant 0 : i32
      %get3A_1125 = arith.index_cast %get3A_1124 : i32 to index
      %get3A_1126 = arith.constant 96 : index
      %get3A_1127 = tpu.vector_load %arg11[%get3A_1125, %get3A_1126] {strides = array<i32>} : memref<1x128xi32, #tpu.memory_space<vmem>>, vector<16xi32>,
      %gather3A_1128 = tpu.vector_load_idx %arg16[%get3A_1123] : memref<10000xi32, #tpu.memory_space<vmem>>[vector<16xi32>], vector<16xi32>,
      %bitcast3A_1129 = vector.bitcast %gather3A_1128 : vector<16xi32> to vector<32xbf16>
      %gather3A_1130 = tpu.vector_load_idx %arg16[%get3A_1127] : memref<10000xi32, #tpu.memory_space<vmem>>[vector<16xi32>], vector<16xi32>,
      %bitcast3A_1131 = vector.bitcast %gather3A_1130 : vector<16xi32> to vector<32xbf16>
      %unpack3A_1132 = tpu.unpack_subelements %bitcast3A_1129, 0 {pack_format = #tpu.pack_format<interleaved>} : vector<32xbf16> -> vector<16xf32>
      %unpack3A_1133 = tpu.unpack_subelements %bitcast3A_1129, 1 {pack_format = #tpu.pack_format<interleaved>} : vector<32xbf16> -> vector<16xf32>
      %unpack3A_1134 = tpu.unpack_subelements %bitcast3A_1131, 0 {pack_format = #tpu.pack_format<interleaved>} : vector<32xbf16> -> vector<16xf32>
      %unpack3A_1135 = tpu.unpack_subelements %bitcast3A_1131, 1 {pack_format = #tpu.pack_format<interleaved>} : vector<32xbf16> -> vector<16xf32>
      %add3A_1136 = arith.addf %get3A_59, %unpack3A_1135 : vector<16xf32>
      %ge3A_1137 = arith.constant 0.000000e+00 : f32
      %ge3A_1138 = vector.broadcast %ge3A_1137 : f32 to vector<16xf32>
      %ge3A_1139 = arith.cmpf oge, %add3A_1136, %ge3A_1138 : vector<16xf32>
      %mul3A_1140 = arith.constant 2.000000e-01 : f32
      %mul3A_1141 = vector.broadcast %mul3A_1140 : f32 to vector<16xf32>
      %mul3A_1142 = arith.mulf %add3A_1136, %mul3A_1141 : vector<16xf32>
      %select_n3A_1143 = arith.select %ge3A_1139, %add3A_1136, %mul3A_1142 : vector<16xi1>, vector<16xf32>
      %add3A_1144 = arith.addf %unpack3A_1132, %unpack3A_1135 : vector<16xf32>
      %ge3A_1145 = arith.constant 0.000000e+00 : f32
      %ge3A_1146 = vector.broadcast %ge3A_1145 : f32 to vector<16xf32>
      %ge3A_1147 = arith.cmpf oge, %add3A_1144, %ge3A_1146 : vector<16xf32>
      %mul3A_1148 = arith.constant 2.000000e-01 : f32
      %mul3A_1149 = vector.broadcast %mul3A_1148 : f32 to vector<16xf32>
      %mul3A_1150 = arith.mulf %add3A_1144, %mul3A_1149 : vector<16xf32>
      %select_n3A_1151 = arith.select %ge3A_1147, %add3A_1144, %mul3A_1150 : vector<16xi1>, vector<16xf32>
      %add3A_1152 = arith.addi %select_n3A_11, %add3A_988 : i32
      %lt3A_1153 = arith.constant 5000 : i32
      %lt3A_1154 = arith.cmpi slt, %add3A_1152, %lt3A_1153 : i32
      %sub3A_1155 = arith.subf %select_n3A_1151, %select_n3A_1143 : vector<16xf32>
      %exp3A_1156 = math.exp %sub3A_1155 : vector<16xf32>
      %jit3A_1157 = arith.constant 0.000000e+00 : f32
      %broadcast_in_dim3A_1158 = vector.broadcast %jit3A_1157 : f32 to vector<16xf32>
      %select_n3A_1159 = arith.select %lt3A_1154, %exp3A_1156, %broadcast_in_dim3A_1158 : vector<16xf32>
      %swap3A_1160 = arith.constant 32 : index
      %swap3A_1161 = tpu.vector_load %arg15[%swap3A_1160] {strides = array<i32>} : memref<64xf32, #tpu.memory_space<vmem>>, vector<16xf32>,
      tpu.vector_store %arg15[%swap3A_1160], %select_n3A_1159 {strides = array<i32>} : memref<64xf32, #tpu.memory_space<vmem>>, vector<16xf32>,
      %swap3A_1162 = arith.constant 0 : i32
      %swap3A_1163 = arith.index_cast %swap3A_1162 : i32 to index
      %swap3A_1164 = arith.constant 32 : index
      %swap3A_1165 = tpu.vector_load %arg13[%swap3A_1163, %swap3A_1164] {strides = array<i32>} : memref<1x64xi32, #tpu.memory_space<vmem>>, vector<16xi32>,
      tpu.vector_store %arg13[%swap3A_1163, %swap3A_1164], %get3A_1127 {strides = array<i32>} : memref<1x64xi32, #tpu.memory_space<vmem>>, vector<16xi32>,
      %get3A_1166 = arith.constant 0 : i32
      %get3A_1167 = arith.index_cast %get3A_1166 : i32 to index
      %get3A_1168 = arith.constant 48 : index
      %get3A_1169 = tpu.vector_load %arg11[%get3A_1167, %get3A_1168] {strides = array<i32>} : memref<1x128xi32, #tpu.memory_space<vmem>>, vector<16xi32>,
      %get3A_1170 = arith.constant 0 : i32
      %get3A_1171 = arith.index_cast %get3A_1170 : i32 to index
      %get3A_1172 = arith.constant 112 : index
      %get3A_1173 = tpu.vector_load %arg11[%get3A_1171, %get3A_1172] {strides = array<i32>} : memref<1x128xi32, #tpu.memory_space<vmem>>, vector<16xi32>,
      %gather3A_1174 = tpu.vector_load_idx %arg16[%get3A_1169] : memref<10000xi32, #tpu.memory_space<vmem>>[vector<16xi32>], vector<16xi32>,
      %bitcast3A_1175 = vector.bitcast %gather3A_1174 : vector<16xi32> to vector<32xbf16>
      %gather3A_1176 = tpu.vector_load_idx %arg16[%get3A_1173] : memref<10000xi32, #tpu.memory_space<vmem>>[vector<16xi32>], vector<16xi32>,
      %bitcast3A_1177 = vector.bitcast %gather3A_1176 : vector<16xi32> to vector<32xbf16>
      %unpack3A_1178 = tpu.unpack_subelements %bitcast3A_1175, 0 {pack_format = #tpu.pack_format<interleaved>} : vector<32xbf16> -> vector<16xf32>
      %unpack3A_1179 = tpu.unpack_subelements %bitcast3A_1175, 1 {pack_format = #tpu.pack_format<interleaved>} : vector<32xbf16> -> vector<16xf32>
      %unpack3A_1180 = tpu.unpack_subelements %bitcast3A_1177, 0 {pack_format = #tpu.pack_format<interleaved>} : vector<32xbf16> -> vector<16xf32>
      %unpack3A_1181 = tpu.unpack_subelements %bitcast3A_1177, 1 {pack_format = #tpu.pack_format<interleaved>} : vector<32xbf16> -> vector<16xf32>
      %add3A_1182 = arith.addf %get3A_59, %unpack3A_1181 : vector<16xf32>
      %ge3A_1183 = arith.constant 0.000000e+00 : f32
      %ge3A_1184 = vector.broadcast %ge3A_1183 : f32 to vector<16xf32>
      %ge3A_1185 = arith.cmpf oge, %add3A_1182, %ge3A_1184 : vector<16xf32>
      %mul3A_1186 = arith.constant 2.000000e-01 : f32
      %mul3A_1187 = vector.broadcast %mul3A_1186 : f32 to vector<16xf32>
      %mul3A_1188 = arith.mulf %add3A_1182, %mul3A_1187 : vector<16xf32>
      %select_n3A_1189 = arith.select %ge3A_1185, %add3A_1182, %mul3A_1188 : vector<16xi1>, vector<16xf32>
      %add3A_1190 = arith.addf %unpack3A_1178, %unpack3A_1181 : vector<16xf32>
      %ge3A_1191 = arith.constant 0.000000e+00 : f32
      %ge3A_1192 = vector.broadcast %ge3A_1191 : f32 to vector<16xf32>
      %ge3A_1193 = arith.cmpf oge, %add3A_1190, %ge3A_1192 : vector<16xf32>
      %mul3A_1194 = arith.constant 2.000000e-01 : f32
      %mul3A_1195 = vector.broadcast %mul3A_1194 : f32 to vector<16xf32>
      %mul3A_1196 = arith.mulf %add3A_1190, %mul3A_1195 : vector<16xf32>
      %select_n3A_1197 = arith.select %ge3A_1193, %add3A_1190, %mul3A_1196 : vector<16xi1>, vector<16xf32>
      %add3A_1198 = arith.addi %select_n3A_11, %add3A_988 : i32
      %lt3A_1199 = arith.constant 5000 : i32
      %lt3A_1200 = arith.cmpi slt, %add3A_1198, %lt3A_1199 : i32
      %sub3A_1201 = arith.subf %select_n3A_1197, %select_n3A_1189 : vector<16xf32>
      %exp3A_1202 = math.exp %sub3A_1201 : vector<16xf32>
      %jit3A_1203 = arith.constant 0.000000e+00 : f32
      %broadcast_in_dim3A_1204 = vector.broadcast %jit3A_1203 : f32 to vector<16xf32>
      %select_n3A_1205 = arith.select %lt3A_1200, %exp3A_1202, %broadcast_in_dim3A_1204 : vector<16xf32>
      %swap3A_1206 = arith.constant 48 : index
      %swap3A_1207 = tpu.vector_load %arg15[%swap3A_1206] {strides = array<i32>} : memref<64xf32, #tpu.memory_space<vmem>>, vector<16xf32>,
      tpu.vector_store %arg15[%swap3A_1206], %select_n3A_1205 {strides = array<i32>} : memref<64xf32, #tpu.memory_space<vmem>>, vector<16xf32>,
      %swap3A_1208 = arith.constant 0 : i32
      %swap3A_1209 = arith.index_cast %swap3A_1208 : i32 to index
      %swap3A_1210 = arith.constant 48 : index
      %swap3A_1211 = tpu.vector_load %arg13[%swap3A_1209, %swap3A_1210] {strides = array<i32>} : memref<1x64xi32, #tpu.memory_space<vmem>>, vector<16xi32>,
      tpu.vector_store %arg13[%swap3A_1209, %swap3A_1210], %get3A_1173 {strides = array<i32>} : memref<1x64xi32, #tpu.memory_space<vmem>>, vector<16xi32>,
      %scan3A_1212 = arith.constant 0 : i32
      %scan3A_1213 = arith.constant 16 : i32
      %scan3A_1214 = arith.addi %scan3A_1212, %scan3A_1213 : i32
      %scan3A_1215 = arith.constant 1 : i32
      scf.for %scan3A_1258 = %scan3A_1212 to %scan3A_1214 step %scan3A_1215  : i32 {
        %mul3A_1259 = arith.constant 1 : i32
        %mul3A_1260 = arith.muli %scan3A_1258, %mul3A_1259 : i32
        %add3A_1261 = arith.constant 0 : i32
        %add3A_1262 = arith.addi %add3A_1261, %mul3A_1260 : i32
        %add3A_1263 = arith.constant 0 : i32
        %add3A_1264 = arith.addi %add3A_1263, %add3A_1262 : i32
        %broadcast_in_dim3A_1265 = vector.broadcast %add3A_1262 : i32 to vector<16x1xi32>
        %gather3A_1266 = vector.shape_cast %broadcast_in_dim3A_1265 : vector<16x1xi32> to vector<16xi32>
        %gather3A_1267 = tpu.dynamic_gather %select_n3A_1067[%gather3A_1266] in [0] : vector<16xf32>, vector<16xi32> -> vector<16xf32>
        %get3A_1268 = arith.index_cast %add3A_1264 : i32 to index
        %get3A_1269 = arith.constant 0 : index
        %get3A_1270 = tpu.vector_load %arg21[%get3A_1268, %get3A_1269] {strides = array<i32>} : memref<64x128xf32, #tpu.memory_space<vmem>>, vector<16xf32>,
        %mul3A_1271 = arith.mulf %get3A_1270, %gather3A_1267 : vector<16xf32>
        %swap3A_1272 = arith.index_cast %add3A_1264 : i32 to index
        %swap3A_1273 = arith.constant 0 : index
        %swap3A_1274 = tpu.vector_load %arg21[%swap3A_1272, %swap3A_1273] {strides = array<i32>} : memref<64x128xf32, #tpu.memory_space<vmem>>, vector<16xf32>,
        tpu.vector_store %arg21[%swap3A_1272, %swap3A_1273], %mul3A_1271 {strides = array<i32>} : memref<64x128xf32, #tpu.memory_space<vmem>>, vector<16xf32>,
        %get3A_1275 = arith.index_cast %add3A_1264 : i32 to index
        %get3A_1276 = arith.constant 16 : index
        %get3A_1277 = tpu.vector_load %arg21[%get3A_1275, %get3A_1276] {strides = array<i32>} : memref<64x128xf32, #tpu.memory_space<vmem>>, vector<16xf32>,
        %mul3A_1278 = arith.mulf %get3A_1277, %gather3A_1267 : vector<16xf32>
        %swap3A_1279 = arith.index_cast %add3A_1264 : i32 to index
        %swap3A_1280 = arith.constant 16 : index
        %swap3A_1281 = tpu.vector_load %arg21[%swap3A_1279, %swap3A_1280] {strides = array<i32>} : memref<64x128xf32, #tpu.memory_space<vmem>>, vector<16xf32>,
        tpu.vector_store %arg21[%swap3A_1279, %swap3A_1280], %mul3A_1278 {strides = array<i32>} : memref<64x128xf32, #tpu.memory_space<vmem>>, vector<16xf32>,
        %get3A_1282 = arith.index_cast %add3A_1264 : i32 to index
        %get3A_1283 = arith.constant 32 : index
        %get3A_1284 = tpu.vector_load %arg21[%get3A_1282, %get3A_1283] {strides = array<i32>} : memref<64x128xf32, #tpu.memory_space<vmem>>, vector<16xf32>,
        %mul3A_1285 = arith.mulf %get3A_1284, %gather3A_1267 : vector<16xf32>
        %swap3A_1286 = arith.index_cast %add3A_1264 : i32 to index
        %swap3A_1287 = arith.constant 32 : index
        %swap3A_1288 = tpu.vector_load %arg21[%swap3A_1286, %swap3A_1287] {strides = array<i32>} : memref<64x128xf32, #tpu.memory_space<vmem>>, vector<16xf32>,
        tpu.vector_store %arg21[%swap3A_1286, %swap3A_1287], %mul3A_1285 {strides = array<i32>} : memref<64x128xf32, #tpu.memory_space<vmem>>, vector<16xf32>,
        %get3A_1289 = arith.index_cast %add3A_1264 : i32 to index
        %get3A_1290 = arith.constant 48 : index
        %get3A_1291 = tpu.vector_load %arg21[%get3A_1289, %get3A_1290] {strides = array<i32>} : memref<64x128xf32, #tpu.memory_space<vmem>>, vector<16xf32>,
        %mul3A_1292 = arith.mulf %get3A_1291, %gather3A_1267 : vector<16xf32>
        %swap3A_1293 = arith.index_cast %add3A_1264 : i32 to index
        %swap3A_1294 = arith.constant 48 : index
        %swap3A_1295 = tpu.vector_load %arg21[%swap3A_1293, %swap3A_1294] {strides = array<i32>} : memref<64x128xf32, #tpu.memory_space<vmem>>, vector<16xf32>,
        tpu.vector_store %arg21[%swap3A_1293, %swap3A_1294], %mul3A_1292 {strides = array<i32>} : memref<64x128xf32, #tpu.memory_space<vmem>>, vector<16xf32>,
        %get3A_1296 = arith.index_cast %add3A_1264 : i32 to index
        %get3A_1297 = arith.constant 64 : index
        %get3A_1298 = tpu.vector_load %arg21[%get3A_1296, %get3A_1297] {strides = array<i32>} : memref<64x128xf32, #tpu.memory_space<vmem>>, vector<16xf32>,
        %mul3A_1299 = arith.mulf %get3A_1298, %gather3A_1267 : vector<16xf32>
        %swap3A_1300 = arith.index_cast %add3A_1264 : i32 to index
        %swap3A_1301 = arith.constant 64 : index
        %swap3A_1302 = tpu.vector_load %arg21[%swap3A_1300, %swap3A_1301] {strides = array<i32>} : memref<64x128xf32, #tpu.memory_space<vmem>>, vector<16xf32>,
        tpu.vector_store %arg21[%swap3A_1300, %swap3A_1301], %mul3A_1299 {strides = array<i32>} : memref<64x128xf32, #tpu.memory_space<vmem>>, vector<16xf32>,
        %get3A_1303 = arith.index_cast %add3A_1264 : i32 to index
        %get3A_1304 = arith.constant 80 : index
        %get3A_1305 = tpu.vector_load %arg21[%get3A_1303, %get3A_1304] {strides = array<i32>} : memref<64x128xf32, #tpu.memory_space<vmem>>, vector<16xf32>,
        %mul3A_1306 = arith.mulf %get3A_1305, %gather3A_1267 : vector<16xf32>
        %swap3A_1307 = arith.index_cast %add3A_1264 : i32 to index
        %swap3A_1308 = arith.constant 80 : index
        %swap3A_1309 = tpu.vector_load %arg21[%swap3A_1307, %swap3A_1308] {strides = array<i32>} : memref<64x128xf32, #tpu.memory_space<vmem>>, vector<16xf32>,
        tpu.vector_store %arg21[%swap3A_1307, %swap3A_1308], %mul3A_1306 {strides = array<i32>} : memref<64x128xf32, #tpu.memory_space<vmem>>, vector<16xf32>,
        %get3A_1310 = arith.index_cast %add3A_1264 : i32 to index
        %get3A_1311 = arith.constant 96 : index
        %get3A_1312 = tpu.vector_load %arg21[%get3A_1310, %get3A_1311] {strides = array<i32>} : memref<64x128xf32, #tpu.memory_space<vmem>>, vector<16xf32>,
        %mul3A_1313 = arith.mulf %get3A_1312, %gather3A_1267 : vector<16xf32>
        %swap3A_1314 = arith.index_cast %add3A_1264 : i32 to index
        %swap3A_1315 = arith.constant 96 : index
        %swap3A_1316 = tpu.vector_load %arg21[%swap3A_1314, %swap3A_1315] {strides = array<i32>} : memref<64x128xf32, #tpu.memory_space<vmem>>, vector<16xf32>,
        tpu.vector_store %arg21[%swap3A_1314, %swap3A_1315], %mul3A_1313 {strides = array<i32>} : memref<64x128xf32, #tpu.memory_space<vmem>>, vector<16xf32>,
        %get3A_1317 = arith.index_cast %add3A_1264 : i32 to index
        %get3A_1318 = arith.constant 112 : index
        %get3A_1319 = tpu.vector_load %arg21[%get3A_1317, %get3A_1318] {strides = array<i32>} : memref<64x128xf32, #tpu.memory_space<vmem>>, vector<16xf32>,
        %mul3A_1320 = arith.mulf %get3A_1319, %gather3A_1267 : vector<16xf32>
        %swap3A_1321 = arith.index_cast %add3A_1264 : i32 to index
        %swap3A_1322 = arith.constant 112 : index
        %swap3A_1323 = tpu.vector_load %arg21[%swap3A_1321, %swap3A_1322] {strides = array<i32>} : memref<64x128xf32, #tpu.memory_space<vmem>>, vector<16xf32>,
        tpu.vector_store %arg21[%swap3A_1321, %swap3A_1322], %mul3A_1320 {strides = array<i32>} : memref<64x128xf32, #tpu.memory_space<vmem>>, vector<16xf32>,
      }
      %scan3A_1216 = arith.constant 16 : i32
      %scan3A_1217 = arith.constant 0 : i32
      %scan3A_1218 = arith.constant 16 : i32
      %scan3A_1219 = arith.addi %scan3A_1217, %scan3A_1218 : i32
      %scan3A_1220 = arith.constant 1 : i32
      scf.for %scan3A_1258 = %scan3A_1217 to %scan3A_1219 step %scan3A_1220  : i32 {
        %mul3A_1259 = arith.constant 1 : i32
        %mul3A_1260 = arith.muli %scan3A_1258, %mul3A_1259 : i32
        %add3A_1261 = arith.constant 0 : i32
        %add3A_1262 = arith.addi %add3A_1261, %mul3A_1260 : i32
        %add3A_1263 = arith.constant 16 : i32
        %add3A_1264 = arith.addi %add3A_1263, %add3A_1262 : i32
        %broadcast_in_dim3A_1265 = vector.broadcast %add3A_1262 : i32 to vector<16x1xi32>
        %gather3A_1266 = vector.shape_cast %broadcast_in_dim3A_1265 : vector<16x1xi32> to vector<16xi32>
        %gather3A_1267 = tpu.dynamic_gather %select_n3A_1113[%gather3A_1266] in [0] : vector<16xf32>, vector<16xi32> -> vector<16xf32>
        %get3A_1268 = arith.index_cast %add3A_1264 : i32 to index
        %get3A_1269 = arith.constant 0 : index
        %get3A_1270 = tpu.vector_load %arg21[%get3A_1268, %get3A_1269] {strides = array<i32>} : memref<64x128xf32, #tpu.memory_space<vmem>>, vector<16xf32>,
        %mul3A_1271 = arith.mulf %get3A_1270, %gather3A_1267 : vector<16xf32>
        %swap3A_1272 = arith.index_cast %add3A_1264 : i32 to index
        %swap3A_1273 = arith.constant 0 : index
        %swap3A_1274 = tpu.vector_load %arg21[%swap3A_1272, %swap3A_1273] {strides = array<i32>} : memref<64x128xf32, #tpu.memory_space<vmem>>, vector<16xf32>,
        tpu.vector_store %arg21[%swap3A_1272, %swap3A_1273], %mul3A_1271 {strides = array<i32>} : memref<64x128xf32, #tpu.memory_space<vmem>>, vector<16xf32>,
        %get3A_1275 = arith.index_cast %add3A_1264 : i32 to index
        %get3A_1276 = arith.constant 16 : index
        %get3A_1277 = tpu.vector_load %arg21[%get3A_1275, %get3A_1276] {strides = array<i32>} : memref<64x128xf32, #tpu.memory_space<vmem>>, vector<16xf32>,
        %mul3A_1278 = arith.mulf %get3A_1277, %gather3A_1267 : vector<16xf32>
        %swap3A_1279 = arith.index_cast %add3A_1264 : i32 to index
        %swap3A_1280 = arith.constant 16 : index
        %swap3A_1281 = tpu.vector_load %arg21[%swap3A_1279, %swap3A_1280] {strides = array<i32>} : memref<64x128xf32, #tpu.memory_space<vmem>>, vector<16xf32>,
        tpu.vector_store %arg21[%swap3A_1279, %swap3A_1280], %mul3A_1278 {strides = array<i32>} : memref<64x128xf32, #tpu.memory_space<vmem>>, vector<16xf32>,
        %get3A_1282 = arith.index_cast %add3A_1264 : i32 to index
        %get3A_1283 = arith.constant 32 : index
        %get3A_1284 = tpu.vector_load %arg21[%get3A_1282, %get3A_1283] {strides = array<i32>} : memref<64x128xf32, #tpu.memory_space<vmem>>, vector<16xf32>,
        %mul3A_1285 = arith.mulf %get3A_1284, %gather3A_1267 : vector<16xf32>
        %swap3A_1286 = arith.index_cast %add3A_1264 : i32 to index
        %swap3A_1287 = arith.constant 32 : index
        %swap3A_1288 = tpu.vector_load %arg21[%swap3A_1286, %swap3A_1287] {strides = array<i32>} : memref<64x128xf32, #tpu.memory_space<vmem>>, vector<16xf32>,
        tpu.vector_store %arg21[%swap3A_1286, %swap3A_1287], %mul3A_1285 {strides = array<i32>} : memref<64x128xf32, #tpu.memory_space<vmem>>, vector<16xf32>,
        %get3A_1289 = arith.index_cast %add3A_1264 : i32 to index
        %get3A_1290 = arith.constant 48 : index
        %get3A_1291 = tpu.vector_load %arg21[%get3A_1289, %get3A_1290] {strides = array<i32>} : memref<64x128xf32, #tpu.memory_space<vmem>>, vector<16xf32>,
        %mul3A_1292 = arith.mulf %get3A_1291, %gather3A_1267 : vector<16xf32>
        %swap3A_1293 = arith.index_cast %add3A_1264 : i32 to index
        %swap3A_1294 = arith.constant 48 : index
        %swap3A_1295 = tpu.vector_load %arg21[%swap3A_1293, %swap3A_1294] {strides = array<i32>} : memref<64x128xf32, #tpu.memory_space<vmem>>, vector<16xf32>,
        tpu.vector_store %arg21[%swap3A_1293, %swap3A_1294], %mul3A_1292 {strides = array<i32>} : memref<64x128xf32, #tpu.memory_space<vmem>>, vector<16xf32>,
        %get3A_1296 = arith.index_cast %add3A_1264 : i32 to index
        %get3A_1297 = arith.constant 64 : index
        %get3A_1298 = tpu.vector_load %arg21[%get3A_1296, %get3A_1297] {strides = array<i32>} : memref<64x128xf32, #tpu.memory_space<vmem>>, vector<16xf32>,
        %mul3A_1299 = arith.mulf %get3A_1298, %gather3A_1267 : vector<16xf32>
        %swap3A_1300 = arith.index_cast %add3A_1264 : i32 to index
        %swap3A_1301 = arith.constant 64 : index
        %swap3A_1302 = tpu.vector_load %arg21[%swap3A_1300, %swap3A_1301] {strides = array<i32>} : memref<64x128xf32, #tpu.memory_space<vmem>>, vector<16xf32>,
        tpu.vector_store %arg21[%swap3A_1300, %swap3A_1301], %mul3A_1299 {strides = array<i32>} : memref<64x128xf32, #tpu.memory_space<vmem>>, vector<16xf32>,
        %get3A_1303 = arith.index_cast %add3A_1264 : i32 to index
        %get3A_1304 = arith.constant 80 : index
        %get3A_1305 = tpu.vector_load %arg21[%get3A_1303, %get3A_1304] {strides = array<i32>} : memref<64x128xf32, #tpu.memory_space<vmem>>, vector<16xf32>,
        %mul3A_1306 = arith.mulf %get3A_1305, %gather3A_1267 : vector<16xf32>
        %swap3A_1307 = arith.index_cast %add3A_1264 : i32 to index
        %swap3A_1308 = arith.constant 80 : index
        %swap3A_1309 = tpu.vector_load %arg21[%swap3A_1307, %swap3A_1308] {strides = array<i32>} : memref<64x128xf32, #tpu.memory_space<vmem>>, vector<16xf32>,
        tpu.vector_store %arg21[%swap3A_1307, %swap3A_1308], %mul3A_1306 {strides = array<i32>} : memref<64x128xf32, #tpu.memory_space<vmem>>, vector<16xf32>,
        %get3A_1310 = arith.index_cast %add3A_1264 : i32 to index
        %get3A_1311 = arith.constant 96 : index
        %get3A_1312 = tpu.vector_load %arg21[%get3A_1310, %get3A_1311] {strides = array<i32>} : memref<64x128xf32, #tpu.memory_space<vmem>>, vector<16xf32>,
        %mul3A_1313 = arith.mulf %get3A_1312, %gather3A_1267 : vector<16xf32>
        %swap3A_1314 = arith.index_cast %add3A_1264 : i32 to index
        %swap3A_1315 = arith.constant 96 : index
        %swap3A_1316 = tpu.vector_load %arg21[%swap3A_1314, %swap3A_1315] {strides = array<i32>} : memref<64x128xf32, #tpu.memory_space<vmem>>, vector<16xf32>,
        tpu.vector_store %arg21[%swap3A_1314, %swap3A_1315], %mul3A_1313 {strides = array<i32>} : memref<64x128xf32, #tpu.memory_space<vmem>>, vector<16xf32>,
        %get3A_1317 = arith.index_cast %add3A_1264 : i32 to index
        %get3A_1318 = arith.constant 112 : index
        %get3A_1319 = tpu.vector_load %arg21[%get3A_1317, %get3A_1318] {strides = array<i32>} : memref<64x128xf32, #tpu.memory_space<vmem>>, vector<16xf32>,
        %mul3A_1320 = arith.mulf %get3A_1319, %gather3A_1267 : vector<16xf32>
        %swap3A_1321 = arith.index_cast %add3A_1264 : i32 to index
        %swap3A_1322 = arith.constant 112 : index
        %swap3A_1323 = tpu.vector_load %arg21[%swap3A_1321, %swap3A_1322] {strides = array<i32>} : memref<64x128xf32, #tpu.memory_space<vmem>>, vector<16xf32>,
        tpu.vector_store %arg21[%swap3A_1321, %swap3A_1322], %mul3A_1320 {strides = array<i32>} : memref<64x128xf32, #tpu.memory_space<vmem>>, vector<16xf32>,
      }
      %scan3A_1221 = arith.constant 16 : i32
      %scan3A_1222 = arith.constant 0 : i32
      %scan3A_1223 = arith.constant 16 : i32
      %scan3A_1224 = arith.addi %scan3A_1222, %scan3A_1223 : i32
      %scan3A_1225 = arith.constant 1 : i32
      scf.for %scan3A_1258 = %scan3A_1222 to %scan3A_1224 step %scan3A_1225  : i32 {
        %mul3A_1259 = arith.constant 1 : i32
        %mul3A_1260 = arith.muli %scan3A_1258, %mul3A_1259 : i32
        %add3A_1261 = arith.constant 0 : i32
        %add3A_1262 = arith.addi %add3A_1261, %mul3A_1260 : i32
        %add3A_1263 = arith.constant 32 : i32
        %add3A_1264 = arith.addi %add3A_1263, %add3A_1262 : i32
        %broadcast_in_dim3A_1265 = vector.broadcast %add3A_1262 : i32 to vector<16x1xi32>
        %gather3A_1266 = vector.shape_cast %broadcast_in_dim3A_1265 : vector<16x1xi32> to vector<16xi32>
        %gather3A_1267 = tpu.dynamic_gather %select_n3A_1159[%gather3A_1266] in [0] : vector<16xf32>, vector<16xi32> -> vector<16xf32>
        %get3A_1268 = arith.index_cast %add3A_1264 : i32 to index
        %get3A_1269 = arith.constant 0 : index
        %get3A_1270 = tpu.vector_load %arg21[%get3A_1268, %get3A_1269] {strides = array<i32>} : memref<64x128xf32, #tpu.memory_space<vmem>>, vector<16xf32>,
        %mul3A_1271 = arith.mulf %get3A_1270, %gather3A_1267 : vector<16xf32>
        %swap3A_1272 = arith.index_cast %add3A_1264 : i32 to index
        %swap3A_1273 = arith.constant 0 : index
        %swap3A_1274 = tpu.vector_load %arg21[%swap3A_1272, %swap3A_1273] {strides = array<i32>} : memref<64x128xf32, #tpu.memory_space<vmem>>, vector<16xf32>,
        tpu.vector_store %arg21[%swap3A_1272, %swap3A_1273], %mul3A_1271 {strides = array<i32>} : memref<64x128xf32, #tpu.memory_space<vmem>>, vector<16xf32>,
        %get3A_1275 = arith.index_cast %add3A_1264 : i32 to index
        %get3A_1276 = arith.constant 16 : index
        %get3A_1277 = tpu.vector_load %arg21[%get3A_1275, %get3A_1276] {strides = array<i32>} : memref<64x128xf32, #tpu.memory_space<vmem>>, vector<16xf32>,
        %mul3A_1278 = arith.mulf %get3A_1277, %gather3A_1267 : vector<16xf32>
        %swap3A_1279 = arith.index_cast %add3A_1264 : i32 to index
        %swap3A_1280 = arith.constant 16 : index
        %swap3A_1281 = tpu.vector_load %arg21[%swap3A_1279, %swap3A_1280] {strides = array<i32>} : memref<64x128xf32, #tpu.memory_space<vmem>>, vector<16xf32>,
        tpu.vector_store %arg21[%swap3A_1279, %swap3A_1280], %mul3A_1278 {strides = array<i32>} : memref<64x128xf32, #tpu.memory_space<vmem>>, vector<16xf32>,
        %get3A_1282 = arith.index_cast %add3A_1264 : i32 to index
        %get3A_1283 = arith.constant 32 : index
        %get3A_1284 = tpu.vector_load %arg21[%get3A_1282, %get3A_1283] {strides = array<i32>} : memref<64x128xf32, #tpu.memory_space<vmem>>, vector<16xf32>,
        %mul3A_1285 = arith.mulf %get3A_1284, %gather3A_1267 : vector<16xf32>
        %swap3A_1286 = arith.index_cast %add3A_1264 : i32 to index
        %swap3A_1287 = arith.constant 32 : index
        %swap3A_1288 = tpu.vector_load %arg21[%swap3A_1286, %swap3A_1287] {strides = array<i32>} : memref<64x128xf32, #tpu.memory_space<vmem>>, vector<16xf32>,
        tpu.vector_store %arg21[%swap3A_1286, %swap3A_1287], %mul3A_1285 {strides = array<i32>} : memref<64x128xf32, #tpu.memory_space<vmem>>, vector<16xf32>,
        %get3A_1289 = arith.index_cast %add3A_1264 : i32 to index
        %get3A_1290 = arith.constant 48 : index
        %get3A_1291 = tpu.vector_load %arg21[%get3A_1289, %get3A_1290] {strides = array<i32>} : memref<64x128xf32, #tpu.memory_space<vmem>>, vector<16xf32>,
        %mul3A_1292 = arith.mulf %get3A_1291, %gather3A_1267 : vector<16xf32>
        %swap3A_1293 = arith.index_cast %add3A_1264 : i32 to index
        %swap3A_1294 = arith.constant 48 : index
        %swap3A_1295 = tpu.vector_load %arg21[%swap3A_1293, %swap3A_1294] {strides = array<i32>} : memref<64x128xf32, #tpu.memory_space<vmem>>, vector<16xf32>,
        tpu.vector_store %arg21[%swap3A_1293, %swap3A_1294], %mul3A_1292 {strides = array<i32>} : memref<64x128xf32, #tpu.memory_space<vmem>>, vector<16xf32>,
        %get3A_1296 = arith.index_cast %add3A_1264 : i32 to index
        %get3A_1297 = arith.constant 64 : index
        %get3A_1298 = tpu.vector_load %arg21[%get3A_1296, %get3A_1297] {strides = array<i32>} : memref<64x128xf32, #tpu.memory_space<vmem>>, vector<16xf32>,
        %mul3A_1299 = arith.mulf %get3A_1298, %gather3A_1267 : vector<16xf32>
        %swap3A_1300 = arith.index_cast %add3A_1264 : i32 to index
        %swap3A_1301 = arith.constant 64 : index
        %swap3A_1302 = tpu.vector_load %arg21[%swap3A_1300, %swap3A_1301] {strides = array<i32>} : memref<64x128xf32, #tpu.memory_space<vmem>>, vector<16xf32>,
        tpu.vector_store %arg21[%swap3A_1300, %swap3A_1301], %mul3A_1299 {strides = array<i32>} : memref<64x128xf32, #tpu.memory_space<vmem>>, vector<16xf32>,
        %get3A_1303 = arith.index_cast %add3A_1264 : i32 to index
        %get3A_1304 = arith.constant 80 : index
        %get3A_1305 = tpu.vector_load %arg21[%get3A_1303, %get3A_1304] {strides = array<i32>} : memref<64x128xf32, #tpu.memory_space<vmem>>, vector<16xf32>,
        %mul3A_1306 = arith.mulf %get3A_1305, %gather3A_1267 : vector<16xf32>
        %swap3A_1307 = arith.index_cast %add3A_1264 : i32 to index
        %swap3A_1308 = arith.constant 80 : index
        %swap3A_1309 = tpu.vector_load %arg21[%swap3A_1307, %swap3A_1308] {strides = array<i32>} : memref<64x128xf32, #tpu.memory_space<vmem>>, vector<16xf32>,
        tpu.vector_store %arg21[%swap3A_1307, %swap3A_1308], %mul3A_1306 {strides = array<i32>} : memref<64x128xf32, #tpu.memory_space<vmem>>, vector<16xf32>,
        %get3A_1310 = arith.index_cast %add3A_1264 : i32 to index
        %get3A_1311 = arith.constant 96 : index
        %get3A_1312 = tpu.vector_load %arg21[%get3A_1310, %get3A_1311] {strides = array<i32>} : memref<64x128xf32, #tpu.memory_space<vmem>>, vector<16xf32>,
        %mul3A_1313 = arith.mulf %get3A_1312, %gather3A_1267 : vector<16xf32>
        %swap3A_1314 = arith.index_cast %add3A_1264 : i32 to index
        %swap3A_1315 = arith.constant 96 : index
        %swap3A_1316 = tpu.vector_load %arg21[%swap3A_1314, %swap3A_1315] {strides = array<i32>} : memref<64x128xf32, #tpu.memory_space<vmem>>, vector<16xf32>,
        tpu.vector_store %arg21[%swap3A_1314, %swap3A_1315], %mul3A_1313 {strides = array<i32>} : memref<64x128xf32, #tpu.memory_space<vmem>>, vector<16xf32>,
        %get3A_1317 = arith.index_cast %add3A_1264 : i32 to index
        %get3A_1318 = arith.constant 112 : index
        %get3A_1319 = tpu.vector_load %arg21[%get3A_1317, %get3A_1318] {strides = array<i32>} : memref<64x128xf32, #tpu.memory_space<vmem>>, vector<16xf32>,
        %mul3A_1320 = arith.mulf %get3A_1319, %gather3A_1267 : vector<16xf32>
        %swap3A_1321 = arith.index_cast %add3A_1264 : i32 to index
        %swap3A_1322 = arith.constant 112 : index
        %swap3A_1323 = tpu.vector_load %arg21[%swap3A_1321, %swap3A_1322] {strides = array<i32>} : memref<64x128xf32, #tpu.memory_space<vmem>>, vector<16xf32>,
        tpu.vector_store %arg21[%swap3A_1321, %swap3A_1322], %mul3A_1320 {strides = array<i32>} : memref<64x128xf32, #tpu.memory_space<vmem>>, vector<16xf32>,
      }
      %scan3A_1226 = arith.constant 16 : i32
      %scan3A_1227 = arith.constant 0 : i32
      %scan3A_1228 = arith.constant 16 : i32
      %scan3A_1229 = arith.addi %scan3A_1227, %scan3A_1228 : i32
      %scan3A_1230 = arith.constant 1 : i32
      scf.for %scan3A_1258 = %scan3A_1227 to %scan3A_1229 step %scan3A_1230  : i32 {
        %mul3A_1259 = arith.constant 1 : i32
        %mul3A_1260 = arith.muli %scan3A_1258, %mul3A_1259 : i32
        %add3A_1261 = arith.constant 0 : i32
        %add3A_1262 = arith.addi %add3A_1261, %mul3A_1260 : i32
        %add3A_1263 = arith.constant 48 : i32
        %add3A_1264 = arith.addi %add3A_1263, %add3A_1262 : i32
        %broadcast_in_dim3A_1265 = vector.broadcast %add3A_1262 : i32 to vector<16x1xi32>
        %gather3A_1266 = vector.shape_cast %broadcast_in_dim3A_1265 : vector<16x1xi32> to vector<16xi32>
        %gather3A_1267 = tpu.dynamic_gather %select_n3A_1205[%gather3A_1266] in [0] : vector<16xf32>, vector<16xi32> -> vector<16xf32>
        %get3A_1268 = arith.index_cast %add3A_1264 : i32 to index
        %get3A_1269 = arith.constant 0 : index
        %get3A_1270 = tpu.vector_load %arg21[%get3A_1268, %get3A_1269] {strides = array<i32>} : memref<64x128xf32, #tpu.memory_space<vmem>>, vector<16xf32>,
        %mul3A_1271 = arith.mulf %get3A_1270, %gather3A_1267 : vector<16xf32>
        %swap3A_1272 = arith.index_cast %add3A_1264 : i32 to index
        %swap3A_1273 = arith.constant 0 : index
        %swap3A_1274 = tpu.vector_load %arg21[%swap3A_1272, %swap3A_1273] {strides = array<i32>} : memref<64x128xf32, #tpu.memory_space<vmem>>, vector<16xf32>,
        tpu.vector_store %arg21[%swap3A_1272, %swap3A_1273], %mul3A_1271 {strides = array<i32>} : memref<64x128xf32, #tpu.memory_space<vmem>>, vector<16xf32>,
        %get3A_1275 = arith.index_cast %add3A_1264 : i32 to index
        %get3A_1276 = arith.constant 16 : index
        %get3A_1277 = tpu.vector_load %arg21[%get3A_1275, %get3A_1276] {strides = array<i32>} : memref<64x128xf32, #tpu.memory_space<vmem>>, vector<16xf32>,
        %mul3A_1278 = arith.mulf %get3A_1277, %gather3A_1267 : vector<16xf32>
        %swap3A_1279 = arith.index_cast %add3A_1264 : i32 to index
        %swap3A_1280 = arith.constant 16 : index
        %swap3A_1281 = tpu.vector_load %arg21[%swap3A_1279, %swap3A_1280] {strides = array<i32>} : memref<64x128xf32, #tpu.memory_space<vmem>>, vector<16xf32>,
        tpu.vector_store %arg21[%swap3A_1279, %swap3A_1280], %mul3A_1278 {strides = array<i32>} : memref<64x128xf32, #tpu.memory_space<vmem>>, vector<16xf32>,
        %get3A_1282 = arith.index_cast %add3A_1264 : i32 to index
        %get3A_1283 = arith.constant 32 : index
        %get3A_1284 = tpu.vector_load %arg21[%get3A_1282, %get3A_1283] {strides = array<i32>} : memref<64x128xf32, #tpu.memory_space<vmem>>, vector<16xf32>,
        %mul3A_1285 = arith.mulf %get3A_1284, %gather3A_1267 : vector<16xf32>
        %swap3A_1286 = arith.index_cast %add3A_1264 : i32 to index
        %swap3A_1287 = arith.constant 32 : index
        %swap3A_1288 = tpu.vector_load %arg21[%swap3A_1286, %swap3A_1287] {strides = array<i32>} : memref<64x128xf32, #tpu.memory_space<vmem>>, vector<16xf32>,
        tpu.vector_store %arg21[%swap3A_1286, %swap3A_1287], %mul3A_1285 {strides = array<i32>} : memref<64x128xf32, #tpu.memory_space<vmem>>, vector<16xf32>,
        %get3A_1289 = arith.index_cast %add3A_1264 : i32 to index
        %get3A_1290 = arith.constant 48 : index
        %get3A_1291 = tpu.vector_load %arg21[%get3A_1289, %get3A_1290] {strides = array<i32>} : memref<64x128xf32, #tpu.memory_space<vmem>>, vector<16xf32>,
        %mul3A_1292 = arith.mulf %get3A_1291, %gather3A_1267 : vector<16xf32>
        %swap3A_1293 = arith.index_cast %add3A_1264 : i32 to index
        %swap3A_1294 = arith.constant 48 : index
        %swap3A_1295 = tpu.vector_load %arg21[%swap3A_1293, %swap3A_1294] {strides = array<i32>} : memref<64x128xf32, #tpu.memory_space<vmem>>, vector<16xf32>,
        tpu.vector_store %arg21[%swap3A_1293, %swap3A_1294], %mul3A_1292 {strides = array<i32>} : memref<64x128xf32, #tpu.memory_space<vmem>>, vector<16xf32>,
        %get3A_1296 = arith.index_cast %add3A_1264 : i32 to index
        %get3A_1297 = arith.constant 64 : index
        %get3A_1298 = tpu.vector_load %arg21[%get3A_1296, %get3A_1297] {strides = array<i32>} : memref<64x128xf32, #tpu.memory_space<vmem>>, vector<16xf32>,
        %mul3A_1299 = arith.mulf %get3A_1298, %gather3A_1267 : vector<16xf32>
        %swap3A_1300 = arith.index_cast %add3A_1264 : i32 to index
        %swap3A_1301 = arith.constant 64 : index
        %swap3A_1302 = tpu.vector_load %arg21[%swap3A_1300, %swap3A_1301] {strides = array<i32>} : memref<64x128xf32, #tpu.memory_space<vmem>>, vector<16xf32>,
        tpu.vector_store %arg21[%swap3A_1300, %swap3A_1301], %mul3A_1299 {strides = array<i32>} : memref<64x128xf32, #tpu.memory_space<vmem>>, vector<16xf32>,
        %get3A_1303 = arith.index_cast %add3A_1264 : i32 to index
        %get3A_1304 = arith.constant 80 : index
        %get3A_1305 = tpu.vector_load %arg21[%get3A_1303, %get3A_1304] {strides = array<i32>} : memref<64x128xf32, #tpu.memory_space<vmem>>, vector<16xf32>,
        %mul3A_1306 = arith.mulf %get3A_1305, %gather3A_1267 : vector<16xf32>
        %swap3A_1307 = arith.index_cast %add3A_1264 : i32 to index
        %swap3A_1308 = arith.constant 80 : index
        %swap3A_1309 = tpu.vector_load %arg21[%swap3A_1307, %swap3A_1308] {strides = array<i32>} : memref<64x128xf32, #tpu.memory_space<vmem>>, vector<16xf32>,
        tpu.vector_store %arg21[%swap3A_1307, %swap3A_1308], %mul3A_1306 {strides = array<i32>} : memref<64x128xf32, #tpu.memory_space<vmem>>, vector<16xf32>,
        %get3A_1310 = arith.index_cast %add3A_1264 : i32 to index
        %get3A_1311 = arith.constant 96 : index
        %get3A_1312 = tpu.vector_load %arg21[%get3A_1310, %get3A_1311] {strides = array<i32>} : memref<64x128xf32, #tpu.memory_space<vmem>>, vector<16xf32>,
        %mul3A_1313 = arith.mulf %get3A_1312, %gather3A_1267 : vector<16xf32>
        %swap3A_1314 = arith.index_cast %add3A_1264 : i32 to index
        %swap3A_1315 = arith.constant 96 : index
        %swap3A_1316 = tpu.vector_load %arg21[%swap3A_1314, %swap3A_1315] {strides = array<i32>} : memref<64x128xf32, #tpu.memory_space<vmem>>, vector<16xf32>,
        tpu.vector_store %arg21[%swap3A_1314, %swap3A_1315], %mul3A_1313 {strides = array<i32>} : memref<64x128xf32, #tpu.memory_space<vmem>>, vector<16xf32>,
        %get3A_1317 = arith.index_cast %add3A_1264 : i32 to index
        %get3A_1318 = arith.constant 112 : index
        %get3A_1319 = tpu.vector_load %arg21[%get3A_1317, %get3A_1318] {strides = array<i32>} : memref<64x128xf32, #tpu.memory_space<vmem>>, vector<16xf32>,
        %mul3A_1320 = arith.mulf %get3A_1319, %gather3A_1267 : vector<16xf32>
        %swap3A_1321 = arith.index_cast %add3A_1264 : i32 to index
        %swap3A_1322 = arith.constant 112 : index
        %swap3A_1323 = tpu.vector_load %arg21[%swap3A_1321, %swap3A_1322] {strides = array<i32>} : memref<64x128xf32, #tpu.memory_space<vmem>>, vector<16xf32>,
        tpu.vector_store %arg21[%swap3A_1321, %swap3A_1322], %mul3A_1320 {strides = array<i32>} : memref<64x128xf32, #tpu.memory_space<vmem>>, vector<16xf32>,
      }
      %scan3A_1231 = arith.constant 16 : i32
      %dma_start3A_1232 = arith.constant 0 : i32
      %dma_start3A_1233 = arith.constant 0 : i32
      %dma_start3A_1234 = tpu.memref_slice %arg13[%dma_start3A_1232, %dma_start3A_1233] : memref<1x64xi32, #tpu.memory_space<vmem>> -> memref<1x64xi32, #tpu.memory_space<vmem>>
      %dma_start3A_1235 = tpu.memref_squeeze %dma_start3A_1234 : memref<1x64xi32, #tpu.memory_space<vmem>> -> memref<64xi32, #tpu.memory_space<vmem>>
      %dma_start3A_1236 = arith.constant 0 : i32
      %dma_start3A_1237 = arith.constant 0 : i32
      %dma_start3A_1238 = tpu.memref_slice %arg22[%dma_start3A_1236, %dma_start3A_1237] : memref<10112x128xf32, #tpu.memory_space<vmem_shared>> -> memref<10112x128xf32, #tpu.memory_space<vmem_shared>>
      tpu.enqueue_indirect_dma source(%arg21 : memref<64x128xf32, #tpu.memory_space<vmem>>) target(%dma_start3A_1238 : memref<10112x128xf32, #tpu.memory_space<vmem_shared>>) offsets(%dma_start3A_1235 : memref<64xi32, #tpu.memory_space<vmem>>) semaphore(%arg29 : memref<!tpu.dma_semaphore, #tpu.memory_space<semaphore_mem>>) {add = true}
      %dma_start3A_1239 = arith.constant 0 : i32
      %dma_start3A_1240 = arith.constant 0 : i32
      %dma_start3A_1241 = tpu.memref_slice %arg13[%dma_start3A_1239, %dma_start3A_1240] : memref<1x64xi32, #tpu.memory_space<vmem>> -> memref<1x64xi32, #tpu.memory_space<vmem>>
      %dma_start3A_1242 = tpu.memref_squeeze %dma_start3A_1241 : memref<1x64xi32, #tpu.memory_space<vmem>> -> memref<64xi32, #tpu.memory_space<vmem>>
      %dma_start3A_1243 = arith.constant 0 : i32
      %dma_start3A_1244 = tpu.memref_slice %arg23[%dma_start3A_1243] : memref<10112xf32, #tpu.memory_space<vmem_shared>> -> memref<10112xf32, #tpu.memory_space<vmem_shared>>
      tpu.enqueue_indirect_dma source(%arg15 : memref<64xf32, #tpu.memory_space<vmem>>) target(%dma_start3A_1244 : memref<10112xf32, #tpu.memory_space<vmem_shared>>) offsets(%dma_start3A_1242 : memref<64xi32, #tpu.memory_space<vmem>>) semaphore(%arg31 : memref<!tpu.dma_semaphore, #tpu.memory_space<semaphore_mem>>) {add = true}
      %add3A_1245 = arith.constant 2 : i32
      %add3A_1246 = arith.addi %add3A_988, %add3A_1245 : i32
      %add3A_1247 = arith.addi %select_n3A_11, %add3A_1246 : i32
      %min3A_1248 = arith.constant 5119 : i32
      %min3A_1249 = arith.minsi %add3A_1247, %min3A_1248 : i32
      %dma_start3A_1250 = arith.constant 0 : i32
      %dma_start3A_1251 = arith.constant 0 : i32
      %dma_start3A_1252 = tpu.memref_slice %arg2[%min3A_1249, %dma_start3A_1250, %dma_start3A_1251] : memref<5120x1x128xi32, #tpu.memory_space<hbm>> -> memref<1x1x128xi32, #tpu.memory_space<hbm>>
      %dma_start3A_1253 = tpu.memref_squeeze %dma_start3A_1252 : memref<1x1x128xi32, #tpu.memory_space<hbm>> -> memref<1x128xi32, #tpu.memory_space<hbm>>
      %dma_start3A_1254 = arith.constant 0 : i32
      %dma_start3A_1255 = arith.constant 0 : i32
      %dma_start3A_1256 = tpu.memref_slice %arg2[%min3A_1249, %dma_start3A_1254, %dma_start3A_1255] : memref<5120x1x128xi32, #tpu.memory_space<hbm>> -> memref<1x1x128xi32, #tpu.memory_space<hbm>>
      %dma_start3A_1257 = tpu.memref_squeeze %dma_start3A_1256 : memref<1x1x128xi32, #tpu.memory_space<hbm>> -> memref<1x128xi32, #tpu.memory_space<hbm>>
      tpu.enqueue_dma source(%dma_start3A_1257 : memref<1x128xi32, #tpu.memory_space<hbm>>) target(%arg11 : memref<1x128xi32, #tpu.memory_space<vmem>>) target_semaphore(%arg25 : memref<!tpu.dma_semaphore, #tpu.memory_space<semaphore_mem>>)
    }
    %add3A_657 = arith.constant 0 : i32
    %add3A_658 = arith.addi %select_n3A_11, %add3A_657 : i32
    %min3A_659 = arith.constant 5119 : i32
    %min3A_660 = arith.minsi %add3A_658, %min3A_659 : i32
    %dma_wait3A_661 = arith.constant 0 : i32
    %dma_wait3A_662 = arith.constant 0 : i32
    %dma_wait3A_663 = tpu.memref_slice %arg2[%min3A_660, %dma_wait3A_661, %dma_wait3A_662] : memref<5120x1x128xi32, #tpu.memory_space<hbm>> -> memref<1x1x128xi32, #tpu.memory_space<hbm>>
    %dma_wait3A_664 = tpu.memref_squeeze %dma_wait3A_663 : memref<1x1x128xi32, #tpu.memory_space<hbm>> -> memref<1x128xi32, #tpu.memory_space<hbm>>
    %dma_wait3A_665 = arith.constant 0 : i32
    %dma_wait3A_666 = arith.constant 0 : i32
    %dma_wait3A_667 = tpu.memref_slice %arg2[%min3A_660, %dma_wait3A_665, %dma_wait3A_666] : memref<5120x1x128xi32, #tpu.memory_space<hbm>> -> memref<1x1x128xi32, #tpu.memory_space<hbm>>
    %dma_wait3A_668 = tpu.memref_squeeze %dma_wait3A_667 : memref<1x1x128xi32, #tpu.memory_space<hbm>> -> memref<1x128xi32, #tpu.memory_space<hbm>>
    tpu.wait_dma2 semaphore(%arg25 : memref<!tpu.dma_semaphore, #tpu.memory_space<semaphore_mem>>) src(%dma_wait3A_668 : memref<1x128xi32, #tpu.memory_space<hbm>>) dst(%arg11 : memref<1x128xi32, #tpu.memory_space<vmem>>)
    %dma_wait3A_669 = arith.constant 0 : i32
    %dma_wait3A_670 = arith.constant 0 : i32
    %dma_wait3A_671 = tpu.memref_slice %arg10[%dma_wait3A_669, %dma_wait3A_670] : memref<1x128xi32, #tpu.memory_space<vmem>> -> memref<1x64xi32, #tpu.memory_space<vmem>>
    %dma_wait3A_672 = tpu.memref_squeeze %dma_wait3A_671 : memref<1x64xi32, #tpu.memory_space<vmem>> -> memref<64xi32, #tpu.memory_space<vmem>>
    %dma_wait3A_673 = arith.constant 0 : i32
    %dma_wait3A_674 = arith.constant 0 : i32
    %dma_wait3A_675 = tpu.memref_slice %arg5[%dma_wait3A_673, %dma_wait3A_674] : memref<10000x128xf32, #tpu.memory_space<hbm>> -> memref<10000x128xf32, #tpu.memory_space<hbm>>
    tpu.wait_indirect_dma semaphore(%arg26 : memref<!tpu.dma_semaphore, #tpu.memory_space<semaphore_mem>>) src(%dma_wait3A_675 : memref<10000x128xf32, #tpu.memory_space<hbm>>) dst(%arg20 : memref<64x128xf32, #tpu.memory_space<vmem>>)
    %dma_wait3A_676 = arith.constant 0 : i32
    %dma_wait3A_677 = arith.constant 0 : i32
    %dma_wait3A_678 = tpu.memref_slice %arg13[%dma_wait3A_676, %dma_wait3A_677] : memref<1x64xi32, #tpu.memory_space<vmem>> -> memref<1x64xi32, #tpu.memory_space<vmem>>
    %dma_wait3A_679 = tpu.memref_squeeze %dma_wait3A_678 : memref<1x64xi32, #tpu.memory_space<vmem>> -> memref<64xi32, #tpu.memory_space<vmem>>
    %dma_wait3A_680 = arith.constant 0 : i32
    %dma_wait3A_681 = arith.constant 0 : i32
    %dma_wait3A_682 = tpu.memref_slice %arg22[%dma_wait3A_680, %dma_wait3A_681] : memref<10112x128xf32, #tpu.memory_space<vmem_shared>> -> memref<10112x128xf32, #tpu.memory_space<vmem_shared>>
    tpu.wait_indirect_dma semaphore(%arg29 : memref<!tpu.dma_semaphore, #tpu.memory_space<semaphore_mem>>) src(%arg21 : memref<64x128xf32, #tpu.memory_space<vmem>>) dst(%dma_wait3A_682 : memref<10112x128xf32, #tpu.memory_space<vmem_shared>>)
    %dma_wait3A_683 = arith.constant 0 : i32
    %dma_wait3A_684 = arith.constant 0 : i32
    %dma_wait3A_685 = tpu.memref_slice %arg12[%dma_wait3A_683, %dma_wait3A_684] : memref<1x64xi32, #tpu.memory_space<vmem>> -> memref<1x64xi32, #tpu.memory_space<vmem>>
    %dma_wait3A_686 = tpu.memref_squeeze %dma_wait3A_685 : memref<1x64xi32, #tpu.memory_space<vmem>> -> memref<64xi32, #tpu.memory_space<vmem>>
    %dma_wait3A_687 = arith.constant 0 : i32
    %dma_wait3A_688 = tpu.memref_slice %arg23[%dma_wait3A_687] : memref<10112xf32, #tpu.memory_space<vmem_shared>> -> memref<10112xf32, #tpu.memory_space<vmem_shared>>
    tpu.wait_indirect_dma semaphore(%arg30 : memref<!tpu.dma_semaphore, #tpu.memory_space<semaphore_mem>>) src(%arg14 : memref<64xf32, #tpu.memory_space<vmem>>) dst(%dma_wait3A_688 : memref<10112xf32, #tpu.memory_space<vmem_shared>>)
    %dma_wait3A_689 = arith.constant 0 : i32
    %dma_wait3A_690 = arith.constant 0 : i32
    %dma_wait3A_691 = tpu.memref_slice %arg13[%dma_wait3A_689, %dma_wait3A_690] : memref<1x64xi32, #tpu.memory_space<vmem>> -> memref<1x64xi32, #tpu.memory_space<vmem>>
    %dma_wait3A_692 = tpu.memref_squeeze %dma_wait3A_691 : memref<1x64xi32, #tpu.memory_space<vmem>> -> memref<64xi32, #tpu.memory_space<vmem>>
    %dma_wait3A_693 = arith.constant 0 : i32
    %dma_wait3A_694 = tpu.memref_slice %arg23[%dma_wait3A_693] : memref<10112xf32, #tpu.memory_space<vmem_shared>> -> memref<10112xf32, #tpu.memory_space<vmem_shared>>
    tpu.wait_indirect_dma semaphore(%arg31 : memref<!tpu.dma_semaphore, #tpu.memory_space<semaphore_mem>>) src(%arg15 : memref<64xf32, #tpu.memory_space<vmem>>) dst(%dma_wait3A_694 : memref<10112xf32, #tpu.memory_space<vmem_shared>>)
    %barrier3A_695 = arith.constant 0 : index
    tpu.barrier barrier_id(%barrier3A_695)
    %eq3A_696 = arith.constant 0 : i32
    %eq3A_697 = arith.cmpi eq, %arg0, %eq3A_696 : i32
    %convert_element_type3A_698 = arith.extui %eq3A_697 : i1 to i32
    %cond3A_699 = arith.constant 0 : i32
    %cond3A_700 = arith.cmpi ne, %convert_element_type3A_698, %cond3A_699 : i32
    scf.if %cond3A_700 {
      %mul3A_711 = arith.constant 632 : i32
      %mul3A_712 = arith.muli %arg1, %mul3A_711 : i32
      %mul3A_713 = arith.constant 632 : i32
      %mul3A_714 = arith.muli %arg1, %mul3A_713 : i32
      "tpu.region"() ({
        %run_scoped3A = tpu.sem_alloc : memref<!tpu.dma_semaphore, #tpu.memory_space<semaphore_mem>>
        %dma_start3A_715 = arith.constant 0 : i32
        %dma_start3A_716 = tpu.memref_slice %arg7[%mul3A_714, %dma_start3A_715] : memref<10112x128xf32, #tpu.memory_space<hbm>> -> memref<632x128xf32, #tpu.memory_space<hbm>>
        %dma_start3A_717 = arith.constant 0 : i32
        %dma_start3A_718 = tpu.memref_slice %arg22[%mul3A_712, %dma_start3A_717] : memref<10112x128xf32, #tpu.memory_space<vmem_shared>> -> memref<632x128xf32, #tpu.memory_space<vmem_shared>>
        tpu.enqueue_dma source(%dma_start3A_718 : memref<632x128xf32, #tpu.memory_space<vmem_shared>>) target(%dma_start3A_716 : memref<632x128xf32, #tpu.memory_space<hbm>>) target_semaphore(%run_scoped3A : memref<!tpu.dma_semaphore, #tpu.memory_space<semaphore_mem>>)
        %dma_wait3A_719 = arith.constant 0 : i32
        %dma_wait3A_720 = tpu.memref_slice %arg7[%mul3A_714, %dma_wait3A_719] : memref<10112x128xf32, #tpu.memory_space<hbm>> -> memref<632x128xf32, #tpu.memory_space<hbm>>
        %dma_wait3A_721 = arith.constant 0 : i32
        %dma_wait3A_722 = tpu.memref_slice %arg22[%mul3A_712, %dma_wait3A_721] : memref<10112x128xf32, #tpu.memory_space<vmem_shared>> -> memref<632x128xf32, #tpu.memory_space<vmem_shared>>
        tpu.wait_dma2 semaphore(%run_scoped3A : memref<!tpu.dma_semaphore, #tpu.memory_space<semaphore_mem>>) src(%dma_wait3A_722 : memref<632x128xf32, #tpu.memory_space<vmem_shared>>) dst(%dma_wait3A_720 : memref<632x128xf32, #tpu.memory_space<hbm>>)
        tpu.yield
      }) : () -> ()
    } else {
    }
    %eq3A_701 = arith.constant 1 : i32
    %eq3A_702 = arith.cmpi eq, %arg0, %eq3A_701 : i32
    %convert_element_type3A_703 = arith.extui %eq3A_702 : i1 to i32
    %cond3A_704 = arith.constant 0 : i32
    %cond3A_705 = arith.cmpi ne, %convert_element_type3A_703, %cond3A_704 : i32
    scf.if %cond3A_705 {
      %mul3A_711 = arith.constant 632 : i32
      %mul3A_712 = arith.muli %arg1, %mul3A_711 : i32
      %mul3A_713 = arith.constant 632 : i32
      %mul3A_714 = arith.muli %arg1, %mul3A_713 : i32
      "tpu.region"() ({
        %run_scoped3A = tpu.sem_alloc : memref<!tpu.dma_semaphore, #tpu.memory_space<semaphore_mem>>
        %dma_start3A_715 = arith.constant 0 : i32
        %dma_start3A_716 = tpu.memref_slice %arg8[%mul3A_714, %dma_start3A_715] : memref<10112x128xf32, #tpu.memory_space<hbm>> -> memref<632x128xf32, #tpu.memory_space<hbm>>
        %dma_start3A_717 = arith.constant 0 : i32
        %dma_start3A_718 = tpu.memref_slice %arg22[%mul3A_712, %dma_start3A_717] : memref<10112x128xf32, #tpu.memory_space<vmem_shared>> -> memref<632x128xf32, #tpu.memory_space<vmem_shared>>
        tpu.enqueue_dma source(%dma_start3A_718 : memref<632x128xf32, #tpu.memory_space<vmem_shared>>) target(%dma_start3A_716 : memref<632x128xf32, #tpu.memory_space<hbm>>) target_semaphore(%run_scoped3A : memref<!tpu.dma_semaphore, #tpu.memory_space<semaphore_mem>>)
        %dma_wait3A_719 = arith.constant 0 : i32
        %dma_wait3A_720 = tpu.memref_slice %arg8[%mul3A_714, %dma_wait3A_719] : memref<10112x128xf32, #tpu.memory_space<hbm>> -> memref<632x128xf32, #tpu.memory_space<hbm>>
        %dma_wait3A_721 = arith.constant 0 : i32
        %dma_wait3A_722 = tpu.memref_slice %arg22[%mul3A_712, %dma_wait3A_721] : memref<10112x128xf32, #tpu.memory_space<vmem_shared>> -> memref<632x128xf32, #tpu.memory_space<vmem_shared>>
        tpu.wait_dma2 semaphore(%run_scoped3A : memref<!tpu.dma_semaphore, #tpu.memory_space<semaphore_mem>>) src(%dma_wait3A_722 : memref<632x128xf32, #tpu.memory_space<vmem_shared>>) dst(%dma_wait3A_720 : memref<632x128xf32, #tpu.memory_space<hbm>>)
        tpu.yield
      }) : () -> ()
    } else {
    }
    %eq3A_706 = arith.constant 0 : i32
    %eq3A_707 = arith.cmpi eq, %arg1, %eq3A_706 : i32
    %convert_element_type3A_708 = arith.extui %eq3A_707 : i1 to i32
    %cond3A_709 = arith.constant 0 : i32
    %cond3A_710 = arith.cmpi ne, %convert_element_type3A_708, %cond3A_709 : i32
    scf.if %cond3A_710 {
      %mul3A_711 = arith.constant 10112 : i32
      %mul3A_712 = arith.muli %arg0, %mul3A_711 : i32
      "tpu.region"() ({
        %run_scoped3A = tpu.sem_alloc : memref<!tpu.dma_semaphore, #tpu.memory_space<semaphore_mem>>
        %dma_start3A_713 = tpu.memref_slice %arg9[%mul3A_712] : memref<20224xf32, #tpu.memory_space<hbm>> -> memref<10112xf32, #tpu.memory_space<hbm>>
        tpu.enqueue_dma source(%arg23 : memref<10112xf32, #tpu.memory_space<vmem_shared>>) target(%dma_start3A_713 : memref<10112xf32, #tpu.memory_space<hbm>>) target_semaphore(%run_scoped3A : memref<!tpu.dma_semaphore, #tpu.memory_space<semaphore_mem>>)
        %dma_wait3A_714 = tpu.memref_slice %arg9[%mul3A_712] : memref<20224xf32, #tpu.memory_space<hbm>> -> memref<10112xf32, #tpu.memory_space<hbm>>
        tpu.wait_dma2 semaphore(%run_scoped3A : memref<!tpu.dma_semaphore, #tpu.memory_space<semaphore_mem>>) src(%arg23 : memref<10112xf32, #tpu.memory_space<vmem_shared>>) dst(%dma_wait3A_714 : memref<10112xf32, #tpu.memory_space<hbm>>)
        tpu.yield
      }) : () -> ()
    } else {
    }
    return
  }
}

module attributes {stable_mosaic.version = 14 : i64} {
  func.func @_linear_body(%arg0: i32, %arg1: memref<400x128xf32, #tpu.memory_space<vmem>>, %arg2: memref<128x128xf32, #tpu.memory_space<vmem>>, %arg3: memref<1x128xf32, #tpu.memory_space<vmem>>, %arg4: memref<1x128xf32, #tpu.memory_space<vmem>>, %arg5: memref<400x128xf32, #tpu.memory_space<vmem>>, %arg6: memref<400x2xf32, #tpu.memory_space<vmem>>) attributes {dimension_semantics = [#tpu.dimension_semantics<arbitrary>], iteration_bounds = array<i64: 25>, scalar_prefetch = 0 : i64, scratch_operands = 0 : i64, tpu.core_type = #tpu.core_type<tc>, window_params = [{transform_indices = @transform_0, window_bounds = array<i64: 400, 128>}, {pipeline_mode = #tpu.pipeline_mode<synchronous>, transform_indices = @transform_1, window_bounds = array<i64: 128, 128>}, {pipeline_mode = #tpu.pipeline_mode<synchronous>, transform_indices = @transform_2, window_bounds = array<i64: 1, 128>}, {pipeline_mode = #tpu.pipeline_mode<synchronous>, transform_indices = @transform_3, window_bounds = array<i64: 1, 128>}, {transform_indices = @transform_4, window_bounds = array<i64: 400, 128>}, {transform_indices = @transform_5, window_bounds = array<i64: 400, 2>}]} {
    %get3A = arith.constant 0 : index
    %get3A_0 = arith.constant 0 : index
    %get3A_1 = vector.load %arg1[%get3A, %get3A_0] : memref<400x128xf32, #tpu.memory_space<vmem>>, vector<400x128xf32>
    %get3A_2 = arith.constant 0 : index
    %get3A_3 = arith.constant 0 : index
    %get3A_4 = vector.load %arg2[%get3A_2, %get3A_3] : memref<128x128xf32, #tpu.memory_space<vmem>>, vector<128x128xf32>
    %dot_general3A = arith.constant dense<0.000000e+00> : vector<400x128xf32>
    %dot_general3A_5 = tpu.matmul %get3A_1, %get3A_4, %dot_general3A {dimension_numbers = #tpu.dot_dimension_numbers<[1], [0], [0], [1], [0, 0, 1, 1], [], []>, transpose_lhs_hint = false} : vector<400x128xf32>, vector<128x128xf32>, vector<400x128xf32> -> vector<400x128xf32>
    %swap3A = arith.constant 0 : index
    %swap3A_6 = arith.constant 0 : index
    %swap3A_7 = vector.load %arg5[%swap3A, %swap3A_6] : memref<400x128xf32, #tpu.memory_space<vmem>>, vector<400x128xf32>
    tpu.vector_store %arg5[%swap3A, %swap3A_6], %dot_general3A_5 {strides = array<i32>} : memref<400x128xf32, #tpu.memory_space<vmem>>, vector<400x128xf32>,
    %get3A_8 = arith.constant 0 : index
    %get3A_9 = arith.constant 0 : index
    %get3A_10 = vector.load %arg3[%get3A_8, %get3A_9] : memref<1x128xf32, #tpu.memory_space<vmem>>, vector<1x128xf32>
    %get3A_11 = vector.shape_cast %get3A_10 : vector<1x128xf32> to vector<128xf32>
    %dot_general3A_12 = arith.constant dense<0.000000e+00> : vector<400xf32>
    %dot_general3A_13 = tpu.matmul %dot_general3A_5, %get3A_11, %dot_general3A_12 {dimension_numbers = #tpu.dot_dimension_numbers<[1], [0], [0], [], [0, 0], [], []>, transpose_lhs_hint = false} : vector<400x128xf32>, vector<128xf32>, vector<400xf32> -> vector<400xf32>
    %swap3A_14 = arith.constant 0 : index
    %swap3A_15 = arith.constant 0 : index
    %swap3A_16 = vector.load %arg6[%swap3A_14, %swap3A_15] : memref<400x2xf32, #tpu.memory_space<vmem>>, vector<400x1xf32>
    %swap3A_17 = vector.shape_cast %swap3A_16 : vector<400x1xf32> to vector<400xf32>
    %swap3A_18 = vector.shape_cast %dot_general3A_13 : vector<400xf32> to vector<400x1xf32>
    tpu.vector_store %arg6[%swap3A_14, %swap3A_15], %swap3A_18 {strides = array<i32>} : memref<400x2xf32, #tpu.memory_space<vmem>>, vector<400x1xf32>,
    %get3A_19 = arith.constant 0 : index
    %get3A_20 = arith.constant 0 : index
    %get3A_21 = vector.load %arg4[%get3A_19, %get3A_20] : memref<1x128xf32, #tpu.memory_space<vmem>>, vector<1x128xf32>
    %get3A_22 = vector.shape_cast %get3A_21 : vector<1x128xf32> to vector<128xf32>
    %dot_general3A_23 = arith.constant dense<0.000000e+00> : vector<400xf32>
    %dot_general3A_24 = tpu.matmul %dot_general3A_5, %get3A_22, %dot_general3A_23 {dimension_numbers = #tpu.dot_dimension_numbers<[1], [0], [0], [], [0, 0], [], []>, transpose_lhs_hint = false} : vector<400x128xf32>, vector<128xf32>, vector<400xf32> -> vector<400xf32>
    %swap3A_25 = arith.constant 0 : index
    %swap3A_26 = arith.constant 1 : index
    %swap3A_27 = vector.load %arg6[%swap3A_25, %swap3A_26] : memref<400x2xf32, #tpu.memory_space<vmem>>, vector<400x1xf32>
    %swap3A_28 = vector.shape_cast %swap3A_27 : vector<400x1xf32> to vector<400xf32>
    %swap3A_29 = vector.shape_cast %dot_general3A_24 : vector<400xf32> to vector<400x1xf32>
    tpu.vector_store %arg6[%swap3A_25, %swap3A_26], %swap3A_29 {strides = array<i32>} : memref<400x2xf32, #tpu.memory_space<vmem>>, vector<400x1xf32>,
    return
  }
  func.func @transform_0(%arg0: i32) -> (i32, i32) {
    %c0_i32 = arith.constant 0 : i32
    %c0_i32_0 = arith.constant 0 : i32
    return %arg0, %c0_i32 : i32, i32
  }
  func.func @transform_1(%arg0: i32) -> (i32, i32) {
    %c0_i32 = arith.constant 0 : i32
    %c0_i32_0 = arith.constant 0 : i32
    %c0_i32_1 = arith.constant 0 : i32
    return %c0_i32, %c0_i32_0 : i32, i32
  }
  func.func @transform_2(%arg0: i32) -> (i32, i32) {
    %c0_i32 = arith.constant 0 : i32
    %c0_i32_0 = arith.constant 0 : i32
    %c0_i32_1 = arith.constant 0 : i32
    return %c0_i32, %c0_i32_0 : i32, i32
  }
  func.func @transform_3(%arg0: i32) -> (i32, i32) {
    %c0_i32 = arith.constant 0 : i32
    %c0_i32_0 = arith.constant 0 : i32
    %c0_i32_1 = arith.constant 0 : i32
    return %c0_i32, %c0_i32_0 : i32, i32
  }
  func.func @transform_4(%arg0: i32) -> (i32, i32) {
    %c0_i32 = arith.constant 0 : i32
    %c0_i32_0 = arith.constant 0 : i32
    return %arg0, %c0_i32 : i32, i32
  }
  func.func @transform_5(%arg0: i32) -> (i32, i32) {
    %c0_i32 = arith.constant 0 : i32
    %c0_i32_0 = arith.constant 0 : i32
    return %arg0, %c0_i32 : i32, i32
  }
}

module attributes {stable_mosaic.version = 14 : i64} {
  func.func @_cb_body(%arg0: i32, %arg1: memref<400x128xf32, #tpu.memory_space<vmem>>, %arg2: memref<400x128xf32, #tpu.memory_space<vmem>>, %arg3: memref<400x128xf32, #tpu.memory_space<vmem>>, %arg4: memref<400x1xf32, #tpu.memory_space<vmem>>, %arg5: memref<400x1xf32, #tpu.memory_space<vmem>>, %arg6: memref<1x128xf32, #tpu.memory_space<vmem>>, %arg7: memref<400x128xf32, #tpu.memory_space<vmem>>) attributes {dimension_semantics = [#tpu.dimension_semantics<arbitrary>], iteration_bounds = array<i64: 25>, scalar_prefetch = 0 : i64, scratch_operands = 0 : i64, tpu.core_type = #tpu.core_type<tc>, window_params = [{transform_indices = @transform_0, window_bounds = array<i64: 400, 128>}, {transform_indices = @transform_1, window_bounds = array<i64: 400, 128>}, {transform_indices = @transform_2, window_bounds = array<i64: 400, 128>}, {transform_indices = @transform_3, window_bounds = array<i64: 400, 1>}, {transform_indices = @transform_4, window_bounds = array<i64: 400, 1>}, {pipeline_mode = #tpu.pipeline_mode<synchronous>, transform_indices = @transform_5, window_bounds = array<i64: 1, 128>}, {transform_indices = @transform_6, window_bounds = array<i64: 400, 128>}]} {
    %get3A = arith.constant 0 : index
    %get3A_0 = arith.constant 0 : index
    %get3A_1 = vector.load %arg1[%get3A, %get3A_0] : memref<400x128xf32, #tpu.memory_space<vmem>>, vector<400x128xf32>
    %get3A_2 = arith.constant 0 : index
    %get3A_3 = arith.constant 0 : index
    %get3A_4 = vector.load %arg2[%get3A_2, %get3A_3] : memref<400x128xf32, #tpu.memory_space<vmem>>, vector<400x128xf32>
    %add3A = arith.addf %get3A_1, %get3A_4 : vector<400x128xf32>
    %get3A_5 = arith.constant 0 : index
    %get3A_6 = arith.constant 0 : index
    %get3A_7 = vector.load %arg4[%get3A_5, %get3A_6] : memref<400x1xf32, #tpu.memory_space<vmem>>, vector<400x1xf32>
    %get3A_8 = arith.constant 0 : index
    %get3A_9 = arith.constant 0 : index
    %get3A_10 = vector.load %arg3[%get3A_8, %get3A_9] : memref<400x128xf32, #tpu.memory_space<vmem>>, vector<400x128xf32>
    %mul3A = vector.broadcast %get3A_7 : vector<400x1xf32> to vector<400x128xf32>
    %mul3A_11 = arith.mulf %mul3A, %get3A_10 : vector<400x128xf32>
    %add3A_12 = arith.addf %add3A, %mul3A_11 : vector<400x128xf32>
    %get3A_13 = arith.constant 0 : index
    %get3A_14 = arith.constant 0 : index
    %get3A_15 = vector.load %arg5[%get3A_13, %get3A_14] : memref<400x1xf32, #tpu.memory_space<vmem>>, vector<400x1xf32>
    %div3A = vector.broadcast %get3A_15 : vector<400x1xf32> to vector<400x128xf32>
    %div3A_16 = arith.divf %add3A_12, %div3A : vector<400x128xf32>
    %get3A_17 = arith.constant 0 : index
    %get3A_18 = arith.constant 0 : index
    %get3A_19 = vector.load %arg6[%get3A_17, %get3A_18] : memref<1x128xf32, #tpu.memory_space<vmem>>, vector<1x128xf32>
    %add3A_20 = vector.broadcast %get3A_19 : vector<1x128xf32> to vector<400x128xf32>
    %add3A_21 = arith.addf %div3A_16, %add3A_20 : vector<400x128xf32>
    %swap3A = arith.constant 0 : index
    %swap3A_22 = arith.constant 0 : index
    %swap3A_23 = vector.load %arg7[%swap3A, %swap3A_22] : memref<400x128xf32, #tpu.memory_space<vmem>>, vector<400x128xf32>
    tpu.vector_store %arg7[%swap3A, %swap3A_22], %add3A_21 {strides = array<i32>} : memref<400x128xf32, #tpu.memory_space<vmem>>, vector<400x128xf32>,
    return
  }
  func.func @transform_0(%arg0: i32) -> (i32, i32) {
    %c0_i32 = arith.constant 0 : i32
    %c0_i32_0 = arith.constant 0 : i32
    return %arg0, %c0_i32 : i32, i32
  }
  func.func @transform_1(%arg0: i32) -> (i32, i32) {
    %c0_i32 = arith.constant 0 : i32
    %c0_i32_0 = arith.constant 0 : i32
    return %arg0, %c0_i32 : i32, i32
  }
  func.func @transform_2(%arg0: i32) -> (i32, i32) {
    %c0_i32 = arith.constant 0 : i32
    %c0_i32_0 = arith.constant 0 : i32
    return %arg0, %c0_i32 : i32, i32
  }
  func.func @transform_3(%arg0: i32) -> (i32, i32) {
    %c0_i32 = arith.constant 0 : i32
    %c0_i32_0 = arith.constant 0 : i32
    return %arg0, %c0_i32 : i32, i32
  }
  func.func @transform_4(%arg0: i32) -> (i32, i32) {
    %c0_i32 = arith.constant 0 : i32
    %c0_i32_0 = arith.constant 0 : i32
    return %arg0, %c0_i32 : i32, i32
  }
  func.func @transform_5(%arg0: i32) -> (i32, i32) {
    %c0_i32 = arith.constant 0 : i32
    %c0_i32_0 = arith.constant 0 : i32
    %c0_i32_1 = arith.constant 0 : i32
    return %c0_i32, %c0_i32_0 : i32, i32
  }
  func.func @transform_6(%arg0: i32) -> (i32, i32) {
    %c0_i32 = arith.constant 0 : i32
    %c0_i32_0 = arith.constant 0 : i32
    return %arg0, %c0_i32 : i32, i32
  }
}

module attributes {stable_mosaic.version = 14 : i64} {
  func.func @_pool_body(%arg0: i32, %arg1: memref<400x128xf32, #tpu.memory_space<vmem>>, %arg2: memref<1x1x400xi32, #tpu.memory_space<vmem>>, %arg3: memref<64x128xf32, #tpu.memory_space<vmem>>, %arg4: memref<64x128xf32, #tpu.memory_space<vmem>>, %arg5: memref<64x128xf32, #tpu.memory_space<vmem>>) attributes {dimension_semantics = [#tpu.dimension_semantics<arbitrary>], iteration_bounds = array<i64: 25>, scalar_prefetch = 0 : i64, scratch_operands = 2 : i64, tpu.core_type = #tpu.core_type<tc>, window_params = [{transform_indices = @transform_0, window_bounds = array<i64: 400, 128>}, {transform_indices = @transform_1, window_bounds = array<i64: 1, 1, 400>}, {pipeline_mode = #tpu.pipeline_mode<synchronous>, transform_indices = @transform_2, window_bounds = array<i64: 64, 128>}]} {
    %eq3A = arith.constant 0 : i32
    %eq3A_0 = arith.cmpi eq, %arg0, %eq3A : i32
    %convert_element_type3A = arith.extui %eq3A_0 : i1 to i32
    %cond3A = arith.constant 0 : i32
    %cond3A_1 = arith.cmpi ne, %convert_element_type3A, %cond3A : i32
    scf.if %cond3A_1 {
      %broadcast_in_dim3A_34 = arith.constant 0.000000e+00 : f32
      %broadcast_in_dim3A_35 = vector.broadcast %broadcast_in_dim3A_34 : f32 to vector<64x128xf32>
      %swap3A_36 = arith.constant 0 : index
      %swap3A_37 = arith.constant 0 : index
      %swap3A_38 = vector.load %arg4[%swap3A_36, %swap3A_37] : memref<64x128xf32, #tpu.memory_space<vmem>>, vector<64x128xf32>
      tpu.vector_store %arg4[%swap3A_36, %swap3A_37], %broadcast_in_dim3A_35 {strides = array<i32>} : memref<64x128xf32, #tpu.memory_space<vmem>>, vector<64x128xf32>,
      %broadcast_in_dim3A_39 = arith.constant 0.000000e+00 : f32
      %broadcast_in_dim3A_40 = vector.broadcast %broadcast_in_dim3A_39 : f32 to vector<64x128xf32>
      %swap3A_41 = arith.constant 0 : index
      %swap3A_42 = arith.constant 0 : index
      %swap3A_43 = vector.load %arg5[%swap3A_41, %swap3A_42] : memref<64x128xf32, #tpu.memory_space<vmem>>, vector<64x128xf32>
      tpu.vector_store %arg5[%swap3A_41, %swap3A_42], %broadcast_in_dim3A_40 {strides = array<i32>} : memref<64x128xf32, #tpu.memory_space<vmem>>, vector<64x128xf32>,
    } else {
    }
    %get3A = arith.constant 0 : index
    %get3A_2 = arith.constant 0 : index
    %get3A_3 = arith.constant 0 : index
    %get3A_4 = vector.load %arg2[%get3A, %get3A_2, %get3A_3] : memref<1x1x400xi32, #tpu.memory_space<vmem>>, vector<1x1x400xi32>
    %get3A_5 = vector.shape_cast %get3A_4 : vector<1x1x400xi32> to vector<400xi32>
    %iota3A = tpu.iota {dimensions = array<i32: 0>} : vector<64x400xi32>
    %broadcast_in_dim3A = vector.shape_cast %get3A_5 : vector<400xi32> to vector<1x400xi32>
    %eq3A_6 = vector.broadcast %broadcast_in_dim3A : vector<1x400xi32> to vector<64x400xi32>
    %eq3A_7 = arith.cmpi eq, %iota3A, %eq3A_6 : vector<64x400xi32>
    %convert_element_type3A_8 = arith.extui %eq3A_7 : vector<64x400xi1> to vector<64x400xi32>
    %convert_element_type3A_9 = arith.sitofp %convert_element_type3A_8 : vector<64x400xi32> to vector<64x400xf32>
    %get3A_10 = arith.constant 0 : index
    %get3A_11 = arith.constant 0 : index
    %get3A_12 = vector.load %arg4[%get3A_10, %get3A_11] : memref<64x128xf32, #tpu.memory_space<vmem>>, vector<64x128xf32>
    %get3A_13 = arith.constant 0 : index
    %get3A_14 = arith.constant 0 : index
    %get3A_15 = vector.load %arg1[%get3A_13, %get3A_14] : memref<400x128xf32, #tpu.memory_space<vmem>>, vector<400x128xf32>
    %dot_general3A = arith.constant dense<0.000000e+00> : vector<64x128xf32>
    %dot_general3A_16 = tpu.matmul %convert_element_type3A_9, %get3A_15, %dot_general3A {dimension_numbers = #tpu.dot_dimension_numbers<[1], [0], [0], [1], [0, 0, 1, 1], [], []>, transpose_lhs_hint = false} : vector<64x400xf32>, vector<400x128xf32>, vector<64x128xf32> -> vector<64x128xf32>
    %add3A = arith.addf %get3A_12, %dot_general3A_16 : vector<64x128xf32>
    %swap3A = arith.constant 0 : index
    %swap3A_17 = arith.constant 0 : index
    %swap3A_18 = vector.load %arg4[%swap3A, %swap3A_17] : memref<64x128xf32, #tpu.memory_space<vmem>>, vector<64x128xf32>
    tpu.vector_store %arg4[%swap3A, %swap3A_17], %add3A {strides = array<i32>} : memref<64x128xf32, #tpu.memory_space<vmem>>, vector<64x128xf32>,
    %get3A_19 = arith.constant 0 : index
    %get3A_20 = arith.constant 0 : index
    %get3A_21 = vector.load %arg5[%get3A_19, %get3A_20] : memref<64x128xf32, #tpu.memory_space<vmem>>, vector<64x128xf32>
    %reduce_sum3A = arith.constant dense<0.000000e+00> : vector<64xf32>
    %reduce_sum3A_22 = vector.multi_reduction <add>, %convert_element_type3A_9, %reduce_sum3A [1] : vector<64x400xf32> to vector<64xf32>
    %broadcast_in_dim3A_23 = vector.shape_cast %reduce_sum3A_22 : vector<64xf32> to vector<64x1xf32>
    %add3A_24 = vector.broadcast %broadcast_in_dim3A_23 : vector<64x1xf32> to vector<64x128xf32>
    %add3A_25 = arith.addf %get3A_21, %add3A_24 : vector<64x128xf32>
    %swap3A_26 = arith.constant 0 : index
    %swap3A_27 = arith.constant 0 : index
    %swap3A_28 = vector.load %arg5[%swap3A_26, %swap3A_27] : memref<64x128xf32, #tpu.memory_space<vmem>>, vector<64x128xf32>
    tpu.vector_store %arg5[%swap3A_26, %swap3A_27], %add3A_25 {strides = array<i32>} : memref<64x128xf32, #tpu.memory_space<vmem>>, vector<64x128xf32>,
    %eq3A_29 = arith.constant 24 : i32
    %eq3A_30 = arith.cmpi eq, %arg0, %eq3A_29 : i32
    %convert_element_type3A_31 = arith.extui %eq3A_30 : i1 to i32
    %cond3A_32 = arith.constant 0 : i32
    %cond3A_33 = arith.cmpi ne, %convert_element_type3A_31, %cond3A_32 : i32
    scf.if %cond3A_33 {
      %get3A_34 = arith.constant 0 : index
      %get3A_35 = arith.constant 0 : index
      %get3A_36 = vector.load %arg4[%get3A_34, %get3A_35] : memref<64x128xf32, #tpu.memory_space<vmem>>, vector<64x128xf32>
      %get3A_37 = arith.constant 0 : index
      %get3A_38 = arith.constant 0 : index
      %get3A_39 = vector.load %arg5[%get3A_37, %get3A_38] : memref<64x128xf32, #tpu.memory_space<vmem>>, vector<64x128xf32>
      %max3A = arith.constant 1.000000e+00 : f32
      %max3A_40 = vector.broadcast %max3A : f32 to vector<64x128xf32>
      %max3A_41 = arith.maximumf %get3A_39, %max3A_40 : vector<64x128xf32>
      %div3A = arith.divf %get3A_36, %max3A_41 : vector<64x128xf32>
      %swap3A_42 = arith.constant 0 : index
      %swap3A_43 = arith.constant 0 : index
      %swap3A_44 = vector.load %arg3[%swap3A_42, %swap3A_43] : memref<64x128xf32, #tpu.memory_space<vmem>>, vector<64x128xf32>
      tpu.vector_store %arg3[%swap3A_42, %swap3A_43], %div3A {strides = array<i32>} : memref<64x128xf32, #tpu.memory_space<vmem>>, vector<64x128xf32>,
    } else {
    }
    return
  }
  func.func @transform_0(%arg0: i32) -> (i32, i32) {
    %c0_i32 = arith.constant 0 : i32
    %c0_i32_0 = arith.constant 0 : i32
    return %arg0, %c0_i32 : i32, i32
  }
  func.func @transform_1(%arg0: i32) -> (i32, i32, i32) {
    %c0_i32 = arith.constant 0 : i32
    %c0_i32_0 = arith.constant 0 : i32
    %c0_i32_1 = arith.constant 0 : i32
    return %arg0, %c0_i32, %c0_i32_0 : i32, i32, i32
  }
  func.func @transform_2(%arg0: i32) -> (i32, i32) {
    %c0_i32 = arith.constant 0 : i32
    %c0_i32_0 = arith.constant 0 : i32
    %c0_i32_1 = arith.constant 0 : i32
    return %c0_i32, %c0_i32_0 : i32, i32
  }
}

</mosaic_0001>

<sc_bundles>
// kernel: closed_call.14.cloned.1.call-start
scs
__scs_entry_jumppad:
0x0: {  	(pc) =	sbr.rel $0x88, $3  }
0x1: {  	(tag) =	ssettag $0x0;
	lr =	simm.s32 $0x1  }
0x2: {  	[smem:$0x3F96] =	sst lr;
	_ =	strace $0xD0000000  }
0x3: {  	_ = 	snop  }
0x4: {  	_ = 	snop  }
0x5: {  	_ = 	snop  }
0x6: {  	_ = 	snop  }
0x7: {  	_ = 	snop  }
__scs_overlays_trampoline_lowered:
0x8: {  	[smem:$0x3FA5] =	sst s0  }
0x9: {  	[smem:$0x3FA6] =	sst s1  }
0xa: {  	[smem:$0x3FA7] =	sst s2  }
0xb: {  	[smem:$0x3FA8] =	sst s3  }
0xc: {  	[smem:$0x3FA9] =	sst s4  }
0xd: {  	[smem:$0x3FAA] =	sst s5  }
0xe: {  	[smem:$0x3FAB] =	sst s6  }
0xf: {  	[smem:$0x3FAC] =	sst s7  }
0x10: {  	[smem:$0x3FAD] =	sst s8  }
0x11: {  	[smem:$0x3FAE] =	sst s9;
	s0 =	simm.s32 @!p0 $0x0  }
0x12: {  	s1 =	sld [smem:$0x3F94];
	s0 =	simm.s32 @p0 $0x1  }
0x13: {  	[smem:$0x3FAF] =	sst s0;
	s0 =	simm.s32 @!p1 $0x0  }
0x14: {  	s2 =	sld [smem:$0x3F93];
	s0 =	simm.s32 @p1 $0x1  }
0x15: {  	[smem:$0x3FB0] =	sst s0;
	s0 =	simm.s32 @!p2 $0x0  }
0x16: {  	s3 =	sld [smem:$0x3FDB];
	s0 =	simm.s32 @p2 $0x1  }
0x17: {  	s4 =	simm.s32 $0x1BF5;
	[smem:$0x3FB2] =	sst s0  }
0x18: {  	s0 =	sld [smem:$0x3F95];
	_ =	swait.ge [sflag:s4], $0x0  }
0x19: {  	s7 =	sld [smem:$0x3F96]  }
0x1a: {  	s8 =	sadd.s32 $0xFFFFE003, lr  }
0x1b: {  	s9 =	sadd.s32 $0xFFFFFEF7, lr;
	s5 =	simm.s32 $0xFFFFFFFF;
	p2 =	slt.u32 s8, $0xFFFFF086  }
0x1c: {  	p1 =	slt.u32 s9, $0xF7A;
	s5 =	simm.s32 @!p2 $0x0  }
0x1d: {  	s5 =	simm.s32 @p1 $0x1;
	p0 =	seq.s32 s7, s2  }
0x1e: {  	s7 =	smul.u32 @!p0 $0xF7A, s2;
	p2 =	seq.s32 @!p0 s5, $0x0  }
0x1f: {  	s9 =	smul.u32 $0xF7A, s1;
	s8 =	simm.s32 @!p0 $0x1BF5;
	p2 =	por !p2, p0  }
0x20: {  	[sflag:s8] =	ssyncset.s32 @!p0 $0xFFFFF086;
	s6 =	sadd.s32 @!p0 s3, s7;
	s7 =	simm.s32 @!p0 $0x108  }
0x21: {  	s3 =	sadd.s32 s3, s9;
	s6 =	sadd.s32 @!p0 $0x88, s6;
	s7 =	simm.s32 @p2 $0x1082  }
0x22: {  	[simem:s7], [sflag:s8] =	dma.local @!p0 [hbm:s6], $0xF7A  }
0x23: {  	s9 =	sor.u32 $0xD0000000, s2;
	s6 =	simm.s32 $0x108;
	_ =	swait.ge @!p0 [sflag:s8], $0x0  }
0x24: {  	s3 =	sadd.s32 $0x88, s3;
	s6 =	simm.s32 @!p1 $0x1082;
	[sflag:s4] =	ssyncset.s32 $0xFFFFF086  }
0x25: {  	[simem:s6], [sflag:s4] =	dma.local [hbm:s3], $0xF7A  }
0x26: {  	[smem:$0x3F96] =	sst s1;
	(tag) =	ssettag s2;
	_ =	strace s9  }
0x27: {  	s1 =	sld [smem:$0x3FA6]  }
0x28: {  	s2 =	sld [smem:$0x3FA7]  }
0x29: {  	s4 =	sld [smem:$0x3FA9]  }
0x2a: {  	p0 =	seq.s32 s5, $0x0;
	s5 =	sld [smem:$0x3FAA]  }
0x2b: {  	s6 =	sld [smem:$0x3FAB]  }
0x2c: {  	s7 =	sld [smem:$0x3FAC]  }
0x2d: {  	s3 =	simm.s32 $0x108;
	s8 =	sld [smem:$0x3FAD]  }
0x2e: {  	s3 =	simm.s32 @!p0 $0x1082;
	s9 =	sld [smem:$0x3FAE]  }
0x2f: {  	lr =	sadd.s32 s0, s3;
	s0 =	sld [smem:$0x3FA5]  }
0x30: {  	s3 =	sld [smem:$0x3FA8]  }
0x31: {  	[smem:$0x3FB1] =	sst s10  }
0x32: {  	s10 =	sld [smem:$0x3FAF];
	_ =	sdelay $0x3  }
0x33: {  	p0 =	seq.s32 s10, $0x1;
	s10 =	sld [smem:$0x3FB1];
	_ =	sdelay $0x3  }
0x34: {  	[smem:$0x3FB1] =	sst s10  }
0x35: {  	s10 =	sld [smem:$0x3FB0];
	_ =	sdelay $0x3  }
0x36: {  	p1 =	seq.s32 s10, $0x1;
	s10 =	sld [smem:$0x3FB1];
	_ =	sdelay $0x3  }
0x37: {  	[smem:$0x3FB1] =	sst s10  }
0x38: {  	s10 =	sld [smem:$0x3FB2]  }
0x39: {  	_ = 	snop;
	(pc) =	sbr.ind lr, $3  }
0x3a: {  	_ = 	snop  }
0x3b: {  	_ = 	snop  }
0x3c: {  	p2 =	seq.s32 s10, $0x1;
	s10 =	sld [smem:$0x3FB1]  }
0x3d: {  	_ =	shalt  }
0x3e: {  	_ =	shalt  }
0x3f: {  	_ =	shalt  }
0x40: {  	_ =	shalt  }
0x41: {  	_ =	shalt  }
0x42: {  	_ =	shalt  }
0x43: {  	_ =	shalt  }
0x44: {  	_ =	shalt  }
0x45: {  	_ =	shalt  }
0x46: {  	_ =	shalt  }
0x47: {  	_ =	shalt  }
0x48: {  	_ =	shalt  }
0x49: {  	_ =	shalt  }
0x4a: {  	_ =	shalt  }
0x4b: {  	_ =	shalt  }
0x4c: {  	_ =	shalt  }
0x4d: {  	_ =	shalt  }
0x4e: {  	_ =	shalt  }
0x4f: {  	_ =	shalt  }
0x50: {  	_ =	shalt  }
0x51: {  	_ =	shalt  }
0x52: {  	_ =	shalt  }
0x53: {  	_ =	shalt  }
0x54: {  	_ =	shalt  }
0x55: {  	_ =	shalt  }
0x56: {  	_ =	shalt  }
0x57: {  	_ =	shalt  }
0x58: {  	_ =	shalt  }
0x59: {  	_ =	shalt  }
0x5a: {  	_ =	shalt  }
0x5b: {  	_ =	shalt  }
0x5c: {  	_ =	shalt  }
0x5d: {  	_ =	shalt  }
0x5e: {  	_ =	shalt  }
0x5f: {  	_ =	shalt  }
0x60: {  	_ =	shalt  }
0x61: {  	_ =	shalt  }
0x62: {  	_ =	shalt  }
0x63: {  	_ =	shalt  }
0x64: {  	_ =	shalt  }
0x65: {  	_ =	shalt  }
0x66: {  	_ =	shalt  }
0x67: {  	_ =	shalt  }
0x68: {  	_ =	shalt  }
0x69: {  	_ =	shalt  }
0x6a: {  	_ =	shalt  }
0x6b: {  	_ =	shalt  }
0x6c: {  	_ =	shalt  }
0x6d: {  	_ =	shalt  }
0x6e: {  	_ =	shalt  }
0x6f: {  	_ =	shalt  }
0x70: {  	_ =	shalt  }
0x71: {  	_ =	shalt  }
0x72: {  	_ =	shalt  }
0x73: {  	_ =	shalt  }
0x74: {  	_ =	shalt  }
0x75: {  	_ =	shalt  }
0x76: {  	_ =	shalt  }
0x77: {  	_ =	shalt  }
0x78: {  	_ =	shalt  }
0x79: {  	_ =	shalt  }
0x7a: {  	_ =	shalt  }
0x7b: {  	_ =	shalt  }
0x7c: {  	_ =	shalt  }
0x7d: {  	_ =	shalt  }
0x7e: {  	_ =	shalt  }
0x7f: {  	_ =	shalt  }
0x80: {  	_ =	shalt  }
0x81: {  	_ =	shalt  }
0x82: {  	_ =	shalt  }
0x83: {  	_ =	shalt  }
0x84: {  	_ =	shalt  }
0x85: {  	_ =	shalt  }
0x86: {  	_ =	shalt  }
0x87: {  	_ =	shalt  }
.Lfunc_end0:
.L_simem_size_0:
called_computation_lowered:
.L_overlay_start_0:
0x88: {  	s2 =	sld [smem:$0x3FD9]  }
0x89: {  	s3 =	sld [smem:$0x3FFE];
	_ =	sdelay $0x1  }
0x8a: {  	s1 =	srdreg.scid  }
0x8b: {  	s0 =	sand.u32 $0x1, s1  }
0x8c: {  	s16 =	sshll.u32 s0, $0xA;
	s2 =	sadd.s32 s3, s2  }
0x8d: {  	s2 =	sadd.s32 s2, s16  }
0x8e: {  	[smem:$0x3FBD] =	sst s2  }
0x8f: {  	_ = 	snop  }
0x90: {  	(tm) =	ssettm $0x1  }
0x91: {  	s17 =	sld [smem:$0x3FFB];
	_ =	sdelay $0x3  }
0x92: {  	_ =	strace s17  }
0x93: {  	s2 =	sld [smem:$0x3FFC];
	_ =	sdelay $0x3  }
0x94: {  	_ =	strace s2  }
0x95: {  	s2 =	sld [smem:$0x3FFD];
	_ =	sdelay $0x3  }
0x96: {  	_ =	strace s2  }
0x97: {  	_ =	strace $0x8FFFFFFF  }
0x98: {  	s18 =	sld [smem:$0x3FDB];
	_ =	sdelay $0x1  }
0x99: {  	s19 =	simm.s32 $_scs_section_size  }
0x9a: {  	s4 =	simm.s32 $_size__tile_overlayer_lowered;
	s5 =	simm.s32 $_tile_overlayer_lowered  }
0x9b: {  	s22 =	simm.s32 $0x1BFF;
	s21 =	sshll.u32 s5, $0x1;
	s2 =	sadd.s32 s19, s18  }
0x9c: {  	s6 =	simm.s32 $0x0;
	s20 =	sshll.u32 s4, $0x1;
	s4 =	sadd.s32 s21, s2  }
0x9d: {  	[timem:s6], [sflag:s22] =	dma.local [hbm:s4], s20  }
0x9e: {  	_ =	swait.ge [sflag:s22], s20  }
0x9f: {  	s3 =	ssub.s32 $0x0, s20;
	[sflag:s22] =	ssyncset.done $0x0  }
0xa0: {  	[sflag:s22] =	ssyncadd.s32 s3;
	_ =	sdelay $0x1  }
0xa1: {  	s23 =	simm.s32 $0x1B8B  }
0xa2: {  	_ =	swait.ge [sflag:s23], $0x1  }
0xa3: {  	[sflag:s23] =	ssyncset.done $0x0  }
0xa4: {  	s25 =	simm.s32 $0x1B8E;
	s24 =	sld [smem:$0x3FFE];
	[sflag:s23] =	ssyncadd.s32 $0xFFFFFFFF  }
0xa5: {  	s26 =	simm.s32 $execute0_lowered;
	[smem:$0x3FD2] =	sst s25  }
0xa6: {  	s4 =	sshll.u32 s26, $0x1;
	_ =	strace $0x80000046;
	[dreg:$0x1] =	wrdreg $0xFFFFFFFF  }
0xa7: {  	s28 =	simm.s32 $_size_execute0_lowered;
	s2 =	sadd.s32 s2, s4;
	[dreg:$0x0] =	wrdreg $0x0  }
0xa8: {  	s4 =	sshll.u32 s28, $0x1;
	[dreg:$0x2] =	wrdreg s2  }
0xa9: {  	[dreg:$0x3] =	wrdreg s4  }
0xaa: {  	[dreg:$0x4] =	wrdreg $0xC0  }
0xab: {  	_ =	task [dreg:s6], $0x5FFFF  }
0xac: {  	[dreg:$0x1] =	wrdreg $0xFFFFFFFF  }
0xad: {  	[dreg:$0x0] =	wrdreg $0x60  }
0xae: {  	[dreg:$0x2] =	wrdreg s24  }
0xaf: {  	[dreg:$0x3] =	wrdreg $0x6B000  }
0xb0: {  	[dreg:$0x4] =	wrdreg $0x1A7000  }
0xb1: {  	[dreg:$0x5] =	wrdreg $0x9  }
0xb2: {  	_ =	task.clear_ibuf [dreg:s6], $0x6FFFF;
	_ =	strace $0x90000046  }
0xb3: {  	s29 =	simm.s32 $0x9;
	_ =	strace $0x80000048  }
0xb4: {  	_ =	swait.ge [sflag:s29], $0x1  }
0xb5: {  	[sflag:s29] =	ssyncadd.s32 $0xFFFFFFFF  }
0xb6: {  	_ =	strace $0x90000048  }
0xb7: {  	_ =	sfence  }
0xb8: {  	s30 =	sld [smem:$0x0];
	_ =	sdelay $0x2  }
0xb9: {  	s31 =	sshll.u32 s1, $0xD;
	s1 =	sshrl.u32 s1, $0x2  }
0xba: {  	s3 =	sand.u32 $0x4000, s31;
	s1 =	sadd.s32 s1, s30  }
0xbb: {  	s0 =	sor.u32 s3, s0;
	s1 =	sshll.u32 s1, $0x11  }
0xbc: {  	s0 =	sor.u32 s1, s0  }
0xbd: {  	s0 =	sadd.s32 $0x8F2B, s0  }
0xbe: {  	[sflag:s0] =	ssyncadd.remote.s32 $0x1  }
0xbf: {  	_ =	sfence.sel $0xFFFF  }
0xc0: {  	[dreg:$0x0] =	wrdreg $0xFFFFFFFF;
	(pc) =	sbr.abs _section_cstart, $3  }
0xc1: {  	[dreg:$0x1] =	wrdreg $0xFFFFFFFF  }
0xc2: {  	_ =	task.clear_ibuf [dreg:s6], $0x2FFFF;
	_ =	strace $0x9FFFFFFF  }
0xc3: {  	(tm) =	ssettm $0x7FFFFFFF  }
tec
execute0_lowered:
.L_overlay_start_1:
0x0: {  	(tag) =	ssettag $0x1  }
0x1: {  	s0 =	rddreg [dreg:$0x0]  }
0x2: {  	s1 =	rddreg [dreg:$0x1]  }
0x3: {  	s2 =	rddreg [dreg:$0x2]  }
0x4: {  	s3 =	simm.s32 $0x0;
	s23 =	srdreg.scid;
	s14 =	stileid.u32  }
0x5: {  	s28 =	simm.s32 $0x7;
	s29 =	simm.s32 $0x8;
	[smem:$0x7FF] =	sst s3  }
0x6: {  	s4 =	sadd.s32 $0x29200, s0;
	s5 =	sadd.s32 $0x64600, s0;
	s22 =	sadd.s32 $0x64C00, s0  }
0x7: {  	s7 =	sadd.s32 $0x3D200, s0;
	s6 =	sadd.s32 $0x64E00, s0;
	s11 =	smul.u32 $0x4F000, s14  }
0x8: {  	s12 =	smul.u32 $0x70, s14;
	_ =	strace $0x80000047;
	[dreg:$0x4] =	wrdreg s5  }
0x9: {  	s9 =	sadd.s32 $0x8CC00, s0;
	s13 =	smul.u32 $0xD0, s14;
	[dreg:$0x5] =	wrdreg s22  }
0xa: {  	s16 =	smul.u32 $0x2780, s14;
	[dreg:$0x6] =	wrdreg s6;
	s5 =	sand.u32 $0x1, s23  }
0xb: {  	s6 =	sadd.s32 $0x65400, s0;
	s23 =	simm.s32 $0x67;
	s8 =	smul.u32 $0x4F0, s5  }
0xc: {  	s10 =	ssub.s32 $0x2, s5;
	s11 =	sshrl.u32 s11, $0x2;
	p0 =	seq.s32 s5, $0x0  }
0xd: {  	s24 =	sshrl.u32 s10, $0x1;
	s30 =	sadd.s32 s11, s1;
	s9 =	smov.u32 @p0 s6  }
0xe: {  	s23 =	simm.s32 @!p0 $0x37;
	s6 =	simm.s32 $0x80;
	s0 =	sadd.s32 s8, s0  }
0xf: {  	s8 =	ssub.s32 s10, s24;
	s25 =	sadd.s32 $0x2000, s30;
	[dreg:$0x7] =	wrdreg s30  }
0x10: {  	s10 =	sadd.s32 $0xD00, s12;
	s26 =	sadd.s32 $0x4000, s30;
	[dreg:$0x8] =	wrdreg s25  }
0x11: {  	s31 =	sadd.s32 $0x6000, s30;
	s11 =	sadd.s32 $0x8000, s30;
	[dreg:$0x9] =	wrdreg s26  }
0x12: {  	s20 =	sadd.s32 s9, s16;
	s22 =	sadd.s32 $0xC000, s30;
	[dreg:$0xa] =	wrdreg s31  }
0x13: {  	s24 =	sadd.s32 $0xE000, s30;
	s9 =	simm.s32 $0x9;
	[dreg:$0xb] =	wrdreg s11  }
0x14: {  	s16 =	simm.s32 $0x100;
	s10 =	smov.u32 @p0 s13;
	[dreg:$0x10] =	wrdreg s20  }
0x15: {  	s11 =	sadd.s32 $0xA000, s30;
	s0 =	sadd.s32 $0xB4400, s0;
	[dreg:$0x13] =	wrdreg s22  }
0x16: {  	s21 =	smax.u32 s8, $0x1;
	p0 =	sne.s32 s14, $0x0;
	[dreg:$0x14] =	wrdreg s24  }
0x17: {  	s25 =	sadd.s32 $0x10000, s30;
	s26 =	sadd.s32 $0x12000, s30;
	s8 =	simm.s32 $0x1  }
0x18: {  	s14 =	simm.s32 $0x4B00;
	s22 =	simm.s32 $0x4;
	[dreg:$0xc] =	wrdreg s11  }
0x19: {  	s24 =	simm.s32 $0x180;
	s20 =	simm.s32 $0x0;
	[dreg:$0x11] =	wrdreg s0  }
0x1a: {  	s12 =	sshll.u32 s10, $0x4;
	s18 =	sor.u32 $0x2, s10;
	[dreg:$0x12] =	wrdreg s21  }
0x1b: {  	s19 =	sor.u32 $0x3, s10;
	p1 =	slt.u32 s10, $0x1388;
	[dreg:$0x15] =	wrdreg s25  }
0x1c: {  	[dreg:$0x16] =	wrdreg s26;
	s0 =	simm.s32 $0x300;
	s21 =	simm.s32 $0x5  }
0x1d: {  	s26 =	simm.s32 $0x6;
	s13 =	sadd.s32 s4, s12;
	s15 =	sshll.u32 s18, $0x4  }
0x1e: {  	s17 =	sshll.u32 s19, $0x4;
	s5 =	sadd.s32 s4, s15;
	[dreg:$0xd] =	wrdreg s13  }
0x1f: {  	s12 =	simm.s32 $0x40;
	s31 =	sadd.s32 $0x10, s13;
	[dreg:$0xe] =	wrdreg s5  }
0x20: {  	s13 =	simm.s32 $0x2;
	s5 =	sadd.s32 s4, s17;
	[dreg:$0x17] =	wrdreg s31  }
0x21: {  	v0 =	vimm.f32 $0.0e+00;
	s15 =	simm.s32 $0x3;
	[dreg:$0xf] =	wrdreg s5;
	s5 =	simm.s32 $0x2B00  }
.LBB2_1:
0x22: {  	[dreg:$0x18] =	wrdreg s20  }
0x23: {  	s11 =	rddreg [dreg:$0x4]  }
0x24: {  	[tilespmem:s0], [sflag:$0x9] =	stream.linear.gather [hbm4b:s11+s3], $0x2780, $0x38;
	[tilespmem:$0x1A978] =	vst v63  }
0x25: {  	_ =	swait.ge [sflag:s9], $0x2780  }
0x26: {  	[sflag:s9] =	ssyncset.done $0x0  }
0x27: {  	s17 =	simm.s32 $0x2A80;
	s31 =	rddreg [dreg:$0x5];
	[sflag:s9] =	ssyncadd.s32 $0xFFFFD880  }
0x28: {  	[tilespmem:s17], [sflag:$0x9] =	stream.linear.gather [hbm4b:s31+s3], $0x80, $0x38;
	[tilespmem:$0x1A978] =	vst v63  }
0x29: {  	s20 =	sand.u32 $0x7E00, s3;
	s25 =	sand.u32 $0x70, s3;
	_ =	swait.ge [sflag:s9], $0x80  }
0x2a: {  	s11 =	simm.s32 $0x40;
	s31 =	sshrl.u32 s20, $0x2;
	[sflag:s9] =	ssyncset.done $0x0  }
0x2b: {  	s17 =	simm.s32 $0x0;
	s20 =	sor.u32 s25, s31;
	[sflag:s9] =	ssyncadd.s32 $0xFFFFFF80  }
.LBB2_2:
0x2c: {  	p2 =	sne.s32 s11, $0x7FC0  }
0x2d: {  	[tilespmem:s20+$0x2B00] =	vst v0;
	s17 =	sadd.s32 $0x10, s17;
	s20 =	smov.u32 s11;
	s11 =	sadd.s32 $0x40, s11  }
.Ltmp0:
0x2e: {  	(pc) =	sbr.rel @p2 .LBB2_2-.Ltmp0, $4  }
0x2f: {  	_ = 	snop  }
0x30: {  	s20 =	sand.u32 $0x7E00, s20  }
0x31: {  	s25 =	sand.u32 $0x70, s17;
	s20 =	sshrl.u32 s20, $0x2  }
0x32: {  	s20 =	sor.u32 s25, s20  }
0x33: {  	[tilespmem:s20+$0x2B00] =	vst v0  }
0x34: {  	[spmem:s30] =	stream.linear.scatter [tilespmem:s5], [sflag:$0x9], $0x2000, $0x38;
	[tilespmem:$0x1A978] =	vst v63  }
0x35: {  	_ =	swait.ge [sflag:s9], $0x2000  }
0x36: {  	[sflag:s9] =	ssyncset.done $0x0  }
0x37: {  	s11 =	rddreg [dreg:$0x8];
	[sflag:s9] =	ssyncadd.s32 $0xFFFFE000  }
0x38: {  	[spmem:s11] =	stream.linear.scatter [tilespmem:s5], [sflag:$0x9], $0x2000, $0x38;
	[tilespmem:$0x1A978] =	vst v63  }
0x39: {  	_ =	swait.ge [sflag:s9], $0x2000  }
0x3a: {  	[sflag:s9] =	ssyncset.done $0x0  }
0x3b: {  	s31 =	rddreg [dreg:$0x9];
	[sflag:s9] =	ssyncadd.s32 $0xFFFFE000  }
0x3c: {  	[spmem:s31] =	stream.linear.scatter [tilespmem:s5], [sflag:$0x9], $0x2000, $0x38;
	[tilespmem:$0x1A978] =	vst v63  }
0x3d: {  	_ =	swait.ge [sflag:s9], $0x2000  }
0x3e: {  	[sflag:s9] =	ssyncset.done $0x0  }
0x3f: {  	s17 =	rddreg [dreg:$0xa];
	[sflag:s9] =	ssyncadd.s32 $0xFFFFE000  }
0x40: {  	[spmem:s17] =	stream.linear.scatter [tilespmem:s5], [sflag:$0x9], $0x2000, $0x38;
	[tilespmem:$0x1A978] =	vst v63  }
0x41: {  	_ =	swait.ge [sflag:s9], $0x2000  }
0x42: {  	[sflag:s9] =	ssyncset.done $0x0  }
0x43: {  	s20 =	rddreg [dreg:$0xb];
	[sflag:s9] =	ssyncadd.s32 $0xFFFFE000  }
0x44: {  	[spmem:s20] =	stream.linear.scatter [tilespmem:s5], [sflag:$0x9], $0x2000, $0x38;
	[tilespmem:$0x1A978] =	vst v63  }
0x45: {  	_ =	swait.ge [sflag:s9], $0x2000  }
0x46: {  	[sflag:s9] =	ssyncset.done $0x0  }
0x47: {  	s25 =	rddreg [dreg:$0xc];
	[sflag:s9] =	ssyncadd.s32 $0xFFFFE000  }
0x48: {  	[spmem:s25] =	stream.linear.scatter [tilespmem:s5], [sflag:$0x9], $0x2000, $0x38;
	[tilespmem:$0x1A978] =	vst v63  }
0x49: {  	_ =	swait.ge [sflag:s9], $0x2000  }
0x4a: {  	[sflag:s9] =	ssyncset.done $0x0  }
0x4b: {  	s30 =	rddreg [dreg:$0x13];
	[sflag:s9] =	ssyncadd.s32 $0xFFFFE000  }
0x4c: {  	[spmem:s30] =	stream.linear.scatter [tilespmem:s5], [sflag:$0x9], $0x2000, $0x38;
	[tilespmem:$0x1A978] =	vst v63  }
0x4d: {  	_ =	swait.ge [sflag:s9], $0x2000  }
0x4e: {  	[sflag:s9] =	ssyncset.done $0x0  }
0x4f: {  	s31 =	rddreg [dreg:$0x14];
	[sflag:s9] =	ssyncadd.s32 $0xFFFFE000  }
0x50: {  	[spmem:s31] =	stream.linear.scatter [tilespmem:s5], [sflag:$0x9], $0x2000, $0x38;
	[tilespmem:$0x1A978] =	vst v63  }
0x51: {  	_ =	swait.ge [sflag:s9], $0x2000  }
0x52: {  	[sflag:s9] =	ssyncset.done $0x0  }
0x53: {  	s17 =	rddreg [dreg:$0x15];
	[sflag:s9] =	ssyncadd.s32 $0xFFFFE000  }
0x54: {  	[spmem:s17] =	stream.linear.scatter [tilespmem:s5], [sflag:$0x9], $0x2000, $0x38;
	[tilespmem:$0x1A978] =	vst v63  }
0x55: {  	_ =	swait.ge [sflag:s9], $0x2000  }
0x56: {  	[sflag:s9] =	ssyncset.done $0x0  }
0x57: {  	s20 =	rddreg [dreg:$0x16];
	[sflag:s9] =	ssyncadd.s32 $0xFFFFE000  }
0x58: {  	[spmem:s20] =	stream.linear.scatter [tilespmem:s5], [sflag:$0x9], $0x1C00, $0x38;
	[tilespmem:$0x1A978] =	vst v63  }
0x59: {  	s20 =	sshrl.u32 @!p0 s2, $0x3;
	_ =	swait.ge [sflag:s9], $0x1C00  }
0x5a: {  	[dreg:$0x19] =	wrdreg s20;
	[sflag:s9] =	ssyncset.done $0x0  }
0x5b: {  	s11 =	simm.s32 @!p0 $0x1C09;
	s17 =	rddreg [dreg:$0x6];
	[sflag:s9] =	ssyncadd.s32 $0xFFFFE400  }
0x5c: {  	[spmem:s20], [sflag:s11] =	dma.local @!p0 [hbm:s17], $0x4F0  }
0x5d: {  	s11 =	simm.s32 @!p0 $0x9  }
0x5e: {  	_ =	swait.ge @!p0 [sflag:s11], $0x4F0  }
0x5f: {  	[sflag:s11] =	ssyncset.done @!p0 $0x0  }
0x60: {  	[sflag:s11] =	ssyncadd.s32 @!p0 $0xFFFFFB10  }
0x61: {  	[bflag:$0x0] =	sbarrier.arrive $0xFFFF  }
0x62: {  	s25 =	simm.s32 $0x0;
	s30 =	rddreg [dreg:$0xd]  }
0x63: {  	v1 =	vld [tilespmem:$0x2A80];
	[tilespmem:s25], [sflag:$0x1] =	stream.linear.gather [hbm4b:s30+s25], $0x80, $0x38  }
0x64: {  	s31 =	rddreg [dreg:$0x17]  }
0x65: {  	[tilespmem:s6], [sflag:$0x2] =	stream.linear.gather [hbm4b:s31+s25], $0x80, $0x38;
	[tilespmem:$0x1A978] =	vst v63  }
0x66: {  	_ =	swait.ge [sflag:s8], $0x80  }
0x67: {  	[sflag:s8] =	ssyncset.done $0x0  }
0x68: {  	[sflag:s8] =	ssyncadd.s32 $0xFFFFFF80  }
0x69: {  	[tilespmem:s5], [sflag:$0x3] =	stream.indirect.gather [hbm4b:s7+s12], $0x80, s25, s12, $0xb8;
	[tilespmem:$0x1A978] =	vst v63  }
0x6a: {  	_ =	swait.ge [sflag:s13], $0x80  }
0x6b: {  	[sflag:s13] =	ssyncset.done $0x0  }
0x6c: {  	[sflag:s13] =	ssyncadd.s32 $0xFFFFFF80  }
0x6d: {  	[tilespmem:s14], [sflag:$0x4] =	stream.indirect.gather [hbm4b:s7+s12], $0x80, s6, s12, $0xb8;
	[tilespmem:$0x1A978] =	vst v63  }
0x6e: {  	_ =	swait.ge [sflag:s15], $0x2000  }
0x6f: {  	[sflag:s15] =	ssyncset.done $0x0  }
0x70: {  	[sflag:s15] =	ssyncadd.s32 $0xFFFFE000  }
0x71: {  	v2 =	vld [tilespmem:$0x0]  }
0x72: {  	v3 =	vld [tilespmem:$0x40];
	_ =	sdelay $0x6  }
0x73: {  	v2 =	vld.idx.msk [tilespmem:v2+s0+$0x0], $0xffff  }
0x74: {  	v4 =	vld.idx.msk [tilespmem:v3+s0+$0x0], $0xffff;
	_ =	sdelay $0x4  }
0x75: {  	v2 =	vunpack.i.l.bf16.f32 v2;
	v4 =	vunpack.i.u.bf16.f32 v4  }
0x76: {  	v5 =	vadd.f32 v4, v1;
	v2 =	vadd.f32 v4, v2;
	_ =	sdelay $0x1  }
0x77: {  	v4 =	vmul.f32 $2.000000030e-01, v5;
	v6 =	vmul.f32 $2.000000030e-01, v2  }
0x78: {  	vm0 =	vge.f32 v5, $0.0e+00;
	vm1 =	vge.f32 v2, $0.0e+00  }
0x79: {  	v4 =	vsel vm0, v5, v4;
	v2 =	vsel vm1, v2, v6  }
0x7a: {  	v2 =	vsub.f32 v2, v4;
	_ =	sdelay $0x1  }
0x7b: {  	v2 =	vmul.f32 $1.442695020e+00, v2;
	_ =	sdelay $0x1  }
0x7c: {  	(erf) = vpow2.f32 v2;
	_ =	sdelay $0x3  }
0x7d: {  	v2 =	vld [tilespmem:$0x10]  }
0x7e: {  	v6 =	vld [tilespmem:$0x50];
	_ =	sdelay $0x3  }
0x7f: {  	v4 =	vpop (erf)  }
0x80: {  	[tilespmem:$0x100] =	vst v3;
	v5 =	vpsel !p1, $0x0, v4  }
0x81: {  	[tilespmem:$0x200] =	vst v5  }
0x82: {  	v2 =	vld.idx.msk [tilespmem:v2+s0+$0x0], $0xffff  }
0x83: {  	v3 =	vld.idx.msk [tilespmem:v6+s0+$0x0], $0xffff;
	_ =	sdelay $0x4  }
0x84: {  	v2 =	vunpack.i.l.bf16.f32 v2;
	v3 =	vunpack.i.u.bf16.f32 v3  }
0x85: {  	v4 =	vadd.f32 v3, v1;
	v2 =	vadd.f32 v3, v2;
	_ =	sdelay $0x1  }
0x86: {  	v3 =	vmul.f32 $2.000000030e-01, v4;
	v7 =	vmul.f32 $2.000000030e-01, v2  }
0x87: {  	vm10 =	vge.f32 v4, $0.0e+00;
	vm11 =	vge.f32 v2, $0.0e+00  }
0x88: {  	v3 =	vsel vm10, v4, v3;
	v2 =	vsel vm11, v2, v7  }
0x89: {  	v2 =	vsub.f32 v2, v3;
	_ =	sdelay $0x1  }
0x8a: {  	v2 =	vmul.f32 $1.442695020e+00, v2;
	_ =	sdelay $0x1  }
0x8b: {  	(erf) = vpow2.f32 v2;
	_ =	sdelay $0x3  }
0x8c: {  	v2 =	vld [tilespmem:$0x20]  }
0x8d: {  	v7 =	vld [tilespmem:$0x60];
	_ =	sdelay $0x3  }
0x8e: {  	v3 =	vpop (erf)  }
0x8f: {  	[tilespmem:$0x110] =	vst v6;
	v4 =	vpsel !p1, $0x0, v3  }
0x90: {  	[tilespmem:$0x210] =	vst v4  }
0x91: {  	v2 =	vld.idx.msk [tilespmem:v2+s0+$0x0], $0xffff  }
0x92: {  	v3 =	vld.idx.msk [tilespmem:v7+s0+$0x0], $0xffff;
	_ =	sdelay $0x4  }
0x93: {  	v2 =	vunpack.i.l.bf16.f32 v2;
	v3 =	vunpack.i.u.bf16.f32 v3  }
0x94: {  	v6 =	vadd.f32 v3, v1;
	v2 =	vadd.f32 v3, v2;
	_ =	sdelay $0x1  }
0x95: {  	v3 =	vmul.f32 $2.000000030e-01, v6;
	v8 =	vmul.f32 $2.000000030e-01, v2  }
0x96: {  	vm12 =	vge.f32 v6, $0.0e+00;
	vm13 =	vge.f32 v2, $0.0e+00  }
0x97: {  	v3 =	vsel vm12, v6, v3;
	v2 =	vsel vm13, v2, v8  }
0x98: {  	v2 =	vsub.f32 v2, v3;
	_ =	sdelay $0x1  }
0x99: {  	v2 =	vmul.f32 $1.442695020e+00, v2;
	_ =	sdelay $0x1  }
0x9a: {  	(erf) = vpow2.f32 v2;
	_ =	sdelay $0x3  }
0x9b: {  	v2 =	vld [tilespmem:$0x30]  }
0x9c: {  	v6 =	vld [tilespmem:$0x70];
	_ =	sdelay $0x3  }
0x9d: {  	v3 =	vpop (erf)  }
0x9e: {  	[tilespmem:$0x120] =	vst v7;
	v3 =	vpsel !p1, $0x0, v3  }
0x9f: {  	[tilespmem:$0x220] =	vst v3  }
0xa0: {  	v2 =	vld.idx.msk [tilespmem:v2+s0+$0x0], $0xffff  }
0xa1: {  	v7 =	vld.idx.msk [tilespmem:v6+s0+$0x0], $0xffff;
	_ =	sdelay $0x4  }
0xa2: {  	v2 =	vunpack.i.l.bf16.f32 v2;
	v7 =	vunpack.i.u.bf16.f32 v7  }
0xa3: {  	v8 =	vadd.f32 v7, v1;
	v2 =	vadd.f32 v7, v2;
	_ =	sdelay $0x1  }
0xa4: {  	v7 =	vmul.f32 $2.000000030e-01, v8;
	v9 =	vmul.f32 $2.000000030e-01, v2  }
0xa5: {  	vm14 =	vge.f32 v8, $0.0e+00;
	vm15 =	vge.f32 v2, $0.0e+00  }
0xa6: {  	v7 =	vsel vm14, v8, v7;
	v2 =	vsel vm15, v2, v9  }
0xa7: {  	v2 =	vsub.f32 v2, v7;
	_ =	sdelay $0x1  }
0xa8: {  	v2 =	vmul.f32 $1.442695020e+00, v2;
	_ =	sdelay $0x1  }
0xa9: {  	(erf) = vpow2.f32 v2;
	_ =	sdelay $0x8  }
0xaa: {  	v2 =	vpop (erf)  }
0xab: {  	[tilespmem:$0x130] =	vst v6;
	v2 =	vpsel !p1, $0x0, v2  }
0xac: {  	s17 =	simm.s32 $0x2B40;
	[tilespmem:$0x230] =	vst v2  }
0xad: {  	v11 =	vld [tilespmem:s17+$0xFFFFFFC0]  }
0xae: {  	v13 =	vld [tilespmem:s17+$0xFFFFFFD0]  }
0xaf: {  	v6 =	vmov s25;
	v12 =	vld [tilespmem:s17+$0xFFFFFFE0]  }
0xb0: {  	v7 =	vperm.xlane v5, v6;
	v9 =	vld [tilespmem:s17+$0x0]  }
0xb1: {  	v10 =	vld [tilespmem:s17+$0x10]  }
0xb2: {  	v8 =	vld [tilespmem:s17+$0x20];
	v14 =	vmul.f32 v11, v7  }
0xb3: {  	s20 =	simm.s32 $0x2B40;
	s11 =	simm.s32 $0x1;
	v13 =	vmul.f32 v13, v7;
	v11 =	vld [tilespmem:s17+$0x30]  }
.LBB2_4:
0xb4: {  	p2 =	sne.s32 s11, $0xF;
	[tilespmem:s17+$0xFFFFFFC0] =	vst v14;
	v12 =	vmul.f32 v12, v7;
	v14 =	vld [tilespmem:s17+$0xFFFFFFF0];
	s20 =	sadd.s32 $0x80, s20  }
0xb5: {  	v15 =	vld [tilespmem:s20+$0xFFFFFFC0];
	[tilespmem:s17+$0xFFFFFFD0] =	vst v13;
	v9 =	vmul.f32 v9, v7  }
0xb6: {  	v13 =	vld [tilespmem:s20+$0xFFFFFFD0];
	[tilespmem:s17+$0xFFFFFFE0] =	vst v12;
	v10 =	vmul.f32 v10, v7  }
.Ltmp1:
0xb7: {  	v16 =	vmov s11;
	v12 =	vld [tilespmem:s20+$0xFFFFFFE0];
	[tilespmem:s17+$0x0] =	vst v9;
	v8 =	vmul.f32 v8, v7;
	(pc) =	sbr.rel @p2 .LBB2_4-.Ltmp1, $4  }
0xb8: {  	v16 =	vperm.xlane v5, v16;
	v9 =	vld [tilespmem:s20+$0x0];
	[tilespmem:s17+$0x10] =	vst v10;
	v11 =	vmul.f32 v11, v7  }
0xb9: {  	v10 =	vld [tilespmem:s20+$0x10];
	v17 =	vmul.f32 v14, v7;
	[tilespmem:s17+$0x20] =	vst v8  }
0xba: {  	v7 =	vmov v16;
	v14 =	vmul.f32 v15, v16;
	v8 =	vld [tilespmem:s20+$0x20];
	[tilespmem:s17+$0x30] =	vst v11  }
0xbb: {  	s11 =	sadd.s32 $0x1, s11;
	v13 =	vmul.f32 v13, v7;
	v11 =	vld [tilespmem:s20+$0x30];
	[tilespmem:s17+$0xFFFFFFF0] =	vst v17;
	s17 =	smov.u32 s20  }
0xbc: {  	[tilespmem:s17+$0xFFFFFFC0] =	vst v14;
	v5 =	vmul.f32 v12, v7;
	v12 =	vld [tilespmem:s17+$0xFFFFFFF0]  }
0xbd: {  	[tilespmem:s17+$0xFFFFFFD0] =	vst v13;
	v9 =	vmul.f32 v9, v7  }
0xbe: {  	[tilespmem:s17+$0xFFFFFFE0] =	vst v5;
	v5 =	vmul.f32 v10, v7  }
0xbf: {  	[tilespmem:s17+$0x0] =	vst v9;
	v8 =	vmul.f32 v8, v7  }
0xc0: {  	[tilespmem:s17+$0x10] =	vst v5;
	v5 =	vmul.f32 v11, v7  }
0xc1: {  	v7 =	vmul.f32 v12, v7;
	[tilespmem:s17+$0x20] =	vst v8  }
0xc2: {  	[tilespmem:s17+$0x30] =	vst v5  }
0xc3: {  	s11 =	simm.s32 $0x3370;
	[tilespmem:s17+$0xFFFFFFF0] =	vst v7  }
0xc4: {  	v9 =	vld [tilespmem:s11+$0xFFFFFF90]  }
0xc5: {  	v11 =	vld [tilespmem:s11+$0xFFFFFFA0]  }
0xc6: {  	v10 =	vld [tilespmem:s11+$0xFFFFFFB0]  }
0xc7: {  	v5 =	vperm.xlane v4, v6;
	v7 =	vld [tilespmem:s11+$0xFFFFFFC0]  }
0xc8: {  	v8 =	vld [tilespmem:s11+$0xFFFFFFD0]  }
0xc9: {  	v6 =	vld [tilespmem:s11+$0xFFFFFFE0];
	v12 =	vmul.f32 v9, v5  }
0xca: {  	s20 =	simm.s32 $0x3370;
	s17 =	simm.s32 $0x1;
	v11 =	vmul.f32 v11, v5;
	v9 =	vld [tilespmem:s11+$0x0]  }
.LBB2_6:
0xcb: {  	p2 =	sne.s32 s17, $0xF;
	[tilespmem:s11+$0xFFFFFF90] =	vst v12;
	v10 =	vmul.f32 v10, v5;
	v12 =	vld [tilespmem:s11+$0xFFFFFFF0];
	s20 =	sadd.s32 $0x80, s20  }
0xcc: {  	v13 =	vld [tilespmem:s20+$0xFFFFFF90];
	[tilespmem:s11+$0xFFFFFFA0] =	vst v11;
	v7 =	vmul.f32 v7, v5  }
0xcd: {  	v11 =	vld [tilespmem:s20+$0xFFFFFFA0];
	[tilespmem:s11+$0xFFFFFFB0] =	vst v10;
	v8 =	vmul.f32 v8, v5  }
.Ltmp2:
0xce: {  	v14 =	vmov s17;
	v10 =	vld [tilespmem:s20+$0xFFFFFFB0];
	[tilespmem:s11+$0xFFFFFFC0] =	vst v7;
	v6 =	vmul.f32 v6, v5;
	(pc) =	sbr.rel @p2 .LBB2_6-.Ltmp2, $4  }
0xcf: {  	v14 =	vperm.xlane v4, v14;
	v7 =	vld [tilespmem:s20+$0xFFFFFFC0];
	[tilespmem:s11+$0xFFFFFFD0] =	vst v8;
	v9 =	vmul.f32 v9, v5  }
0xd0: {  	v8 =	vld [tilespmem:s20+$0xFFFFFFD0];
	[tilespmem:s11+$0xFFFFFFE0] =	vst v6;
	v15 =	vmul.f32 v12, v5  }
0xd1: {  	v5 =	vmov v14;
	v12 =	vmul.f32 v13, v14;
	v6 =	vld [tilespmem:s20+$0xFFFFFFE0];
	[tilespmem:s11+$0x0] =	vst v9  }
0xd2: {  	s17 =	sadd.s32 $0x1, s17;
	v11 =	vmul.f32 v11, v5;
	v9 =	vld [tilespmem:s20+$0x0];
	[tilespmem:s11+$0xFFFFFFF0] =	vst v15;
	s11 =	smov.u32 s20  }
0xd3: {  	[tilespmem:s11+$0xFFFFFF90] =	vst v12;
	v4 =	vmul.f32 v10, v5;
	v10 =	vld [tilespmem:s11+$0xFFFFFFF0]  }
0xd4: {  	[tilespmem:s11+$0xFFFFFFA0] =	vst v11;
	v7 =	vmul.f32 v7, v5  }
0xd5: {  	[tilespmem:s11+$0xFFFFFFB0] =	vst v4;
	v4 =	vmul.f32 v8, v5  }
0xd6: {  	[tilespmem:s11+$0xFFFFFFC0] =	vst v7;
	v6 =	vmul.f32 v6, v5  }
0xd7: {  	[tilespmem:s11+$0xFFFFFFD0] =	vst v4;
	v4 =	vmul.f32 v9, v5  }
0xd8: {  	[tilespmem:s11+$0xFFFFFFE0] =	vst v6;
	v5 =	vmul.f32 v10, v5  }
0xd9: {  	[tilespmem:s11+$0x0] =	vst v4  }
0xda: {  	[tilespmem:s11+$0xFFFFFFF0] =	vst v5;
	s11 =	simm.s32 $0x3B70  }
0xdb: {  	v9 =	vld [tilespmem:s11+$0xFFFFFF90]  }
0xdc: {  	s17 =	simm.s32 $0x0;
	v11 =	vld [tilespmem:s11+$0xFFFFFFA0]  }
0xdd: {  	v4 =	vmov s17;
	v10 =	vld [tilespmem:s11+$0xFFFFFFB0]  }
0xde: {  	v5 =	vperm.xlane v3, v4;
	v7 =	vld [tilespmem:s11+$0xFFFFFFC0]  }
0xdf: {  	v8 =	vld [tilespmem:s11+$0xFFFFFFD0]  }
0xe0: {  	v6 =	vld [tilespmem:s11+$0xFFFFFFE0];
	v12 =	vmul.f32 v9, v5  }
0xe1: {  	s20 =	simm.s32 $0x3B70;
	s17 =	simm.s32 $0x1;
	v11 =	vmul.f32 v11, v5;
	v9 =	vld [tilespmem:s11+$0x0]  }
.LBB2_8:
0xe2: {  	p2 =	sne.s32 s17, $0xF;
	[tilespmem:s11+$0xFFFFFF90] =	vst v12;
	v10 =	vmul.f32 v10, v5;
	v12 =	vld [tilespmem:s11+$0xFFFFFFF0];
	s20 =	sadd.s32 $0x80, s20  }
0xe3: {  	v13 =	vld [tilespmem:s20+$0xFFFFFF90];
	[tilespmem:s11+$0xFFFFFFA0] =	vst v11;
	v7 =	vmul.f32 v7, v5  }
0xe4: {  	v11 =	vld [tilespmem:s20+$0xFFFFFFA0];
	[tilespmem:s11+$0xFFFFFFB0] =	vst v10;
	v8 =	vmul.f32 v8, v5  }
.Ltmp3:
0xe5: {  	v14 =	vmov s17;
	v10 =	vld [tilespmem:s20+$0xFFFFFFB0];
	[tilespmem:s11+$0xFFFFFFC0] =	vst v7;
	v6 =	vmul.f32 v6, v5;
	(pc) =	sbr.rel @p2 .LBB2_8-.Ltmp3, $4  }
0xe6: {  	v14 =	vperm.xlane v3, v14;
	v7 =	vld [tilespmem:s20+$0xFFFFFFC0];
	[tilespmem:s11+$0xFFFFFFD0] =	vst v8;
	v9 =	vmul.f32 v9, v5  }
0xe7: {  	v8 =	vld [tilespmem:s20+$0xFFFFFFD0];
	[tilespmem:s11+$0xFFFFFFE0] =	vst v6;
	v15 =	vmul.f32 v12, v5  }
0xe8: {  	v5 =	vmov v14;
	v12 =	vmul.f32 v13, v14;
	v6 =	vld [tilespmem:s20+$0xFFFFFFE0];
	[tilespmem:s11+$0x0] =	vst v9  }
0xe9: {  	s17 =	sadd.s32 $0x1, s17;
	v11 =	vmul.f32 v11, v5;
	v9 =	vld [tilespmem:s20+$0x0];
	[tilespmem:s11+$0xFFFFFFF0] =	vst v15;
	s11 =	smov.u32 s20  }
0xea: {  	[tilespmem:s11+$0xFFFFFF90] =	vst v12;
	v3 =	vmul.f32 v10, v5;
	v10 =	vld [tilespmem:s11+$0xFFFFFFF0]  }
0xeb: {  	[tilespmem:s11+$0xFFFFFFA0] =	vst v11;
	v7 =	vmul.f32 v7, v5  }
0xec: {  	[tilespmem:s11+$0xFFFFFFB0] =	vst v3;
	v3 =	vmul.f32 v8, v5  }
0xed: {  	[tilespmem:s11+$0xFFFFFFC0] =	vst v7;
	v6 =	vmul.f32 v6, v5  }
0xee: {  	[tilespmem:s11+$0xFFFFFFD0] =	vst v3;
	v3 =	vmul.f32 v9, v5  }
0xef: {  	[tilespmem:s11+$0xFFFFFFE0] =	vst v6;
	v5 =	vmul.f32 v10, v5  }
0xf0: {  	[tilespmem:s11+$0x0] =	vst v3  }
0xf1: {  	[tilespmem:s11+$0xFFFFFFF0] =	vst v5;
	s11 =	simm.s32 $0x4370  }
0xf2: {  	v7 =	vld [tilespmem:s11+$0xFFFFFF90]  }
0xf3: {  	v9 =	vld [tilespmem:s11+$0xFFFFFFA0]  }
0xf4: {  	v8 =	vld [tilespmem:s11+$0xFFFFFFB0]  }
0xf5: {  	v3 =	vperm.xlane v2, v4;
	v5 =	vld [tilespmem:s11+$0xFFFFFFC0]  }
0xf6: {  	v6 =	vld [tilespmem:s11+$0xFFFFFFD0]  }
0xf7: {  	v4 =	vld [tilespmem:s11+$0xFFFFFFE0];
	v10 =	vmul.f32 v7, v3  }
0xf8: {  	s17 =	simm.s32 $0x1;
	s20 =	simm.s32 $0x4370;
	v9 =	vmul.f32 v9, v3;
	v7 =	vld [tilespmem:s11+$0x0]  }
.LBB2_10:
0xf9: {  	p2 =	sne.s32 s17, $0xF;
	[tilespmem:s11+$0xFFFFFF90] =	vst v10;
	v8 =	vmul.f32 v8, v3;
	v10 =	vld [tilespmem:s11+$0xFFFFFFF0];
	s20 =	sadd.s32 $0x80, s20  }
0xfa: {  	v11 =	vld [tilespmem:s20+$0xFFFFFF90];
	[tilespmem:s11+$0xFFFFFFA0] =	vst v9;
	v5 =	vmul.f32 v5, v3  }
0xfb: {  	v9 =	vld [tilespmem:s20+$0xFFFFFFA0];
	[tilespmem:s11+$0xFFFFFFB0] =	vst v8;
	v6 =	vmul.f32 v6, v3  }
.Ltmp4:
0xfc: {  	v12 =	vmov s17;
	v8 =	vld [tilespmem:s20+$0xFFFFFFB0];
	[tilespmem:s11+$0xFFFFFFC0] =	vst v5;
	v4 =	vmul.f32 v4, v3;
	(pc) =	sbr.rel @p2 .LBB2_10-.Ltmp4, $4  }
0xfd: {  	v12 =	vperm.xlane v2, v12;
	v5 =	vld [tilespmem:s20+$0xFFFFFFC0];
	[tilespmem:s11+$0xFFFFFFD0] =	vst v6;
	v7 =	vmul.f32 v7, v3  }
0xfe: {  	v6 =	vld [tilespmem:s20+$0xFFFFFFD0];
	[tilespmem:s11+$0xFFFFFFE0] =	vst v4;
	v13 =	vmul.f32 v10, v3  }
0xff: {  	v3 =	vmov v12;
	v10 =	vmul.f32 v11, v12;
	v4 =	vld [tilespmem:s20+$0xFFFFFFE0];
	[tilespmem:s11+$0x0] =	vst v7  }
0x100: {  	s17 =	sadd.s32 $0x1, s17;
	v9 =	vmul.f32 v9, v3;
	v7 =	vld [tilespmem:s20+$0x0];
	[tilespmem:s11+$0xFFFFFFF0] =	vst v13;
	s11 =	smov.u32 s20  }
0x101: {  	[tilespmem:s11+$0xFFFFFF90] =	vst v10;
	v2 =	vmul.f32 v8, v3;
	v8 =	vld [tilespmem:s11+$0xFFFFFFF0]  }
0x102: {  	[tilespmem:s11+$0xFFFFFFA0] =	vst v9;
	v5 =	vmul.f32 v5, v3  }
0x103: {  	[tilespmem:s11+$0xFFFFFFB0] =	vst v2;
	v2 =	vmul.f32 v6, v3  }
0x104: {  	[tilespmem:s11+$0xFFFFFFC0] =	vst v5;
	v4 =	vmul.f32 v4, v3  }
0x105: {  	[tilespmem:s11+$0xFFFFFFD0] =	vst v2;
	v2 =	vmul.f32 v7, v3  }
0x106: {  	[tilespmem:s11+$0xFFFFFFE0] =	vst v4;
	v3 =	vmul.f32 v8, v3  }
0x107: {  	[tilespmem:s11+$0x0] =	vst v2  }
0x108: {  	[tilespmem:s11+$0xFFFFFFF0] =	vst v3  }
0x109: {  	[spmem:s1] =	stream.indirect.scatter.add.f32 [tilespmem:s5], [sflag:$0x5], $0x80, s16, s12, $0xb8;
	[tilespmem:$0x1A978] =	vst v63  }
0x10a: {  	s30 =	simm.s32 $0x200  }
0x10b: {  	[spmem:s2] =	stream.indirect.scatter.add.f32 [tilespmem:s30], [sflag:$0x7], $0x1, s16, s12, $0xb8;
	[tilespmem:$0x1A978] =	vst v63  }
0x10c: {  	s31 =	simm.s32 $0x0;
	s17 =	rddreg [dreg:$0xe]  }
0x10d: {  	[tilespmem:s31], [sflag:$0x1] =	stream.linear.gather [hbm4b:s17+s31], $0x80, $0x38;
	[tilespmem:$0x1A978] =	vst v63  }
0x10e: {  	_ =	swait.ge [sflag:s8], $0x80  }
0x10f: {  	[sflag:s8] =	ssyncset.done $0x0  }
0x110: {  	[sflag:s8] =	ssyncadd.s32 $0xFFFFFF80  }
0x111: {  	_ =	swait.ge [sflag:s21], $0x2000  }
0x112: {  	[sflag:s21] =	ssyncset.done $0x0  }
0x113: {  	[sflag:s21] =	ssyncadd.s32 $0xFFFFE000  }
0x114: {  	[tilespmem:s5], [sflag:$0x3] =	stream.indirect.gather [hbm4b:s7+s12], $0x80, s31, s12, $0xb8;
	[tilespmem:$0x1A978] =	vst v63  }
0x115: {  	_ =	swait.ge [sflag:s22], $0x2000  }
0x116: {  	[sflag:s22] =	ssyncset.done $0x0  }
0x117: {  	[sflag:s22] =	ssyncadd.s32 $0xFFFFE000  }
0x118: {  	v2 =	vld [tilespmem:$0x80]  }
0x119: {  	v3 =	vld [tilespmem:$0xC0];
	_ =	sdelay $0x6  }
0x11a: {  	v2 =	vld.idx.msk [tilespmem:v2+s0+$0x0], $0xffff  }
0x11b: {  	v4 =	vld.idx.msk [tilespmem:v3+s0+$0x0], $0xffff;
	_ =	sdelay $0x4  }
0x11c: {  	v2 =	vunpack.i.l.bf16.f32 v2;
	v4 =	vunpack.i.u.bf16.f32 v4  }
0x11d: {  	v5 =	vadd.f32 v4, v1;
	v2 =	vadd.f32 v4, v2;
	_ =	sdelay $0x1  }
0x11e: {  	v4 =	vmul.f32 $2.000000030e-01, v5;
	v6 =	vmul.f32 $2.000000030e-01, v2  }
0x11f: {  	vm0 =	vge.f32 v5, $0.0e+00;
	vm1 =	vge.f32 v2, $0.0e+00  }
0x120: {  	v4 =	vsel vm0, v5, v4;
	v2 =	vsel vm1, v2, v6  }
0x121: {  	v2 =	vsub.f32 v2, v4;
	_ =	sdelay $0x1  }
0x122: {  	v2 =	vmul.f32 $1.442695020e+00, v2;
	_ =	sdelay $0x1  }
0x123: {  	(erf) = vpow2.f32 v2;
	_ =	sdelay $0x3  }
0x124: {  	v2 =	vld [tilespmem:$0x90]  }
0x125: {  	v6 =	vld [tilespmem:$0xD0];
	_ =	sdelay $0x3  }
0x126: {  	v4 =	vpop (erf)  }
0x127: {  	[tilespmem:$0x180] =	vst v3;
	v5 =	vpsel !p1, $0x0, v4  }
0x128: {  	[tilespmem:$0x280] =	vst v5  }
0x129: {  	v2 =	vld.idx.msk [tilespmem:v2+s0+$0x0], $0xffff  }
0x12a: {  	v3 =	vld.idx.msk [tilespmem:v6+s0+$0x0], $0xffff;
	_ =	sdelay $0x4  }
0x12b: {  	v2 =	vunpack.i.l.bf16.f32 v2;
	v3 =	vunpack.i.u.bf16.f32 v3  }
0x12c: {  	v4 =	vadd.f32 v3, v1;
	v2 =	vadd.f32 v3, v2;
	_ =	sdelay $0x1  }
0x12d: {  	v3 =	vmul.f32 $2.000000030e-01, v4;
	v7 =	vmul.f32 $2.000000030e-01, v2  }
0x12e: {  	vm10 =	vge.f32 v4, $0.0e+00;
	vm11 =	vge.f32 v2, $0.0e+00  }
0x12f: {  	v3 =	vsel vm10, v4, v3;
	v2 =	vsel vm11, v2, v7  }
0x130: {  	v2 =	vsub.f32 v2, v3;
	_ =	sdelay $0x1  }
0x131: {  	v2 =	vmul.f32 $1.442695020e+00, v2;
	_ =	sdelay $0x1  }
0x132: {  	(erf) = vpow2.f32 v2;
	_ =	sdelay $0x3  }
0x133: {  	v2 =	vld [tilespmem:$0xA0]  }
0x134: {  	v7 =	vld [tilespmem:$0xE0];
	_ =	sdelay $0x3  }
0x135: {  	v3 =	vpop (erf)  }
0x136: {  	[tilespmem:$0x190] =	vst v6;
	v4 =	vpsel !p1, $0x0, v3  }
0x137: {  	[tilespmem:$0x290] =	vst v4  }
0x138: {  	v2 =	vld.idx.msk [tilespmem:v2+s0+$0x0], $0xffff  }
0x139: {  	v3 =	vld.idx.msk [tilespmem:v7+s0+$0x0], $0xffff;
	_ =	sdelay $0x4  }
0x13a: {  	v2 =	vunpack.i.l.bf16.f32 v2;
	v3 =	vunpack.i.u.bf16.f32 v3  }
0x13b: {  	v6 =	vadd.f32 v3, v1;
	v2 =	vadd.f32 v3, v2;
	_ =	sdelay $0x1  }
0x13c: {  	v3 =	vmul.f32 $2.000000030e-01, v6;
	v8 =	vmul.f32 $2.000000030e-01, v2  }
0x13d: {  	vm12 =	vge.f32 v6, $0.0e+00;
	vm13 =	vge.f32 v2, $0.0e+00  }
0x13e: {  	v3 =	vsel vm12, v6, v3;
	v2 =	vsel vm13, v2, v8  }
0x13f: {  	v2 =	vsub.f32 v2, v3;
	_ =	sdelay $0x1  }
0x140: {  	v2 =	vmul.f32 $1.442695020e+00, v2;
	_ =	sdelay $0x1  }
0x141: {  	(erf) = vpow2.f32 v2;
	_ =	sdelay $0x3  }
0x142: {  	v2 =	vld [tilespmem:$0xB0]  }
0x143: {  	v6 =	vld [tilespmem:$0xF0];
	_ =	sdelay $0x3  }
0x144: {  	v3 =	vpop (erf)  }
0x145: {  	[tilespmem:$0x1A0] =	vst v7;
	v3 =	vpsel !p1, $0x0, v3  }
0x146: {  	[tilespmem:$0x2A0] =	vst v3  }
0x147: {  	v2 =	vld.idx.msk [tilespmem:v2+s0+$0x0], $0xffff  }
0x148: {  	v7 =	vld.idx.msk [tilespmem:v6+s0+$0x0], $0xffff;
	_ =	sdelay $0x4  }
0x149: {  	v2 =	vunpack.i.l.bf16.f32 v2;
	v7 =	vunpack.i.u.bf16.f32 v7  }
0x14a: {  	v8 =	vadd.f32 v7, v1;
	v2 =	vadd.f32 v7, v2;
	_ =	sdelay $0x1  }
0x14b: {  	v7 =	vmul.f32 $2.000000030e-01, v8;
	v9 =	vmul.f32 $2.000000030e-01, v2  }
0x14c: {  	vm14 =	vge.f32 v8, $0.0e+00;
	vm15 =	vge.f32 v2, $0.0e+00  }
0x14d: {  	v7 =	vsel vm14, v8, v7;
	v2 =	vsel vm15, v2, v9  }
0x14e: {  	v2 =	vsub.f32 v2, v7;
	_ =	sdelay $0x1  }
0x14f: {  	v2 =	vmul.f32 $1.442695020e+00, v2;
	_ =	sdelay $0x1  }
0x150: {  	(erf) = vpow2.f32 v2;
	_ =	sdelay $0x8  }
0x151: {  	v2 =	vpop (erf)  }
0x152: {  	[tilespmem:$0x1B0] =	vst v6;
	v2 =	vpsel !p1, $0x0, v2  }
0x153: {  	s17 =	simm.s32 $0x4B40;
	[tilespmem:$0x2B0] =	vst v2  }
0x154: {  	v11 =	vld [tilespmem:s17+$0xFFFFFFC0]  }
0x155: {  	v13 =	vld [tilespmem:s17+$0xFFFFFFD0]  }
0x156: {  	v6 =	vmov s31;
	v12 =	vld [tilespmem:s17+$0xFFFFFFE0]  }
0x157: {  	v7 =	vperm.xlane v5, v6;
	v9 =	vld [tilespmem:s17+$0x0]  }
0x158: {  	v10 =	vld [tilespmem:s17+$0x10]  }
0x159: {  	v8 =	vld [tilespmem:s17+$0x20];
	v14 =	vmul.f32 v11, v7  }
0x15a: {  	s20 =	simm.s32 $0x4B40;
	s11 =	simm.s32 $0x1;
	v13 =	vmul.f32 v13, v7;
	v11 =	vld [tilespmem:s17+$0x30]  }
.LBB2_12:
0x15b: {  	p2 =	sne.s32 s11, $0xF;
	[tilespmem:s17+$0xFFFFFFC0] =	vst v14;
	v12 =	vmul.f32 v12, v7;
	v14 =	vld [tilespmem:s17+$0xFFFFFFF0];
	s20 =	sadd.s32 $0x80, s20  }
0x15c: {  	v15 =	vld [tilespmem:s20+$0xFFFFFFC0];
	[tilespmem:s17+$0xFFFFFFD0] =	vst v13;
	v9 =	vmul.f32 v9, v7  }
0x15d: {  	v13 =	vld [tilespmem:s20+$0xFFFFFFD0];
	[tilespmem:s17+$0xFFFFFFE0] =	vst v12;
	v10 =	vmul.f32 v10, v7  }
.Ltmp5:
0x15e: {  	v16 =	vmov s11;
	v12 =	vld [tilespmem:s20+$0xFFFFFFE0];
	[tilespmem:s17+$0x0] =	vst v9;
	v8 =	vmul.f32 v8, v7;
	(pc) =	sbr.rel @p2 .LBB2_12-.Ltmp5, $4  }
0x15f: {  	v16 =	vperm.xlane v5, v16;
	v9 =	vld [tilespmem:s20+$0x0];
	[tilespmem:s17+$0x10] =	vst v10;
	v11 =	vmul.f32 v11, v7  }
0x160: {  	v10 =	vld [tilespmem:s20+$0x10];
	v17 =	vmul.f32 v14, v7;
	[tilespmem:s17+$0x20] =	vst v8  }
0x161: {  	v7 =	vmov v16;
	v14 =	vmul.f32 v15, v16;
	v8 =	vld [tilespmem:s20+$0x20];
	[tilespmem:s17+$0x30] =	vst v11  }
0x162: {  	s11 =	sadd.s32 $0x1, s11;
	v13 =	vmul.f32 v13, v7;
	v11 =	vld [tilespmem:s20+$0x30];
	[tilespmem:s17+$0xFFFFFFF0] =	vst v17;
	s17 =	smov.u32 s20  }
0x163: {  	[tilespmem:s17+$0xFFFFFFC0] =	vst v14;
	v5 =	vmul.f32 v12, v7;
	v12 =	vld [tilespmem:s17+$0xFFFFFFF0]  }
0x164: {  	[tilespmem:s17+$0xFFFFFFD0] =	vst v13;
	v9 =	vmul.f32 v9, v7  }
0x165: {  	[tilespmem:s17+$0xFFFFFFE0] =	vst v5;
	v5 =	vmul.f32 v10, v7  }
0x166: {  	[tilespmem:s17+$0x0] =	vst v9;
	v8 =	vmul.f32 v8, v7  }
0x167: {  	[tilespmem:s17+$0x10] =	vst v5;
	v5 =	vmul.f32 v11, v7  }
0x168: {  	v7 =	vmul.f32 v12, v7;
	[tilespmem:s17+$0x20] =	vst v8  }
0x169: {  	[tilespmem:s17+$0x30] =	vst v5  }
0x16a: {  	s11 =	simm.s32 $0x5370;
	[tilespmem:s17+$0xFFFFFFF0] =	vst v7  }
0x16b: {  	v9 =	vld [tilespmem:s11+$0xFFFFFF90]  }
0x16c: {  	v11 =	vld [tilespmem:s11+$0xFFFFFFA0]  }
0x16d: {  	v10 =	vld [tilespmem:s11+$0xFFFFFFB0]  }
0x16e: {  	v5 =	vperm.xlane v4, v6;
	v7 =	vld [tilespmem:s11+$0xFFFFFFC0]  }
0x16f: {  	v8 =	vld [tilespmem:s11+$0xFFFFFFD0]  }
0x170: {  	v6 =	vld [tilespmem:s11+$0xFFFFFFE0];
	v12 =	vmul.f32 v9, v5  }
0x171: {  	s20 =	simm.s32 $0x5370;
	s17 =	simm.s32 $0x1;
	v11 =	vmul.f32 v11, v5;
	v9 =	vld [tilespmem:s11+$0x0]  }
.LBB2_14:
0x172: {  	p2 =	sne.s32 s17, $0xF;
	[tilespmem:s11+$0xFFFFFF90] =	vst v12;
	v10 =	vmul.f32 v10, v5;
	v12 =	vld [tilespmem:s11+$0xFFFFFFF0];
	s20 =	sadd.s32 $0x80, s20  }
0x173: {  	v13 =	vld [tilespmem:s20+$0xFFFFFF90];
	[tilespmem:s11+$0xFFFFFFA0] =	vst v11;
	v7 =	vmul.f32 v7, v5  }
0x174: {  	v11 =	vld [tilespmem:s20+$0xFFFFFFA0];
	[tilespmem:s11+$0xFFFFFFB0] =	vst v10;
	v8 =	vmul.f32 v8, v5  }
.Ltmp6:
0x175: {  	v14 =	vmov s17;
	v10 =	vld [tilespmem:s20+$0xFFFFFFB0];
	[tilespmem:s11+$0xFFFFFFC0] =	vst v7;
	v6 =	vmul.f32 v6, v5;
	(pc) =	sbr.rel @p2 .LBB2_14-.Ltmp6, $4  }
0x176: {  	v14 =	vperm.xlane v4, v14;
	v7 =	vld [tilespmem:s20+$0xFFFFFFC0];
	[tilespmem:s11+$0xFFFFFFD0] =	vst v8;
	v9 =	vmul.f32 v9, v5  }
0x177: {  	v8 =	vld [tilespmem:s20+$0xFFFFFFD0];
	[tilespmem:s11+$0xFFFFFFE0] =	vst v6;
	v15 =	vmul.f32 v12, v5  }
0x178: {  	v5 =	vmov v14;
	v12 =	vmul.f32 v13, v14;
	v6 =	vld [tilespmem:s20+$0xFFFFFFE0];
	[tilespmem:s11+$0x0] =	vst v9  }
0x179: {  	s17 =	sadd.s32 $0x1, s17;
	v11 =	vmul.f32 v11, v5;
	v9 =	vld [tilespmem:s20+$0x0];
	[tilespmem:s11+$0xFFFFFFF0] =	vst v15;
	s11 =	smov.u32 s20  }
0x17a: {  	[tilespmem:s11+$0xFFFFFF90] =	vst v12;
	v4 =	vmul.f32 v10, v5;
	v10 =	vld [tilespmem:s11+$0xFFFFFFF0]  }
0x17b: {  	[tilespmem:s11+$0xFFFFFFA0] =	vst v11;
	v7 =	vmul.f32 v7, v5  }
0x17c: {  	[tilespmem:s11+$0xFFFFFFB0] =	vst v4;
	v4 =	vmul.f32 v8, v5  }
0x17d: {  	[tilespmem:s11+$0xFFFFFFC0] =	vst v7;
	v6 =	vmul.f32 v6, v5  }
0x17e: {  	[tilespmem:s11+$0xFFFFFFD0] =	vst v4;
	v4 =	vmul.f32 v9, v5  }
0x17f: {  	[tilespmem:s11+$0xFFFFFFE0] =	vst v6;
	v5 =	vmul.f32 v10, v5  }
0x180: {  	[tilespmem:s11+$0x0] =	vst v4  }
0x181: {  	[tilespmem:s11+$0xFFFFFFF0] =	vst v5;
	s11 =	simm.s32 $0x5B70  }
0x182: {  	v9 =	vld [tilespmem:s11+$0xFFFFFF90]  }
0x183: {  	s17 =	simm.s32 $0x0;
	v11 =	vld [tilespmem:s11+$0xFFFFFFA0]  }
0x184: {  	v4 =	vmov s17;
	v10 =	vld [tilespmem:s11+$0xFFFFFFB0]  }
0x185: {  	v5 =	vperm.xlane v3, v4;
	v7 =	vld [tilespmem:s11+$0xFFFFFFC0]  }
0x186: {  	v8 =	vld [tilespmem:s11+$0xFFFFFFD0]  }
0x187: {  	v6 =	vld [tilespmem:s11+$0xFFFFFFE0];
	v12 =	vmul.f32 v9, v5  }
0x188: {  	s20 =	simm.s32 $0x5B70;
	s17 =	simm.s32 $0x1;
	v11 =	vmul.f32 v11, v5;
	v9 =	vld [tilespmem:s11+$0x0]  }
.LBB2_16:
0x189: {  	p2 =	sne.s32 s17, $0xF;
	[tilespmem:s11+$0xFFFFFF90] =	vst v12;
	v10 =	vmul.f32 v10, v5;
	v12 =	vld [tilespmem:s11+$0xFFFFFFF0];
	s20 =	sadd.s32 $0x80, s20  }
0x18a: {  	v13 =	vld [tilespmem:s20+$0xFFFFFF90];
	[tilespmem:s11+$0xFFFFFFA0] =	vst v11;
	v7 =	vmul.f32 v7, v5  }
0x18b: {  	v11 =	vld [tilespmem:s20+$0xFFFFFFA0];
	[tilespmem:s11+$0xFFFFFFB0] =	vst v10;
	v8 =	vmul.f32 v8, v5  }
.Ltmp7:
0x18c: {  	v14 =	vmov s17;
	v10 =	vld [tilespmem:s20+$0xFFFFFFB0];
	[tilespmem:s11+$0xFFFFFFC0] =	vst v7;
	v6 =	vmul.f32 v6, v5;
	(pc) =	sbr.rel @p2 .LBB2_16-.Ltmp7, $4  }
0x18d: {  	v14 =	vperm.xlane v3, v14;
	v7 =	vld [tilespmem:s20+$0xFFFFFFC0];
	[tilespmem:s11+$0xFFFFFFD0] =	vst v8;
	v9 =	vmul.f32 v9, v5  }
0x18e: {  	v8 =	vld [tilespmem:s20+$0xFFFFFFD0];
	[tilespmem:s11+$0xFFFFFFE0] =	vst v6;
	v15 =	vmul.f32 v12, v5  }
0x18f: {  	v5 =	vmov v14;
	v12 =	vmul.f32 v13, v14;
	v6 =	vld [tilespmem:s20+$0xFFFFFFE0];
	[tilespmem:s11+$0x0] =	vst v9  }
0x190: {  	s17 =	sadd.s32 $0x1, s17;
	v11 =	vmul.f32 v11, v5;
	v9 =	vld [tilespmem:s20+$0x0];
	[tilespmem:s11+$0xFFFFFFF0] =	vst v15;
	s11 =	smov.u32 s20  }
0x191: {  	[tilespmem:s11+$0xFFFFFF90] =	vst v12;
	v3 =	vmul.f32 v10, v5;
	v10 =	vld [tilespmem:s11+$0xFFFFFFF0]  }
0x192: {  	[tilespmem:s11+$0xFFFFFFA0] =	vst v11;
	v7 =	vmul.f32 v7, v5  }
0x193: {  	[tilespmem:s11+$0xFFFFFFB0] =	vst v3;
	v3 =	vmul.f32 v8, v5  }
0x194: {  	[tilespmem:s11+$0xFFFFFFC0] =	vst v7;
	v6 =	vmul.f32 v6, v5  }
0x195: {  	[tilespmem:s11+$0xFFFFFFD0] =	vst v3;
	v3 =	vmul.f32 v9, v5  }
0x196: {  	[tilespmem:s11+$0xFFFFFFE0] =	vst v6;
	v5 =	vmul.f32 v10, v5  }
0x197: {  	[tilespmem:s11+$0x0] =	vst v3  }
0x198: {  	[tilespmem:s11+$0xFFFFFFF0] =	vst v5;
	s11 =	simm.s32 $0x6370  }
0x199: {  	v7 =	vld [tilespmem:s11+$0xFFFFFF90]  }
0x19a: {  	v9 =	vld [tilespmem:s11+$0xFFFFFFA0]  }
0x19b: {  	v8 =	vld [tilespmem:s11+$0xFFFFFFB0]  }
0x19c: {  	v3 =	vperm.xlane v2, v4;
	v5 =	vld [tilespmem:s11+$0xFFFFFFC0]  }
0x19d: {  	v6 =	vld [tilespmem:s11+$0xFFFFFFD0]  }
0x19e: {  	v4 =	vld [tilespmem:s11+$0xFFFFFFE0];
	v10 =	vmul.f32 v7, v3  }
0x19f: {  	s17 =	simm.s32 $0x1;
	s20 =	simm.s32 $0x6370;
	v9 =	vmul.f32 v9, v3;
	v7 =	vld [tilespmem:s11+$0x0]  }
.LBB2_18:
0x1a0: {  	p2 =	sne.s32 s17, $0xF;
	[tilespmem:s11+$0xFFFFFF90] =	vst v10;
	v8 =	vmul.f32 v8, v3;
	v10 =	vld [tilespmem:s11+$0xFFFFFFF0];
	s20 =	sadd.s32 $0x80, s20  }
0x1a1: {  	v11 =	vld [tilespmem:s20+$0xFFFFFF90];
	[tilespmem:s11+$0xFFFFFFA0] =	vst v9;
	v5 =	vmul.f32 v5, v3  }
0x1a2: {  	v9 =	vld [tilespmem:s20+$0xFFFFFFA0];
	[tilespmem:s11+$0xFFFFFFB0] =	vst v8;
	v6 =	vmul.f32 v6, v3  }
.Ltmp8:
0x1a3: {  	v12 =	vmov s17;
	v8 =	vld [tilespmem:s20+$0xFFFFFFB0];
	[tilespmem:s11+$0xFFFFFFC0] =	vst v5;
	v4 =	vmul.f32 v4, v3;
	(pc) =	sbr.rel @p2 .LBB2_18-.Ltmp8, $4  }
0x1a4: {  	v12 =	vperm.xlane v2, v12;
	v5 =	vld [tilespmem:s20+$0xFFFFFFC0];
	[tilespmem:s11+$0xFFFFFFD0] =	vst v6;
	v7 =	vmul.f32 v7, v3  }
0x1a5: {  	v6 =	vld [tilespmem:s20+$0xFFFFFFD0];
	[tilespmem:s11+$0xFFFFFFE0] =	vst v4;
	v13 =	vmul.f32 v10, v3  }
0x1a6: {  	v3 =	vmov v12;
	v10 =	vmul.f32 v11, v12;
	v4 =	vld [tilespmem:s20+$0xFFFFFFE0];
	[tilespmem:s11+$0x0] =	vst v7  }
0x1a7: {  	s17 =	sadd.s32 $0x1, s17;
	v9 =	vmul.f32 v9, v3;
	v7 =	vld [tilespmem:s20+$0x0];
	[tilespmem:s11+$0xFFFFFFF0] =	vst v13;
	s11 =	smov.u32 s20  }
0x1a8: {  	[tilespmem:s11+$0xFFFFFF90] =	vst v10;
	v2 =	vmul.f32 v8, v3;
	v63 =	vld [tilespmem:s11+$0xFFFFFFF0]  }
0x1a9: {  	[tilespmem:s11+$0xFFFFFFA0] =	vst v9;
	v5 =	vmul.f32 v5, v3  }
0x1aa: {  	[tilespmem:s11+$0xFFFFFFB0] =	vst v2;
	v2 =	vmul.f32 v6, v3  }
0x1ab: {  	[tilespmem:s11+$0xFFFFFFC0] =	vst v5;
	v4 =	vmul.f32 v4, v3  }
0x1ac: {  	[tilespmem:s11+$0xFFFFFFD0] =	vst v2;
	v2 =	vmul.f32 v7, v3  }
0x1ad: {  	[tilespmem:s11+$0xFFFFFFE0] =	vst v4;
	v3 =	vmul.f32 v63, v3  }
0x1ae: {  	[tilespmem:s11+$0x0] =	vst v2  }
0x1af: {  	[tilespmem:s11+$0xFFFFFFF0] =	vst v3  }
0x1b0: {  	[spmem:s1] =	stream.indirect.scatter.add.f32 [tilespmem:s14], [sflag:$0x6], $0x80, s24, s12, $0xb8;
	[tilespmem:$0x1A978] =	vst v63  }
0x1b1: {  	s30 =	simm.s32 $0x280  }
0x1b2: {  	[spmem:s2] =	stream.indirect.scatter.add.f32 [tilespmem:s30], [sflag:$0x8], $0x1, s24, s12, $0xb8;
	[tilespmem:$0x1A978] =	vst v63  }
0x1b3: {  	s17 =	simm.s32 $0x0;
	s31 =	rddreg [dreg:$0xf];
	s11 =	simm.s32 $0x0  }
0x1b4: {  	[tilespmem:s6], [sflag:$0x2] =	stream.linear.gather [hbm4b:s31+s17], $0x80, $0x38;
	[tilespmem:$0x1A978] =	vst v63  }
.LBB2_20:
0x1b5: {  	_ =	swait.ge [sflag:s13], $0x80  }
0x1b6: {  	[sflag:s13] =	ssyncset.done $0x0  }
0x1b7: {  	[sflag:s13] =	ssyncadd.s32 $0xFFFFFF80  }
0x1b8: {  	_ =	swait.ge [sflag:s26], $0x2000  }
0x1b9: {  	[sflag:s26] =	ssyncset.done $0x0  }
0x1ba: {  	[sflag:s26] =	ssyncadd.s32 $0xFFFFE000  }
0x1bb: {  	[tilespmem:s14], [sflag:$0x4] =	stream.indirect.gather [hbm4b:s7+s12], $0x80, s6, s12, $0xb8;
	[tilespmem:$0x1A978] =	vst v63  }
0x1bc: {  	_ =	swait.ge [sflag:s28], $0x40  }
0x1bd: {  	[sflag:s28] =	ssyncset.done $0x0  }
0x1be: {  	[sflag:s28] =	ssyncadd.s32 $0xFFFFFFC0  }
0x1bf: {  	_ =	swait.ge [sflag:s15], $0x2000  }
0x1c0: {  	[sflag:s15] =	ssyncset.done $0x0  }
0x1c1: {  	[sflag:s15] =	ssyncadd.s32 $0xFFFFE000  }
0x1c2: {  	v2 =	vld [tilespmem:$0x0]  }
0x1c3: {  	v3 =	vld [tilespmem:$0x40];
	_ =	sdelay $0x6  }
0x1c4: {  	v2 =	vld.idx.msk [tilespmem:v2+s0+$0x0], $0xffff  }
0x1c5: {  	v4 =	vld.idx.msk [tilespmem:v3+s0+$0x0], $0xffff;
	_ =	sdelay $0x4  }
0x1c6: {  	v2 =	vunpack.i.l.bf16.f32 v2;
	v4 =	vunpack.i.u.bf16.f32 v4  }
0x1c7: {  	v5 =	vadd.f32 v4, v1;
	v2 =	vadd.f32 v4, v2;
	_ =	sdelay $0x1  }
0x1c8: {  	v4 =	vmul.f32 $2.000000030e-01, v5;
	v6 =	vmul.f32 $2.000000030e-01, v2  }
0x1c9: {  	vm0 =	vge.f32 v5, $0.0e+00;
	vm1 =	vge.f32 v2, $0.0e+00  }
0x1ca: {  	v4 =	vsel vm0, v5, v4;
	v2 =	vsel vm1, v2, v6  }
0x1cb: {  	v2 =	vsub.f32 v2, v4;
	_ =	sdelay $0x1  }
0x1cc: {  	v2 =	vmul.f32 $1.442695020e+00, v2;
	_ =	sdelay $0x1  }
0x1cd: {  	(erf) = vpow2.f32 v2;
	_ =	sdelay $0x3  }
0x1ce: {  	v2 =	vld [tilespmem:$0x10]  }
0x1cf: {  	v6 =	vld [tilespmem:$0x50]  }
0x1d0: {  	s11 =	sadd.s32 $0x1, s11  }
0x1d1: {  	s31 =	sshll.u32 s11, $0x1  }
0x1d2: {  	s20 =	sadd.s32 s10, s31  }
0x1d3: {  	p2 =	slt.u32 s20, $0x1388;
	v4 =	vpop (erf)  }
0x1d4: {  	[tilespmem:$0x100] =	vst v3;
	v5 =	vpsel !p2, $0x0, v4  }
0x1d5: {  	[tilespmem:$0x200] =	vst v5  }
0x1d6: {  	v2 =	vld.idx.msk [tilespmem:v2+s0+$0x0], $0xffff  }
0x1d7: {  	v3 =	vld.idx.msk [tilespmem:v6+s0+$0x0], $0xffff;
	_ =	sdelay $0x4  }
0x1d8: {  	v2 =	vunpack.i.l.bf16.f32 v2;
	v3 =	vunpack.i.u.bf16.f32 v3  }
0x1d9: {  	v4 =	vadd.f32 v3, v1;
	v2 =	vadd.f32 v3, v2;
	_ =	sdelay $0x1  }
0x1da: {  	v3 =	vmul.f32 $2.000000030e-01, v4;
	v7 =	vmul.f32 $2.000000030e-01, v2  }
0x1db: {  	vm10 =	vge.f32 v4, $0.0e+00;
	vm11 =	vge.f32 v2, $0.0e+00  }
0x1dc: {  	v3 =	vsel vm10, v4, v3;
	v2 =	vsel vm11, v2, v7  }
0x1dd: {  	v2 =	vsub.f32 v2, v3;
	_ =	sdelay $0x1  }
0x1de: {  	v2 =	vmul.f32 $1.442695020e+00, v2;
	_ =	sdelay $0x1  }
0x1df: {  	(erf) = vpow2.f32 v2;
	_ =	sdelay $0x3  }
0x1e0: {  	v2 =	vld [tilespmem:$0x20]  }
0x1e1: {  	v7 =	vld [tilespmem:$0x60];
	_ =	sdelay $0x3  }
0x1e2: {  	v3 =	vpop (erf)  }
0x1e3: {  	[tilespmem:$0x110] =	vst v6;
	v4 =	vpsel !p2, $0x0, v3  }
0x1e4: {  	[tilespmem:$0x210] =	vst v4  }
0x1e5: {  	v2 =	vld.idx.msk [tilespmem:v2+s0+$0x0], $0xffff  }
0x1e6: {  	v3 =	vld.idx.msk [tilespmem:v7+s0+$0x0], $0xffff;
	_ =	sdelay $0x4  }
0x1e7: {  	v2 =	vunpack.i.l.bf16.f32 v2;
	v3 =	vunpack.i.u.bf16.f32 v3  }
0x1e8: {  	v6 =	vadd.f32 v3, v1;
	v2 =	vadd.f32 v3, v2;
	_ =	sdelay $0x1  }
0x1e9: {  	v3 =	vmul.f32 $2.000000030e-01, v6;
	v8 =	vmul.f32 $2.000000030e-01, v2  }
0x1ea: {  	vm12 =	vge.f32 v6, $0.0e+00;
	vm13 =	vge.f32 v2, $0.0e+00  }
0x1eb: {  	v3 =	vsel vm12, v6, v3;
	v2 =	vsel vm13, v2, v8  }
0x1ec: {  	v2 =	vsub.f32 v2, v3;
	_ =	sdelay $0x1  }
0x1ed: {  	v2 =	vmul.f32 $1.442695020e+00, v2;
	_ =	sdelay $0x1  }
0x1ee: {  	(erf) = vpow2.f32 v2;
	_ =	sdelay $0x3  }
0x1ef: {  	v2 =	vld [tilespmem:$0x30]  }
0x1f0: {  	v6 =	vld [tilespmem:$0x70];
	_ =	sdelay $0x3  }
0x1f1: {  	v3 =	vpop (erf)  }
0x1f2: {  	[tilespmem:$0x120] =	vst v7;
	v3 =	vpsel !p2, $0x0, v3  }
0x1f3: {  	[tilespmem:$0x220] =	vst v3  }
0x1f4: {  	v2 =	vld.idx.msk [tilespmem:v2+s0+$0x0], $0xffff  }
0x1f5: {  	v7 =	vld.idx.msk [tilespmem:v6+s0+$0x0], $0xffff;
	_ =	sdelay $0x4  }
0x1f6: {  	v2 =	vunpack.i.l.bf16.f32 v2;
	v7 =	vunpack.i.u.bf16.f32 v7  }
0x1f7: {  	v8 =	vadd.f32 v7, v1;
	v2 =	vadd.f32 v7, v2;
	_ =	sdelay $0x1  }
0x1f8: {  	v7 =	vmul.f32 $2.000000030e-01, v8;
	v9 =	vmul.f32 $2.000000030e-01, v2  }
0x1f9: {  	vm14 =	vge.f32 v8, $0.0e+00;
	vm15 =	vge.f32 v2, $0.0e+00  }
0x1fa: {  	v7 =	vsel vm14, v8, v7;
	v2 =	vsel vm15, v2, v9  }
0x1fb: {  	v2 =	vsub.f32 v2, v7;
	_ =	sdelay $0x1  }
0x1fc: {  	v2 =	vmul.f32 $1.442695020e+00, v2;
	_ =	sdelay $0x1  }
0x1fd: {  	(erf) = vpow2.f32 v2;
	_ =	sdelay $0x8  }
0x1fe: {  	v2 =	vpop (erf)  }
0x1ff: {  	[tilespmem:$0x130] =	vst v6;
	v2 =	vpsel !p2, $0x0, v2  }
0x200: {  	s30 =	simm.s32 $0x2B40;
	[tilespmem:$0x230] =	vst v2  }
0x201: {  	v10 =	vld [tilespmem:s30+$0xFFFFFFC0]  }
0x202: {  	v12 =	vld [tilespmem:s30+$0xFFFFFFD0]  }
0x203: {  	v6 =	vmov s17;
	v11 =	vld [tilespmem:s30+$0xFFFFFFE0]  }
0x204: {  	v6 =	vperm.xlane v5, v6;
	v8 =	vld [tilespmem:s30+$0x0]  }
0x205: {  	v9 =	vld [tilespmem:s30+$0x10]  }
0x206: {  	v7 =	vld [tilespmem:s30+$0x20];
	v13 =	vmul.f32 v10, v6  }
0x207: {  	s25 =	simm.s32 $0x2B40;
	s20 =	simm.s32 $0x1;
	v12 =	vmul.f32 v12, v6;
	v10 =	vld [tilespmem:s30+$0x30]  }
.LBB2_21:
0x208: {  	p3 =	sne.s32 s20, $0xF;
	[tilespmem:s30+$0xFFFFFFC0] =	vst v13;
	v11 =	vmul.f32 v11, v6;
	v13 =	vld [tilespmem:s30+$0xFFFFFFF0];
	s25 =	sadd.s32 $0x80, s25  }
0x209: {  	v14 =	vld [tilespmem:s25+$0xFFFFFFC0];
	[tilespmem:s30+$0xFFFFFFD0] =	vst v12;
	v8 =	vmul.f32 v8, v6  }
0x20a: {  	v12 =	vld [tilespmem:s25+$0xFFFFFFD0];
	[tilespmem:s30+$0xFFFFFFE0] =	vst v11;
	v9 =	vmul.f32 v9, v6  }
.Ltmp9:
0x20b: {  	v15 =	vmov s20;
	v11 =	vld [tilespmem:s25+$0xFFFFFFE0];
	[tilespmem:s30+$0x0] =	vst v8;
	v7 =	vmul.f32 v7, v6;
	(pc) =	sbr.rel @p3 .LBB2_21-.Ltmp9, $4  }
0x20c: {  	v15 =	vperm.xlane v5, v15;
	v8 =	vld [tilespmem:s25+$0x0];
	[tilespmem:s30+$0x10] =	vst v9;
	v10 =	vmul.f32 v10, v6  }
0x20d: {  	v9 =	vld [tilespmem:s25+$0x10];
	v16 =	vmul.f32 v13, v6;
	[tilespmem:s30+$0x20] =	vst v7  }
0x20e: {  	v6 =	vmov v15;
	v13 =	vmul.f32 v14, v15;
	v7 =	vld [tilespmem:s25+$0x20];
	[tilespmem:s30+$0x30] =	vst v10  }
0x20f: {  	s20 =	sadd.s32 $0x1, s20;
	v12 =	vmul.f32 v12, v6;
	v10 =	vld [tilespmem:s25+$0x30];
	[tilespmem:s30+$0xFFFFFFF0] =	vst v16;
	s30 =	smov.u32 s25  }
0x210: {  	[tilespmem:s30+$0xFFFFFFC0] =	vst v13;
	v5 =	vmul.f32 v11, v6;
	v11 =	vld [tilespmem:s30+$0xFFFFFFF0]  }
0x211: {  	[tilespmem:s30+$0xFFFFFFD0] =	vst v12;
	v8 =	vmul.f32 v8, v6  }
0x212: {  	[tilespmem:s30+$0xFFFFFFE0] =	vst v5;
	v5 =	vmul.f32 v9, v6  }
0x213: {  	[tilespmem:s30+$0x0] =	vst v8;
	v7 =	vmul.f32 v7, v6  }
0x214: {  	[tilespmem:s30+$0x10] =	vst v5;
	v5 =	vmul.f32 v10, v6  }
0x215: {  	v6 =	vmul.f32 v11, v6;
	[tilespmem:s30+$0x20] =	vst v7  }
0x216: {  	[tilespmem:s30+$0x30] =	vst v5  }
0x217: {  	[tilespmem:s30+$0xFFFFFFF0] =	vst v6;
	s30 =	simm.s32 $0x3370  }
0x218: {  	v10 =	vld [tilespmem:s30+$0xFFFFFF90]  }
0x219: {  	s20 =	simm.s32 $0x0;
	v12 =	vld [tilespmem:s30+$0xFFFFFFA0]  }
0x21a: {  	v5 =	vmov s20;
	v11 =	vld [tilespmem:s30+$0xFFFFFFB0]  }
0x21b: {  	v6 =	vperm.xlane v4, v5;
	v8 =	vld [tilespmem:s30+$0xFFFFFFC0]  }
0x21c: {  	v9 =	vld [tilespmem:s30+$0xFFFFFFD0]  }
0x21d: {  	v7 =	vld [tilespmem:s30+$0xFFFFFFE0];
	v13 =	vmul.f32 v10, v6  }
0x21e: {  	s25 =	simm.s32 $0x3370;
	s20 =	simm.s32 $0x1;
	v12 =	vmul.f32 v12, v6;
	v10 =	vld [tilespmem:s30+$0x0]  }
.LBB2_23:
0x21f: {  	p3 =	sne.s32 s20, $0xF;
	[tilespmem:s30+$0xFFFFFF90] =	vst v13;
	v11 =	vmul.f32 v11, v6;
	v13 =	vld [tilespmem:s30+$0xFFFFFFF0];
	s25 =	sadd.s32 $0x80, s25  }
0x220: {  	v14 =	vld [tilespmem:s25+$0xFFFFFF90];
	[tilespmem:s30+$0xFFFFFFA0] =	vst v12;
	v8 =	vmul.f32 v8, v6  }
0x221: {  	v12 =	vld [tilespmem:s25+$0xFFFFFFA0];
	[tilespmem:s30+$0xFFFFFFB0] =	vst v11;
	v9 =	vmul.f32 v9, v6  }
.Ltmp10:
0x222: {  	v15 =	vmov s20;
	v11 =	vld [tilespmem:s25+$0xFFFFFFB0];
	[tilespmem:s30+$0xFFFFFFC0] =	vst v8;
	v7 =	vmul.f32 v7, v6;
	(pc) =	sbr.rel @p3 .LBB2_23-.Ltmp10, $4  }
0x223: {  	v15 =	vperm.xlane v4, v15;
	v8 =	vld [tilespmem:s25+$0xFFFFFFC0];
	[tilespmem:s30+$0xFFFFFFD0] =	vst v9;
	v10 =	vmul.f32 v10, v6  }
0x224: {  	v9 =	vld [tilespmem:s25+$0xFFFFFFD0];
	[tilespmem:s30+$0xFFFFFFE0] =	vst v7;
	v16 =	vmul.f32 v13, v6  }
0x225: {  	v6 =	vmov v15;
	v13 =	vmul.f32 v14, v15;
	v7 =	vld [tilespmem:s25+$0xFFFFFFE0];
	[tilespmem:s30+$0x0] =	vst v10  }
0x226: {  	s20 =	sadd.s32 $0x1, s20;
	v12 =	vmul.f32 v12, v6;
	v10 =	vld [tilespmem:s25+$0x0];
	[tilespmem:s30+$0xFFFFFFF0] =	vst v16;
	s30 =	smov.u32 s25  }
0x227: {  	[tilespmem:s30+$0xFFFFFF90] =	vst v13;
	v4 =	vmul.f32 v11, v6;
	v11 =	vld [tilespmem:s30+$0xFFFFFFF0]  }
0x228: {  	[tilespmem:s30+$0xFFFFFFA0] =	vst v12;
	v8 =	vmul.f32 v8, v6  }
0x229: {  	[tilespmem:s30+$0xFFFFFFB0] =	vst v4;
	v4 =	vmul.f32 v9, v6  }
0x22a: {  	[tilespmem:s30+$0xFFFFFFC0] =	vst v8;
	v7 =	vmul.f32 v7, v6  }
0x22b: {  	[tilespmem:s30+$0xFFFFFFD0] =	vst v4;
	v4 =	vmul.f32 v10, v6  }
0x22c: {  	[tilespmem:s30+$0xFFFFFFE0] =	vst v7;
	v6 =	vmul.f32 v11, v6  }
0x22d: {  	[tilespmem:s30+$0x0] =	vst v4  }
0x22e: {  	s20 =	simm.s32 $0x3B70;
	[tilespmem:s30+$0xFFFFFFF0] =	vst v6  }
0x22f: {  	v8 =	vld [tilespmem:s20+$0xFFFFFF90]  }
0x230: {  	v10 =	vld [tilespmem:s20+$0xFFFFFFA0]  }
0x231: {  	v9 =	vld [tilespmem:s20+$0xFFFFFFB0]  }
0x232: {  	v4 =	vperm.xlane v3, v5;
	v6 =	vld [tilespmem:s20+$0xFFFFFFC0]  }
0x233: {  	v7 =	vld [tilespmem:s20+$0xFFFFFFD0]  }
0x234: {  	v5 =	vld [tilespmem:s20+$0xFFFFFFE0];
	v11 =	vmul.f32 v8, v4  }
0x235: {  	s25 =	simm.s32 $0x3B70;
	s30 =	simm.s32 $0x1;
	v10 =	vmul.f32 v10, v4;
	v8 =	vld [tilespmem:s20+$0x0]  }
.LBB2_25:
0x236: {  	p3 =	sne.s32 s30, $0xF;
	[tilespmem:s20+$0xFFFFFF90] =	vst v11;
	v9 =	vmul.f32 v9, v4;
	v11 =	vld [tilespmem:s20+$0xFFFFFFF0];
	s25 =	sadd.s32 $0x80, s25  }
0x237: {  	v12 =	vld [tilespmem:s25+$0xFFFFFF90];
	[tilespmem:s20+$0xFFFFFFA0] =	vst v10;
	v6 =	vmul.f32 v6, v4  }
0x238: {  	v10 =	vld [tilespmem:s25+$0xFFFFFFA0];
	[tilespmem:s20+$0xFFFFFFB0] =	vst v9;
	v7 =	vmul.f32 v7, v4  }
.Ltmp11:
0x239: {  	v13 =	vmov s30;
	v9 =	vld [tilespmem:s25+$0xFFFFFFB0];
	[tilespmem:s20+$0xFFFFFFC0] =	vst v6;
	v5 =	vmul.f32 v5, v4;
	(pc) =	sbr.rel @p3 .LBB2_25-.Ltmp11, $4  }
0x23a: {  	v13 =	vperm.xlane v3, v13;
	v6 =	vld [tilespmem:s25+$0xFFFFFFC0];
	[tilespmem:s20+$0xFFFFFFD0] =	vst v7;
	v8 =	vmul.f32 v8, v4  }
0x23b: {  	v7 =	vld [tilespmem:s25+$0xFFFFFFD0];
	[tilespmem:s20+$0xFFFFFFE0] =	vst v5;
	v14 =	vmul.f32 v11, v4  }
0x23c: {  	v4 =	vmov v13;
	v11 =	vmul.f32 v12, v13;
	v5 =	vld [tilespmem:s25+$0xFFFFFFE0];
	[tilespmem:s20+$0x0] =	vst v8  }
0x23d: {  	s30 =	sadd.s32 $0x1, s30;
	v10 =	vmul.f32 v10, v4;
	v8 =	vld [tilespmem:s25+$0x0];
	[tilespmem:s20+$0xFFFFFFF0] =	vst v14;
	s20 =	smov.u32 s25  }
0x23e: {  	[tilespmem:s20+$0xFFFFFF90] =	vst v11;
	v3 =	vmul.f32 v9, v4;
	v9 =	vld [tilespmem:s20+$0xFFFFFFF0]  }
0x23f: {  	[tilespmem:s20+$0xFFFFFFA0] =	vst v10;
	v6 =	vmul.f32 v6, v4  }
0x240: {  	[tilespmem:s20+$0xFFFFFFB0] =	vst v3;
	v3 =	vmul.f32 v7, v4  }
0x241: {  	[tilespmem:s20+$0xFFFFFFC0] =	vst v6;
	v5 =	vmul.f32 v5, v4  }
0x242: {  	[tilespmem:s20+$0xFFFFFFD0] =	vst v3;
	v3 =	vmul.f32 v8, v4  }
0x243: {  	[tilespmem:s20+$0xFFFFFFE0] =	vst v5;
	v4 =	vmul.f32 v9, v4  }
0x244: {  	[tilespmem:s20+$0x0] =	vst v3  }
0x245: {  	s30 =	simm.s32 $0x4370;
	[tilespmem:s20+$0xFFFFFFF0] =	vst v4  }
0x246: {  	v7 =	vld [tilespmem:s30+$0xFFFFFF90]  }
0x247: {  	s25 =	simm.s32 $0x0;
	v9 =	vld [tilespmem:s30+$0xFFFFFFA0]  }
0x248: {  	v3 =	vmov s25;
	v8 =	vld [tilespmem:s30+$0xFFFFFFB0]  }
0x249: {  	v3 =	vperm.xlane v2, v3;
	v5 =	vld [tilespmem:s30+$0xFFFFFFC0]  }
0x24a: {  	v6 =	vld [tilespmem:s30+$0xFFFFFFD0]  }
0x24b: {  	v4 =	vld [tilespmem:s30+$0xFFFFFFE0];
	v10 =	vmul.f32 v7, v3  }
0x24c: {  	s25 =	simm.s32 $0x4370;
	s20 =	simm.s32 $0x1;
	v9 =	vmul.f32 v9, v3;
	v7 =	vld [tilespmem:s30+$0x0]  }
.LBB2_27:
0x24d: {  	p3 =	sne.s32 s20, $0xF;
	[tilespmem:s30+$0xFFFFFF90] =	vst v10;
	v8 =	vmul.f32 v8, v3;
	v10 =	vld [tilespmem:s30+$0xFFFFFFF0];
	s25 =	sadd.s32 $0x80, s25  }
0x24e: {  	v11 =	vld [tilespmem:s25+$0xFFFFFF90];
	[tilespmem:s30+$0xFFFFFFA0] =	vst v9;
	v5 =	vmul.f32 v5, v3  }
0x24f: {  	v9 =	vld [tilespmem:s25+$0xFFFFFFA0];
	[tilespmem:s30+$0xFFFFFFB0] =	vst v8;
	v6 =	vmul.f32 v6, v3  }
.Ltmp12:
0x250: {  	v12 =	vmov s20;
	v8 =	vld [tilespmem:s25+$0xFFFFFFB0];
	[tilespmem:s30+$0xFFFFFFC0] =	vst v5;
	v4 =	vmul.f32 v4, v3;
	(pc) =	sbr.rel @p3 .LBB2_27-.Ltmp12, $4  }
0x251: {  	v12 =	vperm.xlane v2, v12;
	v5 =	vld [tilespmem:s25+$0xFFFFFFC0];
	[tilespmem:s30+$0xFFFFFFD0] =	vst v6;
	v7 =	vmul.f32 v7, v3  }
0x252: {  	v6 =	vld [tilespmem:s25+$0xFFFFFFD0];
	[tilespmem:s30+$0xFFFFFFE0] =	vst v4;
	v13 =	vmul.f32 v10, v3  }
0x253: {  	v3 =	vmov v12;
	v10 =	vmul.f32 v11, v12;
	v4 =	vld [tilespmem:s25+$0xFFFFFFE0];
	[tilespmem:s30+$0x0] =	vst v7  }
0x254: {  	s20 =	sadd.s32 $0x1, s20;
	v9 =	vmul.f32 v9, v3;
	v7 =	vld [tilespmem:s25+$0x0];
	[tilespmem:s30+$0xFFFFFFF0] =	vst v13;
	s30 =	smov.u32 s25  }
0x255: {  	[tilespmem:s30+$0xFFFFFF90] =	vst v10;
	v2 =	vmul.f32 v8, v3;
	v8 =	vld [tilespmem:s30+$0xFFFFFFF0]  }
0x256: {  	[tilespmem:s30+$0xFFFFFFA0] =	vst v9;
	v5 =	vmul.f32 v5, v3  }
0x257: {  	[tilespmem:s30+$0xFFFFFFB0] =	vst v2;
	v2 =	vmul.f32 v6, v3  }
0x258: {  	[tilespmem:s30+$0xFFFFFFC0] =	vst v5;
	v4 =	vmul.f32 v4, v3  }
0x259: {  	[tilespmem:s30+$0xFFFFFFD0] =	vst v2;
	v2 =	vmul.f32 v7, v3  }
0x25a: {  	[tilespmem:s30+$0xFFFFFFE0] =	vst v4;
	v3 =	vmul.f32 v8, v3  }
0x25b: {  	[tilespmem:s30+$0x0] =	vst v2  }
0x25c: {  	[tilespmem:s30+$0xFFFFFFF0] =	vst v3  }
0x25d: {  	[spmem:s1] =	stream.indirect.scatter.add.f32 [tilespmem:s5], [sflag:$0x5], $0x80, s16, s12, $0xb8;
	[tilespmem:$0x1A978] =	vst v63  }
0x25e: {  	s20 =	simm.s32 $0x200  }
0x25f: {  	[spmem:s2] =	stream.indirect.scatter.add.f32 [tilespmem:s20], [sflag:$0x7], $0x1, s16, s12, $0xb8;
	[tilespmem:$0x1A978] =	vst v63  }
0x260: {  	s20 =	sadd.s32 s31, s18  }
0x261: {  	p3 =	slt.s32 s20, $0x13FF  }
0x262: {  	s20 =	simm.s32 @!p3 $0x13FF  }
0x263: {  	s20 =	sshll.u32 s20, $0x4  }
0x264: {  	s20 =	sand.u32 $0x1FFFFFF0, s20  }
0x265: {  	s30 =	simm.s32 $0x0;
	s20 =	sadd.s32 s4, s20  }
0x266: {  	[tilespmem:s30], [sflag:$0x1] =	stream.linear.gather [hbm4b:s20+s30], $0x80, $0x38;
	[tilespmem:$0x1A978] =	vst v63  }
0x267: {  	_ =	swait.ge [sflag:s8], $0x80  }
0x268: {  	[sflag:s8] =	ssyncset.done $0x0  }
0x269: {  	[sflag:s8] =	ssyncadd.s32 $0xFFFFFF80  }
0x26a: {  	_ =	swait.ge [sflag:s21], $0x2000  }
0x26b: {  	[sflag:s21] =	ssyncset.done $0x0  }
0x26c: {  	[sflag:s21] =	ssyncadd.s32 $0xFFFFE000  }
0x26d: {  	[tilespmem:s5], [sflag:$0x3] =	stream.indirect.gather [hbm4b:s7+s12], $0x80, s30, s12, $0xb8;
	[tilespmem:$0x1A978] =	vst v63  }
0x26e: {  	_ =	swait.ge [sflag:s29], $0x40  }
0x26f: {  	[sflag:s29] =	ssyncset.done $0x0  }
0x270: {  	[sflag:s29] =	ssyncadd.s32 $0xFFFFFFC0  }
0x271: {  	_ =	swait.ge [sflag:s22], $0x2000  }
0x272: {  	[sflag:s22] =	ssyncset.done $0x0  }
0x273: {  	[sflag:s22] =	ssyncadd.s32 $0xFFFFE000  }
0x274: {  	v2 =	vld [tilespmem:$0x80]  }
0x275: {  	v3 =	vld [tilespmem:$0xC0];
	_ =	sdelay $0x6  }
0x276: {  	v2 =	vld.idx.msk [tilespmem:v2+s0+$0x0], $0xffff  }
0x277: {  	v4 =	vld.idx.msk [tilespmem:v3+s0+$0x0], $0xffff;
	_ =	sdelay $0x4  }
0x278: {  	v2 =	vunpack.i.l.bf16.f32 v2;
	v4 =	vunpack.i.u.bf16.f32 v4  }
0x279: {  	v5 =	vadd.f32 v4, v1;
	v2 =	vadd.f32 v4, v2;
	_ =	sdelay $0x1  }
0x27a: {  	v4 =	vmul.f32 $2.000000030e-01, v5;
	v6 =	vmul.f32 $2.000000030e-01, v2  }
0x27b: {  	vm0 =	vge.f32 v5, $0.0e+00;
	vm1 =	vge.f32 v2, $0.0e+00  }
0x27c: {  	v4 =	vsel vm0, v5, v4;
	v2 =	vsel vm1, v2, v6  }
0x27d: {  	v2 =	vsub.f32 v2, v4;
	_ =	sdelay $0x1  }
0x27e: {  	v2 =	vmul.f32 $1.442695020e+00, v2;
	_ =	sdelay $0x1  }
0x27f: {  	(erf) = vpow2.f32 v2;
	_ =	sdelay $0x3  }
0x280: {  	v2 =	vld [tilespmem:$0x90]  }
0x281: {  	v6 =	vld [tilespmem:$0xD0];
	_ =	sdelay $0x3  }
0x282: {  	v4 =	vpop (erf)  }
0x283: {  	[tilespmem:$0x180] =	vst v3;
	v5 =	vpsel !p2, $0x0, v4  }
0x284: {  	[tilespmem:$0x280] =	vst v5  }
0x285: {  	v2 =	vld.idx.msk [tilespmem:v2+s0+$0x0], $0xffff  }
0x286: {  	v3 =	vld.idx.msk [tilespmem:v6+s0+$0x0], $0xffff;
	_ =	sdelay $0x4  }
0x287: {  	v2 =	vunpack.i.l.bf16.f32 v2;
	v3 =	vunpack.i.u.bf16.f32 v3  }
0x288: {  	v4 =	vadd.f32 v3, v1;
	v2 =	vadd.f32 v3, v2;
	_ =	sdelay $0x1  }
0x289: {  	v3 =	vmul.f32 $2.000000030e-01, v4;
	v7 =	vmul.f32 $2.000000030e-01, v2  }
0x28a: {  	vm10 =	vge.f32 v4, $0.0e+00;
	vm11 =	vge.f32 v2, $0.0e+00  }
0x28b: {  	v3 =	vsel vm10, v4, v3;
	v2 =	vsel vm11, v2, v7  }
0x28c: {  	v2 =	vsub.f32 v2, v3;
	_ =	sdelay $0x1  }
0x28d: {  	v2 =	vmul.f32 $1.442695020e+00, v2;
	_ =	sdelay $0x1  }
0x28e: {  	(erf) = vpow2.f32 v2;
	_ =	sdelay $0x3  }
0x28f: {  	v2 =	vld [tilespmem:$0xA0]  }
0x290: {  	v7 =	vld [tilespmem:$0xE0];
	_ =	sdelay $0x3  }
0x291: {  	v3 =	vpop (erf)  }
0x292: {  	[tilespmem:$0x190] =	vst v6;
	v4 =	vpsel !p2, $0x0, v3  }
0x293: {  	[tilespmem:$0x290] =	vst v4  }
0x294: {  	v2 =	vld.idx.msk [tilespmem:v2+s0+$0x0], $0xffff  }
0x295: {  	v3 =	vld.idx.msk [tilespmem:v7+s0+$0x0], $0xffff;
	_ =	sdelay $0x4  }
0x296: {  	v2 =	vunpack.i.l.bf16.f32 v2;
	v3 =	vunpack.i.u.bf16.f32 v3  }
0x297: {  	v6 =	vadd.f32 v3, v1;
	v2 =	vadd.f32 v3, v2;
	_ =	sdelay $0x1  }
0x298: {  	v3 =	vmul.f32 $2.000000030e-01, v6;
	v8 =	vmul.f32 $2.000000030e-01, v2  }
0x299: {  	vm12 =	vge.f32 v6, $0.0e+00;
	vm13 =	vge.f32 v2, $0.0e+00  }
0x29a: {  	v3 =	vsel vm12, v6, v3;
	v2 =	vsel vm13, v2, v8  }
0x29b: {  	v2 =	vsub.f32 v2, v3;
	_ =	sdelay $0x1  }
0x29c: {  	v2 =	vmul.f32 $1.442695020e+00, v2;
	_ =	sdelay $0x1  }
0x29d: {  	(erf) = vpow2.f32 v2;
	_ =	sdelay $0x3  }
0x29e: {  	v2 =	vld [tilespmem:$0xB0]  }
0x29f: {  	v6 =	vld [tilespmem:$0xF0];
	_ =	sdelay $0x3  }
0x2a0: {  	v3 =	vpop (erf)  }
0x2a1: {  	[tilespmem:$0x1A0] =	vst v7;
	v3 =	vpsel !p2, $0x0, v3  }
0x2a2: {  	[tilespmem:$0x2A0] =	vst v3  }
0x2a3: {  	v2 =	vld.idx.msk [tilespmem:v2+s0+$0x0], $0xffff  }
0x2a4: {  	v7 =	vld.idx.msk [tilespmem:v6+s0+$0x0], $0xffff;
	_ =	sdelay $0x4  }
0x2a5: {  	v2 =	vunpack.i.l.bf16.f32 v2;
	v7 =	vunpack.i.u.bf16.f32 v7  }
0x2a6: {  	v8 =	vadd.f32 v7, v1;
	v2 =	vadd.f32 v7, v2;
	_ =	sdelay $0x1  }
0x2a7: {  	v7 =	vmul.f32 $2.000000030e-01, v8;
	v9 =	vmul.f32 $2.000000030e-01, v2  }
0x2a8: {  	vm14 =	vge.f32 v8, $0.0e+00;
	vm15 =	vge.f32 v2, $0.0e+00  }
0x2a9: {  	v7 =	vsel vm14, v8, v7;
	v2 =	vsel vm15, v2, v9  }
0x2aa: {  	v2 =	vsub.f32 v2, v7;
	_ =	sdelay $0x1  }
0x2ab: {  	v2 =	vmul.f32 $1.442695020e+00, v2;
	_ =	sdelay $0x1  }
0x2ac: {  	(erf) = vpow2.f32 v2;
	_ =	sdelay $0x8  }
0x2ad: {  	v2 =	vpop (erf)  }
0x2ae: {  	[tilespmem:$0x1B0] =	vst v6;
	v2 =	vpsel !p2, $0x0, v2  }
0x2af: {  	s20 =	simm.s32 $0x4B40;
	[tilespmem:$0x2B0] =	vst v2  }
0x2b0: {  	v11 =	vld [tilespmem:s20+$0xFFFFFFC0]  }
0x2b1: {  	v13 =	vld [tilespmem:s20+$0xFFFFFFD0]  }
0x2b2: {  	v6 =	vmov s30;
	v12 =	vld [tilespmem:s20+$0xFFFFFFE0]  }
0x2b3: {  	v7 =	vperm.xlane v5, v6;
	v9 =	vld [tilespmem:s20+$0x0]  }
0x2b4: {  	v10 =	vld [tilespmem:s20+$0x10]  }
0x2b5: {  	v8 =	vld [tilespmem:s20+$0x20];
	v14 =	vmul.f32 v11, v7  }
0x2b6: {  	s25 =	simm.s32 $0x1;
	s30 =	simm.s32 $0x4B40;
	v13 =	vmul.f32 v13, v7;
	v11 =	vld [tilespmem:s20+$0x30]  }
.LBB2_29:
0x2b7: {  	p2 =	sne.s32 s25, $0xF;
	[tilespmem:s20+$0xFFFFFFC0] =	vst v14;
	v12 =	vmul.f32 v12, v7;
	v14 =	vld [tilespmem:s20+$0xFFFFFFF0];
	s30 =	sadd.s32 $0x80, s30  }
0x2b8: {  	v15 =	vld [tilespmem:s30+$0xFFFFFFC0];
	[tilespmem:s20+$0xFFFFFFD0] =	vst v13;
	v9 =	vmul.f32 v9, v7  }
0x2b9: {  	v13 =	vld [tilespmem:s30+$0xFFFFFFD0];
	[tilespmem:s20+$0xFFFFFFE0] =	vst v12;
	v10 =	vmul.f32 v10, v7  }
.Ltmp13:
0x2ba: {  	v16 =	vmov s25;
	v12 =	vld [tilespmem:s30+$0xFFFFFFE0];
	[tilespmem:s20+$0x0] =	vst v9;
	v8 =	vmul.f32 v8, v7;
	(pc) =	sbr.rel @p2 .LBB2_29-.Ltmp13, $4  }
0x2bb: {  	v16 =	vperm.xlane v5, v16;
	v9 =	vld [tilespmem:s30+$0x0];
	[tilespmem:s20+$0x10] =	vst v10;
	v11 =	vmul.f32 v11, v7  }
0x2bc: {  	v10 =	vld [tilespmem:s30+$0x10];
	v17 =	vmul.f32 v14, v7;
	[tilespmem:s20+$0x20] =	vst v8  }
0x2bd: {  	v7 =	vmov v16;
	v14 =	vmul.f32 v15, v16;
	v8 =	vld [tilespmem:s30+$0x20];
	[tilespmem:s20+$0x30] =	vst v11  }
0x2be: {  	s25 =	sadd.s32 $0x1, s25;
	v13 =	vmul.f32 v13, v7;
	v11 =	vld [tilespmem:s30+$0x30];
	[tilespmem:s20+$0xFFFFFFF0] =	vst v17;
	s20 =	smov.u32 s30  }
0x2bf: {  	[tilespmem:s20+$0xFFFFFFC0] =	vst v14;
	v5 =	vmul.f32 v12, v7;
	v12 =	vld [tilespmem:s20+$0xFFFFFFF0]  }
0x2c0: {  	[tilespmem:s20+$0xFFFFFFD0] =	vst v13;
	v9 =	vmul.f32 v9, v7  }
0x2c1: {  	[tilespmem:s20+$0xFFFFFFE0] =	vst v5;
	v5 =	vmul.f32 v10, v7  }
0x2c2: {  	[tilespmem:s20+$0x0] =	vst v9;
	v8 =	vmul.f32 v8, v7  }
0x2c3: {  	[tilespmem:s20+$0x10] =	vst v5;
	v5 =	vmul.f32 v11, v7  }
0x2c4: {  	v7 =	vmul.f32 v12, v7;
	[tilespmem:s20+$0x20] =	vst v8  }
0x2c5: {  	[tilespmem:s20+$0x30] =	vst v5  }
0x2c6: {  	[tilespmem:s20+$0xFFFFFFF0] =	vst v7;
	s20 =	simm.s32 $0x5370  }
0x2c7: {  	v9 =	vld [tilespmem:s20+$0xFFFFFF90]  }
0x2c8: {  	v11 =	vld [tilespmem:s20+$0xFFFFFFA0]  }
0x2c9: {  	v10 =	vld [tilespmem:s20+$0xFFFFFFB0]  }
0x2ca: {  	v5 =	vperm.xlane v4, v6;
	v7 =	vld [tilespmem:s20+$0xFFFFFFC0]  }
0x2cb: {  	v8 =	vld [tilespmem:s20+$0xFFFFFFD0]  }
0x2cc: {  	v6 =	vld [tilespmem:s20+$0xFFFFFFE0];
	v12 =	vmul.f32 v9, v5  }
0x2cd: {  	s25 =	simm.s32 $0x1;
	s30 =	simm.s32 $0x5370;
	v11 =	vmul.f32 v11, v5;
	v9 =	vld [tilespmem:s20+$0x0]  }
.LBB2_31:
0x2ce: {  	p2 =	sne.s32 s25, $0xF;
	[tilespmem:s20+$0xFFFFFF90] =	vst v12;
	v10 =	vmul.f32 v10, v5;
	v12 =	vld [tilespmem:s20+$0xFFFFFFF0];
	s30 =	sadd.s32 $0x80, s30  }
0x2cf: {  	v13 =	vld [tilespmem:s30+$0xFFFFFF90];
	[tilespmem:s20+$0xFFFFFFA0] =	vst v11;
	v7 =	vmul.f32 v7, v5  }
0x2d0: {  	v11 =	vld [tilespmem:s30+$0xFFFFFFA0];
	[tilespmem:s20+$0xFFFFFFB0] =	vst v10;
	v8 =	vmul.f32 v8, v5  }
.Ltmp14:
0x2d1: {  	v14 =	vmov s25;
	v10 =	vld [tilespmem:s30+$0xFFFFFFB0];
	[tilespmem:s20+$0xFFFFFFC0] =	vst v7;
	v6 =	vmul.f32 v6, v5;
	(pc) =	sbr.rel @p2 .LBB2_31-.Ltmp14, $4  }
0x2d2: {  	v14 =	vperm.xlane v4, v14;
	v7 =	vld [tilespmem:s30+$0xFFFFFFC0];
	[tilespmem:s20+$0xFFFFFFD0] =	vst v8;
	v9 =	vmul.f32 v9, v5  }
0x2d3: {  	v8 =	vld [tilespmem:s30+$0xFFFFFFD0];
	[tilespmem:s20+$0xFFFFFFE0] =	vst v6;
	v15 =	vmul.f32 v12, v5  }
0x2d4: {  	v5 =	vmov v14;
	v12 =	vmul.f32 v13, v14;
	v6 =	vld [tilespmem:s30+$0xFFFFFFE0];
	[tilespmem:s20+$0x0] =	vst v9  }
0x2d5: {  	s25 =	sadd.s32 $0x1, s25;
	v11 =	vmul.f32 v11, v5;
	v9 =	vld [tilespmem:s30+$0x0];
	[tilespmem:s20+$0xFFFFFFF0] =	vst v15;
	s20 =	smov.u32 s30  }
0x2d6: {  	[tilespmem:s20+$0xFFFFFF90] =	vst v12;
	v4 =	vmul.f32 v10, v5;
	v10 =	vld [tilespmem:s20+$0xFFFFFFF0]  }
0x2d7: {  	[tilespmem:s20+$0xFFFFFFA0] =	vst v11;
	v7 =	vmul.f32 v7, v5  }
0x2d8: {  	[tilespmem:s20+$0xFFFFFFB0] =	vst v4;
	v4 =	vmul.f32 v8, v5  }
0x2d9: {  	[tilespmem:s20+$0xFFFFFFC0] =	vst v7;
	v6 =	vmul.f32 v6, v5  }
0x2da: {  	[tilespmem:s20+$0xFFFFFFD0] =	vst v4;
	v4 =	vmul.f32 v9, v5  }
0x2db: {  	[tilespmem:s20+$0xFFFFFFE0] =	vst v6;
	v5 =	vmul.f32 v10, v5  }
0x2dc: {  	[tilespmem:s20+$0x0] =	vst v4  }
0x2dd: {  	s30 =	simm.s32 $0x5B70;
	[tilespmem:s20+$0xFFFFFFF0] =	vst v5  }
0x2de: {  	v9 =	vld [tilespmem:s30+$0xFFFFFF90]  }
0x2df: {  	s25 =	simm.s32 $0x0;
	v11 =	vld [tilespmem:s30+$0xFFFFFFA0]  }
0x2e0: {  	v4 =	vmov s25;
	v10 =	vld [tilespmem:s30+$0xFFFFFFB0]  }
0x2e1: {  	v5 =	vperm.xlane v3, v4;
	v7 =	vld [tilespmem:s30+$0xFFFFFFC0]  }
0x2e2: {  	v8 =	vld [tilespmem:s30+$0xFFFFFFD0]  }
0x2e3: {  	v6 =	vld [tilespmem:s30+$0xFFFFFFE0];
	v12 =	vmul.f32 v9, v5  }
0x2e4: {  	s25 =	simm.s32 $0x5B70;
	s20 =	simm.s32 $0x1;
	v11 =	vmul.f32 v11, v5;
	v9 =	vld [tilespmem:s30+$0x0]  }
.LBB2_33:
0x2e5: {  	p2 =	sne.s32 s20, $0xF;
	[tilespmem:s30+$0xFFFFFF90] =	vst v12;
	v10 =	vmul.f32 v10, v5;
	v12 =	vld [tilespmem:s30+$0xFFFFFFF0];
	s25 =	sadd.s32 $0x80, s25  }
0x2e6: {  	v13 =	vld [tilespmem:s25+$0xFFFFFF90];
	[tilespmem:s30+$0xFFFFFFA0] =	vst v11;
	v7 =	vmul.f32 v7, v5  }
0x2e7: {  	v11 =	vld [tilespmem:s25+$0xFFFFFFA0];
	[tilespmem:s30+$0xFFFFFFB0] =	vst v10;
	v8 =	vmul.f32 v8, v5  }
.Ltmp15:
0x2e8: {  	v14 =	vmov s20;
	v10 =	vld [tilespmem:s25+$0xFFFFFFB0];
	[tilespmem:s30+$0xFFFFFFC0] =	vst v7;
	v6 =	vmul.f32 v6, v5;
	(pc) =	sbr.rel @p2 .LBB2_33-.Ltmp15, $4  }
0x2e9: {  	v14 =	vperm.xlane v3, v14;
	v7 =	vld [tilespmem:s25+$0xFFFFFFC0];
	[tilespmem:s30+$0xFFFFFFD0] =	vst v8;
	v9 =	vmul.f32 v9, v5  }
0x2ea: {  	v8 =	vld [tilespmem:s25+$0xFFFFFFD0];
	[tilespmem:s30+$0xFFFFFFE0] =	vst v6;
	v15 =	vmul.f32 v12, v5  }
0x2eb: {  	v5 =	vmov v14;
	v12 =	vmul.f32 v13, v14;
	v6 =	vld [tilespmem:s25+$0xFFFFFFE0];
	[tilespmem:s30+$0x0] =	vst v9  }
0x2ec: {  	s20 =	sadd.s32 $0x1, s20;
	v11 =	vmul.f32 v11, v5;
	v9 =	vld [tilespmem:s25+$0x0];
	[tilespmem:s30+$0xFFFFFFF0] =	vst v15;
	s30 =	smov.u32 s25  }
0x2ed: {  	[tilespmem:s30+$0xFFFFFF90] =	vst v12;
	v3 =	vmul.f32 v10, v5;
	v10 =	vld [tilespmem:s30+$0xFFFFFFF0]  }
0x2ee: {  	[tilespmem:s30+$0xFFFFFFA0] =	vst v11;
	v7 =	vmul.f32 v7, v5  }
0x2ef: {  	[tilespmem:s30+$0xFFFFFFB0] =	vst v3;
	v3 =	vmul.f32 v8, v5  }
0x2f0: {  	[tilespmem:s30+$0xFFFFFFC0] =	vst v7;
	v6 =	vmul.f32 v6, v5  }
0x2f1: {  	[tilespmem:s30+$0xFFFFFFD0] =	vst v3;
	v3 =	vmul.f32 v9, v5  }
0x2f2: {  	[tilespmem:s30+$0xFFFFFFE0] =	vst v6;
	v5 =	vmul.f32 v10, v5  }
0x2f3: {  	[tilespmem:s30+$0x0] =	vst v3  }
0x2f4: {  	s20 =	simm.s32 $0x6370;
	[tilespmem:s30+$0xFFFFFFF0] =	vst v5  }
0x2f5: {  	v7 =	vld [tilespmem:s20+$0xFFFFFF90]  }
0x2f6: {  	v9 =	vld [tilespmem:s20+$0xFFFFFFA0]  }
0x2f7: {  	v8 =	vld [tilespmem:s20+$0xFFFFFFB0]  }
0x2f8: {  	v3 =	vperm.xlane v2, v4;
	v5 =	vld [tilespmem:s20+$0xFFFFFFC0]  }
0x2f9: {  	v6 =	vld [tilespmem:s20+$0xFFFFFFD0]  }
0x2fa: {  	v4 =	vld [tilespmem:s20+$0xFFFFFFE0];
	v10 =	vmul.f32 v7, v3  }
0x2fb: {  	s25 =	simm.s32 $0x6370;
	s30 =	simm.s32 $0x1;
	v9 =	vmul.f32 v9, v3;
	v7 =	vld [tilespmem:s20+$0x0]  }
.LBB2_35:
0x2fc: {  	p2 =	sne.s32 s30, $0xF;
	[tilespmem:s20+$0xFFFFFF90] =	vst v10;
	v8 =	vmul.f32 v8, v3;
	v10 =	vld [tilespmem:s20+$0xFFFFFFF0];
	s25 =	sadd.s32 $0x80, s25  }
0x2fd: {  	v11 =	vld [tilespmem:s25+$0xFFFFFF90];
	[tilespmem:s20+$0xFFFFFFA0] =	vst v9;
	v5 =	vmul.f32 v5, v3  }
0x2fe: {  	v9 =	vld [tilespmem:s25+$0xFFFFFFA0];
	[tilespmem:s20+$0xFFFFFFB0] =	vst v8;
	v6 =	vmul.f32 v6, v3  }
.Ltmp16:
0x2ff: {  	v12 =	vmov s30;
	v8 =	vld [tilespmem:s25+$0xFFFFFFB0];
	[tilespmem:s20+$0xFFFFFFC0] =	vst v5;
	v4 =	vmul.f32 v4, v3;
	(pc) =	sbr.rel @p2 .LBB2_35-.Ltmp16, $4  }
0x300: {  	v12 =	vperm.xlane v2, v12;
	v5 =	vld [tilespmem:s25+$0xFFFFFFC0];
	[tilespmem:s20+$0xFFFFFFD0] =	vst v6;
	v7 =	vmul.f32 v7, v3  }
0x301: {  	v6 =	vld [tilespmem:s25+$0xFFFFFFD0];
	[tilespmem:s20+$0xFFFFFFE0] =	vst v4;
	v13 =	vmul.f32 v10, v3  }
0x302: {  	v3 =	vmov v12;
	v10 =	vmul.f32 v11, v12;
	v4 =	vld [tilespmem:s25+$0xFFFFFFE0];
	[tilespmem:s20+$0x0] =	vst v7  }
0x303: {  	s30 =	sadd.s32 $0x1, s30;
	v9 =	vmul.f32 v9, v3;
	v7 =	vld [tilespmem:s25+$0x0];
	[tilespmem:s20+$0xFFFFFFF0] =	vst v13;
	s20 =	smov.u32 s25  }
0x304: {  	[tilespmem:s20+$0xFFFFFF90] =	vst v10;
	v2 =	vmul.f32 v8, v3;
	v63 =	vld [tilespmem:s20+$0xFFFFFFF0]  }
0x305: {  	[tilespmem:s20+$0xFFFFFFA0] =	vst v9;
	v5 =	vmul.f32 v5, v3  }
0x306: {  	[tilespmem:s20+$0xFFFFFFB0] =	vst v2;
	v2 =	vmul.f32 v6, v3  }
0x307: {  	[tilespmem:s20+$0xFFFFFFC0] =	vst v5;
	v4 =	vmul.f32 v4, v3  }
0x308: {  	[tilespmem:s20+$0xFFFFFFD0] =	vst v2;
	v2 =	vmul.f32 v7, v3  }
0x309: {  	[tilespmem:s20+$0xFFFFFFE0] =	vst v4;
	v3 =	vmul.f32 v63, v3  }
0x30a: {  	[tilespmem:s20+$0x0] =	vst v2  }
0x30b: {  	[tilespmem:s20+$0xFFFFFFF0] =	vst v3;
	s20 =	sadd.s32 s31, s19  }
0x30c: {  	[spmem:s1] =	stream.indirect.scatter.add.f32 [tilespmem:s14], [sflag:$0x6], $0x80, s24, s12, $0xb8;
	[tilespmem:$0x1A978] =	vst v63  }
0x30d: {  	p2 =	slt.s32 s20, $0x13FF  }
0x30e: {  	s30 =	simm.s32 $0x280;
	s20 =	simm.s32 @!p2 $0x13FF;
	p2 =	sne.s32 s11, s23  }
0x30f: {  	[spmem:s2] =	stream.indirect.scatter.add.f32 [tilespmem:s30], [sflag:$0x8], $0x1, s24, s12, $0xb8;
	[tilespmem:$0x1A978] =	vst v63  }
.Ltmp17:
0x310: {  	_ = 	snop;
	(pc) =	sbr.rel @p2 .LBB2_20-.Ltmp17, $4  }
0x311: {  	s20 =	sshll.u32 s20, $0x4  }
0x312: {  	s20 =	sand.u32 $0x1FFFFFF0, s20  }
0x313: {  	s20 =	sadd.s32 s4, s20  }
0x314: {  	[tilespmem:s6], [sflag:$0x2] =	stream.linear.gather [hbm4b:s20+s3], $0x80, $0x38;
	[tilespmem:$0x1A978] =	vst v63  }
0x315: {  	_ =	swait.ge [sflag:s13], $0x80  }
0x316: {  	[sflag:s13] =	ssyncset.done $0x0  }
0x317: {  	[sflag:s13] =	ssyncadd.s32 $0xFFFFFF80  }
0x318: {  	_ =	swait.ge [sflag:s15], $0x2000  }
0x319: {  	[sflag:s15] =	ssyncset.done $0x0  }
0x31a: {  	[sflag:s15] =	ssyncadd.s32 $0xFFFFE000  }
0x31b: {  	_ =	swait.ge [sflag:s26], $0x2000  }
0x31c: {  	[sflag:s26] =	ssyncset.done $0x0  }
0x31d: {  	[sflag:s26] =	ssyncadd.s32 $0xFFFFE000  }
0x31e: {  	_ =	swait.ge [sflag:s28], $0x40  }
0x31f: {  	[sflag:s28] =	ssyncset.done $0x0  }
0x320: {  	[sflag:s28] =	ssyncadd.s32 $0xFFFFFFC0  }
0x321: {  	_ =	swait.ge [sflag:s29], $0x40  }
0x322: {  	[sflag:s29] =	ssyncset.done $0x0  }
0x323: {  	[sflag:s29] =	ssyncadd.s32 $0xFFFFFFC0  }
0x324: {  	s11 =	stileid.u32;
	[bflag:$0x0] =	sbarrier.arrive $0xFFFF  }
0x325: {  	s11 =	sshll.u32 s11, $0x6;
	s30 =	rddreg [dreg:$0x7]  }
0x326: {  	s11 =	sor.u32 $0x1C09, s11;
	s20 =	rddreg [dreg:$0x10];
	s17 =	sshrl.u32 s30, $0x3  }
0x327: {  	[hbm:s20], [sflag:s11] =	dma.local [spmem:s17], $0x2780  }
0x328: {  	_ =	swait.ge [sflag:s9], $0x2780  }
0x329: {  	[sflag:s9] =	ssyncset.done $0x0;
	s17 =	rddreg [dreg:$0x11]  }
0x32a: {  	s11 =	simm.s32 @!p0 $0x1C09;
	s20 =	rddreg [dreg:$0x19];
	[sflag:s9] =	ssyncadd.s32 $0xFFFFD880  }
0x32b: {  	[hbm:s17], [sflag:s11] =	dma.local @!p0 [spmem:s20], $0x4F0  }
0x32c: {  	s11 =	simm.s32 @!p0 $0x9  }
0x32d: {  	_ =	swait.ge @!p0 [sflag:s11], $0x4F0  }
0x32e: {  	s25 =	rddreg [dreg:$0x18]  }
0x32f: {  	s31 =	rddreg [dreg:$0x12];
	s20 =	sadd.s32 $0x1, s25  }
0x330: {  	p2 =	sne.s32 s20, s31  }
.Ltmp18:
0x331: {  	_ = 	snop;
	(pc) =	sbr.rel @p2 .LBB2_1-.Ltmp18, $3  }
0x332: {  	_ =	sdelay $0x1  }
0x333: {  	[sflag:s11] =	ssyncset.done @!p0 $0x0  }
0x334: {  	[sflag:s11] =	ssyncadd.s32 @!p0 $0xFFFFFB10  }
0x335: {  	_ =	sfence.sel $0x180000  }
0x336: {  	[bflag:$0x0] =	sbarrier.arrive $0xFFFF  }
0x337: {  	_ =	strace $0x90000047  }
0x338: {  	[bflag:$0x2] =	sbarrier.arrive $0xFFFF  }
0x339: {  	s0 =	rddreg [dreg:$0x3]  }
0x33a: {  	s0 =	sadd.s32 @!p0 $0x100000, s0  }
0x33b: {  	[sflag:s0] =	ssyncadd.tile.s32 @!p0 $0x1;
	_ =	shalt  }
.Lfunc_end2:
_tile_overlayer_lowered:
.L_overlay_start_2:
0x33c: {  	(tag) =	ssettag $0x2  }
0x33d: {  	s0 =	rddreg [dreg:$0x0];
	s2 =	stileid.u32  }
0x33e: {  	s1 =	rddreg [dreg:$0x1];
	p0 =	sne.s32 s2, $0x0  }
0x33f: {  	s3 =	rddreg [dreg:$0x2];
	[bflag:$0x3] =	sbarrier.arrive $0xFFFF;
	s2 =	simm.s32 @!p0 $0x1C09  }
0x340: {  	[timem:s3], [sflag:s2] =	dma.local @!p0 [hbm:s0], s1  }
0x341: {  	s0 =	simm.s32 @!p0 $0x9  }
0x342: {  	_ =	swait.ge @!p0 [sflag:s0], s1  }
0x343: {  	s1 =	ssub.s32 @!p0 $0x0, s1;
	[sflag:s0] =	ssyncset.done @!p0 $0x0  }
0x344: {  	[sflag:s0] =	ssyncadd.s32 @!p0 s1  }
0x345: {  	[bflag:$0x3] =	sbarrier.arrive $0xFFFF  }
0x346: {  	_ =	shalt  }

</sc_bundles>
